<compile_context>
chip_gen: v7x
topology: tpu7x:2x2x1
jax: 0.10.2.dev20260603
libtpu: 0.0.44.dev20260713+nightly
codegen_flags: <defaults>
</compile_context>

<pallas_src>
import functools

import jax
import jax.numpy as jnp
from jax import lax
from jax.experimental import pallas as pl
from jax.experimental.pallas import tpu as pltpu
from jax.experimental.pallas import tpu_sc as plsc

N = 10000
D = 128
NUM_CLASSES = 64
NC = 2
NS = 16
NW = NC * NS
CHUNK = 128
PHASE = 40
NPAD = 10240
STRIPE = NPAD // NS

_MESH = plsc.VectorSubcoreMesh(core_axis_name="c", subcore_axis_name="s")


def _sc_degree(dst_p, n_chunks):

    @functools.partial(
        pl.kernel,
        out_type=jax.ShapeDtypeStruct((NC, NPAD), jnp.float32),
        mesh=_MESH,
        scratch_types=[
            pltpu.VMEM((n_chunks, CHUNK), jnp.int32),
            pltpu.VMEM((CHUNK,), jnp.float32),
            pltpu.VMEM((STRIPE,), jnp.float32),
            pltpu.VMEM_SHARED((NPAD,), jnp.float32),
            pltpu.SemaphoreType.DMA,
        ],
    )
    def deg_kernel(dst_hbm, out_hbm, dst_v, ones_v, zb_v, acc_sh, sem):
        cid = lax.axis_index("c")
        sid = lax.axis_index("s")
        wid = sid * NC + cid
        for k in range(CHUNK // 16):
            ones_v[pl.ds(k * 16, 16)] = jnp.ones((16,), jnp.float32)

        def zfill(i, carry):
            zb_v[pl.ds(i * 16, 16)] = jnp.zeros((16,), jnp.float32)
            return carry

        lax.fori_loop(0, STRIPE // 16, zfill, 0)
        pltpu.sync_copy(dst_hbm.at[wid], dst_v)
        pltpu.sync_copy(zb_v, acc_sh.at[pl.ds(sid * STRIPE, STRIPE)])
        plsc.subcore_barrier()

        def body(j, carry):
            pltpu.async_copy(ones_v, acc_sh.at[dst_v.at[j]], sem, add=True)
            return carry

        lax.fori_loop(0, n_chunks, body, 0)

        def drain(j, carry):
            pltpu.make_async_copy(
                ones_v, acc_sh.at[dst_v.at[0]], sem).wait()
            return carry

        lax.fori_loop(0, n_chunks, drain, 0)
        plsc.subcore_barrier()
        pltpu.sync_copy(acc_sh.at[pl.ds(sid * STRIPE, STRIPE)],
                        out_hbm.at[cid, pl.ds(sid * STRIPE, STRIPE)])

    return deg_kernel(dst_p)


def _sc_scatter(y, src_p, dst_p, n_chunks):

    assert n_chunks % PHASE == 0
    n_phases = n_chunks // PHASE

    @functools.partial(
        pl.kernel,
        out_type=jax.ShapeDtypeStruct((NC, NPAD, D), jnp.float32),
        mesh=_MESH,
        scratch_types=[
            pltpu.VMEM((PHASE, CHUNK), jnp.int32),
            pltpu.VMEM((PHASE, CHUNK), jnp.int32),
            pltpu.VMEM((CHUNK, D), jnp.float32),
            pltpu.VMEM((CHUNK, D), jnp.float32),
            pltpu.VMEM_SHARED((NPAD, D), jnp.float32),
            pltpu.SemaphoreType.DMA,
            pltpu.SemaphoreType.DMA,
            pltpu.SemaphoreType.DMA,
        ],
    )
    def scatter_kernel(y_hbm, src_hbm, dst_hbm, out_hbm,
                       src_v, dst_v, rows0_v, rows1_v, acc_sh,
                       sem0, sem1, semz):
        cid = lax.axis_index("c")
        sid = lax.axis_index("s")
        wid = sid * NC + cid

        def zfill(i, carry):
            for k in range(D // 16):
                rows1_v[i, pl.ds(k * 16, 16)] = jnp.zeros((16,), jnp.float32)
            return carry

        lax.fori_loop(0, CHUNK, zfill, 0)
        for r in range(STRIPE // CHUNK):
            pltpu.async_copy(
                rows1_v, acc_sh.at[pl.ds(sid * STRIPE + r * CHUNK, CHUNK)],
                semz)
        pltpu.sync_copy(src_hbm.at[wid, pl.ds(0, PHASE)], src_v)
        pltpu.sync_copy(dst_hbm.at[wid, pl.ds(0, PHASE)], dst_v)
        pltpu.async_copy(y_hbm.at[src_v.at[0]], rows0_v, sem0)
        for r in range(STRIPE // CHUNK):
            pltpu.make_async_copy(
                rows1_v, acc_sh.at[pl.ds(sid * STRIPE + r * CHUNK, CHUNK)],
                semz).wait()
        plsc.subcore_barrier()

        for p in range(n_phases):
            if p > 0:
                pltpu.sync_copy(src_hbm.at[wid, pl.ds(p * PHASE, PHASE)],
                                src_v)
                pltpu.sync_copy(dst_hbm.at[wid, pl.ds(p * PHASE, PHASE)],
                                dst_v)
                pltpu.async_copy(y_hbm.at[src_v.at[0]], rows0_v, sem0)

            def body(i, carry):
                j = 2 * i
                pltpu.async_copy(y_hbm.at[src_v.at[j + 1]], rows1_v, sem1)
                pltpu.make_async_copy(
                    y_hbm.at[src_v.at[j]], rows0_v, sem0).wait()
                pltpu.sync_copy(rows0_v, acc_sh.at[dst_v.at[j]], add=True)
                pltpu.async_copy(y_hbm.at[src_v.at[j + 2]], rows0_v, sem0)
                pltpu.make_async_copy(
                    y_hbm.at[src_v.at[j + 1]], rows1_v, sem1).wait()
                pltpu.sync_copy(rows1_v, acc_sh.at[dst_v.at[j + 1]], add=True)
                return carry

            lax.fori_loop(0, (PHASE - 2) // 2, body, 0)
            pltpu.async_copy(y_hbm.at[src_v.at[PHASE - 1]], rows1_v, sem1)
            pltpu.make_async_copy(
                y_hbm.at[src_v.at[PHASE - 2]], rows0_v, sem0).wait()
            pltpu.sync_copy(rows0_v, acc_sh.at[dst_v.at[PHASE - 2]], add=True)
            pltpu.make_async_copy(
                y_hbm.at[src_v.at[PHASE - 1]], rows1_v, sem1).wait()
            pltpu.sync_copy(rows1_v, acc_sh.at[dst_v.at[PHASE - 1]], add=True)
        plsc.subcore_barrier()
        pltpu.sync_copy(acc_sh.at[pl.ds(sid * STRIPE, STRIPE)],
                        out_hbm.at[cid, pl.ds(sid * STRIPE, STRIPE)])

    return scatter_kernel(y, src_p, dst_p)


def _tc_first(x, W1, deg0, deg1):

    def body(x_ref, w_ref, d0_ref, d1_ref, y_ref, dis_ref):
        dis = lax.rsqrt(d0_ref[...] + d1_ref[...] + 1.0)
        dis_ref[...] = dis
        xw = jnp.dot(x_ref[...], w_ref[...], preferred_element_type=jnp.float32)
        y_ref[...] = xw * dis[:, None]

    return pl.pallas_call(
        body,
        out_shape=(jax.ShapeDtypeStruct((N, D), jnp.float32),
                   jax.ShapeDtypeStruct((N,), jnp.float32)),
    )(x, W1, deg0, deg1)


def _tc_mid(acc0, acc1, yprev, dis, b, W):

    def body(a0_ref, a1_ref, yp_ref, dis_ref, b_ref, w_ref, o_ref):
        dis = dis_ref[...][:, None]
        h = dis * (a0_ref[...] + a1_ref[...] + yp_ref[...]) + b_ref[...][None, :]
        h = jnp.maximum(h, 0.0)
        hw = jnp.dot(h, w_ref[...], preferred_element_type=jnp.float32)
        o_ref[...] = hw * dis

    return pl.pallas_call(
        body,
        out_shape=jax.ShapeDtypeStruct((N, D), jnp.float32),
    )(acc0, acc1, yprev, dis, b, W)


def _log_softmax(z):
    m = jnp.max(z, axis=1, keepdims=True)
    return z - (jnp.log(jnp.sum(jnp.exp(z - m), axis=1, keepdims=True)) + m)


def _tc_final(acc0, acc1, y3, dis, b3, prot, LW1, Lb1, LW2, Lb2):

    def body(a0_ref, a1_ref, y3_ref, dis_ref, b3_ref, prot_ref,
             lw1_ref, lb1_ref, lw2_ref, lb2_ref,
             out_ref, xrel_ref, oproto_ref):
        dis = dis_ref[...][:, None]
        h3 = dis * (a0_ref[...] + a1_ref[...] + y3_ref[...]) + b3_ref[...][None, :]
        qn = jnp.sqrt(jnp.sum(h3 * h3, axis=1, keepdims=True))
        hn = h3 / qn
        ids = lax.broadcasted_iota(jnp.int32, (NUM_CLASSES, N), 1)
        onehot = (ids == prot_ref[...][:, None]).astype(jnp.float32)
        anchors = jnp.dot(onehot, hn, preferred_element_type=jnp.float32)
        an = jnp.maximum(
            jnp.sqrt(jnp.sum(anchors * anchors, axis=1, keepdims=True)), 1e-6)
        xn = jnp.maximum(
            jnp.sqrt(jnp.sum(hn * hn, axis=1, keepdims=True)), 1e-6)
        xr = lax.dot_general(hn, anchors, (((1,), (1,)), ((), ())),
                             preferred_element_type=jnp.float32)
        xr = xr / (xn * an[:, 0][None, :])
        xrel_ref[...] = xr
        z = jnp.dot(anchors, lw1_ref[...], preferred_element_type=jnp.float32)
        z = jnp.maximum(z + lb1_ref[...][None, :], 0.0)
        z = jnp.dot(z, lw2_ref[...], preferred_element_type=jnp.float32)
        z = z + lb2_ref[...][None, :]
        op = _log_softmax(z)
        oproto_ref[...] = op
        o = jnp.dot(xr, op, preferred_element_type=jnp.float32)
        out_ref[...] = _log_softmax(o)

    return pl.pallas_call(
        body,
        out_shape=(jax.ShapeDtypeStruct((N, NUM_CLASSES), jnp.float32),
                   jax.ShapeDtypeStruct((N, NUM_CLASSES), jnp.float32),
                   jax.ShapeDtypeStruct((NUM_CLASSES, NUM_CLASSES), jnp.float32)),
    )(acc0, acc1, y3, dis, b3, prot, LW1, Lb1, LW2, Lb2)


def kernel(x, edge_index, epoch, prot, W1, b1, W2, b2, W3, b3,
           LW1, Lb1, LW2, Lb2):
    E = edge_index.shape[1]
    n_chunks = -(-E // (NW * CHUNK))
    n_chunks = -(-n_chunks // PHASE) * PHASE
    epad = NW * n_chunks * CHUNK
    src = edge_index[0]
    dst = edge_index[1]
    pad = epad - E
    pad_i = jnp.arange(pad, dtype=src.dtype)
    src_p = jnp.concatenate(
        [src, pad_i % N]).reshape(NW, n_chunks, CHUNK)
    dst_p = jnp.concatenate(
        [dst, N + pad_i % (NPAD - N)]).reshape(NW, n_chunks, CHUNK)

    degs = _sc_degree(dst_p, n_chunks)
    deg0 = degs[0, :N]
    deg1 = degs[1, :N]

    y1, dis = _tc_first(x, W1, deg0, deg1)
    acc = _sc_scatter(y1, src_p, dst_p, n_chunks)
    y2 = _tc_mid(acc[0, :N], acc[1, :N], y1, dis, b1, W2)
    acc = _sc_scatter(y2, src_p, dst_p, n_chunks)
    y3 = _tc_mid(acc[0, :N], acc[1, :N], y2, dis, b2, W3)
    acc = _sc_scatter(y3, src_p, dst_p, n_chunks)
    return _tc_final(acc[0, :N], acc[1, :N], y3, dis, b3, prot,
                     LW1, Lb1, LW2, Lb2)

# --- scband reference (transcript-rebuilt; emitter-appended) ---
"""Pipeline reference for scband-model-sequential-44315472560256 (READ-ONLY COPY).

The authoritative reference and input builder live on the scoring server;
editing this copy changes nothing except your own understanding.
"""

import jax, jax.numpy as jnp
import numpy as np

N = 10000
E = 320000
D_IN = 128
HID = 128
NUM_CLASSES = 64
PROT_IDX = np.arange(64) * 156


def _gcn_conv(x, src, dst, W, b):
    n = x.shape[0]
    loop = jnp.arange(n, dtype=src.dtype)
    s = jnp.concatenate([src, loop])
    d = jnp.concatenate([dst, loop])
    deg = jax.ops.segment_sum(jnp.ones(s.shape[0], dtype=x.dtype), d, num_segments=n)
    dis = jnp.where(deg > 0, jax.lax.rsqrt(jnp.maximum(deg, 1e-12)), 0.0)
    xw = x @ W
    norm = dis[s] * dis[d]
    msg = xw[s] * norm[:, None]
    return jax.ops.segment_sum(msg, d, num_segments=n) + b


def setup_inputs(seed: int = 0):
    key = jax.random.key(seed)
    ks = jax.random.split(key, 12)
    x = jax.random.normal(ks[0], (N, D_IN), dtype=jnp.float32)
    edge_index = jax.random.randint(ks[1], (2, E), 0, N, dtype=jnp.int32)
    W1 = jax.random.normal(ks[2], (D_IN, HID), dtype=jnp.float32) * 0.05
    b1 = jnp.zeros((HID,), dtype=jnp.float32)
    W2 = jax.random.normal(ks[3], (HID, HID), dtype=jnp.float32) * 0.05
    b2 = jnp.zeros((HID,), dtype=jnp.float32)
    W3 = jax.random.normal(ks[4], (HID, HID), dtype=jnp.float32) * 0.05
    b3 = jnp.zeros((HID,), dtype=jnp.float32)
    LW1 = jax.random.normal(ks[5], (HID, HID), dtype=jnp.float32) * 0.05
    Lb1 = jnp.zeros((HID,), dtype=jnp.float32)
    LW2 = jax.random.normal(ks[6], (HID, NUM_CLASSES), dtype=jnp.float32) * 0.05
    Lb2 = jnp.zeros((NUM_CLASSES,), dtype=jnp.float32)
    prot = jnp.asarray(PROT_IDX, dtype=jnp.int32)
    return {"x": x, "edge_index": edge_index, "epoch": 1, "prot": prot,
            "W1": W1, "b1": b1, "W2": W2, "b2": b2, "W3": W3, "b3": b3,
            "LW1": LW1, "Lb1": Lb1, "LW2": LW2, "Lb2": Lb2}


def reference(x, edge_index, epoch, prot, W1, b1, W2, b2, W3, b3, LW1, Lb1, LW2, Lb2):
    # epoch(=1) >= first_step_epochs(=0) -> GCN stack runs under no_grad
    src = edge_index[0]
    dst = edge_index[1]
    h = x
    layers = [(W1, b1), (W2, b2), (W3, b3)]
    for i, (W, b) in enumerate(layers):
        h = _gcn_conv(h, src, dst, W, b)
        if i != len(layers) - 1:
            h = jax.nn.relu(h)
    h = jax.lax.stop_gradient(h)  # torch.no_grad() fidelity
    qn = jnp.linalg.norm(h, ord=2, axis=1, keepdims=True)
    h = h / qn
    # relative representation: cosine similarity to anchors (eps=1e-6)
    anchors = h[prot]
    xn = jnp.maximum(jnp.linalg.norm(h, axis=1, keepdims=True), 1e-6)
    an = jnp.maximum(jnp.linalg.norm(anchors, axis=1, keepdims=True), 1e-6)
    x_rel = (h @ anchors.T) / (xn * an.T)
    def linear(z):
        return jax.nn.relu(z @ LW1 + Lb1) @ LW2 + Lb2
    out_proto = jax.nn.log_softmax(linear(anchors), axis=-1)
    out = jax.nn.log_softmax(x_rel @ out_proto, axis=-1)
    return (out, x_rel, out_proto)

if __name__ == "__main__":
    import jax
    _d = setup_inputs()
    print(jax.jit(kernel)(*tuple(_d.values())))

</pallas_src>

<mosaic_0001>
#map = affine_map<(d0, d1) -> (0, 0)>
#map1 = affine_map<(d0, d1) -> (0, 0, 0)>
module attributes {stable_mosaic.version = 14 : i64} {
  func.func @scatter_kernel(%arg0: i32, %arg1: i32, %arg2: memref<10000x128xf32, #tpu.memory_space<hbm>>, %arg3: memref<32x80x128xi32, #tpu.memory_space<hbm>>, %arg4: memref<32x80x128xi32, #tpu.memory_space<hbm>>, %arg5: memref<2x10240x128xf32, #tpu.memory_space<hbm>>, %arg6: memref<40x128xi32, #tpu.memory_space<vmem>>, %arg7: memref<40x128xi32, #tpu.memory_space<vmem>>, %arg8: memref<128x128xf32, #tpu.memory_space<vmem>>, %arg9: memref<128x128xf32, #tpu.memory_space<vmem>>, %arg10: memref<10240x128xf32, #tpu.memory_space<vmem_shared>>, %arg11: memref<!tpu.dma_semaphore, #tpu.memory_space<semaphore_mem>>, %arg12: memref<!tpu.dma_semaphore, #tpu.memory_space<semaphore_mem>>, %arg13: memref<!tpu.dma_semaphore, #tpu.memory_space<semaphore_mem>>) attributes {dimension_semantics = [#tpu.dimension_semantics<core_parallel>, #tpu.dimension_semantics<subcore_parallel>], iteration_bounds = array<i64: 2, 16>, scalar_prefetch = 0 : i64, scratch_operands = 8 : i64, tpu.core_type = #tpu.core_type<sc_vector_subcore>, window_params = [{transform_indices = #map}, {transform_indices = #map1}, {transform_indices = #map1}, {transform_indices = #map1}]} {
    %mul3A = arith.constant 2 : i32
    %mul3A_0 = arith.muli %arg1, %mul3A : i32
    %add3A = arith.addi %mul3A_0, %arg0 : i32
    %scan3A = arith.constant 0 : i32
    %scan3A_1 = arith.constant 0 : i32
    %scan3A_2 = arith.constant 128 : i32
    %scan3A_3 = arith.addi %scan3A_1, %scan3A_2 : i32
    %scan3A_4 = arith.constant 1 : i32
    scf.for %scan3A_160 = %scan3A_1 to %scan3A_3 step %scan3A_4  : i32 {
      %broadcast_in_dim3A = arith.constant 0.000000e+00 : f32
      %broadcast_in_dim3A_161 = vector.broadcast %broadcast_in_dim3A : f32 to vector<16xf32>
      %swap3A = arith.index_cast %scan3A_160 : i32 to index
      %swap3A_162 = arith.constant 0 : index
      %swap3A_163 = tpu.vector_load %arg9[%swap3A, %swap3A_162] {strides = array<i32>} : memref<128x128xf32, #tpu.memory_space<vmem>>, vector<1x16xf32>,
      %swap3A_164 = vector.shape_cast %swap3A_163 : vector<1x16xf32> to vector<16xf32>
      %swap3A_165 = vector.shape_cast %broadcast_in_dim3A_161 : vector<16xf32> to vector<1x16xf32>
      tpu.vector_store %arg9[%swap3A, %swap3A_162], %swap3A_165 {strides = array<i32>} : memref<128x128xf32, #tpu.memory_space<vmem>>, vector<1x16xf32>,
      %broadcast_in_dim3A_166 = arith.constant 0.000000e+00 : f32
      %broadcast_in_dim3A_167 = vector.broadcast %broadcast_in_dim3A_166 : f32 to vector<16xf32>
      %swap3A_168 = arith.index_cast %scan3A_160 : i32 to index
      %swap3A_169 = arith.constant 16 : index
      %swap3A_170 = tpu.vector_load %arg9[%swap3A_168, %swap3A_169] {strides = array<i32>} : memref<128x128xf32, #tpu.memory_space<vmem>>, vector<1x16xf32>,
      %swap3A_171 = vector.shape_cast %swap3A_170 : vector<1x16xf32> to vector<16xf32>
      %swap3A_172 = vector.shape_cast %broadcast_in_dim3A_167 : vector<16xf32> to vector<1x16xf32>
      tpu.vector_store %arg9[%swap3A_168, %swap3A_169], %swap3A_172 {strides = array<i32>} : memref<128x128xf32, #tpu.memory_space<vmem>>, vector<1x16xf32>,
      %broadcast_in_dim3A_173 = arith.constant 0.000000e+00 : f32
      %broadcast_in_dim3A_174 = vector.broadcast %broadcast_in_dim3A_173 : f32 to vector<16xf32>
      %swap3A_175 = arith.index_cast %scan3A_160 : i32 to index
      %swap3A_176 = arith.constant 32 : index
      %swap3A_177 = tpu.vector_load %arg9[%swap3A_175, %swap3A_176] {strides = array<i32>} : memref<128x128xf32, #tpu.memory_space<vmem>>, vector<1x16xf32>,
      %swap3A_178 = vector.shape_cast %swap3A_177 : vector<1x16xf32> to vector<16xf32>
      %swap3A_179 = vector.shape_cast %broadcast_in_dim3A_174 : vector<16xf32> to vector<1x16xf32>
      tpu.vector_store %arg9[%swap3A_175, %swap3A_176], %swap3A_179 {strides = array<i32>} : memref<128x128xf32, #tpu.memory_space<vmem>>, vector<1x16xf32>,
      %broadcast_in_dim3A_180 = arith.constant 0.000000e+00 : f32
      %broadcast_in_dim3A_181 = vector.broadcast %broadcast_in_dim3A_180 : f32 to vector<16xf32>
      %swap3A_182 = arith.index_cast %scan3A_160 : i32 to index
      %swap3A_183 = arith.constant 48 : index
      %swap3A_184 = tpu.vector_load %arg9[%swap3A_182, %swap3A_183] {strides = array<i32>} : memref<128x128xf32, #tpu.memory_space<vmem>>, vector<1x16xf32>,
      %swap3A_185 = vector.shape_cast %swap3A_184 : vector<1x16xf32> to vector<16xf32>
      %swap3A_186 = vector.shape_cast %broadcast_in_dim3A_181 : vector<16xf32> to vector<1x16xf32>
      tpu.vector_store %arg9[%swap3A_182, %swap3A_183], %swap3A_186 {strides = array<i32>} : memref<128x128xf32, #tpu.memory_space<vmem>>, vector<1x16xf32>,
      %broadcast_in_dim3A_187 = arith.constant 0.000000e+00 : f32
      %broadcast_in_dim3A_188 = vector.broadcast %broadcast_in_dim3A_187 : f32 to vector<16xf32>
      %swap3A_189 = arith.index_cast %scan3A_160 : i32 to index
      %swap3A_190 = arith.constant 64 : index
      %swap3A_191 = tpu.vector_load %arg9[%swap3A_189, %swap3A_190] {strides = array<i32>} : memref<128x128xf32, #tpu.memory_space<vmem>>, vector<1x16xf32>,
      %swap3A_192 = vector.shape_cast %swap3A_191 : vector<1x16xf32> to vector<16xf32>
      %swap3A_193 = vector.shape_cast %broadcast_in_dim3A_188 : vector<16xf32> to vector<1x16xf32>
      tpu.vector_store %arg9[%swap3A_189, %swap3A_190], %swap3A_193 {strides = array<i32>} : memref<128x128xf32, #tpu.memory_space<vmem>>, vector<1x16xf32>,
      %broadcast_in_dim3A_194 = arith.constant 0.000000e+00 : f32
      %broadcast_in_dim3A_195 = vector.broadcast %broadcast_in_dim3A_194 : f32 to vector<16xf32>
      %swap3A_196 = arith.index_cast %scan3A_160 : i32 to index
      %swap3A_197 = arith.constant 80 : index
      %swap3A_198 = tpu.vector_load %arg9[%swap3A_196, %swap3A_197] {strides = array<i32>} : memref<128x128xf32, #tpu.memory_space<vmem>>, vector<1x16xf32>,
      %swap3A_199 = vector.shape_cast %swap3A_198 : vector<1x16xf32> to vector<16xf32>
      %swap3A_200 = vector.shape_cast %broadcast_in_dim3A_195 : vector<16xf32> to vector<1x16xf32>
      tpu.vector_store %arg9[%swap3A_196, %swap3A_197], %swap3A_200 {strides = array<i32>} : memref<128x128xf32, #tpu.memory_space<vmem>>, vector<1x16xf32>,
      %broadcast_in_dim3A_201 = arith.constant 0.000000e+00 : f32
      %broadcast_in_dim3A_202 = vector.broadcast %broadcast_in_dim3A_201 : f32 to vector<16xf32>
      %swap3A_203 = arith.index_cast %scan3A_160 : i32 to index
      %swap3A_204 = arith.constant 96 : index
      %swap3A_205 = tpu.vector_load %arg9[%swap3A_203, %swap3A_204] {strides = array<i32>} : memref<128x128xf32, #tpu.memory_space<vmem>>, vector<1x16xf32>,
      %swap3A_206 = vector.shape_cast %swap3A_205 : vector<1x16xf32> to vector<16xf32>
      %swap3A_207 = vector.shape_cast %broadcast_in_dim3A_202 : vector<16xf32> to vector<1x16xf32>
      tpu.vector_store %arg9[%swap3A_203, %swap3A_204], %swap3A_207 {strides = array<i32>} : memref<128x128xf32, #tpu.memory_space<vmem>>, vector<1x16xf32>,
      %broadcast_in_dim3A_208 = arith.constant 0.000000e+00 : f32
      %broadcast_in_dim3A_209 = vector.broadcast %broadcast_in_dim3A_208 : f32 to vector<16xf32>
      %swap3A_210 = arith.index_cast %scan3A_160 : i32 to index
      %swap3A_211 = arith.constant 112 : index
      %swap3A_212 = tpu.vector_load %arg9[%swap3A_210, %swap3A_211] {strides = array<i32>} : memref<128x128xf32, #tpu.memory_space<vmem>>, vector<1x16xf32>,
      %swap3A_213 = vector.shape_cast %swap3A_212 : vector<1x16xf32> to vector<16xf32>
      %swap3A_214 = vector.shape_cast %broadcast_in_dim3A_209 : vector<16xf32> to vector<1x16xf32>
      tpu.vector_store %arg9[%swap3A_210, %swap3A_211], %swap3A_214 {strides = array<i32>} : memref<128x128xf32, #tpu.memory_space<vmem>>, vector<1x16xf32>,
    }
    %scan3A_5 = arith.constant 128 : i32
    %mul3A_6 = arith.constant 640 : i32
    %mul3A_7 = arith.muli %arg1, %mul3A_6 : i32
    %add3A_8 = arith.constant 0 : i32
    %add3A_9 = arith.addi %mul3A_7, %add3A_8 : i32
    %dma_start3A = arith.constant 0 : i32
    %dma_start3A_10 = tpu.memref_slice %arg10[%add3A_9, %dma_start3A] : memref<10240x128xf32, #tpu.memory_space<vmem_shared>> -> memref<128x128xf32, #tpu.memory_space<vmem_shared>>
    %dma_start3A_11 = arith.constant 0 : i32
    %dma_start3A_12 = tpu.memref_slice %arg10[%add3A_9, %dma_start3A_11] : memref<10240x128xf32, #tpu.memory_space<vmem_shared>> -> memref<128x128xf32, #tpu.memory_space<vmem_shared>>
    tpu.enqueue_dma source(%arg9 : memref<128x128xf32, #tpu.memory_space<vmem>>) target(%dma_start3A_12 : memref<128x128xf32, #tpu.memory_space<vmem_shared>>) target_semaphore(%arg13 : memref<!tpu.dma_semaphore, #tpu.memory_space<semaphore_mem>>)
    %mul3A_13 = arith.constant 640 : i32
    %mul3A_14 = arith.muli %arg1, %mul3A_13 : i32
    %add3A_15 = arith.constant 128 : i32
    %add3A_16 = arith.addi %mul3A_14, %add3A_15 : i32
    %dma_start3A_17 = arith.constant 0 : i32
    %dma_start3A_18 = tpu.memref_slice %arg10[%add3A_16, %dma_start3A_17] : memref<10240x128xf32, #tpu.memory_space<vmem_shared>> -> memref<128x128xf32, #tpu.memory_space<vmem_shared>>
    %dma_start3A_19 = arith.constant 0 : i32
    %dma_start3A_20 = tpu.memref_slice %arg10[%add3A_16, %dma_start3A_19] : memref<10240x128xf32, #tpu.memory_space<vmem_shared>> -> memref<128x128xf32, #tpu.memory_space<vmem_shared>>
    tpu.enqueue_dma source(%arg9 : memref<128x128xf32, #tpu.memory_space<vmem>>) target(%dma_start3A_20 : memref<128x128xf32, #tpu.memory_space<vmem_shared>>) target_semaphore(%arg13 : memref<!tpu.dma_semaphore, #tpu.memory_space<semaphore_mem>>)
    %mul3A_21 = arith.constant 640 : i32
    %mul3A_22 = arith.muli %arg1, %mul3A_21 : i32
    %add3A_23 = arith.constant 256 : i32
    %add3A_24 = arith.addi %mul3A_22, %add3A_23 : i32
    %dma_start3A_25 = arith.constant 0 : i32
    %dma_start3A_26 = tpu.memref_slice %arg10[%add3A_24, %dma_start3A_25] : memref<10240x128xf32, #tpu.memory_space<vmem_shared>> -> memref<128x128xf32, #tpu.memory_space<vmem_shared>>
    %dma_start3A_27 = arith.constant 0 : i32
    %dma_start3A_28 = tpu.memref_slice %arg10[%add3A_24, %dma_start3A_27] : memref<10240x128xf32, #tpu.memory_space<vmem_shared>> -> memref<128x128xf32, #tpu.memory_space<vmem_shared>>
    tpu.enqueue_dma source(%arg9 : memref<128x128xf32, #tpu.memory_space<vmem>>) target(%dma_start3A_28 : memref<128x128xf32, #tpu.memory_space<vmem_shared>>) target_semaphore(%arg13 : memref<!tpu.dma_semaphore, #tpu.memory_space<semaphore_mem>>)
    %mul3A_29 = arith.constant 640 : i32
    %mul3A_30 = arith.muli %arg1, %mul3A_29 : i32
    %add3A_31 = arith.constant 384 : i32
    %add3A_32 = arith.addi %mul3A_30, %add3A_31 : i32
    %dma_start3A_33 = arith.constant 0 : i32
    %dma_start3A_34 = tpu.memref_slice %arg10[%add3A_32, %dma_start3A_33] : memref<10240x128xf32, #tpu.memory_space<vmem_shared>> -> memref<128x128xf32, #tpu.memory_space<vmem_shared>>
    %dma_start3A_35 = arith.constant 0 : i32
    %dma_start3A_36 = tpu.memref_slice %arg10[%add3A_32, %dma_start3A_35] : memref<10240x128xf32, #tpu.memory_space<vmem_shared>> -> memref<128x128xf32, #tpu.memory_space<vmem_shared>>
    tpu.enqueue_dma source(%arg9 : memref<128x128xf32, #tpu.memory_space<vmem>>) target(%dma_start3A_36 : memref<128x128xf32, #tpu.memory_space<vmem_shared>>) target_semaphore(%arg13 : memref<!tpu.dma_semaphore, #tpu.memory_space<semaphore_mem>>)
    %mul3A_37 = arith.constant 640 : i32
    %mul3A_38 = arith.muli %arg1, %mul3A_37 : i32
    %add3A_39 = arith.constant 512 : i32
    %add3A_40 = arith.addi %mul3A_38, %add3A_39 : i32
    %dma_start3A_41 = arith.constant 0 : i32
    %dma_start3A_42 = tpu.memref_slice %arg10[%add3A_40, %dma_start3A_41] : memref<10240x128xf32, #tpu.memory_space<vmem_shared>> -> memref<128x128xf32, #tpu.memory_space<vmem_shared>>
    %dma_start3A_43 = arith.constant 0 : i32
    %dma_start3A_44 = tpu.memref_slice %arg10[%add3A_40, %dma_start3A_43] : memref<10240x128xf32, #tpu.memory_space<vmem_shared>> -> memref<128x128xf32, #tpu.memory_space<vmem_shared>>
    tpu.enqueue_dma source(%arg9 : memref<128x128xf32, #tpu.memory_space<vmem>>) target(%dma_start3A_44 : memref<128x128xf32, #tpu.memory_space<vmem_shared>>) target_semaphore(%arg13 : memref<!tpu.dma_semaphore, #tpu.memory_space<semaphore_mem>>)
    "tpu.region"() ({
      %run_scoped3A_160 = tpu.sem_alloc : memref<!tpu.dma_semaphore, #tpu.memory_space<semaphore_mem>>
      %dma_start3A_161 = arith.constant 0 : i32
      %dma_start3A_162 = arith.constant 0 : i32
      %dma_start3A_163 = tpu.memref_slice %arg3[%add3A, %dma_start3A_161, %dma_start3A_162] : memref<32x80x128xi32, #tpu.memory_space<hbm>> -> memref<1x40x128xi32, #tpu.memory_space<hbm>>
      %dma_start3A_164 = tpu.memref_squeeze %dma_start3A_163 : memref<1x40x128xi32, #tpu.memory_space<hbm>> -> memref<40x128xi32, #tpu.memory_space<hbm>>
      %dma_start3A_165 = arith.constant 0 : i32
      %dma_start3A_166 = arith.constant 0 : i32
      %dma_start3A_167 = tpu.memref_slice %arg3[%add3A, %dma_start3A_165, %dma_start3A_166] : memref<32x80x128xi32, #tpu.memory_space<hbm>> -> memref<1x40x128xi32, #tpu.memory_space<hbm>>
      %dma_start3A_168 = tpu.memref_squeeze %dma_start3A_167 : memref<1x40x128xi32, #tpu.memory_space<hbm>> -> memref<40x128xi32, #tpu.memory_space<hbm>>
      tpu.enqueue_dma source(%dma_start3A_168 : memref<40x128xi32, #tpu.memory_space<hbm>>) target(%arg6 : memref<40x128xi32, #tpu.memory_space<vmem>>) target_semaphore(%run_scoped3A_160 : memref<!tpu.dma_semaphore, #tpu.memory_space<semaphore_mem>>)
      %dma_wait3A_169 = arith.constant 0 : i32
      %dma_wait3A_170 = arith.constant 0 : i32
      %dma_wait3A_171 = tpu.memref_slice %arg3[%add3A, %dma_wait3A_169, %dma_wait3A_170] : memref<32x80x128xi32, #tpu.memory_space<hbm>> -> memref<1x40x128xi32, #tpu.memory_space<hbm>>
      %dma_wait3A_172 = tpu.memref_squeeze %dma_wait3A_171 : memref<1x40x128xi32, #tpu.memory_space<hbm>> -> memref<40x128xi32, #tpu.memory_space<hbm>>
      %dma_wait3A_173 = arith.constant 0 : i32
      %dma_wait3A_174 = arith.constant 0 : i32
      %dma_wait3A_175 = tpu.memref_slice %arg3[%add3A, %dma_wait3A_173, %dma_wait3A_174] : memref<32x80x128xi32, #tpu.memory_space<hbm>> -> memref<1x40x128xi32, #tpu.memory_space<hbm>>
      %dma_wait3A_176 = tpu.memref_squeeze %dma_wait3A_175 : memref<1x40x128xi32, #tpu.memory_space<hbm>> -> memref<40x128xi32, #tpu.memory_space<hbm>>
      tpu.wait_dma2 semaphore(%run_scoped3A_160 : memref<!tpu.dma_semaphore, #tpu.memory_space<semaphore_mem>>) src(%dma_wait3A_176 : memref<40x128xi32, #tpu.memory_space<hbm>>) dst(%arg6 : memref<40x128xi32, #tpu.memory_space<vmem>>)
      tpu.yield
    }) : () -> ()
    "tpu.region"() ({
      %run_scoped3A_160 = tpu.sem_alloc : memref<!tpu.dma_semaphore, #tpu.memory_space<semaphore_mem>>
      %dma_start3A_161 = arith.constant 0 : i32
      %dma_start3A_162 = arith.constant 0 : i32
      %dma_start3A_163 = tpu.memref_slice %arg4[%add3A, %dma_start3A_161, %dma_start3A_162] : memref<32x80x128xi32, #tpu.memory_space<hbm>> -> memref<1x40x128xi32, #tpu.memory_space<hbm>>
      %dma_start3A_164 = tpu.memref_squeeze %dma_start3A_163 : memref<1x40x128xi32, #tpu.memory_space<hbm>> -> memref<40x128xi32, #tpu.memory_space<hbm>>
      %dma_start3A_165 = arith.constant 0 : i32
      %dma_start3A_166 = arith.constant 0 : i32
      %dma_start3A_167 = tpu.memref_slice %arg4[%add3A, %dma_start3A_165, %dma_start3A_166] : memref<32x80x128xi32, #tpu.memory_space<hbm>> -> memref<1x40x128xi32, #tpu.memory_space<hbm>>
      %dma_start3A_168 = tpu.memref_squeeze %dma_start3A_167 : memref<1x40x128xi32, #tpu.memory_space<hbm>> -> memref<40x128xi32, #tpu.memory_space<hbm>>
      tpu.enqueue_dma source(%dma_start3A_168 : memref<40x128xi32, #tpu.memory_space<hbm>>) target(%arg7 : memref<40x128xi32, #tpu.memory_space<vmem>>) target_semaphore(%run_scoped3A_160 : memref<!tpu.dma_semaphore, #tpu.memory_space<semaphore_mem>>)
      %dma_wait3A_169 = arith.constant 0 : i32
      %dma_wait3A_170 = arith.constant 0 : i32
      %dma_wait3A_171 = tpu.memref_slice %arg4[%add3A, %dma_wait3A_169, %dma_wait3A_170] : memref<32x80x128xi32, #tpu.memory_space<hbm>> -> memref<1x40x128xi32, #tpu.memory_space<hbm>>
      %dma_wait3A_172 = tpu.memref_squeeze %dma_wait3A_171 : memref<1x40x128xi32, #tpu.memory_space<hbm>> -> memref<40x128xi32, #tpu.memory_space<hbm>>
      %dma_wait3A_173 = arith.constant 0 : i32
      %dma_wait3A_174 = arith.constant 0 : i32
      %dma_wait3A_175 = tpu.memref_slice %arg4[%add3A, %dma_wait3A_173, %dma_wait3A_174] : memref<32x80x128xi32, #tpu.memory_space<hbm>> -> memref<1x40x128xi32, #tpu.memory_space<hbm>>
      %dma_wait3A_176 = tpu.memref_squeeze %dma_wait3A_175 : memref<1x40x128xi32, #tpu.memory_space<hbm>> -> memref<40x128xi32, #tpu.memory_space<hbm>>
      tpu.wait_dma2 semaphore(%run_scoped3A_160 : memref<!tpu.dma_semaphore, #tpu.memory_space<semaphore_mem>>) src(%dma_wait3A_176 : memref<40x128xi32, #tpu.memory_space<hbm>>) dst(%arg7 : memref<40x128xi32, #tpu.memory_space<vmem>>)
      tpu.yield
    }) : () -> ()
    %dma_start3A_45 = arith.constant 0 : i32
    %dma_start3A_46 = arith.constant 0 : i32
    %dma_start3A_47 = tpu.memref_slice %arg6[%dma_start3A_45, %dma_start3A_46] : memref<40x128xi32, #tpu.memory_space<vmem>> -> memref<1x128xi32, #tpu.memory_space<vmem>>
    %dma_start3A_48 = tpu.memref_squeeze %dma_start3A_47 : memref<1x128xi32, #tpu.memory_space<vmem>> -> memref<128xi32, #tpu.memory_space<vmem>>
    %dma_start3A_49 = arith.constant 0 : i32
    %dma_start3A_50 = arith.constant 0 : i32
    %dma_start3A_51 = tpu.memref_slice %arg2[%dma_start3A_49, %dma_start3A_50] : memref<10000x128xf32, #tpu.memory_space<hbm>> -> memref<10000x128xf32, #tpu.memory_space<hbm>>
    tpu.enqueue_indirect_dma source(%dma_start3A_51 : memref<10000x128xf32, #tpu.memory_space<hbm>>) target(%arg8 : memref<128x128xf32, #tpu.memory_space<vmem>>) offsets(%dma_start3A_48 : memref<128xi32, #tpu.memory_space<vmem>>) semaphore(%arg11 : memref<!tpu.dma_semaphore, #tpu.memory_space<semaphore_mem>>)
    %mul3A_52 = arith.constant 640 : i32
    %mul3A_53 = arith.muli %arg1, %mul3A_52 : i32
    %add3A_54 = arith.constant 0 : i32
    %add3A_55 = arith.addi %mul3A_53, %add3A_54 : i32
    %dma_wait3A = arith.constant 0 : i32
    %dma_wait3A_56 = tpu.memref_slice %arg10[%add3A_55, %dma_wait3A] : memref<10240x128xf32, #tpu.memory_space<vmem_shared>> -> memref<128x128xf32, #tpu.memory_space<vmem_shared>>
    %dma_wait3A_57 = arith.constant 0 : i32
    %dma_wait3A_58 = tpu.memref_slice %arg10[%add3A_55, %dma_wait3A_57] : memref<10240x128xf32, #tpu.memory_space<vmem_shared>> -> memref<128x128xf32, #tpu.memory_space<vmem_shared>>
    tpu.wait_dma2 semaphore(%arg13 : memref<!tpu.dma_semaphore, #tpu.memory_space<semaphore_mem>>) src(%arg9 : memref<128x128xf32, #tpu.memory_space<vmem>>) dst(%dma_wait3A_58 : memref<128x128xf32, #tpu.memory_space<vmem_shared>>)
    %mul3A_59 = arith.constant 640 : i32
    %mul3A_60 = arith.muli %arg1, %mul3A_59 : i32
    %add3A_61 = arith.constant 128 : i32
    %add3A_62 = arith.addi %mul3A_60, %add3A_61 : i32
    %dma_wait3A_63 = arith.constant 0 : i32
    %dma_wait3A_64 = tpu.memref_slice %arg10[%add3A_62, %dma_wait3A_63] : memref<10240x128xf32, #tpu.memory_space<vmem_shared>> -> memref<128x128xf32, #tpu.memory_space<vmem_shared>>
    %dma_wait3A_65 = arith.constant 0 : i32
    %dma_wait3A_66 = tpu.memref_slice %arg10[%add3A_62, %dma_wait3A_65] : memref<10240x128xf32, #tpu.memory_space<vmem_shared>> -> memref<128x128xf32, #tpu.memory_space<vmem_shared>>
    tpu.wait_dma2 semaphore(%arg13 : memref<!tpu.dma_semaphore, #tpu.memory_space<semaphore_mem>>) src(%arg9 : memref<128x128xf32, #tpu.memory_space<vmem>>) dst(%dma_wait3A_66 : memref<128x128xf32, #tpu.memory_space<vmem_shared>>)
    %mul3A_67 = arith.constant 640 : i32
    %mul3A_68 = arith.muli %arg1, %mul3A_67 : i32
    %add3A_69 = arith.constant 256 : i32
    %add3A_70 = arith.addi %mul3A_68, %add3A_69 : i32
    %dma_wait3A_71 = arith.constant 0 : i32
    %dma_wait3A_72 = tpu.memref_slice %arg10[%add3A_70, %dma_wait3A_71] : memref<10240x128xf32, #tpu.memory_space<vmem_shared>> -> memref<128x128xf32, #tpu.memory_space<vmem_shared>>
    %dma_wait3A_73 = arith.constant 0 : i32
    %dma_wait3A_74 = tpu.memref_slice %arg10[%add3A_70, %dma_wait3A_73] : memref<10240x128xf32, #tpu.memory_space<vmem_shared>> -> memref<128x128xf32, #tpu.memory_space<vmem_shared>>
    tpu.wait_dma2 semaphore(%arg13 : memref<!tpu.dma_semaphore, #tpu.memory_space<semaphore_mem>>) src(%arg9 : memref<128x128xf32, #tpu.memory_space<vmem>>) dst(%dma_wait3A_74 : memref<128x128xf32, #tpu.memory_space<vmem_shared>>)
    %mul3A_75 = arith.constant 640 : i32
    %mul3A_76 = arith.muli %arg1, %mul3A_75 : i32
    %add3A_77 = arith.constant 384 : i32
    %add3A_78 = arith.addi %mul3A_76, %add3A_77 : i32
    %dma_wait3A_79 = arith.constant 0 : i32
    %dma_wait3A_80 = tpu.memref_slice %arg10[%add3A_78, %dma_wait3A_79] : memref<10240x128xf32, #tpu.memory_space<vmem_shared>> -> memref<128x128xf32, #tpu.memory_space<vmem_shared>>
    %dma_wait3A_81 = arith.constant 0 : i32
    %dma_wait3A_82 = tpu.memref_slice %arg10[%add3A_78, %dma_wait3A_81] : memref<10240x128xf32, #tpu.memory_space<vmem_shared>> -> memref<128x128xf32, #tpu.memory_space<vmem_shared>>
    tpu.wait_dma2 semaphore(%arg13 : memref<!tpu.dma_semaphore, #tpu.memory_space<semaphore_mem>>) src(%arg9 : memref<128x128xf32, #tpu.memory_space<vmem>>) dst(%dma_wait3A_82 : memref<128x128xf32, #tpu.memory_space<vmem_shared>>)
    %mul3A_83 = arith.constant 640 : i32
    %mul3A_84 = arith.muli %arg1, %mul3A_83 : i32
    %add3A_85 = arith.constant 512 : i32
    %add3A_86 = arith.addi %mul3A_84, %add3A_85 : i32
    %dma_wait3A_87 = arith.constant 0 : i32
    %dma_wait3A_88 = tpu.memref_slice %arg10[%add3A_86, %dma_wait3A_87] : memref<10240x128xf32, #tpu.memory_space<vmem_shared>> -> memref<128x128xf32, #tpu.memory_space<vmem_shared>>
    %dma_wait3A_89 = arith.constant 0 : i32
    %dma_wait3A_90 = tpu.memref_slice %arg10[%add3A_86, %dma_wait3A_89] : memref<10240x128xf32, #tpu.memory_space<vmem_shared>> -> memref<128x128xf32, #tpu.memory_space<vmem_shared>>
    tpu.wait_dma2 semaphore(%arg13 : memref<!tpu.dma_semaphore, #tpu.memory_space<semaphore_mem>>) src(%arg9 : memref<128x128xf32, #tpu.memory_space<vmem>>) dst(%dma_wait3A_90 : memref<128x128xf32, #tpu.memory_space<vmem_shared>>)
    %barrier3A = arith.constant 0 : index
    tpu.barrier barrier_id(%barrier3A)
    %scan3A_91 = arith.constant 0 : i32
    %scan3A_92 = arith.constant 0 : i32
    %scan3A_93 = arith.constant 19 : i32
    %scan3A_94 = arith.addi %scan3A_92, %scan3A_93 : i32
    %scan3A_95 = arith.constant 1 : i32
    scf.for %scan3A_160 = %scan3A_92 to %scan3A_94 step %scan3A_95  : i32 {
      %mul3A_161 = arith.constant 2 : i32
      %mul3A_162 = arith.muli %mul3A_161, %scan3A_160 : i32
      %add3A_163 = arith.constant 1 : i32
      %add3A_164 = arith.addi %mul3A_162, %add3A_163 : i32
      %dma_start3A_165 = arith.constant 0 : i32
      %dma_start3A_166 = tpu.memref_slice %arg6[%add3A_164, %dma_start3A_165] : memref<40x128xi32, #tpu.memory_space<vmem>> -> memref<1x128xi32, #tpu.memory_space<vmem>>
      %dma_start3A_167 = tpu.memref_squeeze %dma_start3A_166 : memref<1x128xi32, #tpu.memory_space<vmem>> -> memref<128xi32, #tpu.memory_space<vmem>>
      %dma_start3A_168 = arith.constant 0 : i32
      %dma_start3A_169 = arith.constant 0 : i32
      %dma_start3A_170 = tpu.memref_slice %arg2[%dma_start3A_168, %dma_start3A_169] : memref<10000x128xf32, #tpu.memory_space<hbm>> -> memref<10000x128xf32, #tpu.memory_space<hbm>>
      tpu.enqueue_indirect_dma source(%dma_start3A_170 : memref<10000x128xf32, #tpu.memory_space<hbm>>) target(%arg9 : memref<128x128xf32, #tpu.memory_space<vmem>>) offsets(%dma_start3A_167 : memref<128xi32, #tpu.memory_space<vmem>>) semaphore(%arg12 : memref<!tpu.dma_semaphore, #tpu.memory_space<semaphore_mem>>)
      %dma_wait3A_171 = arith.constant 0 : i32
      %dma_wait3A_172 = tpu.memref_slice %arg6[%mul3A_162, %dma_wait3A_171] : memref<40x128xi32, #tpu.memory_space<vmem>> -> memref<1x128xi32, #tpu.memory_space<vmem>>
      %dma_wait3A_173 = tpu.memref_squeeze %dma_wait3A_172 : memref<1x128xi32, #tpu.memory_space<vmem>> -> memref<128xi32, #tpu.memory_space<vmem>>
      %dma_wait3A_174 = arith.constant 0 : i32
      %dma_wait3A_175 = arith.constant 0 : i32
      %dma_wait3A_176 = tpu.memref_slice %arg2[%dma_wait3A_174, %dma_wait3A_175] : memref<10000x128xf32, #tpu.memory_space<hbm>> -> memref<10000x128xf32, #tpu.memory_space<hbm>>
      tpu.wait_indirect_dma semaphore(%arg11 : memref<!tpu.dma_semaphore, #tpu.memory_space<semaphore_mem>>) src(%dma_wait3A_176 : memref<10000x128xf32, #tpu.memory_space<hbm>>) dst(%arg8 : memref<128x128xf32, #tpu.memory_space<vmem>>)
      "tpu.region"() ({
        %run_scoped3A_195 = tpu.sem_alloc : memref<!tpu.dma_semaphore, #tpu.memory_space<semaphore_mem>>
        %dma_start3A_196 = arith.constant 0 : i32
        %dma_start3A_197 = tpu.memref_slice %arg7[%mul3A_162, %dma_start3A_196] : memref<40x128xi32, #tpu.memory_space<vmem>> -> memref<1x128xi32, #tpu.memory_space<vmem>>
        %dma_start3A_198 = tpu.memref_squeeze %dma_start3A_197 : memref<1x128xi32, #tpu.memory_space<vmem>> -> memref<128xi32, #tpu.memory_space<vmem>>
        %dma_start3A_199 = arith.constant 0 : i32
        %dma_start3A_200 = arith.constant 0 : i32
        %dma_start3A_201 = tpu.memref_slice %arg10[%dma_start3A_199, %dma_start3A_200] : memref<10240x128xf32, #tpu.memory_space<vmem_shared>> -> memref<10240x128xf32, #tpu.memory_space<vmem_shared>>
        tpu.enqueue_indirect_dma source(%arg8 : memref<128x128xf32, #tpu.memory_space<vmem>>) target(%dma_start3A_201 : memref<10240x128xf32, #tpu.memory_space<vmem_shared>>) offsets(%dma_start3A_198 : memref<128xi32, #tpu.memory_space<vmem>>) semaphore(%run_scoped3A_195 : memref<!tpu.dma_semaphore, #tpu.memory_space<semaphore_mem>>) {add = true}
        %dma_wait3A_202 = arith.constant 0 : i32
        %dma_wait3A_203 = tpu.memref_slice %arg7[%mul3A_162, %dma_wait3A_202] : memref<40x128xi32, #tpu.memory_space<vmem>> -> memref<1x128xi32, #tpu.memory_space<vmem>>
        %dma_wait3A_204 = tpu.memref_squeeze %dma_wait3A_203 : memref<1x128xi32, #tpu.memory_space<vmem>> -> memref<128xi32, #tpu.memory_space<vmem>>
        %dma_wait3A_205 = arith.constant 0 : i32
        %dma_wait3A_206 = arith.constant 0 : i32
        %dma_wait3A_207 = tpu.memref_slice %arg10[%dma_wait3A_205, %dma_wait3A_206] : memref<10240x128xf32, #tpu.memory_space<vmem_shared>> -> memref<10240x128xf32, #tpu.memory_space<vmem_shared>>
        tpu.wait_indirect_dma semaphore(%run_scoped3A_195 : memref<!tpu.dma_semaphore, #tpu.memory_space<semaphore_mem>>) src(%arg8 : memref<128x128xf32, #tpu.memory_space<vmem>>) dst(%dma_wait3A_207 : memref<10240x128xf32, #tpu.memory_space<vmem_shared>>)
        tpu.yield
      }) : () -> ()
      %add3A_177 = arith.constant 2 : i32
      %add3A_178 = arith.addi %mul3A_162, %add3A_177 : i32
      %dma_start3A_179 = arith.constant 0 : i32
      %dma_start3A_180 = tpu.memref_slice %arg6[%add3A_178, %dma_start3A_179] : memref<40x128xi32, #tpu.memory_space<vmem>> -> memref<1x128xi32, #tpu.memory_space<vmem>>
      %dma_start3A_181 = tpu.memref_squeeze %dma_start3A_180 : memref<1x128xi32, #tpu.memory_space<vmem>> -> memref<128xi32, #tpu.memory_space<vmem>>
      %dma_start3A_182 = arith.constant 0 : i32
      %dma_start3A_183 = arith.constant 0 : i32
      %dma_start3A_184 = tpu.memref_slice %arg2[%dma_start3A_182, %dma_start3A_183] : memref<10000x128xf32, #tpu.memory_space<hbm>> -> memref<10000x128xf32, #tpu.memory_space<hbm>>
      tpu.enqueue_indirect_dma source(%dma_start3A_184 : memref<10000x128xf32, #tpu.memory_space<hbm>>) target(%arg8 : memref<128x128xf32, #tpu.memory_space<vmem>>) offsets(%dma_start3A_181 : memref<128xi32, #tpu.memory_space<vmem>>) semaphore(%arg11 : memref<!tpu.dma_semaphore, #tpu.memory_space<semaphore_mem>>)
      %add3A_185 = arith.constant 1 : i32
      %add3A_186 = arith.addi %mul3A_162, %add3A_185 : i32
      %dma_wait3A_187 = arith.constant 0 : i32
      %dma_wait3A_188 = tpu.memref_slice %arg6[%add3A_186, %dma_wait3A_187] : memref<40x128xi32, #tpu.memory_space<vmem>> -> memref<1x128xi32, #tpu.memory_space<vmem>>
      %dma_wait3A_189 = tpu.memref_squeeze %dma_wait3A_188 : memref<1x128xi32, #tpu.memory_space<vmem>> -> memref<128xi32, #tpu.memory_space<vmem>>
      %dma_wait3A_190 = arith.constant 0 : i32
      %dma_wait3A_191 = arith.constant 0 : i32
      %dma_wait3A_192 = tpu.memref_slice %arg2[%dma_wait3A_190, %dma_wait3A_191] : memref<10000x128xf32, #tpu.memory_space<hbm>> -> memref<10000x128xf32, #tpu.memory_space<hbm>>
      tpu.wait_indirect_dma semaphore(%arg12 : memref<!tpu.dma_semaphore, #tpu.memory_space<semaphore_mem>>) src(%dma_wait3A_192 : memref<10000x128xf32, #tpu.memory_space<hbm>>) dst(%arg9 : memref<128x128xf32, #tpu.memory_space<vmem>>)
      %add3A_193 = arith.constant 1 : i32
      %add3A_194 = arith.addi %mul3A_162, %add3A_193 : i32
      "tpu.region"() ({
        %run_scoped3A_195 = tpu.sem_alloc : memref<!tpu.dma_semaphore, #tpu.memory_space<semaphore_mem>>
        %dma_start3A_196 = arith.constant 0 : i32
        %dma_start3A_197 = tpu.memref_slice %arg7[%add3A_194, %dma_start3A_196] : memref<40x128xi32, #tpu.memory_space<vmem>> -> memref<1x128xi32, #tpu.memory_space<vmem>>
        %dma_start3A_198 = tpu.memref_squeeze %dma_start3A_197 : memref<1x128xi32, #tpu.memory_space<vmem>> -> memref<128xi32, #tpu.memory_space<vmem>>
        %dma_start3A_199 = arith.constant 0 : i32
        %dma_start3A_200 = arith.constant 0 : i32
        %dma_start3A_201 = tpu.memref_slice %arg10[%dma_start3A_199, %dma_start3A_200] : memref<10240x128xf32, #tpu.memory_space<vmem_shared>> -> memref<10240x128xf32, #tpu.memory_space<vmem_shared>>
        tpu.enqueue_indirect_dma source(%arg9 : memref<128x128xf32, #tpu.memory_space<vmem>>) target(%dma_start3A_201 : memref<10240x128xf32, #tpu.memory_space<vmem_shared>>) offsets(%dma_start3A_198 : memref<128xi32, #tpu.memory_space<vmem>>) semaphore(%run_scoped3A_195 : memref<!tpu.dma_semaphore, #tpu.memory_space<semaphore_mem>>) {add = true}
        %dma_wait3A_202 = arith.constant 0 : i32
        %dma_wait3A_203 = tpu.memref_slice %arg7[%add3A_194, %dma_wait3A_202] : memref<40x128xi32, #tpu.memory_space<vmem>> -> memref<1x128xi32, #tpu.memory_space<vmem>>
        %dma_wait3A_204 = tpu.memref_squeeze %dma_wait3A_203 : memref<1x128xi32, #tpu.memory_space<vmem>> -> memref<128xi32, #tpu.memory_space<vmem>>
        %dma_wait3A_205 = arith.constant 0 : i32
        %dma_wait3A_206 = arith.constant 0 : i32
        %dma_wait3A_207 = tpu.memref_slice %arg10[%dma_wait3A_205, %dma_wait3A_206] : memref<10240x128xf32, #tpu.memory_space<vmem_shared>> -> memref<10240x128xf32, #tpu.memory_space<vmem_shared>>
        tpu.wait_indirect_dma semaphore(%run_scoped3A_195 : memref<!tpu.dma_semaphore, #tpu.memory_space<semaphore_mem>>) src(%arg9 : memref<128x128xf32, #tpu.memory_space<vmem>>) dst(%dma_wait3A_207 : memref<10240x128xf32, #tpu.memory_space<vmem_shared>>)
        tpu.yield
      }) : () -> ()
    }
    %scan3A_96 = arith.constant 19 : i32
    %dma_start3A_97 = arith.constant 39 : i32
    %dma_start3A_98 = arith.constant 0 : i32
    %dma_start3A_99 = tpu.memref_slice %arg6[%dma_start3A_97, %dma_start3A_98] : memref<40x128xi32, #tpu.memory_space<vmem>> -> memref<1x128xi32, #tpu.memory_space<vmem>>
    %dma_start3A_100 = tpu.memref_squeeze %dma_start3A_99 : memref<1x128xi32, #tpu.memory_space<vmem>> -> memref<128xi32, #tpu.memory_space<vmem>>
    %dma_start3A_101 = arith.constant 0 : i32
    %dma_start3A_102 = arith.constant 0 : i32
    %dma_start3A_103 = tpu.memref_slice %arg2[%dma_start3A_101, %dma_start3A_102] : memref<10000x128xf32, #tpu.memory_space<hbm>> -> memref<10000x128xf32, #tpu.memory_space<hbm>>
    tpu.enqueue_indirect_dma source(%dma_start3A_103 : memref<10000x128xf32, #tpu.memory_space<hbm>>) target(%arg9 : memref<128x128xf32, #tpu.memory_space<vmem>>) offsets(%dma_start3A_100 : memref<128xi32, #tpu.memory_space<vmem>>) semaphore(%arg12 : memref<!tpu.dma_semaphore, #tpu.memory_space<semaphore_mem>>)
    %dma_wait3A_104 = arith.constant 38 : i32
    %dma_wait3A_105 = arith.constant 0 : i32
    %dma_wait3A_106 = tpu.memref_slice %arg6[%dma_wait3A_104, %dma_wait3A_105] : memref<40x128xi32, #tpu.memory_space<vmem>> -> memref<1x128xi32, #tpu.memory_space<vmem>>
    %dma_wait3A_107 = tpu.memref_squeeze %dma_wait3A_106 : memref<1x128xi32, #tpu.memory_space<vmem>> -> memref<128xi32, #tpu.memory_space<vmem>>
    %dma_wait3A_108 = arith.constant 0 : i32
    %dma_wait3A_109 = arith.constant 0 : i32
    %dma_wait3A_110 = tpu.memref_slice %arg2[%dma_wait3A_108, %dma_wait3A_109] : memref<10000x128xf32, #tpu.memory_space<hbm>> -> memref<10000x128xf32, #tpu.memory_space<hbm>>
    tpu.wait_indirect_dma semaphore(%arg11 : memref<!tpu.dma_semaphore, #tpu.memory_space<semaphore_mem>>) src(%dma_wait3A_110 : memref<10000x128xf32, #tpu.memory_space<hbm>>) dst(%arg8 : memref<128x128xf32, #tpu.memory_space<vmem>>)
    %run_scoped3A = arith.constant 38 : i32
    "tpu.region"() ({
      %run_scoped3A_160 = tpu.sem_alloc : memref<!tpu.dma_semaphore, #tpu.memory_space<semaphore_mem>>
      %dma_start3A_161 = arith.constant 0 : i32
      %dma_start3A_162 = tpu.memref_slice %arg7[%run_scoped3A, %dma_start3A_161] : memref<40x128xi32, #tpu.memory_space<vmem>> -> memref<1x128xi32, #tpu.memory_space<vmem>>
      %dma_start3A_163 = tpu.memref_squeeze %dma_start3A_162 : memref<1x128xi32, #tpu.memory_space<vmem>> -> memref<128xi32, #tpu.memory_space<vmem>>
      %dma_start3A_164 = arith.constant 0 : i32
      %dma_start3A_165 = arith.constant 0 : i32
      %dma_start3A_166 = tpu.memref_slice %arg10[%dma_start3A_164, %dma_start3A_165] : memref<10240x128xf32, #tpu.memory_space<vmem_shared>> -> memref<10240x128xf32, #tpu.memory_space<vmem_shared>>
      tpu.enqueue_indirect_dma source(%arg8 : memref<128x128xf32, #tpu.memory_space<vmem>>) target(%dma_start3A_166 : memref<10240x128xf32, #tpu.memory_space<vmem_shared>>) offsets(%dma_start3A_163 : memref<128xi32, #tpu.memory_space<vmem>>) semaphore(%run_scoped3A_160 : memref<!tpu.dma_semaphore, #tpu.memory_space<semaphore_mem>>) {add = true}
      %dma_wait3A_167 = arith.constant 0 : i32
      %dma_wait3A_168 = tpu.memref_slice %arg7[%run_scoped3A, %dma_wait3A_167] : memref<40x128xi32, #tpu.memory_space<vmem>> -> memref<1x128xi32, #tpu.memory_space<vmem>>
      %dma_wait3A_169 = tpu.memref_squeeze %dma_wait3A_168 : memref<1x128xi32, #tpu.memory_space<vmem>> -> memref<128xi32, #tpu.memory_space<vmem>>
      %dma_wait3A_170 = arith.constant 0 : i32
      %dma_wait3A_171 = arith.constant 0 : i32
      %dma_wait3A_172 = tpu.memref_slice %arg10[%dma_wait3A_170, %dma_wait3A_171] : memref<10240x128xf32, #tpu.memory_space<vmem_shared>> -> memref<10240x128xf32, #tpu.memory_space<vmem_shared>>
      tpu.wait_indirect_dma semaphore(%run_scoped3A_160 : memref<!tpu.dma_semaphore, #tpu.memory_space<semaphore_mem>>) src(%arg8 : memref<128x128xf32, #tpu.memory_space<vmem>>) dst(%dma_wait3A_172 : memref<10240x128xf32, #tpu.memory_space<vmem_shared>>)
      tpu.yield
    }) : () -> ()
    %dma_wait3A_111 = arith.constant 39 : i32
    %dma_wait3A_112 = arith.constant 0 : i32
    %dma_wait3A_113 = tpu.memref_slice %arg6[%dma_wait3A_111, %dma_wait3A_112] : memref<40x128xi32, #tpu.memory_space<vmem>> -> memref<1x128xi32, #tpu.memory_space<vmem>>
    %dma_wait3A_114 = tpu.memref_squeeze %dma_wait3A_113 : memref<1x128xi32, #tpu.memory_space<vmem>> -> memref<128xi32, #tpu.memory_space<vmem>>
    %dma_wait3A_115 = arith.constant 0 : i32
    %dma_wait3A_116 = arith.constant 0 : i32
    %dma_wait3A_117 = tpu.memref_slice %arg2[%dma_wait3A_115, %dma_wait3A_116] : memref<10000x128xf32, #tpu.memory_space<hbm>> -> memref<10000x128xf32, #tpu.memory_space<hbm>>
    tpu.wait_indirect_dma semaphore(%arg12 : memref<!tpu.dma_semaphore, #tpu.memory_space<semaphore_mem>>) src(%dma_wait3A_117 : memref<10000x128xf32, #tpu.memory_space<hbm>>) dst(%arg9 : memref<128x128xf32, #tpu.memory_space<vmem>>)
    %run_scoped3A_118 = arith.constant 39 : i32
    "tpu.region"() ({
      %run_scoped3A_160 = tpu.sem_alloc : memref<!tpu.dma_semaphore, #tpu.memory_space<semaphore_mem>>
      %dma_start3A_161 = arith.constant 0 : i32
      %dma_start3A_162 = tpu.memref_slice %arg7[%run_scoped3A_118, %dma_start3A_161] : memref<40x128xi32, #tpu.memory_space<vmem>> -> memref<1x128xi32, #tpu.memory_space<vmem>>
      %dma_start3A_163 = tpu.memref_squeeze %dma_start3A_162 : memref<1x128xi32, #tpu.memory_space<vmem>> -> memref<128xi32, #tpu.memory_space<vmem>>
      %dma_start3A_164 = arith.constant 0 : i32
      %dma_start3A_165 = arith.constant 0 : i32
      %dma_start3A_166 = tpu.memref_slice %arg10[%dma_start3A_164, %dma_start3A_165] : memref<10240x128xf32, #tpu.memory_space<vmem_shared>> -> memref<10240x128xf32, #tpu.memory_space<vmem_shared>>
      tpu.enqueue_indirect_dma source(%arg9 : memref<128x128xf32, #tpu.memory_space<vmem>>) target(%dma_start3A_166 : memref<10240x128xf32, #tpu.memory_space<vmem_shared>>) offsets(%dma_start3A_163 : memref<128xi32, #tpu.memory_space<vmem>>) semaphore(%run_scoped3A_160 : memref<!tpu.dma_semaphore, #tpu.memory_space<semaphore_mem>>) {add = true}
      %dma_wait3A_167 = arith.constant 0 : i32
      %dma_wait3A_168 = tpu.memref_slice %arg7[%run_scoped3A_118, %dma_wait3A_167] : memref<40x128xi32, #tpu.memory_space<vmem>> -> memref<1x128xi32, #tpu.memory_space<vmem>>
      %dma_wait3A_169 = tpu.memref_squeeze %dma_wait3A_168 : memref<1x128xi32, #tpu.memory_space<vmem>> -> memref<128xi32, #tpu.memory_space<vmem>>
      %dma_wait3A_170 = arith.constant 0 : i32
      %dma_wait3A_171 = arith.constant 0 : i32
      %dma_wait3A_172 = tpu.memref_slice %arg10[%dma_wait3A_170, %dma_wait3A_171] : memref<10240x128xf32, #tpu.memory_space<vmem_shared>> -> memref<10240x128xf32, #tpu.memory_space<vmem_shared>>
      tpu.wait_indirect_dma semaphore(%run_scoped3A_160 : memref<!tpu.dma_semaphore, #tpu.memory_space<semaphore_mem>>) src(%arg9 : memref<128x128xf32, #tpu.memory_space<vmem>>) dst(%dma_wait3A_172 : memref<10240x128xf32, #tpu.memory_space<vmem_shared>>)
      tpu.yield
    }) : () -> ()
    "tpu.region"() ({
      %run_scoped3A_160 = tpu.sem_alloc : memref<!tpu.dma_semaphore, #tpu.memory_space<semaphore_mem>>
      %dma_start3A_161 = arith.constant 40 : i32
      %dma_start3A_162 = arith.constant 0 : i32
      %dma_start3A_163 = tpu.memref_slice %arg3[%add3A, %dma_start3A_161, %dma_start3A_162] : memref<32x80x128xi32, #tpu.memory_space<hbm>> -> memref<1x40x128xi32, #tpu.memory_space<hbm>>
      %dma_start3A_164 = tpu.memref_squeeze %dma_start3A_163 : memref<1x40x128xi32, #tpu.memory_space<hbm>> -> memref<40x128xi32, #tpu.memory_space<hbm>>
      %dma_start3A_165 = arith.constant 40 : i32
      %dma_start3A_166 = arith.constant 0 : i32
      %dma_start3A_167 = tpu.memref_slice %arg3[%add3A, %dma_start3A_165, %dma_start3A_166] : memref<32x80x128xi32, #tpu.memory_space<hbm>> -> memref<1x40x128xi32, #tpu.memory_space<hbm>>
      %dma_start3A_168 = tpu.memref_squeeze %dma_start3A_167 : memref<1x40x128xi32, #tpu.memory_space<hbm>> -> memref<40x128xi32, #tpu.memory_space<hbm>>
      tpu.enqueue_dma source(%dma_start3A_168 : memref<40x128xi32, #tpu.memory_space<hbm>>) target(%arg6 : memref<40x128xi32, #tpu.memory_space<vmem>>) target_semaphore(%run_scoped3A_160 : memref<!tpu.dma_semaphore, #tpu.memory_space<semaphore_mem>>)
      %dma_wait3A_169 = arith.constant 40 : i32
      %dma_wait3A_170 = arith.constant 0 : i32
      %dma_wait3A_171 = tpu.memref_slice %arg3[%add3A, %dma_wait3A_169, %dma_wait3A_170] : memref<32x80x128xi32, #tpu.memory_space<hbm>> -> memref<1x40x128xi32, #tpu.memory_space<hbm>>
      %dma_wait3A_172 = tpu.memref_squeeze %dma_wait3A_171 : memref<1x40x128xi32, #tpu.memory_space<hbm>> -> memref<40x128xi32, #tpu.memory_space<hbm>>
      %dma_wait3A_173 = arith.constant 40 : i32
      %dma_wait3A_174 = arith.constant 0 : i32
      %dma_wait3A_175 = tpu.memref_slice %arg3[%add3A, %dma_wait3A_173, %dma_wait3A_174] : memref<32x80x128xi32, #tpu.memory_space<hbm>> -> memref<1x40x128xi32, #tpu.memory_space<hbm>>
      %dma_wait3A_176 = tpu.memref_squeeze %dma_wait3A_175 : memref<1x40x128xi32, #tpu.memory_space<hbm>> -> memref<40x128xi32, #tpu.memory_space<hbm>>
      tpu.wait_dma2 semaphore(%run_scoped3A_160 : memref<!tpu.dma_semaphore, #tpu.memory_space<semaphore_mem>>) src(%dma_wait3A_176 : memref<40x128xi32, #tpu.memory_space<hbm>>) dst(%arg6 : memref<40x128xi32, #tpu.memory_space<vmem>>)
      tpu.yield
    }) : () -> ()
    "tpu.region"() ({
      %run_scoped3A_160 = tpu.sem_alloc : memref<!tpu.dma_semaphore, #tpu.memory_space<semaphore_mem>>
      %dma_start3A_161 = arith.constant 40 : i32
      %dma_start3A_162 = arith.constant 0 : i32
      %dma_start3A_163 = tpu.memref_slice %arg4[%add3A, %dma_start3A_161, %dma_start3A_162] : memref<32x80x128xi32, #tpu.memory_space<hbm>> -> memref<1x40x128xi32, #tpu.memory_space<hbm>>
      %dma_start3A_164 = tpu.memref_squeeze %dma_start3A_163 : memref<1x40x128xi32, #tpu.memory_space<hbm>> -> memref<40x128xi32, #tpu.memory_space<hbm>>
      %dma_start3A_165 = arith.constant 40 : i32
      %dma_start3A_166 = arith.constant 0 : i32
      %dma_start3A_167 = tpu.memref_slice %arg4[%add3A, %dma_start3A_165, %dma_start3A_166] : memref<32x80x128xi32, #tpu.memory_space<hbm>> -> memref<1x40x128xi32, #tpu.memory_space<hbm>>
      %dma_start3A_168 = tpu.memref_squeeze %dma_start3A_167 : memref<1x40x128xi32, #tpu.memory_space<hbm>> -> memref<40x128xi32, #tpu.memory_space<hbm>>
      tpu.enqueue_dma source(%dma_start3A_168 : memref<40x128xi32, #tpu.memory_space<hbm>>) target(%arg7 : memref<40x128xi32, #tpu.memory_space<vmem>>) target_semaphore(%run_scoped3A_160 : memref<!tpu.dma_semaphore, #tpu.memory_space<semaphore_mem>>)
      %dma_wait3A_169 = arith.constant 40 : i32
      %dma_wait3A_170 = arith.constant 0 : i32
      %dma_wait3A_171 = tpu.memref_slice %arg4[%add3A, %dma_wait3A_169, %dma_wait3A_170] : memref<32x80x128xi32, #tpu.memory_space<hbm>> -> memref<1x40x128xi32, #tpu.memory_space<hbm>>
      %dma_wait3A_172 = tpu.memref_squeeze %dma_wait3A_171 : memref<1x40x128xi32, #tpu.memory_space<hbm>> -> memref<40x128xi32, #tpu.memory_space<hbm>>
      %dma_wait3A_173 = arith.constant 40 : i32
      %dma_wait3A_174 = arith.constant 0 : i32
      %dma_wait3A_175 = tpu.memref_slice %arg4[%add3A, %dma_wait3A_173, %dma_wait3A_174] : memref<32x80x128xi32, #tpu.memory_space<hbm>> -> memref<1x40x128xi32, #tpu.memory_space<hbm>>
      %dma_wait3A_176 = tpu.memref_squeeze %dma_wait3A_175 : memref<1x40x128xi32, #tpu.memory_space<hbm>> -> memref<40x128xi32, #tpu.memory_space<hbm>>
      tpu.wait_dma2 semaphore(%run_scoped3A_160 : memref<!tpu.dma_semaphore, #tpu.memory_space<semaphore_mem>>) src(%dma_wait3A_176 : memref<40x128xi32, #tpu.memory_space<hbm>>) dst(%arg7 : memref<40x128xi32, #tpu.memory_space<vmem>>)
      tpu.yield
    }) : () -> ()
    %dma_start3A_119 = arith.constant 0 : i32
    %dma_start3A_120 = arith.constant 0 : i32
    %dma_start3A_121 = tpu.memref_slice %arg6[%dma_start3A_119, %dma_start3A_120] : memref<40x128xi32, #tpu.memory_space<vmem>> -> memref<1x128xi32, #tpu.memory_space<vmem>>
    %dma_start3A_122 = tpu.memref_squeeze %dma_start3A_121 : memref<1x128xi32, #tpu.memory_space<vmem>> -> memref<128xi32, #tpu.memory_space<vmem>>
    %dma_start3A_123 = arith.constant 0 : i32
    %dma_start3A_124 = arith.constant 0 : i32
    %dma_start3A_125 = tpu.memref_slice %arg2[%dma_start3A_123, %dma_start3A_124] : memref<10000x128xf32, #tpu.memory_space<hbm>> -> memref<10000x128xf32, #tpu.memory_space<hbm>>
    tpu.enqueue_indirect_dma source(%dma_start3A_125 : memref<10000x128xf32, #tpu.memory_space<hbm>>) target(%arg8 : memref<128x128xf32, #tpu.memory_space<vmem>>) offsets(%dma_start3A_122 : memref<128xi32, #tpu.memory_space<vmem>>) semaphore(%arg11 : memref<!tpu.dma_semaphore, #tpu.memory_space<semaphore_mem>>)
    %scan3A_126 = arith.constant 0 : i32
    %scan3A_127 = arith.constant 0 : i32
    %scan3A_128 = arith.constant 19 : i32
    %scan3A_129 = arith.addi %scan3A_127, %scan3A_128 : i32
    %scan3A_130 = arith.constant 1 : i32
    scf.for %scan3A_160 = %scan3A_127 to %scan3A_129 step %scan3A_130  : i32 {
      %mul3A_161 = arith.constant 2 : i32
      %mul3A_162 = arith.muli %mul3A_161, %scan3A_160 : i32
      %add3A_163 = arith.constant 1 : i32
      %add3A_164 = arith.addi %mul3A_162, %add3A_163 : i32
      %dma_start3A_165 = arith.constant 0 : i32
      %dma_start3A_166 = tpu.memref_slice %arg6[%add3A_164, %dma_start3A_165] : memref<40x128xi32, #tpu.memory_space<vmem>> -> memref<1x128xi32, #tpu.memory_space<vmem>>
      %dma_start3A_167 = tpu.memref_squeeze %dma_start3A_166 : memref<1x128xi32, #tpu.memory_space<vmem>> -> memref<128xi32, #tpu.memory_space<vmem>>
      %dma_start3A_168 = arith.constant 0 : i32
      %dma_start3A_169 = arith.constant 0 : i32
      %dma_start3A_170 = tpu.memref_slice %arg2[%dma_start3A_168, %dma_start3A_169] : memref<10000x128xf32, #tpu.memory_space<hbm>> -> memref<10000x128xf32, #tpu.memory_space<hbm>>
      tpu.enqueue_indirect_dma source(%dma_start3A_170 : memref<10000x128xf32, #tpu.memory_space<hbm>>) target(%arg9 : memref<128x128xf32, #tpu.memory_space<vmem>>) offsets(%dma_start3A_167 : memref<128xi32, #tpu.memory_space<vmem>>) semaphore(%arg12 : memref<!tpu.dma_semaphore, #tpu.memory_space<semaphore_mem>>)
      %dma_wait3A_171 = arith.constant 0 : i32
      %dma_wait3A_172 = tpu.memref_slice %arg6[%mul3A_162, %dma_wait3A_171] : memref<40x128xi32, #tpu.memory_space<vmem>> -> memref<1x128xi32, #tpu.memory_space<vmem>>
      %dma_wait3A_173 = tpu.memref_squeeze %dma_wait3A_172 : memref<1x128xi32, #tpu.memory_space<vmem>> -> memref<128xi32, #tpu.memory_space<vmem>>
      %dma_wait3A_174 = arith.constant 0 : i32
      %dma_wait3A_175 = arith.constant 0 : i32
      %dma_wait3A_176 = tpu.memref_slice %arg2[%dma_wait3A_174, %dma_wait3A_175] : memref<10000x128xf32, #tpu.memory_space<hbm>> -> memref<10000x128xf32, #tpu.memory_space<hbm>>
      tpu.wait_indirect_dma semaphore(%arg11 : memref<!tpu.dma_semaphore, #tpu.memory_space<semaphore_mem>>) src(%dma_wait3A_176 : memref<10000x128xf32, #tpu.memory_space<hbm>>) dst(%arg8 : memref<128x128xf32, #tpu.memory_space<vmem>>)
      "tpu.region"() ({
        %run_scoped3A_195 = tpu.sem_alloc : memref<!tpu.dma_semaphore, #tpu.memory_space<semaphore_mem>>
        %dma_start3A_196 = arith.constant 0 : i32
        %dma_start3A_197 = tpu.memref_slice %arg7[%mul3A_162, %dma_start3A_196] : memref<40x128xi32, #tpu.memory_space<vmem>> -> memref<1x128xi32, #tpu.memory_space<vmem>>
        %dma_start3A_198 = tpu.memref_squeeze %dma_start3A_197 : memref<1x128xi32, #tpu.memory_space<vmem>> -> memref<128xi32, #tpu.memory_space<vmem>>
        %dma_start3A_199 = arith.constant 0 : i32
        %dma_start3A_200 = arith.constant 0 : i32
        %dma_start3A_201 = tpu.memref_slice %arg10[%dma_start3A_199, %dma_start3A_200] : memref<10240x128xf32, #tpu.memory_space<vmem_shared>> -> memref<10240x128xf32, #tpu.memory_space<vmem_shared>>
        tpu.enqueue_indirect_dma source(%arg8 : memref<128x128xf32, #tpu.memory_space<vmem>>) target(%dma_start3A_201 : memref<10240x128xf32, #tpu.memory_space<vmem_shared>>) offsets(%dma_start3A_198 : memref<128xi32, #tpu.memory_space<vmem>>) semaphore(%run_scoped3A_195 : memref<!tpu.dma_semaphore, #tpu.memory_space<semaphore_mem>>) {add = true}
        %dma_wait3A_202 = arith.constant 0 : i32
        %dma_wait3A_203 = tpu.memref_slice %arg7[%mul3A_162, %dma_wait3A_202] : memref<40x128xi32, #tpu.memory_space<vmem>> -> memref<1x128xi32, #tpu.memory_space<vmem>>
        %dma_wait3A_204 = tpu.memref_squeeze %dma_wait3A_203 : memref<1x128xi32, #tpu.memory_space<vmem>> -> memref<128xi32, #tpu.memory_space<vmem>>
        %dma_wait3A_205 = arith.constant 0 : i32
        %dma_wait3A_206 = arith.constant 0 : i32
        %dma_wait3A_207 = tpu.memref_slice %arg10[%dma_wait3A_205, %dma_wait3A_206] : memref<10240x128xf32, #tpu.memory_space<vmem_shared>> -> memref<10240x128xf32, #tpu.memory_space<vmem_shared>>
        tpu.wait_indirect_dma semaphore(%run_scoped3A_195 : memref<!tpu.dma_semaphore, #tpu.memory_space<semaphore_mem>>) src(%arg8 : memref<128x128xf32, #tpu.memory_space<vmem>>) dst(%dma_wait3A_207 : memref<10240x128xf32, #tpu.memory_space<vmem_shared>>)
        tpu.yield
      }) : () -> ()
      %add3A_177 = arith.constant 2 : i32
      %add3A_178 = arith.addi %mul3A_162, %add3A_177 : i32
      %dma_start3A_179 = arith.constant 0 : i32
      %dma_start3A_180 = tpu.memref_slice %arg6[%add3A_178, %dma_start3A_179] : memref<40x128xi32, #tpu.memory_space<vmem>> -> memref<1x128xi32, #tpu.memory_space<vmem>>
      %dma_start3A_181 = tpu.memref_squeeze %dma_start3A_180 : memref<1x128xi32, #tpu.memory_space<vmem>> -> memref<128xi32, #tpu.memory_space<vmem>>
      %dma_start3A_182 = arith.constant 0 : i32
      %dma_start3A_183 = arith.constant 0 : i32
      %dma_start3A_184 = tpu.memref_slice %arg2[%dma_start3A_182, %dma_start3A_183] : memref<10000x128xf32, #tpu.memory_space<hbm>> -> memref<10000x128xf32, #tpu.memory_space<hbm>>
      tpu.enqueue_indirect_dma source(%dma_start3A_184 : memref<10000x128xf32, #tpu.memory_space<hbm>>) target(%arg8 : memref<128x128xf32, #tpu.memory_space<vmem>>) offsets(%dma_start3A_181 : memref<128xi32, #tpu.memory_space<vmem>>) semaphore(%arg11 : memref<!tpu.dma_semaphore, #tpu.memory_space<semaphore_mem>>)
      %add3A_185 = arith.constant 1 : i32
      %add3A_186 = arith.addi %mul3A_162, %add3A_185 : i32
      %dma_wait3A_187 = arith.constant 0 : i32
      %dma_wait3A_188 = tpu.memref_slice %arg6[%add3A_186, %dma_wait3A_187] : memref<40x128xi32, #tpu.memory_space<vmem>> -> memref<1x128xi32, #tpu.memory_space<vmem>>
      %dma_wait3A_189 = tpu.memref_squeeze %dma_wait3A_188 : memref<1x128xi32, #tpu.memory_space<vmem>> -> memref<128xi32, #tpu.memory_space<vmem>>
      %dma_wait3A_190 = arith.constant 0 : i32
      %dma_wait3A_191 = arith.constant 0 : i32
      %dma_wait3A_192 = tpu.memref_slice %arg2[%dma_wait3A_190, %dma_wait3A_191] : memref<10000x128xf32, #tpu.memory_space<hbm>> -> memref<10000x128xf32, #tpu.memory_space<hbm>>
      tpu.wait_indirect_dma semaphore(%arg12 : memref<!tpu.dma_semaphore, #tpu.memory_space<semaphore_mem>>) src(%dma_wait3A_192 : memref<10000x128xf32, #tpu.memory_space<hbm>>) dst(%arg9 : memref<128x128xf32, #tpu.memory_space<vmem>>)
      %add3A_193 = arith.constant 1 : i32
      %add3A_194 = arith.addi %mul3A_162, %add3A_193 : i32
      "tpu.region"() ({
        %run_scoped3A_195 = tpu.sem_alloc : memref<!tpu.dma_semaphore, #tpu.memory_space<semaphore_mem>>
        %dma_start3A_196 = arith.constant 0 : i32
        %dma_start3A_197 = tpu.memref_slice %arg7[%add3A_194, %dma_start3A_196] : memref<40x128xi32, #tpu.memory_space<vmem>> -> memref<1x128xi32, #tpu.memory_space<vmem>>
        %dma_start3A_198 = tpu.memref_squeeze %dma_start3A_197 : memref<1x128xi32, #tpu.memory_space<vmem>> -> memref<128xi32, #tpu.memory_space<vmem>>
        %dma_start3A_199 = arith.constant 0 : i32
        %dma_start3A_200 = arith.constant 0 : i32
        %dma_start3A_201 = tpu.memref_slice %arg10[%dma_start3A_199, %dma_start3A_200] : memref<10240x128xf32, #tpu.memory_space<vmem_shared>> -> memref<10240x128xf32, #tpu.memory_space<vmem_shared>>
        tpu.enqueue_indirect_dma source(%arg9 : memref<128x128xf32, #tpu.memory_space<vmem>>) target(%dma_start3A_201 : memref<10240x128xf32, #tpu.memory_space<vmem_shared>>) offsets(%dma_start3A_198 : memref<128xi32, #tpu.memory_space<vmem>>) semaphore(%run_scoped3A_195 : memref<!tpu.dma_semaphore, #tpu.memory_space<semaphore_mem>>) {add = true}
        %dma_wait3A_202 = arith.constant 0 : i32
        %dma_wait3A_203 = tpu.memref_slice %arg7[%add3A_194, %dma_wait3A_202] : memref<40x128xi32, #tpu.memory_space<vmem>> -> memref<1x128xi32, #tpu.memory_space<vmem>>
        %dma_wait3A_204 = tpu.memref_squeeze %dma_wait3A_203 : memref<1x128xi32, #tpu.memory_space<vmem>> -> memref<128xi32, #tpu.memory_space<vmem>>
        %dma_wait3A_205 = arith.constant 0 : i32
        %dma_wait3A_206 = arith.constant 0 : i32
        %dma_wait3A_207 = tpu.memref_slice %arg10[%dma_wait3A_205, %dma_wait3A_206] : memref<10240x128xf32, #tpu.memory_space<vmem_shared>> -> memref<10240x128xf32, #tpu.memory_space<vmem_shared>>
        tpu.wait_indirect_dma semaphore(%run_scoped3A_195 : memref<!tpu.dma_semaphore, #tpu.memory_space<semaphore_mem>>) src(%arg9 : memref<128x128xf32, #tpu.memory_space<vmem>>) dst(%dma_wait3A_207 : memref<10240x128xf32, #tpu.memory_space<vmem_shared>>)
        tpu.yield
      }) : () -> ()
    }
    %scan3A_131 = arith.constant 19 : i32
    %dma_start3A_132 = arith.constant 39 : i32
    %dma_start3A_133 = arith.constant 0 : i32
    %dma_start3A_134 = tpu.memref_slice %arg6[%dma_start3A_132, %dma_start3A_133] : memref<40x128xi32, #tpu.memory_space<vmem>> -> memref<1x128xi32, #tpu.memory_space<vmem>>
    %dma_start3A_135 = tpu.memref_squeeze %dma_start3A_134 : memref<1x128xi32, #tpu.memory_space<vmem>> -> memref<128xi32, #tpu.memory_space<vmem>>
    %dma_start3A_136 = arith.constant 0 : i32
    %dma_start3A_137 = arith.constant 0 : i32
    %dma_start3A_138 = tpu.memref_slice %arg2[%dma_start3A_136, %dma_start3A_137] : memref<10000x128xf32, #tpu.memory_space<hbm>> -> memref<10000x128xf32, #tpu.memory_space<hbm>>
    tpu.enqueue_indirect_dma source(%dma_start3A_138 : memref<10000x128xf32, #tpu.memory_space<hbm>>) target(%arg9 : memref<128x128xf32, #tpu.memory_space<vmem>>) offsets(%dma_start3A_135 : memref<128xi32, #tpu.memory_space<vmem>>) semaphore(%arg12 : memref<!tpu.dma_semaphore, #tpu.memory_space<semaphore_mem>>)
    %dma_wait3A_139 = arith.constant 38 : i32
    %dma_wait3A_140 = arith.constant 0 : i32
    %dma_wait3A_141 = tpu.memref_slice %arg6[%dma_wait3A_139, %dma_wait3A_140] : memref<40x128xi32, #tpu.memory_space<vmem>> -> memref<1x128xi32, #tpu.memory_space<vmem>>
    %dma_wait3A_142 = tpu.memref_squeeze %dma_wait3A_141 : memref<1x128xi32, #tpu.memory_space<vmem>> -> memref<128xi32, #tpu.memory_space<vmem>>
    %dma_wait3A_143 = arith.constant 0 : i32
    %dma_wait3A_144 = arith.constant 0 : i32
    %dma_wait3A_145 = tpu.memref_slice %arg2[%dma_wait3A_143, %dma_wait3A_144] : memref<10000x128xf32, #tpu.memory_space<hbm>> -> memref<10000x128xf32, #tpu.memory_space<hbm>>
    tpu.wait_indirect_dma semaphore(%arg11 : memref<!tpu.dma_semaphore, #tpu.memory_space<semaphore_mem>>) src(%dma_wait3A_145 : memref<10000x128xf32, #tpu.memory_space<hbm>>) dst(%arg8 : memref<128x128xf32, #tpu.memory_space<vmem>>)
    %run_scoped3A_146 = arith.constant 38 : i32
    "tpu.region"() ({
      %run_scoped3A_160 = tpu.sem_alloc : memref<!tpu.dma_semaphore, #tpu.memory_space<semaphore_mem>>
      %dma_start3A_161 = arith.constant 0 : i32
      %dma_start3A_162 = tpu.memref_slice %arg7[%run_scoped3A_146, %dma_start3A_161] : memref<40x128xi32, #tpu.memory_space<vmem>> -> memref<1x128xi32, #tpu.memory_space<vmem>>
      %dma_start3A_163 = tpu.memref_squeeze %dma_start3A_162 : memref<1x128xi32, #tpu.memory_space<vmem>> -> memref<128xi32, #tpu.memory_space<vmem>>
      %dma_start3A_164 = arith.constant 0 : i32
      %dma_start3A_165 = arith.constant 0 : i32
      %dma_start3A_166 = tpu.memref_slice %arg10[%dma_start3A_164, %dma_start3A_165] : memref<10240x128xf32, #tpu.memory_space<vmem_shared>> -> memref<10240x128xf32, #tpu.memory_space<vmem_shared>>
      tpu.enqueue_indirect_dma source(%arg8 : memref<128x128xf32, #tpu.memory_space<vmem>>) target(%dma_start3A_166 : memref<10240x128xf32, #tpu.memory_space<vmem_shared>>) offsets(%dma_start3A_163 : memref<128xi32, #tpu.memory_space<vmem>>) semaphore(%run_scoped3A_160 : memref<!tpu.dma_semaphore, #tpu.memory_space<semaphore_mem>>) {add = true}
      %dma_wait3A_167 = arith.constant 0 : i32
      %dma_wait3A_168 = tpu.memref_slice %arg7[%run_scoped3A_146, %dma_wait3A_167] : memref<40x128xi32, #tpu.memory_space<vmem>> -> memref<1x128xi32, #tpu.memory_space<vmem>>
      %dma_wait3A_169 = tpu.memref_squeeze %dma_wait3A_168 : memref<1x128xi32, #tpu.memory_space<vmem>> -> memref<128xi32, #tpu.memory_space<vmem>>
      %dma_wait3A_170 = arith.constant 0 : i32
      %dma_wait3A_171 = arith.constant 0 : i32
      %dma_wait3A_172 = tpu.memref_slice %arg10[%dma_wait3A_170, %dma_wait3A_171] : memref<10240x128xf32, #tpu.memory_space<vmem_shared>> -> memref<10240x128xf32, #tpu.memory_space<vmem_shared>>
      tpu.wait_indirect_dma semaphore(%run_scoped3A_160 : memref<!tpu.dma_semaphore, #tpu.memory_space<semaphore_mem>>) src(%arg8 : memref<128x128xf32, #tpu.memory_space<vmem>>) dst(%dma_wait3A_172 : memref<10240x128xf32, #tpu.memory_space<vmem_shared>>)
      tpu.yield
    }) : () -> ()
    %dma_wait3A_147 = arith.constant 39 : i32
    %dma_wait3A_148 = arith.constant 0 : i32
    %dma_wait3A_149 = tpu.memref_slice %arg6[%dma_wait3A_147, %dma_wait3A_148] : memref<40x128xi32, #tpu.memory_space<vmem>> -> memref<1x128xi32, #tpu.memory_space<vmem>>
    %dma_wait3A_150 = tpu.memref_squeeze %dma_wait3A_149 : memref<1x128xi32, #tpu.memory_space<vmem>> -> memref<128xi32, #tpu.memory_space<vmem>>
    %dma_wait3A_151 = arith.constant 0 : i32
    %dma_wait3A_152 = arith.constant 0 : i32
    %dma_wait3A_153 = tpu.memref_slice %arg2[%dma_wait3A_151, %dma_wait3A_152] : memref<10000x128xf32, #tpu.memory_space<hbm>> -> memref<10000x128xf32, #tpu.memory_space<hbm>>
    tpu.wait_indirect_dma semaphore(%arg12 : memref<!tpu.dma_semaphore, #tpu.memory_space<semaphore_mem>>) src(%dma_wait3A_153 : memref<10000x128xf32, #tpu.memory_space<hbm>>) dst(%arg9 : memref<128x128xf32, #tpu.memory_space<vmem>>)
    %run_scoped3A_154 = arith.constant 39 : i32
    "tpu.region"() ({
      %run_scoped3A_160 = tpu.sem_alloc : memref<!tpu.dma_semaphore, #tpu.memory_space<semaphore_mem>>
      %dma_start3A_161 = arith.constant 0 : i32
      %dma_start3A_162 = tpu.memref_slice %arg7[%run_scoped3A_154, %dma_start3A_161] : memref<40x128xi32, #tpu.memory_space<vmem>> -> memref<1x128xi32, #tpu.memory_space<vmem>>
      %dma_start3A_163 = tpu.memref_squeeze %dma_start3A_162 : memref<1x128xi32, #tpu.memory_space<vmem>> -> memref<128xi32, #tpu.memory_space<vmem>>
      %dma_start3A_164 = arith.constant 0 : i32
      %dma_start3A_165 = arith.constant 0 : i32
      %dma_start3A_166 = tpu.memref_slice %arg10[%dma_start3A_164, %dma_start3A_165] : memref<10240x128xf32, #tpu.memory_space<vmem_shared>> -> memref<10240x128xf32, #tpu.memory_space<vmem_shared>>
      tpu.enqueue_indirect_dma source(%arg9 : memref<128x128xf32, #tpu.memory_space<vmem>>) target(%dma_start3A_166 : memref<10240x128xf32, #tpu.memory_space<vmem_shared>>) offsets(%dma_start3A_163 : memref<128xi32, #tpu.memory_space<vmem>>) semaphore(%run_scoped3A_160 : memref<!tpu.dma_semaphore, #tpu.memory_space<semaphore_mem>>) {add = true}
      %dma_wait3A_167 = arith.constant 0 : i32
      %dma_wait3A_168 = tpu.memref_slice %arg7[%run_scoped3A_154, %dma_wait3A_167] : memref<40x128xi32, #tpu.memory_space<vmem>> -> memref<1x128xi32, #tpu.memory_space<vmem>>
      %dma_wait3A_169 = tpu.memref_squeeze %dma_wait3A_168 : memref<1x128xi32, #tpu.memory_space<vmem>> -> memref<128xi32, #tpu.memory_space<vmem>>
      %dma_wait3A_170 = arith.constant 0 : i32
      %dma_wait3A_171 = arith.constant 0 : i32
      %dma_wait3A_172 = tpu.memref_slice %arg10[%dma_wait3A_170, %dma_wait3A_171] : memref<10240x128xf32, #tpu.memory_space<vmem_shared>> -> memref<10240x128xf32, #tpu.memory_space<vmem_shared>>
      tpu.wait_indirect_dma semaphore(%run_scoped3A_160 : memref<!tpu.dma_semaphore, #tpu.memory_space<semaphore_mem>>) src(%arg9 : memref<128x128xf32, #tpu.memory_space<vmem>>) dst(%dma_wait3A_172 : memref<10240x128xf32, #tpu.memory_space<vmem_shared>>)
      tpu.yield
    }) : () -> ()
    %barrier3A_155 = arith.constant 0 : index
    tpu.barrier barrier_id(%barrier3A_155)
    %mul3A_156 = arith.constant 640 : i32
    %mul3A_157 = arith.muli %arg1, %mul3A_156 : i32
    %mul3A_158 = arith.constant 640 : i32
    %mul3A_159 = arith.muli %arg1, %mul3A_158 : i32
    "tpu.region"() ({
      %run_scoped3A_160 = tpu.sem_alloc : memref<!tpu.dma_semaphore, #tpu.memory_space<semaphore_mem>>
      %dma_start3A_161 = arith.constant 0 : i32
      %dma_start3A_162 = tpu.memref_slice %arg5[%arg0, %mul3A_159, %dma_start3A_161] : memref<2x10240x128xf32, #tpu.memory_space<hbm>> -> memref<1x640x128xf32, #tpu.memory_space<hbm>>
      %dma_start3A_163 = tpu.memref_squeeze %dma_start3A_162 : memref<1x640x128xf32, #tpu.memory_space<hbm>> -> memref<640x128xf32, #tpu.memory_space<hbm>>
      %dma_start3A_164 = arith.constant 0 : i32
      %dma_start3A_165 = tpu.memref_slice %arg10[%mul3A_157, %dma_start3A_164] : memref<10240x128xf32, #tpu.memory_space<vmem_shared>> -> memref<640x128xf32, #tpu.memory_space<vmem_shared>>
      tpu.enqueue_dma source(%dma_start3A_165 : memref<640x128xf32, #tpu.memory_space<vmem_shared>>) target(%dma_start3A_163 : memref<640x128xf32, #tpu.memory_space<hbm>>) target_semaphore(%run_scoped3A_160 : memref<!tpu.dma_semaphore, #tpu.memory_space<semaphore_mem>>)
      %dma_wait3A_166 = arith.constant 0 : i32
      %dma_wait3A_167 = tpu.memref_slice %arg5[%arg0, %mul3A_159, %dma_wait3A_166] : memref<2x10240x128xf32, #tpu.memory_space<hbm>> -> memref<1x640x128xf32, #tpu.memory_space<hbm>>
      %dma_wait3A_168 = tpu.memref_squeeze %dma_wait3A_167 : memref<1x640x128xf32, #tpu.memory_space<hbm>> -> memref<640x128xf32, #tpu.memory_space<hbm>>
      %dma_wait3A_169 = arith.constant 0 : i32
      %dma_wait3A_170 = tpu.memref_slice %arg10[%mul3A_157, %dma_wait3A_169] : memref<10240x128xf32, #tpu.memory_space<vmem_shared>> -> memref<640x128xf32, #tpu.memory_space<vmem_shared>>
      tpu.wait_dma2 semaphore(%run_scoped3A_160 : memref<!tpu.dma_semaphore, #tpu.memory_space<semaphore_mem>>) src(%dma_wait3A_170 : memref<640x128xf32, #tpu.memory_space<vmem_shared>>) dst(%dma_wait3A_168 : memref<640x128xf32, #tpu.memory_space<hbm>>)
      tpu.yield
    }) : () -> ()
    return
  }
}

#map = affine_map<(d0, d1) -> (0, 0, 0)>
#map1 = affine_map<(d0, d1) -> (0, 0)>
module attributes {stable_mosaic.version = 14 : i64} {
  func.func @deg_kernel(%arg0: i32, %arg1: i32, %arg2: memref<32x80x128xi32, #tpu.memory_space<hbm>>, %arg3: memref<2x10240xf32, #tpu.memory_space<hbm>>, %arg4: memref<80x128xi32, #tpu.memory_space<vmem>>, %arg5: memref<128xf32, #tpu.memory_space<vmem>>, %arg6: memref<640xf32, #tpu.memory_space<vmem>>, %arg7: memref<10240xf32, #tpu.memory_space<vmem_shared>>, %arg8: memref<!tpu.dma_semaphore, #tpu.memory_space<semaphore_mem>>) attributes {dimension_semantics = [#tpu.dimension_semantics<core_parallel>, #tpu.dimension_semantics<subcore_parallel>], iteration_bounds = array<i64: 2, 16>, scalar_prefetch = 0 : i64, scratch_operands = 5 : i64, tpu.core_type = #tpu.core_type<sc_vector_subcore>, window_params = [{transform_indices = #map}, {transform_indices = #map1}]} {
    %mul3A = arith.constant 2 : i32
    %mul3A_0 = arith.muli %arg1, %mul3A : i32
    %add3A = arith.addi %mul3A_0, %arg0 : i32
    %broadcast_in_dim3A = arith.constant 1.000000e+00 : f32
    %broadcast_in_dim3A_1 = vector.broadcast %broadcast_in_dim3A : f32 to vector<16xf32>
    %swap3A = arith.constant 0 : index
    %swap3A_2 = tpu.vector_load %arg5[%swap3A] {strides = array<i32>} : memref<128xf32, #tpu.memory_space<vmem>>, vector<16xf32>,
    %swap3A_3 = vector.shape_cast %swap3A_2 : vector<16xf32> to vector<16xf32>
    %swap3A_4 = vector.shape_cast %broadcast_in_dim3A_1 : vector<16xf32> to vector<16xf32>
    tpu.vector_store %arg5[%swap3A], %swap3A_4 {strides = array<i32>} : memref<128xf32, #tpu.memory_space<vmem>>, vector<16xf32>,
    %broadcast_in_dim3A_5 = arith.constant 1.000000e+00 : f32
    %broadcast_in_dim3A_6 = vector.broadcast %broadcast_in_dim3A_5 : f32 to vector<16xf32>
    %swap3A_7 = arith.constant 16 : index
    %swap3A_8 = tpu.vector_load %arg5[%swap3A_7] {strides = array<i32>} : memref<128xf32, #tpu.memory_space<vmem>>, vector<16xf32>,
    %swap3A_9 = vector.shape_cast %swap3A_8 : vector<16xf32> to vector<16xf32>
    %swap3A_10 = vector.shape_cast %broadcast_in_dim3A_6 : vector<16xf32> to vector<16xf32>
    tpu.vector_store %arg5[%swap3A_7], %swap3A_10 {strides = array<i32>} : memref<128xf32, #tpu.memory_space<vmem>>, vector<16xf32>,
    %broadcast_in_dim3A_11 = arith.constant 1.000000e+00 : f32
    %broadcast_in_dim3A_12 = vector.broadcast %broadcast_in_dim3A_11 : f32 to vector<16xf32>
    %swap3A_13 = arith.constant 32 : index
    %swap3A_14 = tpu.vector_load %arg5[%swap3A_13] {strides = array<i32>} : memref<128xf32, #tpu.memory_space<vmem>>, vector<16xf32>,
    %swap3A_15 = vector.shape_cast %swap3A_14 : vector<16xf32> to vector<16xf32>
    %swap3A_16 = vector.shape_cast %broadcast_in_dim3A_12 : vector<16xf32> to vector<16xf32>
    tpu.vector_store %arg5[%swap3A_13], %swap3A_16 {strides = array<i32>} : memref<128xf32, #tpu.memory_space<vmem>>, vector<16xf32>,
    %broadcast_in_dim3A_17 = arith.constant 1.000000e+00 : f32
    %broadcast_in_dim3A_18 = vector.broadcast %broadcast_in_dim3A_17 : f32 to vector<16xf32>
    %swap3A_19 = arith.constant 48 : index
    %swap3A_20 = tpu.vector_load %arg5[%swap3A_19] {strides = array<i32>} : memref<128xf32, #tpu.memory_space<vmem>>, vector<16xf32>,
    %swap3A_21 = vector.shape_cast %swap3A_20 : vector<16xf32> to vector<16xf32>
    %swap3A_22 = vector.shape_cast %broadcast_in_dim3A_18 : vector<16xf32> to vector<16xf32>
    tpu.vector_store %arg5[%swap3A_19], %swap3A_22 {strides = array<i32>} : memref<128xf32, #tpu.memory_space<vmem>>, vector<16xf32>,
    %broadcast_in_dim3A_23 = arith.constant 1.000000e+00 : f32
    %broadcast_in_dim3A_24 = vector.broadcast %broadcast_in_dim3A_23 : f32 to vector<16xf32>
    %swap3A_25 = arith.constant 64 : index
    %swap3A_26 = tpu.vector_load %arg5[%swap3A_25] {strides = array<i32>} : memref<128xf32, #tpu.memory_space<vmem>>, vector<16xf32>,
    %swap3A_27 = vector.shape_cast %swap3A_26 : vector<16xf32> to vector<16xf32>
    %swap3A_28 = vector.shape_cast %broadcast_in_dim3A_24 : vector<16xf32> to vector<16xf32>
    tpu.vector_store %arg5[%swap3A_25], %swap3A_28 {strides = array<i32>} : memref<128xf32, #tpu.memory_space<vmem>>, vector<16xf32>,
    %broadcast_in_dim3A_29 = arith.constant 1.000000e+00 : f32
    %broadcast_in_dim3A_30 = vector.broadcast %broadcast_in_dim3A_29 : f32 to vector<16xf32>
    %swap3A_31 = arith.constant 80 : index
    %swap3A_32 = tpu.vector_load %arg5[%swap3A_31] {strides = array<i32>} : memref<128xf32, #tpu.memory_space<vmem>>, vector<16xf32>,
    %swap3A_33 = vector.shape_cast %swap3A_32 : vector<16xf32> to vector<16xf32>
    %swap3A_34 = vector.shape_cast %broadcast_in_dim3A_30 : vector<16xf32> to vector<16xf32>
    tpu.vector_store %arg5[%swap3A_31], %swap3A_34 {strides = array<i32>} : memref<128xf32, #tpu.memory_space<vmem>>, vector<16xf32>,
    %broadcast_in_dim3A_35 = arith.constant 1.000000e+00 : f32
    %broadcast_in_dim3A_36 = vector.broadcast %broadcast_in_dim3A_35 : f32 to vector<16xf32>
    %swap3A_37 = arith.constant 96 : index
    %swap3A_38 = tpu.vector_load %arg5[%swap3A_37] {strides = array<i32>} : memref<128xf32, #tpu.memory_space<vmem>>, vector<16xf32>,
    %swap3A_39 = vector.shape_cast %swap3A_38 : vector<16xf32> to vector<16xf32>
    %swap3A_40 = vector.shape_cast %broadcast_in_dim3A_36 : vector<16xf32> to vector<16xf32>
    tpu.vector_store %arg5[%swap3A_37], %swap3A_40 {strides = array<i32>} : memref<128xf32, #tpu.memory_space<vmem>>, vector<16xf32>,
    %broadcast_in_dim3A_41 = arith.constant 1.000000e+00 : f32
    %broadcast_in_dim3A_42 = vector.broadcast %broadcast_in_dim3A_41 : f32 to vector<16xf32>
    %swap3A_43 = arith.constant 112 : index
    %swap3A_44 = tpu.vector_load %arg5[%swap3A_43] {strides = array<i32>} : memref<128xf32, #tpu.memory_space<vmem>>, vector<16xf32>,
    %swap3A_45 = vector.shape_cast %swap3A_44 : vector<16xf32> to vector<16xf32>
    %swap3A_46 = vector.shape_cast %broadcast_in_dim3A_42 : vector<16xf32> to vector<16xf32>
    tpu.vector_store %arg5[%swap3A_43], %swap3A_46 {strides = array<i32>} : memref<128xf32, #tpu.memory_space<vmem>>, vector<16xf32>,
    %scan3A = arith.constant 0 : i32
    %scan3A_47 = arith.constant 0 : i32
    %scan3A_48 = arith.constant 40 : i32
    %scan3A_49 = arith.addi %scan3A_47, %scan3A_48 : i32
    %scan3A_50 = arith.constant 1 : i32
    scf.for %scan3A_71 = %scan3A_47 to %scan3A_49 step %scan3A_50  : i32 {
      %broadcast_in_dim3A_72 = arith.constant 0.000000e+00 : f32
      %broadcast_in_dim3A_73 = vector.broadcast %broadcast_in_dim3A_72 : f32 to vector<16xf32>
      %mul3A_74 = arith.constant 16 : i32
      %mul3A_75 = arith.muli %scan3A_71, %mul3A_74 : i32
      %swap3A_76 = arith.index_cast %mul3A_75 : i32 to index
      %swap3A_77 = tpu.vector_load %arg6[%swap3A_76] {strides = array<i32>} : memref<640xf32, #tpu.memory_space<vmem>>, vector<16xf32>,
      %swap3A_78 = vector.shape_cast %swap3A_77 : vector<16xf32> to vector<16xf32>
      %swap3A_79 = vector.shape_cast %broadcast_in_dim3A_73 : vector<16xf32> to vector<16xf32>
      tpu.vector_store %arg6[%swap3A_76], %swap3A_79 {strides = array<i32>} : memref<640xf32, #tpu.memory_space<vmem>>, vector<16xf32>,
    }
    %scan3A_51 = arith.constant 40 : i32
    "tpu.region"() ({
      %run_scoped3A = tpu.sem_alloc : memref<!tpu.dma_semaphore, #tpu.memory_space<semaphore_mem>>
      %dma_start3A = arith.constant 0 : i32
      %dma_start3A_71 = arith.constant 0 : i32
      %dma_start3A_72 = tpu.memref_slice %arg2[%add3A, %dma_start3A, %dma_start3A_71] : memref<32x80x128xi32, #tpu.memory_space<hbm>> -> memref<1x80x128xi32, #tpu.memory_space<hbm>>
      %dma_start3A_73 = tpu.memref_squeeze %dma_start3A_72 : memref<1x80x128xi32, #tpu.memory_space<hbm>> -> memref<80x128xi32, #tpu.memory_space<hbm>>
      %dma_start3A_74 = arith.constant 0 : i32
      %dma_start3A_75 = arith.constant 0 : i32
      %dma_start3A_76 = tpu.memref_slice %arg2[%add3A, %dma_start3A_74, %dma_start3A_75] : memref<32x80x128xi32, #tpu.memory_space<hbm>> -> memref<1x80x128xi32, #tpu.memory_space<hbm>>
      %dma_start3A_77 = tpu.memref_squeeze %dma_start3A_76 : memref<1x80x128xi32, #tpu.memory_space<hbm>> -> memref<80x128xi32, #tpu.memory_space<hbm>>
      tpu.enqueue_dma source(%dma_start3A_77 : memref<80x128xi32, #tpu.memory_space<hbm>>) target(%arg4 : memref<80x128xi32, #tpu.memory_space<vmem>>) target_semaphore(%run_scoped3A : memref<!tpu.dma_semaphore, #tpu.memory_space<semaphore_mem>>)
      %dma_wait3A = arith.constant 0 : i32
      %dma_wait3A_78 = arith.constant 0 : i32
      %dma_wait3A_79 = tpu.memref_slice %arg2[%add3A, %dma_wait3A, %dma_wait3A_78] : memref<32x80x128xi32, #tpu.memory_space<hbm>> -> memref<1x80x128xi32, #tpu.memory_space<hbm>>
      %dma_wait3A_80 = tpu.memref_squeeze %dma_wait3A_79 : memref<1x80x128xi32, #tpu.memory_space<hbm>> -> memref<80x128xi32, #tpu.memory_space<hbm>>
      %dma_wait3A_81 = arith.constant 0 : i32
      %dma_wait3A_82 = arith.constant 0 : i32
      %dma_wait3A_83 = tpu.memref_slice %arg2[%add3A, %dma_wait3A_81, %dma_wait3A_82] : memref<32x80x128xi32, #tpu.memory_space<hbm>> -> memref<1x80x128xi32, #tpu.memory_space<hbm>>
      %dma_wait3A_84 = tpu.memref_squeeze %dma_wait3A_83 : memref<1x80x128xi32, #tpu.memory_space<hbm>> -> memref<80x128xi32, #tpu.memory_space<hbm>>
      tpu.wait_dma2 semaphore(%run_scoped3A : memref<!tpu.dma_semaphore, #tpu.memory_space<semaphore_mem>>) src(%dma_wait3A_84 : memref<80x128xi32, #tpu.memory_space<hbm>>) dst(%arg4 : memref<80x128xi32, #tpu.memory_space<vmem>>)
      tpu.yield
    }) : () -> ()
    %mul3A_52 = arith.constant 640 : i32
    %mul3A_53 = arith.muli %arg1, %mul3A_52 : i32
    "tpu.region"() ({
      %run_scoped3A = tpu.sem_alloc : memref<!tpu.dma_semaphore, #tpu.memory_space<semaphore_mem>>
      %dma_start3A = tpu.memref_slice %arg7[%mul3A_53] : memref<10240xf32, #tpu.memory_space<vmem_shared>> -> memref<640xf32, #tpu.memory_space<vmem_shared>>
      %dma_start3A_71 = tpu.memref_slice %arg7[%mul3A_53] : memref<10240xf32, #tpu.memory_space<vmem_shared>> -> memref<640xf32, #tpu.memory_space<vmem_shared>>
      tpu.enqueue_dma source(%arg6 : memref<640xf32, #tpu.memory_space<vmem>>) target(%dma_start3A_71 : memref<640xf32, #tpu.memory_space<vmem_shared>>) target_semaphore(%run_scoped3A : memref<!tpu.dma_semaphore, #tpu.memory_space<semaphore_mem>>)
      %dma_wait3A = tpu.memref_slice %arg7[%mul3A_53] : memref<10240xf32, #tpu.memory_space<vmem_shared>> -> memref<640xf32, #tpu.memory_space<vmem_shared>>
      %dma_wait3A_72 = tpu.memref_slice %arg7[%mul3A_53] : memref<10240xf32, #tpu.memory_space<vmem_shared>> -> memref<640xf32, #tpu.memory_space<vmem_shared>>
      tpu.wait_dma2 semaphore(%run_scoped3A : memref<!tpu.dma_semaphore, #tpu.memory_space<semaphore_mem>>) src(%arg6 : memref<640xf32, #tpu.memory_space<vmem>>) dst(%dma_wait3A_72 : memref<640xf32, #tpu.memory_space<vmem_shared>>)
      tpu.yield
    }) : () -> ()
    %barrier3A = arith.constant 0 : index
    tpu.barrier barrier_id(%barrier3A)
    %scan3A_54 = arith.constant 0 : i32
    %scan3A_55 = arith.constant 0 : i32
    %scan3A_56 = arith.constant 80 : i32
    %scan3A_57 = arith.addi %scan3A_55, %scan3A_56 : i32
    %scan3A_58 = arith.constant 1 : i32
    scf.for %scan3A_71 = %scan3A_55 to %scan3A_57 step %scan3A_58  : i32 {
      %dma_start3A = arith.constant 0 : i32
      %dma_start3A_72 = tpu.memref_slice %arg4[%scan3A_71, %dma_start3A] : memref<80x128xi32, #tpu.memory_space<vmem>> -> memref<1x128xi32, #tpu.memory_space<vmem>>
      %dma_start3A_73 = tpu.memref_squeeze %dma_start3A_72 : memref<1x128xi32, #tpu.memory_space<vmem>> -> memref<128xi32, #tpu.memory_space<vmem>>
      %dma_start3A_74 = arith.constant 0 : i32
      %dma_start3A_75 = tpu.memref_slice %arg7[%dma_start3A_74] : memref<10240xf32, #tpu.memory_space<vmem_shared>> -> memref<10240xf32, #tpu.memory_space<vmem_shared>>
      tpu.enqueue_indirect_dma source(%arg5 : memref<128xf32, #tpu.memory_space<vmem>>) target(%dma_start3A_75 : memref<10240xf32, #tpu.memory_space<vmem_shared>>) offsets(%dma_start3A_73 : memref<128xi32, #tpu.memory_space<vmem>>) semaphore(%arg8 : memref<!tpu.dma_semaphore, #tpu.memory_space<semaphore_mem>>) {add = true}
    }
    %scan3A_59 = arith.constant 80 : i32
    %scan3A_60 = arith.constant 0 : i32
    %scan3A_61 = arith.constant 0 : i32
    %scan3A_62 = arith.constant 80 : i32
    %scan3A_63 = arith.addi %scan3A_61, %scan3A_62 : i32
    %scan3A_64 = arith.constant 1 : i32
    scf.for %scan3A_71 = %scan3A_61 to %scan3A_63 step %scan3A_64  : i32 {
      %dma_wait3A = arith.constant 0 : i32
      %dma_wait3A_72 = arith.constant 0 : i32
      %dma_wait3A_73 = tpu.memref_slice %arg4[%dma_wait3A, %dma_wait3A_72] : memref<80x128xi32, #tpu.memory_space<vmem>> -> memref<1x128xi32, #tpu.memory_space<vmem>>
      %dma_wait3A_74 = tpu.memref_squeeze %dma_wait3A_73 : memref<1x128xi32, #tpu.memory_space<vmem>> -> memref<128xi32, #tpu.memory_space<vmem>>
      %dma_wait3A_75 = arith.constant 0 : i32
      %dma_wait3A_76 = tpu.memref_slice %arg7[%dma_wait3A_75] : memref<10240xf32, #tpu.memory_space<vmem_shared>> -> memref<10240xf32, #tpu.memory_space<vmem_shared>>
      tpu.wait_indirect_dma semaphore(%arg8 : memref<!tpu.dma_semaphore, #tpu.memory_space<semaphore_mem>>) src(%arg5 : memref<128xf32, #tpu.memory_space<vmem>>) dst(%dma_wait3A_76 : memref<10240xf32, #tpu.memory_space<vmem_shared>>)
    }
    %scan3A_65 = arith.constant 80 : i32
    %barrier3A_66 = arith.constant 0 : index
    tpu.barrier barrier_id(%barrier3A_66)
    %mul3A_67 = arith.constant 640 : i32
    %mul3A_68 = arith.muli %arg1, %mul3A_67 : i32
    %mul3A_69 = arith.constant 640 : i32
    %mul3A_70 = arith.muli %arg1, %mul3A_69 : i32
    "tpu.region"() ({
      %run_scoped3A = tpu.sem_alloc : memref<!tpu.dma_semaphore, #tpu.memory_space<semaphore_mem>>
      %dma_start3A = tpu.memref_slice %arg3[%arg0, %mul3A_70] : memref<2x10240xf32, #tpu.memory_space<hbm>> -> memref<1x640xf32, #tpu.memory_space<hbm>>
      %dma_start3A_71 = tpu.memref_squeeze %dma_start3A : memref<1x640xf32, #tpu.memory_space<hbm>> -> memref<640xf32, #tpu.memory_space<hbm>>
      %dma_start3A_72 = tpu.memref_slice %arg7[%mul3A_68] : memref<10240xf32, #tpu.memory_space<vmem_shared>> -> memref<640xf32, #tpu.memory_space<vmem_shared>>
      tpu.enqueue_dma source(%dma_start3A_72 : memref<640xf32, #tpu.memory_space<vmem_shared>>) target(%dma_start3A_71 : memref<640xf32, #tpu.memory_space<hbm>>) target_semaphore(%run_scoped3A : memref<!tpu.dma_semaphore, #tpu.memory_space<semaphore_mem>>)
      %dma_wait3A = tpu.memref_slice %arg3[%arg0, %mul3A_70] : memref<2x10240xf32, #tpu.memory_space<hbm>> -> memref<1x640xf32, #tpu.memory_space<hbm>>
      %dma_wait3A_73 = tpu.memref_squeeze %dma_wait3A : memref<1x640xf32, #tpu.memory_space<hbm>> -> memref<640xf32, #tpu.memory_space<hbm>>
      %dma_wait3A_74 = tpu.memref_slice %arg7[%mul3A_68] : memref<10240xf32, #tpu.memory_space<vmem_shared>> -> memref<640xf32, #tpu.memory_space<vmem_shared>>
      tpu.wait_dma2 semaphore(%run_scoped3A : memref<!tpu.dma_semaphore, #tpu.memory_space<semaphore_mem>>) src(%dma_wait3A_74 : memref<640xf32, #tpu.memory_space<vmem_shared>>) dst(%dma_wait3A_73 : memref<640xf32, #tpu.memory_space<hbm>>)
      tpu.yield
    }) : () -> ()
    return
  }
}

#map = affine_map<(d0, d1) -> (0, 0)>
#map1 = affine_map<(d0, d1) -> (0, 0, 0)>
module attributes {stable_mosaic.version = 14 : i64} {
  func.func @scatter_kernel(%arg0: i32, %arg1: i32, %arg2: memref<10000x128xf32, #tpu.memory_space<hbm>>, %arg3: memref<32x80x128xi32, #tpu.memory_space<hbm>>, %arg4: memref<32x80x128xi32, #tpu.memory_space<hbm>>, %arg5: memref<2x10240x128xf32, #tpu.memory_space<hbm>>, %arg6: memref<40x128xi32, #tpu.memory_space<vmem>>, %arg7: memref<40x128xi32, #tpu.memory_space<vmem>>, %arg8: memref<128x128xf32, #tpu.memory_space<vmem>>, %arg9: memref<128x128xf32, #tpu.memory_space<vmem>>, %arg10: memref<10240x128xf32, #tpu.memory_space<vmem_shared>>, %arg11: memref<!tpu.dma_semaphore, #tpu.memory_space<semaphore_mem>>, %arg12: memref<!tpu.dma_semaphore, #tpu.memory_space<semaphore_mem>>, %arg13: memref<!tpu.dma_semaphore, #tpu.memory_space<semaphore_mem>>) attributes {dimension_semantics = [#tpu.dimension_semantics<core_parallel>, #tpu.dimension_semantics<subcore_parallel>], iteration_bounds = array<i64: 2, 16>, scalar_prefetch = 0 : i64, scratch_operands = 8 : i64, tpu.core_type = #tpu.core_type<sc_vector_subcore>, window_params = [{transform_indices = #map}, {transform_indices = #map1}, {transform_indices = #map1}, {transform_indices = #map1}]} {
    %mul3A = arith.constant 2 : i32
    %mul3A_0 = arith.muli %arg1, %mul3A : i32
    %add3A = arith.addi %mul3A_0, %arg0 : i32
    %scan3A = arith.constant 0 : i32
    %scan3A_1 = arith.constant 0 : i32
    %scan3A_2 = arith.constant 128 : i32
    %scan3A_3 = arith.addi %scan3A_1, %scan3A_2 : i32
    %scan3A_4 = arith.constant 1 : i32
    scf.for %scan3A_160 = %scan3A_1 to %scan3A_3 step %scan3A_4  : i32 {
      %broadcast_in_dim3A = arith.constant 0.000000e+00 : f32
      %broadcast_in_dim3A_161 = vector.broadcast %broadcast_in_dim3A : f32 to vector<16xf32>
      %swap3A = arith.index_cast %scan3A_160 : i32 to index
      %swap3A_162 = arith.constant 0 : index
      %swap3A_163 = tpu.vector_load %arg9[%swap3A, %swap3A_162] {strides = array<i32>} : memref<128x128xf32, #tpu.memory_space<vmem>>, vector<1x16xf32>,
      %swap3A_164 = vector.shape_cast %swap3A_163 : vector<1x16xf32> to vector<16xf32>
      %swap3A_165 = vector.shape_cast %broadcast_in_dim3A_161 : vector<16xf32> to vector<1x16xf32>
      tpu.vector_store %arg9[%swap3A, %swap3A_162], %swap3A_165 {strides = array<i32>} : memref<128x128xf32, #tpu.memory_space<vmem>>, vector<1x16xf32>,
      %broadcast_in_dim3A_166 = arith.constant 0.000000e+00 : f32
      %broadcast_in_dim3A_167 = vector.broadcast %broadcast_in_dim3A_166 : f32 to vector<16xf32>
      %swap3A_168 = arith.index_cast %scan3A_160 : i32 to index
      %swap3A_169 = arith.constant 16 : index
      %swap3A_170 = tpu.vector_load %arg9[%swap3A_168, %swap3A_169] {strides = array<i32>} : memref<128x128xf32, #tpu.memory_space<vmem>>, vector<1x16xf32>,
      %swap3A_171 = vector.shape_cast %swap3A_170 : vector<1x16xf32> to vector<16xf32>
      %swap3A_172 = vector.shape_cast %broadcast_in_dim3A_167 : vector<16xf32> to vector<1x16xf32>
      tpu.vector_store %arg9[%swap3A_168, %swap3A_169], %swap3A_172 {strides = array<i32>} : memref<128x128xf32, #tpu.memory_space<vmem>>, vector<1x16xf32>,
      %broadcast_in_dim3A_173 = arith.constant 0.000000e+00 : f32
      %broadcast_in_dim3A_174 = vector.broadcast %broadcast_in_dim3A_173 : f32 to vector<16xf32>
      %swap3A_175 = arith.index_cast %scan3A_160 : i32 to index
      %swap3A_176 = arith.constant 32 : index
      %swap3A_177 = tpu.vector_load %arg9[%swap3A_175, %swap3A_176] {strides = array<i32>} : memref<128x128xf32, #tpu.memory_space<vmem>>, vector<1x16xf32>,
      %swap3A_178 = vector.shape_cast %swap3A_177 : vector<1x16xf32> to vector<16xf32>
      %swap3A_179 = vector.shape_cast %broadcast_in_dim3A_174 : vector<16xf32> to vector<1x16xf32>
      tpu.vector_store %arg9[%swap3A_175, %swap3A_176], %swap3A_179 {strides = array<i32>} : memref<128x128xf32, #tpu.memory_space<vmem>>, vector<1x16xf32>,
      %broadcast_in_dim3A_180 = arith.constant 0.000000e+00 : f32
      %broadcast_in_dim3A_181 = vector.broadcast %broadcast_in_dim3A_180 : f32 to vector<16xf32>
      %swap3A_182 = arith.index_cast %scan3A_160 : i32 to index
      %swap3A_183 = arith.constant 48 : index
      %swap3A_184 = tpu.vector_load %arg9[%swap3A_182, %swap3A_183] {strides = array<i32>} : memref<128x128xf32, #tpu.memory_space<vmem>>, vector<1x16xf32>,
      %swap3A_185 = vector.shape_cast %swap3A_184 : vector<1x16xf32> to vector<16xf32>
      %swap3A_186 = vector.shape_cast %broadcast_in_dim3A_181 : vector<16xf32> to vector<1x16xf32>
      tpu.vector_store %arg9[%swap3A_182, %swap3A_183], %swap3A_186 {strides = array<i32>} : memref<128x128xf32, #tpu.memory_space<vmem>>, vector<1x16xf32>,
      %broadcast_in_dim3A_187 = arith.constant 0.000000e+00 : f32
      %broadcast_in_dim3A_188 = vector.broadcast %broadcast_in_dim3A_187 : f32 to vector<16xf32>
      %swap3A_189 = arith.index_cast %scan3A_160 : i32 to index
      %swap3A_190 = arith.constant 64 : index
      %swap3A_191 = tpu.vector_load %arg9[%swap3A_189, %swap3A_190] {strides = array<i32>} : memref<128x128xf32, #tpu.memory_space<vmem>>, vector<1x16xf32>,
      %swap3A_192 = vector.shape_cast %swap3A_191 : vector<1x16xf32> to vector<16xf32>
      %swap3A_193 = vector.shape_cast %broadcast_in_dim3A_188 : vector<16xf32> to vector<1x16xf32>
      tpu.vector_store %arg9[%swap3A_189, %swap3A_190], %swap3A_193 {strides = array<i32>} : memref<128x128xf32, #tpu.memory_space<vmem>>, vector<1x16xf32>,
      %broadcast_in_dim3A_194 = arith.constant 0.000000e+00 : f32
      %broadcast_in_dim3A_195 = vector.broadcast %broadcast_in_dim3A_194 : f32 to vector<16xf32>
      %swap3A_196 = arith.index_cast %scan3A_160 : i32 to index
      %swap3A_197 = arith.constant 80 : index
      %swap3A_198 = tpu.vector_load %arg9[%swap3A_196, %swap3A_197] {strides = array<i32>} : memref<128x128xf32, #tpu.memory_space<vmem>>, vector<1x16xf32>,
      %swap3A_199 = vector.shape_cast %swap3A_198 : vector<1x16xf32> to vector<16xf32>
      %swap3A_200 = vector.shape_cast %broadcast_in_dim3A_195 : vector<16xf32> to vector<1x16xf32>
      tpu.vector_store %arg9[%swap3A_196, %swap3A_197], %swap3A_200 {strides = array<i32>} : memref<128x128xf32, #tpu.memory_space<vmem>>, vector<1x16xf32>,
      %broadcast_in_dim3A_201 = arith.constant 0.000000e+00 : f32
      %broadcast_in_dim3A_202 = vector.broadcast %broadcast_in_dim3A_201 : f32 to vector<16xf32>
      %swap3A_203 = arith.index_cast %scan3A_160 : i32 to index
      %swap3A_204 = arith.constant 96 : index
      %swap3A_205 = tpu.vector_load %arg9[%swap3A_203, %swap3A_204] {strides = array<i32>} : memref<128x128xf32, #tpu.memory_space<vmem>>, vector<1x16xf32>,
      %swap3A_206 = vector.shape_cast %swap3A_205 : vector<1x16xf32> to vector<16xf32>
      %swap3A_207 = vector.shape_cast %broadcast_in_dim3A_202 : vector<16xf32> to vector<1x16xf32>
      tpu.vector_store %arg9[%swap3A_203, %swap3A_204], %swap3A_207 {strides = array<i32>} : memref<128x128xf32, #tpu.memory_space<vmem>>, vector<1x16xf32>,
      %broadcast_in_dim3A_208 = arith.constant 0.000000e+00 : f32
      %broadcast_in_dim3A_209 = vector.broadcast %broadcast_in_dim3A_208 : f32 to vector<16xf32>
      %swap3A_210 = arith.index_cast %scan3A_160 : i32 to index
      %swap3A_211 = arith.constant 112 : index
      %swap3A_212 = tpu.vector_load %arg9[%swap3A_210, %swap3A_211] {strides = array<i32>} : memref<128x128xf32, #tpu.memory_space<vmem>>, vector<1x16xf32>,
      %swap3A_213 = vector.shape_cast %swap3A_212 : vector<1x16xf32> to vector<16xf32>
      %swap3A_214 = vector.shape_cast %broadcast_in_dim3A_209 : vector<16xf32> to vector<1x16xf32>
      tpu.vector_store %arg9[%swap3A_210, %swap3A_211], %swap3A_214 {strides = array<i32>} : memref<128x128xf32, #tpu.memory_space<vmem>>, vector<1x16xf32>,
    }
    %scan3A_5 = arith.constant 128 : i32
    %mul3A_6 = arith.constant 640 : i32
    %mul3A_7 = arith.muli %arg1, %mul3A_6 : i32
    %add3A_8 = arith.constant 0 : i32
    %add3A_9 = arith.addi %mul3A_7, %add3A_8 : i32
    %dma_start3A = arith.constant 0 : i32
    %dma_start3A_10 = tpu.memref_slice %arg10[%add3A_9, %dma_start3A] : memref<10240x128xf32, #tpu.memory_space<vmem_shared>> -> memref<128x128xf32, #tpu.memory_space<vmem_shared>>
    %dma_start3A_11 = arith.constant 0 : i32
    %dma_start3A_12 = tpu.memref_slice %arg10[%add3A_9, %dma_start3A_11] : memref<10240x128xf32, #tpu.memory_space<vmem_shared>> -> memref<128x128xf32, #tpu.memory_space<vmem_shared>>
    tpu.enqueue_dma source(%arg9 : memref<128x128xf32, #tpu.memory_space<vmem>>) target(%dma_start3A_12 : memref<128x128xf32, #tpu.memory_space<vmem_shared>>) target_semaphore(%arg13 : memref<!tpu.dma_semaphore, #tpu.memory_space<semaphore_mem>>)
    %mul3A_13 = arith.constant 640 : i32
    %mul3A_14 = arith.muli %arg1, %mul3A_13 : i32
    %add3A_15 = arith.constant 128 : i32
    %add3A_16 = arith.addi %mul3A_14, %add3A_15 : i32
    %dma_start3A_17 = arith.constant 0 : i32
    %dma_start3A_18 = tpu.memref_slice %arg10[%add3A_16, %dma_start3A_17] : memref<10240x128xf32, #tpu.memory_space<vmem_shared>> -> memref<128x128xf32, #tpu.memory_space<vmem_shared>>
    %dma_start3A_19 = arith.constant 0 : i32
    %dma_start3A_20 = tpu.memref_slice %arg10[%add3A_16, %dma_start3A_19] : memref<10240x128xf32, #tpu.memory_space<vmem_shared>> -> memref<128x128xf32, #tpu.memory_space<vmem_shared>>
    tpu.enqueue_dma source(%arg9 : memref<128x128xf32, #tpu.memory_space<vmem>>) target(%dma_start3A_20 : memref<128x128xf32, #tpu.memory_space<vmem_shared>>) target_semaphore(%arg13 : memref<!tpu.dma_semaphore, #tpu.memory_space<semaphore_mem>>)
    %mul3A_21 = arith.constant 640 : i32
    %mul3A_22 = arith.muli %arg1, %mul3A_21 : i32
    %add3A_23 = arith.constant 256 : i32
    %add3A_24 = arith.addi %mul3A_22, %add3A_23 : i32
    %dma_start3A_25 = arith.constant 0 : i32
    %dma_start3A_26 = tpu.memref_slice %arg10[%add3A_24, %dma_start3A_25] : memref<10240x128xf32, #tpu.memory_space<vmem_shared>> -> memref<128x128xf32, #tpu.memory_space<vmem_shared>>
    %dma_start3A_27 = arith.constant 0 : i32
    %dma_start3A_28 = tpu.memref_slice %arg10[%add3A_24, %dma_start3A_27] : memref<10240x128xf32, #tpu.memory_space<vmem_shared>> -> memref<128x128xf32, #tpu.memory_space<vmem_shared>>
    tpu.enqueue_dma source(%arg9 : memref<128x128xf32, #tpu.memory_space<vmem>>) target(%dma_start3A_28 : memref<128x128xf32, #tpu.memory_space<vmem_shared>>) target_semaphore(%arg13 : memref<!tpu.dma_semaphore, #tpu.memory_space<semaphore_mem>>)
    %mul3A_29 = arith.constant 640 : i32
    %mul3A_30 = arith.muli %arg1, %mul3A_29 : i32
    %add3A_31 = arith.constant 384 : i32
    %add3A_32 = arith.addi %mul3A_30, %add3A_31 : i32
    %dma_start3A_33 = arith.constant 0 : i32
    %dma_start3A_34 = tpu.memref_slice %arg10[%add3A_32, %dma_start3A_33] : memref<10240x128xf32, #tpu.memory_space<vmem_shared>> -> memref<128x128xf32, #tpu.memory_space<vmem_shared>>
    %dma_start3A_35 = arith.constant 0 : i32
    %dma_start3A_36 = tpu.memref_slice %arg10[%add3A_32, %dma_start3A_35] : memref<10240x128xf32, #tpu.memory_space<vmem_shared>> -> memref<128x128xf32, #tpu.memory_space<vmem_shared>>
    tpu.enqueue_dma source(%arg9 : memref<128x128xf32, #tpu.memory_space<vmem>>) target(%dma_start3A_36 : memref<128x128xf32, #tpu.memory_space<vmem_shared>>) target_semaphore(%arg13 : memref<!tpu.dma_semaphore, #tpu.memory_space<semaphore_mem>>)
    %mul3A_37 = arith.constant 640 : i32
    %mul3A_38 = arith.muli %arg1, %mul3A_37 : i32
    %add3A_39 = arith.constant 512 : i32
    %add3A_40 = arith.addi %mul3A_38, %add3A_39 : i32
    %dma_start3A_41 = arith.constant 0 : i32
    %dma_start3A_42 = tpu.memref_slice %arg10[%add3A_40, %dma_start3A_41] : memref<10240x128xf32, #tpu.memory_space<vmem_shared>> -> memref<128x128xf32, #tpu.memory_space<vmem_shared>>
    %dma_start3A_43 = arith.constant 0 : i32
    %dma_start3A_44 = tpu.memref_slice %arg10[%add3A_40, %dma_start3A_43] : memref<10240x128xf32, #tpu.memory_space<vmem_shared>> -> memref<128x128xf32, #tpu.memory_space<vmem_shared>>
    tpu.enqueue_dma source(%arg9 : memref<128x128xf32, #tpu.memory_space<vmem>>) target(%dma_start3A_44 : memref<128x128xf32, #tpu.memory_space<vmem_shared>>) target_semaphore(%arg13 : memref<!tpu.dma_semaphore, #tpu.memory_space<semaphore_mem>>)
    "tpu.region"() ({
      %run_scoped3A_160 = tpu.sem_alloc : memref<!tpu.dma_semaphore, #tpu.memory_space<semaphore_mem>>
      %dma_start3A_161 = arith.constant 0 : i32
      %dma_start3A_162 = arith.constant 0 : i32
      %dma_start3A_163 = tpu.memref_slice %arg3[%add3A, %dma_start3A_161, %dma_start3A_162] : memref<32x80x128xi32, #tpu.memory_space<hbm>> -> memref<1x40x128xi32, #tpu.memory_space<hbm>>
      %dma_start3A_164 = tpu.memref_squeeze %dma_start3A_163 : memref<1x40x128xi32, #tpu.memory_space<hbm>> -> memref<40x128xi32, #tpu.memory_space<hbm>>
      %dma_start3A_165 = arith.constant 0 : i32
      %dma_start3A_166 = arith.constant 0 : i32
      %dma_start3A_167 = tpu.memref_slice %arg3[%add3A, %dma_start3A_165, %dma_start3A_166] : memref<32x80x128xi32, #tpu.memory_space<hbm>> -> memref<1x40x128xi32, #tpu.memory_space<hbm>>
      %dma_start3A_168 = tpu.memref_squeeze %dma_start3A_167 : memref<1x40x128xi32, #tpu.memory_space<hbm>> -> memref<40x128xi32, #tpu.memory_space<hbm>>
      tpu.enqueue_dma source(%dma_start3A_168 : memref<40x128xi32, #tpu.memory_space<hbm>>) target(%arg6 : memref<40x128xi32, #tpu.memory_space<vmem>>) target_semaphore(%run_scoped3A_160 : memref<!tpu.dma_semaphore, #tpu.memory_space<semaphore_mem>>)
      %dma_wait3A_169 = arith.constant 0 : i32
      %dma_wait3A_170 = arith.constant 0 : i32
      %dma_wait3A_171 = tpu.memref_slice %arg3[%add3A, %dma_wait3A_169, %dma_wait3A_170] : memref<32x80x128xi32, #tpu.memory_space<hbm>> -> memref<1x40x128xi32, #tpu.memory_space<hbm>>
      %dma_wait3A_172 = tpu.memref_squeeze %dma_wait3A_171 : memref<1x40x128xi32, #tpu.memory_space<hbm>> -> memref<40x128xi32, #tpu.memory_space<hbm>>
      %dma_wait3A_173 = arith.constant 0 : i32
      %dma_wait3A_174 = arith.constant 0 : i32
      %dma_wait3A_175 = tpu.memref_slice %arg3[%add3A, %dma_wait3A_173, %dma_wait3A_174] : memref<32x80x128xi32, #tpu.memory_space<hbm>> -> memref<1x40x128xi32, #tpu.memory_space<hbm>>
      %dma_wait3A_176 = tpu.memref_squeeze %dma_wait3A_175 : memref<1x40x128xi32, #tpu.memory_space<hbm>> -> memref<40x128xi32, #tpu.memory_space<hbm>>
      tpu.wait_dma2 semaphore(%run_scoped3A_160 : memref<!tpu.dma_semaphore, #tpu.memory_space<semaphore_mem>>) src(%dma_wait3A_176 : memref<40x128xi32, #tpu.memory_space<hbm>>) dst(%arg6 : memref<40x128xi32, #tpu.memory_space<vmem>>)
      tpu.yield
    }) : () -> ()
    "tpu.region"() ({
      %run_scoped3A_160 = tpu.sem_alloc : memref<!tpu.dma_semaphore, #tpu.memory_space<semaphore_mem>>
      %dma_start3A_161 = arith.constant 0 : i32
      %dma_start3A_162 = arith.constant 0 : i32
      %dma_start3A_163 = tpu.memref_slice %arg4[%add3A, %dma_start3A_161, %dma_start3A_162] : memref<32x80x128xi32, #tpu.memory_space<hbm>> -> memref<1x40x128xi32, #tpu.memory_space<hbm>>
      %dma_start3A_164 = tpu.memref_squeeze %dma_start3A_163 : memref<1x40x128xi32, #tpu.memory_space<hbm>> -> memref<40x128xi32, #tpu.memory_space<hbm>>
      %dma_start3A_165 = arith.constant 0 : i32
      %dma_start3A_166 = arith.constant 0 : i32
      %dma_start3A_167 = tpu.memref_slice %arg4[%add3A, %dma_start3A_165, %dma_start3A_166] : memref<32x80x128xi32, #tpu.memory_space<hbm>> -> memref<1x40x128xi32, #tpu.memory_space<hbm>>
      %dma_start3A_168 = tpu.memref_squeeze %dma_start3A_167 : memref<1x40x128xi32, #tpu.memory_space<hbm>> -> memref<40x128xi32, #tpu.memory_space<hbm>>
      tpu.enqueue_dma source(%dma_start3A_168 : memref<40x128xi32, #tpu.memory_space<hbm>>) target(%arg7 : memref<40x128xi32, #tpu.memory_space<vmem>>) target_semaphore(%run_scoped3A_160 : memref<!tpu.dma_semaphore, #tpu.memory_space<semaphore_mem>>)
      %dma_wait3A_169 = arith.constant 0 : i32
      %dma_wait3A_170 = arith.constant 0 : i32
      %dma_wait3A_171 = tpu.memref_slice %arg4[%add3A, %dma_wait3A_169, %dma_wait3A_170] : memref<32x80x128xi32, #tpu.memory_space<hbm>> -> memref<1x40x128xi32, #tpu.memory_space<hbm>>
      %dma_wait3A_172 = tpu.memref_squeeze %dma_wait3A_171 : memref<1x40x128xi32, #tpu.memory_space<hbm>> -> memref<40x128xi32, #tpu.memory_space<hbm>>
      %dma_wait3A_173 = arith.constant 0 : i32
      %dma_wait3A_174 = arith.constant 0 : i32
      %dma_wait3A_175 = tpu.memref_slice %arg4[%add3A, %dma_wait3A_173, %dma_wait3A_174] : memref<32x80x128xi32, #tpu.memory_space<hbm>> -> memref<1x40x128xi32, #tpu.memory_space<hbm>>
      %dma_wait3A_176 = tpu.memref_squeeze %dma_wait3A_175 : memref<1x40x128xi32, #tpu.memory_space<hbm>> -> memref<40x128xi32, #tpu.memory_space<hbm>>
      tpu.wait_dma2 semaphore(%run_scoped3A_160 : memref<!tpu.dma_semaphore, #tpu.memory_space<semaphore_mem>>) src(%dma_wait3A_176 : memref<40x128xi32, #tpu.memory_space<hbm>>) dst(%arg7 : memref<40x128xi32, #tpu.memory_space<vmem>>)
      tpu.yield
    }) : () -> ()
    %dma_start3A_45 = arith.constant 0 : i32
    %dma_start3A_46 = arith.constant 0 : i32
    %dma_start3A_47 = tpu.memref_slice %arg6[%dma_start3A_45, %dma_start3A_46] : memref<40x128xi32, #tpu.memory_space<vmem>> -> memref<1x128xi32, #tpu.memory_space<vmem>>
    %dma_start3A_48 = tpu.memref_squeeze %dma_start3A_47 : memref<1x128xi32, #tpu.memory_space<vmem>> -> memref<128xi32, #tpu.memory_space<vmem>>
    %dma_start3A_49 = arith.constant 0 : i32
    %dma_start3A_50 = arith.constant 0 : i32
    %dma_start3A_51 = tpu.memref_slice %arg2[%dma_start3A_49, %dma_start3A_50] : memref<10000x128xf32, #tpu.memory_space<hbm>> -> memref<10000x128xf32, #tpu.memory_space<hbm>>
    tpu.enqueue_indirect_dma source(%dma_start3A_51 : memref<10000x128xf32, #tpu.memory_space<hbm>>) target(%arg8 : memref<128x128xf32, #tpu.memory_space<vmem>>) offsets(%dma_start3A_48 : memref<128xi32, #tpu.memory_space<vmem>>) semaphore(%arg11 : memref<!tpu.dma_semaphore, #tpu.memory_space<semaphore_mem>>)
    %mul3A_52 = arith.constant 640 : i32
    %mul3A_53 = arith.muli %arg1, %mul3A_52 : i32
    %add3A_54 = arith.constant 0 : i32
    %add3A_55 = arith.addi %mul3A_53, %add3A_54 : i32
    %dma_wait3A = arith.constant 0 : i32
    %dma_wait3A_56 = tpu.memref_slice %arg10[%add3A_55, %dma_wait3A] : memref<10240x128xf32, #tpu.memory_space<vmem_shared>> -> memref<128x128xf32, #tpu.memory_space<vmem_shared>>
    %dma_wait3A_57 = arith.constant 0 : i32
    %dma_wait3A_58 = tpu.memref_slice %arg10[%add3A_55, %dma_wait3A_57] : memref<10240x128xf32, #tpu.memory_space<vmem_shared>> -> memref<128x128xf32, #tpu.memory_space<vmem_shared>>
    tpu.wait_dma2 semaphore(%arg13 : memref<!tpu.dma_semaphore, #tpu.memory_space<semaphore_mem>>) src(%arg9 : memref<128x128xf32, #tpu.memory_space<vmem>>) dst(%dma_wait3A_58 : memref<128x128xf32, #tpu.memory_space<vmem_shared>>)
    %mul3A_59 = arith.constant 640 : i32
    %mul3A_60 = arith.muli %arg1, %mul3A_59 : i32
    %add3A_61 = arith.constant 128 : i32
    %add3A_62 = arith.addi %mul3A_60, %add3A_61 : i32
    %dma_wait3A_63 = arith.constant 0 : i32
    %dma_wait3A_64 = tpu.memref_slice %arg10[%add3A_62, %dma_wait3A_63] : memref<10240x128xf32, #tpu.memory_space<vmem_shared>> -> memref<128x128xf32, #tpu.memory_space<vmem_shared>>
    %dma_wait3A_65 = arith.constant 0 : i32
    %dma_wait3A_66 = tpu.memref_slice %arg10[%add3A_62, %dma_wait3A_65] : memref<10240x128xf32, #tpu.memory_space<vmem_shared>> -> memref<128x128xf32, #tpu.memory_space<vmem_shared>>
    tpu.wait_dma2 semaphore(%arg13 : memref<!tpu.dma_semaphore, #tpu.memory_space<semaphore_mem>>) src(%arg9 : memref<128x128xf32, #tpu.memory_space<vmem>>) dst(%dma_wait3A_66 : memref<128x128xf32, #tpu.memory_space<vmem_shared>>)
    %mul3A_67 = arith.constant 640 : i32
    %mul3A_68 = arith.muli %arg1, %mul3A_67 : i32
    %add3A_69 = arith.constant 256 : i32
    %add3A_70 = arith.addi %mul3A_68, %add3A_69 : i32
    %dma_wait3A_71 = arith.constant 0 : i32
    %dma_wait3A_72 = tpu.memref_slice %arg10[%add3A_70, %dma_wait3A_71] : memref<10240x128xf32, #tpu.memory_space<vmem_shared>> -> memref<128x128xf32, #tpu.memory_space<vmem_shared>>
    %dma_wait3A_73 = arith.constant 0 : i32
    %dma_wait3A_74 = tpu.memref_slice %arg10[%add3A_70, %dma_wait3A_73] : memref<10240x128xf32, #tpu.memory_space<vmem_shared>> -> memref<128x128xf32, #tpu.memory_space<vmem_shared>>
    tpu.wait_dma2 semaphore(%arg13 : memref<!tpu.dma_semaphore, #tpu.memory_space<semaphore_mem>>) src(%arg9 : memref<128x128xf32, #tpu.memory_space<vmem>>) dst(%dma_wait3A_74 : memref<128x128xf32, #tpu.memory_space<vmem_shared>>)
    %mul3A_75 = arith.constant 640 : i32
    %mul3A_76 = arith.muli %arg1, %mul3A_75 : i32
    %add3A_77 = arith.constant 384 : i32
    %add3A_78 = arith.addi %mul3A_76, %add3A_77 : i32
    %dma_wait3A_79 = arith.constant 0 : i32
    %dma_wait3A_80 = tpu.memref_slice %arg10[%add3A_78, %dma_wait3A_79] : memref<10240x128xf32, #tpu.memory_space<vmem_shared>> -> memref<128x128xf32, #tpu.memory_space<vmem_shared>>
    %dma_wait3A_81 = arith.constant 0 : i32
    %dma_wait3A_82 = tpu.memref_slice %arg10[%add3A_78, %dma_wait3A_81] : memref<10240x128xf32, #tpu.memory_space<vmem_shared>> -> memref<128x128xf32, #tpu.memory_space<vmem_shared>>
    tpu.wait_dma2 semaphore(%arg13 : memref<!tpu.dma_semaphore, #tpu.memory_space<semaphore_mem>>) src(%arg9 : memref<128x128xf32, #tpu.memory_space<vmem>>) dst(%dma_wait3A_82 : memref<128x128xf32, #tpu.memory_space<vmem_shared>>)
    %mul3A_83 = arith.constant 640 : i32
    %mul3A_84 = arith.muli %arg1, %mul3A_83 : i32
    %add3A_85 = arith.constant 512 : i32
    %add3A_86 = arith.addi %mul3A_84, %add3A_85 : i32
    %dma_wait3A_87 = arith.constant 0 : i32
    %dma_wait3A_88 = tpu.memref_slice %arg10[%add3A_86, %dma_wait3A_87] : memref<10240x128xf32, #tpu.memory_space<vmem_shared>> -> memref<128x128xf32, #tpu.memory_space<vmem_shared>>
    %dma_wait3A_89 = arith.constant 0 : i32
    %dma_wait3A_90 = tpu.memref_slice %arg10[%add3A_86, %dma_wait3A_89] : memref<10240x128xf32, #tpu.memory_space<vmem_shared>> -> memref<128x128xf32, #tpu.memory_space<vmem_shared>>
    tpu.wait_dma2 semaphore(%arg13 : memref<!tpu.dma_semaphore, #tpu.memory_space<semaphore_mem>>) src(%arg9 : memref<128x128xf32, #tpu.memory_space<vmem>>) dst(%dma_wait3A_90 : memref<128x128xf32, #tpu.memory_space<vmem_shared>>)
    %barrier3A = arith.constant 0 : index
    tpu.barrier barrier_id(%barrier3A)
    %scan3A_91 = arith.constant 0 : i32
    %scan3A_92 = arith.constant 0 : i32
    %scan3A_93 = arith.constant 19 : i32
    %scan3A_94 = arith.addi %scan3A_92, %scan3A_93 : i32
    %scan3A_95 = arith.constant 1 : i32
    scf.for %scan3A_160 = %scan3A_92 to %scan3A_94 step %scan3A_95  : i32 {
      %mul3A_161 = arith.constant 2 : i32
      %mul3A_162 = arith.muli %mul3A_161, %scan3A_160 : i32
      %add3A_163 = arith.constant 1 : i32
      %add3A_164 = arith.addi %mul3A_162, %add3A_163 : i32
      %dma_start3A_165 = arith.constant 0 : i32
      %dma_start3A_166 = tpu.memref_slice %arg6[%add3A_164, %dma_start3A_165] : memref<40x128xi32, #tpu.memory_space<vmem>> -> memref<1x128xi32, #tpu.memory_space<vmem>>
      %dma_start3A_167 = tpu.memref_squeeze %dma_start3A_166 : memref<1x128xi32, #tpu.memory_space<vmem>> -> memref<128xi32, #tpu.memory_space<vmem>>
      %dma_start3A_168 = arith.constant 0 : i32
      %dma_start3A_169 = arith.constant 0 : i32
      %dma_start3A_170 = tpu.memref_slice %arg2[%dma_start3A_168, %dma_start3A_169] : memref<10000x128xf32, #tpu.memory_space<hbm>> -> memref<10000x128xf32, #tpu.memory_space<hbm>>
      tpu.enqueue_indirect_dma source(%dma_start3A_170 : memref<10000x128xf32, #tpu.memory_space<hbm>>) target(%arg9 : memref<128x128xf32, #tpu.memory_space<vmem>>) offsets(%dma_start3A_167 : memref<128xi32, #tpu.memory_space<vmem>>) semaphore(%arg12 : memref<!tpu.dma_semaphore, #tpu.memory_space<semaphore_mem>>)
      %dma_wait3A_171 = arith.constant 0 : i32
      %dma_wait3A_172 = tpu.memref_slice %arg6[%mul3A_162, %dma_wait3A_171] : memref<40x128xi32, #tpu.memory_space<vmem>> -> memref<1x128xi32, #tpu.memory_space<vmem>>
      %dma_wait3A_173 = tpu.memref_squeeze %dma_wait3A_172 : memref<1x128xi32, #tpu.memory_space<vmem>> -> memref<128xi32, #tpu.memory_space<vmem>>
      %dma_wait3A_174 = arith.constant 0 : i32
      %dma_wait3A_175 = arith.constant 0 : i32
      %dma_wait3A_176 = tpu.memref_slice %arg2[%dma_wait3A_174, %dma_wait3A_175] : memref<10000x128xf32, #tpu.memory_space<hbm>> -> memref<10000x128xf32, #tpu.memory_space<hbm>>
      tpu.wait_indirect_dma semaphore(%arg11 : memref<!tpu.dma_semaphore, #tpu.memory_space<semaphore_mem>>) src(%dma_wait3A_176 : memref<10000x128xf32, #tpu.memory_space<hbm>>) dst(%arg8 : memref<128x128xf32, #tpu.memory_space<vmem>>)
      "tpu.region"() ({
        %run_scoped3A_195 = tpu.sem_alloc : memref<!tpu.dma_semaphore, #tpu.memory_space<semaphore_mem>>
        %dma_start3A_196 = arith.constant 0 : i32
        %dma_start3A_197 = tpu.memref_slice %arg7[%mul3A_162, %dma_start3A_196] : memref<40x128xi32, #tpu.memory_space<vmem>> -> memref<1x128xi32, #tpu.memory_space<vmem>>
        %dma_start3A_198 = tpu.memref_squeeze %dma_start3A_197 : memref<1x128xi32, #tpu.memory_space<vmem>> -> memref<128xi32, #tpu.memory_space<vmem>>
        %dma_start3A_199 = arith.constant 0 : i32
        %dma_start3A_200 = arith.constant 0 : i32
        %dma_start3A_201 = tpu.memref_slice %arg10[%dma_start3A_199, %dma_start3A_200] : memref<10240x128xf32, #tpu.memory_space<vmem_shared>> -> memref<10240x128xf32, #tpu.memory_space<vmem_shared>>
        tpu.enqueue_indirect_dma source(%arg8 : memref<128x128xf32, #tpu.memory_space<vmem>>) target(%dma_start3A_201 : memref<10240x128xf32, #tpu.memory_space<vmem_shared>>) offsets(%dma_start3A_198 : memref<128xi32, #tpu.memory_space<vmem>>) semaphore(%run_scoped3A_195 : memref<!tpu.dma_semaphore, #tpu.memory_space<semaphore_mem>>) {add = true}
        %dma_wait3A_202 = arith.constant 0 : i32
        %dma_wait3A_203 = tpu.memref_slice %arg7[%mul3A_162, %dma_wait3A_202] : memref<40x128xi32, #tpu.memory_space<vmem>> -> memref<1x128xi32, #tpu.memory_space<vmem>>
        %dma_wait3A_204 = tpu.memref_squeeze %dma_wait3A_203 : memref<1x128xi32, #tpu.memory_space<vmem>> -> memref<128xi32, #tpu.memory_space<vmem>>
        %dma_wait3A_205 = arith.constant 0 : i32
        %dma_wait3A_206 = arith.constant 0 : i32
        %dma_wait3A_207 = tpu.memref_slice %arg10[%dma_wait3A_205, %dma_wait3A_206] : memref<10240x128xf32, #tpu.memory_space<vmem_shared>> -> memref<10240x128xf32, #tpu.memory_space<vmem_shared>>
        tpu.wait_indirect_dma semaphore(%run_scoped3A_195 : memref<!tpu.dma_semaphore, #tpu.memory_space<semaphore_mem>>) src(%arg8 : memref<128x128xf32, #tpu.memory_space<vmem>>) dst(%dma_wait3A_207 : memref<10240x128xf32, #tpu.memory_space<vmem_shared>>)
        tpu.yield
      }) : () -> ()
      %add3A_177 = arith.constant 2 : i32
      %add3A_178 = arith.addi %mul3A_162, %add3A_177 : i32
      %dma_start3A_179 = arith.constant 0 : i32
      %dma_start3A_180 = tpu.memref_slice %arg6[%add3A_178, %dma_start3A_179] : memref<40x128xi32, #tpu.memory_space<vmem>> -> memref<1x128xi32, #tpu.memory_space<vmem>>
      %dma_start3A_181 = tpu.memref_squeeze %dma_start3A_180 : memref<1x128xi32, #tpu.memory_space<vmem>> -> memref<128xi32, #tpu.memory_space<vmem>>
      %dma_start3A_182 = arith.constant 0 : i32
      %dma_start3A_183 = arith.constant 0 : i32
      %dma_start3A_184 = tpu.memref_slice %arg2[%dma_start3A_182, %dma_start3A_183] : memref<10000x128xf32, #tpu.memory_space<hbm>> -> memref<10000x128xf32, #tpu.memory_space<hbm>>
      tpu.enqueue_indirect_dma source(%dma_start3A_184 : memref<10000x128xf32, #tpu.memory_space<hbm>>) target(%arg8 : memref<128x128xf32, #tpu.memory_space<vmem>>) offsets(%dma_start3A_181 : memref<128xi32, #tpu.memory_space<vmem>>) semaphore(%arg11 : memref<!tpu.dma_semaphore, #tpu.memory_space<semaphore_mem>>)
      %add3A_185 = arith.constant 1 : i32
      %add3A_186 = arith.addi %mul3A_162, %add3A_185 : i32
      %dma_wait3A_187 = arith.constant 0 : i32
      %dma_wait3A_188 = tpu.memref_slice %arg6[%add3A_186, %dma_wait3A_187] : memref<40x128xi32, #tpu.memory_space<vmem>> -> memref<1x128xi32, #tpu.memory_space<vmem>>
      %dma_wait3A_189 = tpu.memref_squeeze %dma_wait3A_188 : memref<1x128xi32, #tpu.memory_space<vmem>> -> memref<128xi32, #tpu.memory_space<vmem>>
      %dma_wait3A_190 = arith.constant 0 : i32
      %dma_wait3A_191 = arith.constant 0 : i32
      %dma_wait3A_192 = tpu.memref_slice %arg2[%dma_wait3A_190, %dma_wait3A_191] : memref<10000x128xf32, #tpu.memory_space<hbm>> -> memref<10000x128xf32, #tpu.memory_space<hbm>>
      tpu.wait_indirect_dma semaphore(%arg12 : memref<!tpu.dma_semaphore, #tpu.memory_space<semaphore_mem>>) src(%dma_wait3A_192 : memref<10000x128xf32, #tpu.memory_space<hbm>>) dst(%arg9 : memref<128x128xf32, #tpu.memory_space<vmem>>)
      %add3A_193 = arith.constant 1 : i32
      %add3A_194 = arith.addi %mul3A_162, %add3A_193 : i32
      "tpu.region"() ({
        %run_scoped3A_195 = tpu.sem_alloc : memref<!tpu.dma_semaphore, #tpu.memory_space<semaphore_mem>>
        %dma_start3A_196 = arith.constant 0 : i32
        %dma_start3A_197 = tpu.memref_slice %arg7[%add3A_194, %dma_start3A_196] : memref<40x128xi32, #tpu.memory_space<vmem>> -> memref<1x128xi32, #tpu.memory_space<vmem>>
        %dma_start3A_198 = tpu.memref_squeeze %dma_start3A_197 : memref<1x128xi32, #tpu.memory_space<vmem>> -> memref<128xi32, #tpu.memory_space<vmem>>
        %dma_start3A_199 = arith.constant 0 : i32
        %dma_start3A_200 = arith.constant 0 : i32
        %dma_start3A_201 = tpu.memref_slice %arg10[%dma_start3A_199, %dma_start3A_200] : memref<10240x128xf32, #tpu.memory_space<vmem_shared>> -> memref<10240x128xf32, #tpu.memory_space<vmem_shared>>
        tpu.enqueue_indirect_dma source(%arg9 : memref<128x128xf32, #tpu.memory_space<vmem>>) target(%dma_start3A_201 : memref<10240x128xf32, #tpu.memory_space<vmem_shared>>) offsets(%dma_start3A_198 : memref<128xi32, #tpu.memory_space<vmem>>) semaphore(%run_scoped3A_195 : memref<!tpu.dma_semaphore, #tpu.memory_space<semaphore_mem>>) {add = true}
        %dma_wait3A_202 = arith.constant 0 : i32
        %dma_wait3A_203 = tpu.memref_slice %arg7[%add3A_194, %dma_wait3A_202] : memref<40x128xi32, #tpu.memory_space<vmem>> -> memref<1x128xi32, #tpu.memory_space<vmem>>
        %dma_wait3A_204 = tpu.memref_squeeze %dma_wait3A_203 : memref<1x128xi32, #tpu.memory_space<vmem>> -> memref<128xi32, #tpu.memory_space<vmem>>
        %dma_wait3A_205 = arith.constant 0 : i32
        %dma_wait3A_206 = arith.constant 0 : i32
        %dma_wait3A_207 = tpu.memref_slice %arg10[%dma_wait3A_205, %dma_wait3A_206] : memref<10240x128xf32, #tpu.memory_space<vmem_shared>> -> memref<10240x128xf32, #tpu.memory_space<vmem_shared>>
        tpu.wait_indirect_dma semaphore(%run_scoped3A_195 : memref<!tpu.dma_semaphore, #tpu.memory_space<semaphore_mem>>) src(%arg9 : memref<128x128xf32, #tpu.memory_space<vmem>>) dst(%dma_wait3A_207 : memref<10240x128xf32, #tpu.memory_space<vmem_shared>>)
        tpu.yield
      }) : () -> ()
    }
    %scan3A_96 = arith.constant 19 : i32
    %dma_start3A_97 = arith.constant 39 : i32
    %dma_start3A_98 = arith.constant 0 : i32
    %dma_start3A_99 = tpu.memref_slice %arg6[%dma_start3A_97, %dma_start3A_98] : memref<40x128xi32, #tpu.memory_space<vmem>> -> memref<1x128xi32, #tpu.memory_space<vmem>>
    %dma_start3A_100 = tpu.memref_squeeze %dma_start3A_99 : memref<1x128xi32, #tpu.memory_space<vmem>> -> memref<128xi32, #tpu.memory_space<vmem>>
    %dma_start3A_101 = arith.constant 0 : i32
    %dma_start3A_102 = arith.constant 0 : i32
    %dma_start3A_103 = tpu.memref_slice %arg2[%dma_start3A_101, %dma_start3A_102] : memref<10000x128xf32, #tpu.memory_space<hbm>> -> memref<10000x128xf32, #tpu.memory_space<hbm>>
    tpu.enqueue_indirect_dma source(%dma_start3A_103 : memref<10000x128xf32, #tpu.memory_space<hbm>>) target(%arg9 : memref<128x128xf32, #tpu.memory_space<vmem>>) offsets(%dma_start3A_100 : memref<128xi32, #tpu.memory_space<vmem>>) semaphore(%arg12 : memref<!tpu.dma_semaphore, #tpu.memory_space<semaphore_mem>>)
    %dma_wait3A_104 = arith.constant 38 : i32
    %dma_wait3A_105 = arith.constant 0 : i32
    %dma_wait3A_106 = tpu.memref_slice %arg6[%dma_wait3A_104, %dma_wait3A_105] : memref<40x128xi32, #tpu.memory_space<vmem>> -> memref<1x128xi32, #tpu.memory_space<vmem>>
    %dma_wait3A_107 = tpu.memref_squeeze %dma_wait3A_106 : memref<1x128xi32, #tpu.memory_space<vmem>> -> memref<128xi32, #tpu.memory_space<vmem>>
    %dma_wait3A_108 = arith.constant 0 : i32
    %dma_wait3A_109 = arith.constant 0 : i32
    %dma_wait3A_110 = tpu.memref_slice %arg2[%dma_wait3A_108, %dma_wait3A_109] : memref<10000x128xf32, #tpu.memory_space<hbm>> -> memref<10000x128xf32, #tpu.memory_space<hbm>>
    tpu.wait_indirect_dma semaphore(%arg11 : memref<!tpu.dma_semaphore, #tpu.memory_space<semaphore_mem>>) src(%dma_wait3A_110 : memref<10000x128xf32, #tpu.memory_space<hbm>>) dst(%arg8 : memref<128x128xf32, #tpu.memory_space<vmem>>)
    %run_scoped3A = arith.constant 38 : i32
    "tpu.region"() ({
      %run_scoped3A_160 = tpu.sem_alloc : memref<!tpu.dma_semaphore, #tpu.memory_space<semaphore_mem>>
      %dma_start3A_161 = arith.constant 0 : i32
      %dma_start3A_162 = tpu.memref_slice %arg7[%run_scoped3A, %dma_start3A_161] : memref<40x128xi32, #tpu.memory_space<vmem>> -> memref<1x128xi32, #tpu.memory_space<vmem>>
      %dma_start3A_163 = tpu.memref_squeeze %dma_start3A_162 : memref<1x128xi32, #tpu.memory_space<vmem>> -> memref<128xi32, #tpu.memory_space<vmem>>
      %dma_start3A_164 = arith.constant 0 : i32
      %dma_start3A_165 = arith.constant 0 : i32
      %dma_start3A_166 = tpu.memref_slice %arg10[%dma_start3A_164, %dma_start3A_165] : memref<10240x128xf32, #tpu.memory_space<vmem_shared>> -> memref<10240x128xf32, #tpu.memory_space<vmem_shared>>
      tpu.enqueue_indirect_dma source(%arg8 : memref<128x128xf32, #tpu.memory_space<vmem>>) target(%dma_start3A_166 : memref<10240x128xf32, #tpu.memory_space<vmem_shared>>) offsets(%dma_start3A_163 : memref<128xi32, #tpu.memory_space<vmem>>) semaphore(%run_scoped3A_160 : memref<!tpu.dma_semaphore, #tpu.memory_space<semaphore_mem>>) {add = true}
      %dma_wait3A_167 = arith.constant 0 : i32
      %dma_wait3A_168 = tpu.memref_slice %arg7[%run_scoped3A, %dma_wait3A_167] : memref<40x128xi32, #tpu.memory_space<vmem>> -> memref<1x128xi32, #tpu.memory_space<vmem>>
      %dma_wait3A_169 = tpu.memref_squeeze %dma_wait3A_168 : memref<1x128xi32, #tpu.memory_space<vmem>> -> memref<128xi32, #tpu.memory_space<vmem>>
      %dma_wait3A_170 = arith.constant 0 : i32
      %dma_wait3A_171 = arith.constant 0 : i32
      %dma_wait3A_172 = tpu.memref_slice %arg10[%dma_wait3A_170, %dma_wait3A_171] : memref<10240x128xf32, #tpu.memory_space<vmem_shared>> -> memref<10240x128xf32, #tpu.memory_space<vmem_shared>>
      tpu.wait_indirect_dma semaphore(%run_scoped3A_160 : memref<!tpu.dma_semaphore, #tpu.memory_space<semaphore_mem>>) src(%arg8 : memref<128x128xf32, #tpu.memory_space<vmem>>) dst(%dma_wait3A_172 : memref<10240x128xf32, #tpu.memory_space<vmem_shared>>)
      tpu.yield
    }) : () -> ()
    %dma_wait3A_111 = arith.constant 39 : i32
    %dma_wait3A_112 = arith.constant 0 : i32
    %dma_wait3A_113 = tpu.memref_slice %arg6[%dma_wait3A_111, %dma_wait3A_112] : memref<40x128xi32, #tpu.memory_space<vmem>> -> memref<1x128xi32, #tpu.memory_space<vmem>>
    %dma_wait3A_114 = tpu.memref_squeeze %dma_wait3A_113 : memref<1x128xi32, #tpu.memory_space<vmem>> -> memref<128xi32, #tpu.memory_space<vmem>>
    %dma_wait3A_115 = arith.constant 0 : i32
    %dma_wait3A_116 = arith.constant 0 : i32
    %dma_wait3A_117 = tpu.memref_slice %arg2[%dma_wait3A_115, %dma_wait3A_116] : memref<10000x128xf32, #tpu.memory_space<hbm>> -> memref<10000x128xf32, #tpu.memory_space<hbm>>
    tpu.wait_indirect_dma semaphore(%arg12 : memref<!tpu.dma_semaphore, #tpu.memory_space<semaphore_mem>>) src(%dma_wait3A_117 : memref<10000x128xf32, #tpu.memory_space<hbm>>) dst(%arg9 : memref<128x128xf32, #tpu.memory_space<vmem>>)
    %run_scoped3A_118 = arith.constant 39 : i32
    "tpu.region"() ({
      %run_scoped3A_160 = tpu.sem_alloc : memref<!tpu.dma_semaphore, #tpu.memory_space<semaphore_mem>>
      %dma_start3A_161 = arith.constant 0 : i32
      %dma_start3A_162 = tpu.memref_slice %arg7[%run_scoped3A_118, %dma_start3A_161] : memref<40x128xi32, #tpu.memory_space<vmem>> -> memref<1x128xi32, #tpu.memory_space<vmem>>
      %dma_start3A_163 = tpu.memref_squeeze %dma_start3A_162 : memref<1x128xi32, #tpu.memory_space<vmem>> -> memref<128xi32, #tpu.memory_space<vmem>>
      %dma_start3A_164 = arith.constant 0 : i32
      %dma_start3A_165 = arith.constant 0 : i32
      %dma_start3A_166 = tpu.memref_slice %arg10[%dma_start3A_164, %dma_start3A_165] : memref<10240x128xf32, #tpu.memory_space<vmem_shared>> -> memref<10240x128xf32, #tpu.memory_space<vmem_shared>>
      tpu.enqueue_indirect_dma source(%arg9 : memref<128x128xf32, #tpu.memory_space<vmem>>) target(%dma_start3A_166 : memref<10240x128xf32, #tpu.memory_space<vmem_shared>>) offsets(%dma_start3A_163 : memref<128xi32, #tpu.memory_space<vmem>>) semaphore(%run_scoped3A_160 : memref<!tpu.dma_semaphore, #tpu.memory_space<semaphore_mem>>) {add = true}
      %dma_wait3A_167 = arith.constant 0 : i32
      %dma_wait3A_168 = tpu.memref_slice %arg7[%run_scoped3A_118, %dma_wait3A_167] : memref<40x128xi32, #tpu.memory_space<vmem>> -> memref<1x128xi32, #tpu.memory_space<vmem>>
      %dma_wait3A_169 = tpu.memref_squeeze %dma_wait3A_168 : memref<1x128xi32, #tpu.memory_space<vmem>> -> memref<128xi32, #tpu.memory_space<vmem>>
      %dma_wait3A_170 = arith.constant 0 : i32
      %dma_wait3A_171 = arith.constant 0 : i32
      %dma_wait3A_172 = tpu.memref_slice %arg10[%dma_wait3A_170, %dma_wait3A_171] : memref<10240x128xf32, #tpu.memory_space<vmem_shared>> -> memref<10240x128xf32, #tpu.memory_space<vmem_shared>>
      tpu.wait_indirect_dma semaphore(%run_scoped3A_160 : memref<!tpu.dma_semaphore, #tpu.memory_space<semaphore_mem>>) src(%arg9 : memref<128x128xf32, #tpu.memory_space<vmem>>) dst(%dma_wait3A_172 : memref<10240x128xf32, #tpu.memory_space<vmem_shared>>)
      tpu.yield
    }) : () -> ()
    "tpu.region"() ({
      %run_scoped3A_160 = tpu.sem_alloc : memref<!tpu.dma_semaphore, #tpu.memory_space<semaphore_mem>>
      %dma_start3A_161 = arith.constant 40 : i32
      %dma_start3A_162 = arith.constant 0 : i32
      %dma_start3A_163 = tpu.memref_slice %arg3[%add3A, %dma_start3A_161, %dma_start3A_162] : memref<32x80x128xi32, #tpu.memory_space<hbm>> -> memref<1x40x128xi32, #tpu.memory_space<hbm>>
      %dma_start3A_164 = tpu.memref_squeeze %dma_start3A_163 : memref<1x40x128xi32, #tpu.memory_space<hbm>> -> memref<40x128xi32, #tpu.memory_space<hbm>>
      %dma_start3A_165 = arith.constant 40 : i32
      %dma_start3A_166 = arith.constant 0 : i32
      %dma_start3A_167 = tpu.memref_slice %arg3[%add3A, %dma_start3A_165, %dma_start3A_166] : memref<32x80x128xi32, #tpu.memory_space<hbm>> -> memref<1x40x128xi32, #tpu.memory_space<hbm>>
      %dma_start3A_168 = tpu.memref_squeeze %dma_start3A_167 : memref<1x40x128xi32, #tpu.memory_space<hbm>> -> memref<40x128xi32, #tpu.memory_space<hbm>>
      tpu.enqueue_dma source(%dma_start3A_168 : memref<40x128xi32, #tpu.memory_space<hbm>>) target(%arg6 : memref<40x128xi32, #tpu.memory_space<vmem>>) target_semaphore(%run_scoped3A_160 : memref<!tpu.dma_semaphore, #tpu.memory_space<semaphore_mem>>)
      %dma_wait3A_169 = arith.constant 40 : i32
      %dma_wait3A_170 = arith.constant 0 : i32
      %dma_wait3A_171 = tpu.memref_slice %arg3[%add3A, %dma_wait3A_169, %dma_wait3A_170] : memref<32x80x128xi32, #tpu.memory_space<hbm>> -> memref<1x40x128xi32, #tpu.memory_space<hbm>>
      %dma_wait3A_172 = tpu.memref_squeeze %dma_wait3A_171 : memref<1x40x128xi32, #tpu.memory_space<hbm>> -> memref<40x128xi32, #tpu.memory_space<hbm>>
      %dma_wait3A_173 = arith.constant 40 : i32
      %dma_wait3A_174 = arith.constant 0 : i32
      %dma_wait3A_175 = tpu.memref_slice %arg3[%add3A, %dma_wait3A_173, %dma_wait3A_174] : memref<32x80x128xi32, #tpu.memory_space<hbm>> -> memref<1x40x128xi32, #tpu.memory_space<hbm>>
      %dma_wait3A_176 = tpu.memref_squeeze %dma_wait3A_175 : memref<1x40x128xi32, #tpu.memory_space<hbm>> -> memref<40x128xi32, #tpu.memory_space<hbm>>
      tpu.wait_dma2 semaphore(%run_scoped3A_160 : memref<!tpu.dma_semaphore, #tpu.memory_space<semaphore_mem>>) src(%dma_wait3A_176 : memref<40x128xi32, #tpu.memory_space<hbm>>) dst(%arg6 : memref<40x128xi32, #tpu.memory_space<vmem>>)
      tpu.yield
    }) : () -> ()
    "tpu.region"() ({
      %run_scoped3A_160 = tpu.sem_alloc : memref<!tpu.dma_semaphore, #tpu.memory_space<semaphore_mem>>
      %dma_start3A_161 = arith.constant 40 : i32
      %dma_start3A_162 = arith.constant 0 : i32
      %dma_start3A_163 = tpu.memref_slice %arg4[%add3A, %dma_start3A_161, %dma_start3A_162] : memref<32x80x128xi32, #tpu.memory_space<hbm>> -> memref<1x40x128xi32, #tpu.memory_space<hbm>>
      %dma_start3A_164 = tpu.memref_squeeze %dma_start3A_163 : memref<1x40x128xi32, #tpu.memory_space<hbm>> -> memref<40x128xi32, #tpu.memory_space<hbm>>
      %dma_start3A_165 = arith.constant 40 : i32
      %dma_start3A_166 = arith.constant 0 : i32
      %dma_start3A_167 = tpu.memref_slice %arg4[%add3A, %dma_start3A_165, %dma_start3A_166] : memref<32x80x128xi32, #tpu.memory_space<hbm>> -> memref<1x40x128xi32, #tpu.memory_space<hbm>>
      %dma_start3A_168 = tpu.memref_squeeze %dma_start3A_167 : memref<1x40x128xi32, #tpu.memory_space<hbm>> -> memref<40x128xi32, #tpu.memory_space<hbm>>
      tpu.enqueue_dma source(%dma_start3A_168 : memref<40x128xi32, #tpu.memory_space<hbm>>) target(%arg7 : memref<40x128xi32, #tpu.memory_space<vmem>>) target_semaphore(%run_scoped3A_160 : memref<!tpu.dma_semaphore, #tpu.memory_space<semaphore_mem>>)
      %dma_wait3A_169 = arith.constant 40 : i32
      %dma_wait3A_170 = arith.constant 0 : i32
      %dma_wait3A_171 = tpu.memref_slice %arg4[%add3A, %dma_wait3A_169, %dma_wait3A_170] : memref<32x80x128xi32, #tpu.memory_space<hbm>> -> memref<1x40x128xi32, #tpu.memory_space<hbm>>
      %dma_wait3A_172 = tpu.memref_squeeze %dma_wait3A_171 : memref<1x40x128xi32, #tpu.memory_space<hbm>> -> memref<40x128xi32, #tpu.memory_space<hbm>>
      %dma_wait3A_173 = arith.constant 40 : i32
      %dma_wait3A_174 = arith.constant 0 : i32
      %dma_wait3A_175 = tpu.memref_slice %arg4[%add3A, %dma_wait3A_173, %dma_wait3A_174] : memref<32x80x128xi32, #tpu.memory_space<hbm>> -> memref<1x40x128xi32, #tpu.memory_space<hbm>>
      %dma_wait3A_176 = tpu.memref_squeeze %dma_wait3A_175 : memref<1x40x128xi32, #tpu.memory_space<hbm>> -> memref<40x128xi32, #tpu.memory_space<hbm>>
      tpu.wait_dma2 semaphore(%run_scoped3A_160 : memref<!tpu.dma_semaphore, #tpu.memory_space<semaphore_mem>>) src(%dma_wait3A_176 : memref<40x128xi32, #tpu.memory_space<hbm>>) dst(%arg7 : memref<40x128xi32, #tpu.memory_space<vmem>>)
      tpu.yield
    }) : () -> ()
    %dma_start3A_119 = arith.constant 0 : i32
    %dma_start3A_120 = arith.constant 0 : i32
    %dma_start3A_121 = tpu.memref_slice %arg6[%dma_start3A_119, %dma_start3A_120] : memref<40x128xi32, #tpu.memory_space<vmem>> -> memref<1x128xi32, #tpu.memory_space<vmem>>
    %dma_start3A_122 = tpu.memref_squeeze %dma_start3A_121 : memref<1x128xi32, #tpu.memory_space<vmem>> -> memref<128xi32, #tpu.memory_space<vmem>>
    %dma_start3A_123 = arith.constant 0 : i32
    %dma_start3A_124 = arith.constant 0 : i32
    %dma_start3A_125 = tpu.memref_slice %arg2[%dma_start3A_123, %dma_start3A_124] : memref<10000x128xf32, #tpu.memory_space<hbm>> -> memref<10000x128xf32, #tpu.memory_space<hbm>>
    tpu.enqueue_indirect_dma source(%dma_start3A_125 : memref<10000x128xf32, #tpu.memory_space<hbm>>) target(%arg8 : memref<128x128xf32, #tpu.memory_space<vmem>>) offsets(%dma_start3A_122 : memref<128xi32, #tpu.memory_space<vmem>>) semaphore(%arg11 : memref<!tpu.dma_semaphore, #tpu.memory_space<semaphore_mem>>)
    %scan3A_126 = arith.constant 0 : i32
    %scan3A_127 = arith.constant 0 : i32
    %scan3A_128 = arith.constant 19 : i32
    %scan3A_129 = arith.addi %scan3A_127, %scan3A_128 : i32
    %scan3A_130 = arith.constant 1 : i32
    scf.for %scan3A_160 = %scan3A_127 to %scan3A_129 step %scan3A_130  : i32 {
      %mul3A_161 = arith.constant 2 : i32
      %mul3A_162 = arith.muli %mul3A_161, %scan3A_160 : i32
      %add3A_163 = arith.constant 1 : i32
      %add3A_164 = arith.addi %mul3A_162, %add3A_163 : i32
      %dma_start3A_165 = arith.constant 0 : i32
      %dma_start3A_166 = tpu.memref_slice %arg6[%add3A_164, %dma_start3A_165] : memref<40x128xi32, #tpu.memory_space<vmem>> -> memref<1x128xi32, #tpu.memory_space<vmem>>
      %dma_start3A_167 = tpu.memref_squeeze %dma_start3A_166 : memref<1x128xi32, #tpu.memory_space<vmem>> -> memref<128xi32, #tpu.memory_space<vmem>>
      %dma_start3A_168 = arith.constant 0 : i32
      %dma_start3A_169 = arith.constant 0 : i32
      %dma_start3A_170 = tpu.memref_slice %arg2[%dma_start3A_168, %dma_start3A_169] : memref<10000x128xf32, #tpu.memory_space<hbm>> -> memref<10000x128xf32, #tpu.memory_space<hbm>>
      tpu.enqueue_indirect_dma source(%dma_start3A_170 : memref<10000x128xf32, #tpu.memory_space<hbm>>) target(%arg9 : memref<128x128xf32, #tpu.memory_space<vmem>>) offsets(%dma_start3A_167 : memref<128xi32, #tpu.memory_space<vmem>>) semaphore(%arg12 : memref<!tpu.dma_semaphore, #tpu.memory_space<semaphore_mem>>)
      %dma_wait3A_171 = arith.constant 0 : i32
      %dma_wait3A_172 = tpu.memref_slice %arg6[%mul3A_162, %dma_wait3A_171] : memref<40x128xi32, #tpu.memory_space<vmem>> -> memref<1x128xi32, #tpu.memory_space<vmem>>
      %dma_wait3A_173 = tpu.memref_squeeze %dma_wait3A_172 : memref<1x128xi32, #tpu.memory_space<vmem>> -> memref<128xi32, #tpu.memory_space<vmem>>
      %dma_wait3A_174 = arith.constant 0 : i32
      %dma_wait3A_175 = arith.constant 0 : i32
      %dma_wait3A_176 = tpu.memref_slice %arg2[%dma_wait3A_174, %dma_wait3A_175] : memref<10000x128xf32, #tpu.memory_space<hbm>> -> memref<10000x128xf32, #tpu.memory_space<hbm>>
      tpu.wait_indirect_dma semaphore(%arg11 : memref<!tpu.dma_semaphore, #tpu.memory_space<semaphore_mem>>) src(%dma_wait3A_176 : memref<10000x128xf32, #tpu.memory_space<hbm>>) dst(%arg8 : memref<128x128xf32, #tpu.memory_space<vmem>>)
      "tpu.region"() ({
        %run_scoped3A_195 = tpu.sem_alloc : memref<!tpu.dma_semaphore, #tpu.memory_space<semaphore_mem>>
        %dma_start3A_196 = arith.constant 0 : i32
        %dma_start3A_197 = tpu.memref_slice %arg7[%mul3A_162, %dma_start3A_196] : memref<40x128xi32, #tpu.memory_space<vmem>> -> memref<1x128xi32, #tpu.memory_space<vmem>>
        %dma_start3A_198 = tpu.memref_squeeze %dma_start3A_197 : memref<1x128xi32, #tpu.memory_space<vmem>> -> memref<128xi32, #tpu.memory_space<vmem>>
        %dma_start3A_199 = arith.constant 0 : i32
        %dma_start3A_200 = arith.constant 0 : i32
        %dma_start3A_201 = tpu.memref_slice %arg10[%dma_start3A_199, %dma_start3A_200] : memref<10240x128xf32, #tpu.memory_space<vmem_shared>> -> memref<10240x128xf32, #tpu.memory_space<vmem_shared>>
        tpu.enqueue_indirect_dma source(%arg8 : memref<128x128xf32, #tpu.memory_space<vmem>>) target(%dma_start3A_201 : memref<10240x128xf32, #tpu.memory_space<vmem_shared>>) offsets(%dma_start3A_198 : memref<128xi32, #tpu.memory_space<vmem>>) semaphore(%run_scoped3A_195 : memref<!tpu.dma_semaphore, #tpu.memory_space<semaphore_mem>>) {add = true}
        %dma_wait3A_202 = arith.constant 0 : i32
        %dma_wait3A_203 = tpu.memref_slice %arg7[%mul3A_162, %dma_wait3A_202] : memref<40x128xi32, #tpu.memory_space<vmem>> -> memref<1x128xi32, #tpu.memory_space<vmem>>
        %dma_wait3A_204 = tpu.memref_squeeze %dma_wait3A_203 : memref<1x128xi32, #tpu.memory_space<vmem>> -> memref<128xi32, #tpu.memory_space<vmem>>
        %dma_wait3A_205 = arith.constant 0 : i32
        %dma_wait3A_206 = arith.constant 0 : i32
        %dma_wait3A_207 = tpu.memref_slice %arg10[%dma_wait3A_205, %dma_wait3A_206] : memref<10240x128xf32, #tpu.memory_space<vmem_shared>> -> memref<10240x128xf32, #tpu.memory_space<vmem_shared>>
        tpu.wait_indirect_dma semaphore(%run_scoped3A_195 : memref<!tpu.dma_semaphore, #tpu.memory_space<semaphore_mem>>) src(%arg8 : memref<128x128xf32, #tpu.memory_space<vmem>>) dst(%dma_wait3A_207 : memref<10240x128xf32, #tpu.memory_space<vmem_shared>>)
        tpu.yield
      }) : () -> ()
      %add3A_177 = arith.constant 2 : i32
      %add3A_178 = arith.addi %mul3A_162, %add3A_177 : i32
      %dma_start3A_179 = arith.constant 0 : i32
      %dma_start3A_180 = tpu.memref_slice %arg6[%add3A_178, %dma_start3A_179] : memref<40x128xi32, #tpu.memory_space<vmem>> -> memref<1x128xi32, #tpu.memory_space<vmem>>
      %dma_start3A_181 = tpu.memref_squeeze %dma_start3A_180 : memref<1x128xi32, #tpu.memory_space<vmem>> -> memref<128xi32, #tpu.memory_space<vmem>>
      %dma_start3A_182 = arith.constant 0 : i32
      %dma_start3A_183 = arith.constant 0 : i32
      %dma_start3A_184 = tpu.memref_slice %arg2[%dma_start3A_182, %dma_start3A_183] : memref<10000x128xf32, #tpu.memory_space<hbm>> -> memref<10000x128xf32, #tpu.memory_space<hbm>>
      tpu.enqueue_indirect_dma source(%dma_start3A_184 : memref<10000x128xf32, #tpu.memory_space<hbm>>) target(%arg8 : memref<128x128xf32, #tpu.memory_space<vmem>>) offsets(%dma_start3A_181 : memref<128xi32, #tpu.memory_space<vmem>>) semaphore(%arg11 : memref<!tpu.dma_semaphore, #tpu.memory_space<semaphore_mem>>)
      %add3A_185 = arith.constant 1 : i32
      %add3A_186 = arith.addi %mul3A_162, %add3A_185 : i32
      %dma_wait3A_187 = arith.constant 0 : i32
      %dma_wait3A_188 = tpu.memref_slice %arg6[%add3A_186, %dma_wait3A_187] : memref<40x128xi32, #tpu.memory_space<vmem>> -> memref<1x128xi32, #tpu.memory_space<vmem>>
      %dma_wait3A_189 = tpu.memref_squeeze %dma_wait3A_188 : memref<1x128xi32, #tpu.memory_space<vmem>> -> memref<128xi32, #tpu.memory_space<vmem>>
      %dma_wait3A_190 = arith.constant 0 : i32
      %dma_wait3A_191 = arith.constant 0 : i32
      %dma_wait3A_192 = tpu.memref_slice %arg2[%dma_wait3A_190, %dma_wait3A_191] : memref<10000x128xf32, #tpu.memory_space<hbm>> -> memref<10000x128xf32, #tpu.memory_space<hbm>>
      tpu.wait_indirect_dma semaphore(%arg12 : memref<!tpu.dma_semaphore, #tpu.memory_space<semaphore_mem>>) src(%dma_wait3A_192 : memref<10000x128xf32, #tpu.memory_space<hbm>>) dst(%arg9 : memref<128x128xf32, #tpu.memory_space<vmem>>)
      %add3A_193 = arith.constant 1 : i32
      %add3A_194 = arith.addi %mul3A_162, %add3A_193 : i32
      "tpu.region"() ({
        %run_scoped3A_195 = tpu.sem_alloc : memref<!tpu.dma_semaphore, #tpu.memory_space<semaphore_mem>>
        %dma_start3A_196 = arith.constant 0 : i32
        %dma_start3A_197 = tpu.memref_slice %arg7[%add3A_194, %dma_start3A_196] : memref<40x128xi32, #tpu.memory_space<vmem>> -> memref<1x128xi32, #tpu.memory_space<vmem>>
        %dma_start3A_198 = tpu.memref_squeeze %dma_start3A_197 : memref<1x128xi32, #tpu.memory_space<vmem>> -> memref<128xi32, #tpu.memory_space<vmem>>
        %dma_start3A_199 = arith.constant 0 : i32
        %dma_start3A_200 = arith.constant 0 : i32
        %dma_start3A_201 = tpu.memref_slice %arg10[%dma_start3A_199, %dma_start3A_200] : memref<10240x128xf32, #tpu.memory_space<vmem_shared>> -> memref<10240x128xf32, #tpu.memory_space<vmem_shared>>
        tpu.enqueue_indirect_dma source(%arg9 : memref<128x128xf32, #tpu.memory_space<vmem>>) target(%dma_start3A_201 : memref<10240x128xf32, #tpu.memory_space<vmem_shared>>) offsets(%dma_start3A_198 : memref<128xi32, #tpu.memory_space<vmem>>) semaphore(%run_scoped3A_195 : memref<!tpu.dma_semaphore, #tpu.memory_space<semaphore_mem>>) {add = true}
        %dma_wait3A_202 = arith.constant 0 : i32
        %dma_wait3A_203 = tpu.memref_slice %arg7[%add3A_194, %dma_wait3A_202] : memref<40x128xi32, #tpu.memory_space<vmem>> -> memref<1x128xi32, #tpu.memory_space<vmem>>
        %dma_wait3A_204 = tpu.memref_squeeze %dma_wait3A_203 : memref<1x128xi32, #tpu.memory_space<vmem>> -> memref<128xi32, #tpu.memory_space<vmem>>
        %dma_wait3A_205 = arith.constant 0 : i32
        %dma_wait3A_206 = arith.constant 0 : i32
        %dma_wait3A_207 = tpu.memref_slice %arg10[%dma_wait3A_205, %dma_wait3A_206] : memref<10240x128xf32, #tpu.memory_space<vmem_shared>> -> memref<10240x128xf32, #tpu.memory_space<vmem_shared>>
        tpu.wait_indirect_dma semaphore(%run_scoped3A_195 : memref<!tpu.dma_semaphore, #tpu.memory_space<semaphore_mem>>) src(%arg9 : memref<128x128xf32, #tpu.memory_space<vmem>>) dst(%dma_wait3A_207 : memref<10240x128xf32, #tpu.memory_space<vmem_shared>>)
        tpu.yield
      }) : () -> ()
    }
    %scan3A_131 = arith.constant 19 : i32
    %dma_start3A_132 = arith.constant 39 : i32
    %dma_start3A_133 = arith.constant 0 : i32
    %dma_start3A_134 = tpu.memref_slice %arg6[%dma_start3A_132, %dma_start3A_133] : memref<40x128xi32, #tpu.memory_space<vmem>> -> memref<1x128xi32, #tpu.memory_space<vmem>>
    %dma_start3A_135 = tpu.memref_squeeze %dma_start3A_134 : memref<1x128xi32, #tpu.memory_space<vmem>> -> memref<128xi32, #tpu.memory_space<vmem>>
    %dma_start3A_136 = arith.constant 0 : i32
    %dma_start3A_137 = arith.constant 0 : i32
    %dma_start3A_138 = tpu.memref_slice %arg2[%dma_start3A_136, %dma_start3A_137] : memref<10000x128xf32, #tpu.memory_space<hbm>> -> memref<10000x128xf32, #tpu.memory_space<hbm>>
    tpu.enqueue_indirect_dma source(%dma_start3A_138 : memref<10000x128xf32, #tpu.memory_space<hbm>>) target(%arg9 : memref<128x128xf32, #tpu.memory_space<vmem>>) offsets(%dma_start3A_135 : memref<128xi32, #tpu.memory_space<vmem>>) semaphore(%arg12 : memref<!tpu.dma_semaphore, #tpu.memory_space<semaphore_mem>>)
    %dma_wait3A_139 = arith.constant 38 : i32
    %dma_wait3A_140 = arith.constant 0 : i32
    %dma_wait3A_141 = tpu.memref_slice %arg6[%dma_wait3A_139, %dma_wait3A_140] : memref<40x128xi32, #tpu.memory_space<vmem>> -> memref<1x128xi32, #tpu.memory_space<vmem>>
    %dma_wait3A_142 = tpu.memref_squeeze %dma_wait3A_141 : memref<1x128xi32, #tpu.memory_space<vmem>> -> memref<128xi32, #tpu.memory_space<vmem>>
    %dma_wait3A_143 = arith.constant 0 : i32
    %dma_wait3A_144 = arith.constant 0 : i32
    %dma_wait3A_145 = tpu.memref_slice %arg2[%dma_wait3A_143, %dma_wait3A_144] : memref<10000x128xf32, #tpu.memory_space<hbm>> -> memref<10000x128xf32, #tpu.memory_space<hbm>>
    tpu.wait_indirect_dma semaphore(%arg11 : memref<!tpu.dma_semaphore, #tpu.memory_space<semaphore_mem>>) src(%dma_wait3A_145 : memref<10000x128xf32, #tpu.memory_space<hbm>>) dst(%arg8 : memref<128x128xf32, #tpu.memory_space<vmem>>)
    %run_scoped3A_146 = arith.constant 38 : i32
    "tpu.region"() ({
      %run_scoped3A_160 = tpu.sem_alloc : memref<!tpu.dma_semaphore, #tpu.memory_space<semaphore_mem>>
      %dma_start3A_161 = arith.constant 0 : i32
      %dma_start3A_162 = tpu.memref_slice %arg7[%run_scoped3A_146, %dma_start3A_161] : memref<40x128xi32, #tpu.memory_space<vmem>> -> memref<1x128xi32, #tpu.memory_space<vmem>>
      %dma_start3A_163 = tpu.memref_squeeze %dma_start3A_162 : memref<1x128xi32, #tpu.memory_space<vmem>> -> memref<128xi32, #tpu.memory_space<vmem>>
      %dma_start3A_164 = arith.constant 0 : i32
      %dma_start3A_165 = arith.constant 0 : i32
      %dma_start3A_166 = tpu.memref_slice %arg10[%dma_start3A_164, %dma_start3A_165] : memref<10240x128xf32, #tpu.memory_space<vmem_shared>> -> memref<10240x128xf32, #tpu.memory_space<vmem_shared>>
      tpu.enqueue_indirect_dma source(%arg8 : memref<128x128xf32, #tpu.memory_space<vmem>>) target(%dma_start3A_166 : memref<10240x128xf32, #tpu.memory_space<vmem_shared>>) offsets(%dma_start3A_163 : memref<128xi32, #tpu.memory_space<vmem>>) semaphore(%run_scoped3A_160 : memref<!tpu.dma_semaphore, #tpu.memory_space<semaphore_mem>>) {add = true}
      %dma_wait3A_167 = arith.constant 0 : i32
      %dma_wait3A_168 = tpu.memref_slice %arg7[%run_scoped3A_146, %dma_wait3A_167] : memref<40x128xi32, #tpu.memory_space<vmem>> -> memref<1x128xi32, #tpu.memory_space<vmem>>
      %dma_wait3A_169 = tpu.memref_squeeze %dma_wait3A_168 : memref<1x128xi32, #tpu.memory_space<vmem>> -> memref<128xi32, #tpu.memory_space<vmem>>
      %dma_wait3A_170 = arith.constant 0 : i32
      %dma_wait3A_171 = arith.constant 0 : i32
      %dma_wait3A_172 = tpu.memref_slice %arg10[%dma_wait3A_170, %dma_wait3A_171] : memref<10240x128xf32, #tpu.memory_space<vmem_shared>> -> memref<10240x128xf32, #tpu.memory_space<vmem_shared>>
      tpu.wait_indirect_dma semaphore(%run_scoped3A_160 : memref<!tpu.dma_semaphore, #tpu.memory_space<semaphore_mem>>) src(%arg8 : memref<128x128xf32, #tpu.memory_space<vmem>>) dst(%dma_wait3A_172 : memref<10240x128xf32, #tpu.memory_space<vmem_shared>>)
      tpu.yield
    }) : () -> ()
    %dma_wait3A_147 = arith.constant 39 : i32
    %dma_wait3A_148 = arith.constant 0 : i32
    %dma_wait3A_149 = tpu.memref_slice %arg6[%dma_wait3A_147, %dma_wait3A_148] : memref<40x128xi32, #tpu.memory_space<vmem>> -> memref<1x128xi32, #tpu.memory_space<vmem>>
    %dma_wait3A_150 = tpu.memref_squeeze %dma_wait3A_149 : memref<1x128xi32, #tpu.memory_space<vmem>> -> memref<128xi32, #tpu.memory_space<vmem>>
    %dma_wait3A_151 = arith.constant 0 : i32
    %dma_wait3A_152 = arith.constant 0 : i32
    %dma_wait3A_153 = tpu.memref_slice %arg2[%dma_wait3A_151, %dma_wait3A_152] : memref<10000x128xf32, #tpu.memory_space<hbm>> -> memref<10000x128xf32, #tpu.memory_space<hbm>>
    tpu.wait_indirect_dma semaphore(%arg12 : memref<!tpu.dma_semaphore, #tpu.memory_space<semaphore_mem>>) src(%dma_wait3A_153 : memref<10000x128xf32, #tpu.memory_space<hbm>>) dst(%arg9 : memref<128x128xf32, #tpu.memory_space<vmem>>)
    %run_scoped3A_154 = arith.constant 39 : i32
    "tpu.region"() ({
      %run_scoped3A_160 = tpu.sem_alloc : memref<!tpu.dma_semaphore, #tpu.memory_space<semaphore_mem>>
      %dma_start3A_161 = arith.constant 0 : i32
      %dma_start3A_162 = tpu.memref_slice %arg7[%run_scoped3A_154, %dma_start3A_161] : memref<40x128xi32, #tpu.memory_space<vmem>> -> memref<1x128xi32, #tpu.memory_space<vmem>>
      %dma_start3A_163 = tpu.memref_squeeze %dma_start3A_162 : memref<1x128xi32, #tpu.memory_space<vmem>> -> memref<128xi32, #tpu.memory_space<vmem>>
      %dma_start3A_164 = arith.constant 0 : i32
      %dma_start3A_165 = arith.constant 0 : i32
      %dma_start3A_166 = tpu.memref_slice %arg10[%dma_start3A_164, %dma_start3A_165] : memref<10240x128xf32, #tpu.memory_space<vmem_shared>> -> memref<10240x128xf32, #tpu.memory_space<vmem_shared>>
      tpu.enqueue_indirect_dma source(%arg9 : memref<128x128xf32, #tpu.memory_space<vmem>>) target(%dma_start3A_166 : memref<10240x128xf32, #tpu.memory_space<vmem_shared>>) offsets(%dma_start3A_163 : memref<128xi32, #tpu.memory_space<vmem>>) semaphore(%run_scoped3A_160 : memref<!tpu.dma_semaphore, #tpu.memory_space<semaphore_mem>>) {add = true}
      %dma_wait3A_167 = arith.constant 0 : i32
      %dma_wait3A_168 = tpu.memref_slice %arg7[%run_scoped3A_154, %dma_wait3A_167] : memref<40x128xi32, #tpu.memory_space<vmem>> -> memref<1x128xi32, #tpu.memory_space<vmem>>
      %dma_wait3A_169 = tpu.memref_squeeze %dma_wait3A_168 : memref<1x128xi32, #tpu.memory_space<vmem>> -> memref<128xi32, #tpu.memory_space<vmem>>
      %dma_wait3A_170 = arith.constant 0 : i32
      %dma_wait3A_171 = arith.constant 0 : i32
      %dma_wait3A_172 = tpu.memref_slice %arg10[%dma_wait3A_170, %dma_wait3A_171] : memref<10240x128xf32, #tpu.memory_space<vmem_shared>> -> memref<10240x128xf32, #tpu.memory_space<vmem_shared>>
      tpu.wait_indirect_dma semaphore(%run_scoped3A_160 : memref<!tpu.dma_semaphore, #tpu.memory_space<semaphore_mem>>) src(%arg9 : memref<128x128xf32, #tpu.memory_space<vmem>>) dst(%dma_wait3A_172 : memref<10240x128xf32, #tpu.memory_space<vmem_shared>>)
      tpu.yield
    }) : () -> ()
    %barrier3A_155 = arith.constant 0 : index
    tpu.barrier barrier_id(%barrier3A_155)
    %mul3A_156 = arith.constant 640 : i32
    %mul3A_157 = arith.muli %arg1, %mul3A_156 : i32
    %mul3A_158 = arith.constant 640 : i32
    %mul3A_159 = arith.muli %arg1, %mul3A_158 : i32
    "tpu.region"() ({
      %run_scoped3A_160 = tpu.sem_alloc : memref<!tpu.dma_semaphore, #tpu.memory_space<semaphore_mem>>
      %dma_start3A_161 = arith.constant 0 : i32
      %dma_start3A_162 = tpu.memref_slice %arg5[%arg0, %mul3A_159, %dma_start3A_161] : memref<2x10240x128xf32, #tpu.memory_space<hbm>> -> memref<1x640x128xf32, #tpu.memory_space<hbm>>
      %dma_start3A_163 = tpu.memref_squeeze %dma_start3A_162 : memref<1x640x128xf32, #tpu.memory_space<hbm>> -> memref<640x128xf32, #tpu.memory_space<hbm>>
      %dma_start3A_164 = arith.constant 0 : i32
      %dma_start3A_165 = tpu.memref_slice %arg10[%mul3A_157, %dma_start3A_164] : memref<10240x128xf32, #tpu.memory_space<vmem_shared>> -> memref<640x128xf32, #tpu.memory_space<vmem_shared>>
      tpu.enqueue_dma source(%dma_start3A_165 : memref<640x128xf32, #tpu.memory_space<vmem_shared>>) target(%dma_start3A_163 : memref<640x128xf32, #tpu.memory_space<hbm>>) target_semaphore(%run_scoped3A_160 : memref<!tpu.dma_semaphore, #tpu.memory_space<semaphore_mem>>)
      %dma_wait3A_166 = arith.constant 0 : i32
      %dma_wait3A_167 = tpu.memref_slice %arg5[%arg0, %mul3A_159, %dma_wait3A_166] : memref<2x10240x128xf32, #tpu.memory_space<hbm>> -> memref<1x640x128xf32, #tpu.memory_space<hbm>>
      %dma_wait3A_168 = tpu.memref_squeeze %dma_wait3A_167 : memref<1x640x128xf32, #tpu.memory_space<hbm>> -> memref<640x128xf32, #tpu.memory_space<hbm>>
      %dma_wait3A_169 = arith.constant 0 : i32
      %dma_wait3A_170 = tpu.memref_slice %arg10[%mul3A_157, %dma_wait3A_169] : memref<10240x128xf32, #tpu.memory_space<vmem_shared>> -> memref<640x128xf32, #tpu.memory_space<vmem_shared>>
      tpu.wait_dma2 semaphore(%run_scoped3A_160 : memref<!tpu.dma_semaphore, #tpu.memory_space<semaphore_mem>>) src(%dma_wait3A_170 : memref<640x128xf32, #tpu.memory_space<vmem_shared>>) dst(%dma_wait3A_168 : memref<640x128xf32, #tpu.memory_space<hbm>>)
      tpu.yield
    }) : () -> ()
    return
  }
}

#map = affine_map<(d0, d1) -> (0, 0)>
#map1 = affine_map<(d0, d1) -> (0, 0, 0)>
module attributes {stable_mosaic.version = 14 : i64} {
  func.func @scatter_kernel(%arg0: i32, %arg1: i32, %arg2: memref<10000x128xf32, #tpu.memory_space<hbm>>, %arg3: memref<32x80x128xi32, #tpu.memory_space<hbm>>, %arg4: memref<32x80x128xi32, #tpu.memory_space<hbm>>, %arg5: memref<2x10240x128xf32, #tpu.memory_space<hbm>>, %arg6: memref<40x128xi32, #tpu.memory_space<vmem>>, %arg7: memref<40x128xi32, #tpu.memory_space<vmem>>, %arg8: memref<128x128xf32, #tpu.memory_space<vmem>>, %arg9: memref<128x128xf32, #tpu.memory_space<vmem>>, %arg10: memref<10240x128xf32, #tpu.memory_space<vmem_shared>>, %arg11: memref<!tpu.dma_semaphore, #tpu.memory_space<semaphore_mem>>, %arg12: memref<!tpu.dma_semaphore, #tpu.memory_space<semaphore_mem>>, %arg13: memref<!tpu.dma_semaphore, #tpu.memory_space<semaphore_mem>>) attributes {dimension_semantics = [#tpu.dimension_semantics<core_parallel>, #tpu.dimension_semantics<subcore_parallel>], iteration_bounds = array<i64: 2, 16>, scalar_prefetch = 0 : i64, scratch_operands = 8 : i64, tpu.core_type = #tpu.core_type<sc_vector_subcore>, window_params = [{transform_indices = #map}, {transform_indices = #map1}, {transform_indices = #map1}, {transform_indices = #map1}]} {
    %mul3A = arith.constant 2 : i32
    %mul3A_0 = arith.muli %arg1, %mul3A : i32
    %add3A = arith.addi %mul3A_0, %arg0 : i32
    %scan3A = arith.constant 0 : i32
    %scan3A_1 = arith.constant 0 : i32
    %scan3A_2 = arith.constant 128 : i32
    %scan3A_3 = arith.addi %scan3A_1, %scan3A_2 : i32
    %scan3A_4 = arith.constant 1 : i32
    scf.for %scan3A_160 = %scan3A_1 to %scan3A_3 step %scan3A_4  : i32 {
      %broadcast_in_dim3A = arith.constant 0.000000e+00 : f32
      %broadcast_in_dim3A_161 = vector.broadcast %broadcast_in_dim3A : f32 to vector<16xf32>
      %swap3A = arith.index_cast %scan3A_160 : i32 to index
      %swap3A_162 = arith.constant 0 : index
      %swap3A_163 = tpu.vector_load %arg9[%swap3A, %swap3A_162] {strides = array<i32>} : memref<128x128xf32, #tpu.memory_space<vmem>>, vector<1x16xf32>,
      %swap3A_164 = vector.shape_cast %swap3A_163 : vector<1x16xf32> to vector<16xf32>
      %swap3A_165 = vector.shape_cast %broadcast_in_dim3A_161 : vector<16xf32> to vector<1x16xf32>
      tpu.vector_store %arg9[%swap3A, %swap3A_162], %swap3A_165 {strides = array<i32>} : memref<128x128xf32, #tpu.memory_space<vmem>>, vector<1x16xf32>,
      %broadcast_in_dim3A_166 = arith.constant 0.000000e+00 : f32
      %broadcast_in_dim3A_167 = vector.broadcast %broadcast_in_dim3A_166 : f32 to vector<16xf32>
      %swap3A_168 = arith.index_cast %scan3A_160 : i32 to index
      %swap3A_169 = arith.constant 16 : index
      %swap3A_170 = tpu.vector_load %arg9[%swap3A_168, %swap3A_169] {strides = array<i32>} : memref<128x128xf32, #tpu.memory_space<vmem>>, vector<1x16xf32>,
      %swap3A_171 = vector.shape_cast %swap3A_170 : vector<1x16xf32> to vector<16xf32>
      %swap3A_172 = vector.shape_cast %broadcast_in_dim3A_167 : vector<16xf32> to vector<1x16xf32>
      tpu.vector_store %arg9[%swap3A_168, %swap3A_169], %swap3A_172 {strides = array<i32>} : memref<128x128xf32, #tpu.memory_space<vmem>>, vector<1x16xf32>,
      %broadcast_in_dim3A_173 = arith.constant 0.000000e+00 : f32
      %broadcast_in_dim3A_174 = vector.broadcast %broadcast_in_dim3A_173 : f32 to vector<16xf32>
      %swap3A_175 = arith.index_cast %scan3A_160 : i32 to index
      %swap3A_176 = arith.constant 32 : index
      %swap3A_177 = tpu.vector_load %arg9[%swap3A_175, %swap3A_176] {strides = array<i32>} : memref<128x128xf32, #tpu.memory_space<vmem>>, vector<1x16xf32>,
      %swap3A_178 = vector.shape_cast %swap3A_177 : vector<1x16xf32> to vector<16xf32>
      %swap3A_179 = vector.shape_cast %broadcast_in_dim3A_174 : vector<16xf32> to vector<1x16xf32>
      tpu.vector_store %arg9[%swap3A_175, %swap3A_176], %swap3A_179 {strides = array<i32>} : memref<128x128xf32, #tpu.memory_space<vmem>>, vector<1x16xf32>,
      %broadcast_in_dim3A_180 = arith.constant 0.000000e+00 : f32
      %broadcast_in_dim3A_181 = vector.broadcast %broadcast_in_dim3A_180 : f32 to vector<16xf32>
      %swap3A_182 = arith.index_cast %scan3A_160 : i32 to index
      %swap3A_183 = arith.constant 48 : index
      %swap3A_184 = tpu.vector_load %arg9[%swap3A_182, %swap3A_183] {strides = array<i32>} : memref<128x128xf32, #tpu.memory_space<vmem>>, vector<1x16xf32>,
      %swap3A_185 = vector.shape_cast %swap3A_184 : vector<1x16xf32> to vector<16xf32>
      %swap3A_186 = vector.shape_cast %broadcast_in_dim3A_181 : vector<16xf32> to vector<1x16xf32>
      tpu.vector_store %arg9[%swap3A_182, %swap3A_183], %swap3A_186 {strides = array<i32>} : memref<128x128xf32, #tpu.memory_space<vmem>>, vector<1x16xf32>,
      %broadcast_in_dim3A_187 = arith.constant 0.000000e+00 : f32
      %broadcast_in_dim3A_188 = vector.broadcast %broadcast_in_dim3A_187 : f32 to vector<16xf32>
      %swap3A_189 = arith.index_cast %scan3A_160 : i32 to index
      %swap3A_190 = arith.constant 64 : index
      %swap3A_191 = tpu.vector_load %arg9[%swap3A_189, %swap3A_190] {strides = array<i32>} : memref<128x128xf32, #tpu.memory_space<vmem>>, vector<1x16xf32>,
      %swap3A_192 = vector.shape_cast %swap3A_191 : vector<1x16xf32> to vector<16xf32>
      %swap3A_193 = vector.shape_cast %broadcast_in_dim3A_188 : vector<16xf32> to vector<1x16xf32>
      tpu.vector_store %arg9[%swap3A_189, %swap3A_190], %swap3A_193 {strides = array<i32>} : memref<128x128xf32, #tpu.memory_space<vmem>>, vector<1x16xf32>,
      %broadcast_in_dim3A_194 = arith.constant 0.000000e+00 : f32
      %broadcast_in_dim3A_195 = vector.broadcast %broadcast_in_dim3A_194 : f32 to vector<16xf32>
      %swap3A_196 = arith.index_cast %scan3A_160 : i32 to index
      %swap3A_197 = arith.constant 80 : index
      %swap3A_198 = tpu.vector_load %arg9[%swap3A_196, %swap3A_197] {strides = array<i32>} : memref<128x128xf32, #tpu.memory_space<vmem>>, vector<1x16xf32>,
      %swap3A_199 = vector.shape_cast %swap3A_198 : vector<1x16xf32> to vector<16xf32>
      %swap3A_200 = vector.shape_cast %broadcast_in_dim3A_195 : vector<16xf32> to vector<1x16xf32>
      tpu.vector_store %arg9[%swap3A_196, %swap3A_197], %swap3A_200 {strides = array<i32>} : memref<128x128xf32, #tpu.memory_space<vmem>>, vector<1x16xf32>,
      %broadcast_in_dim3A_201 = arith.constant 0.000000e+00 : f32
      %broadcast_in_dim3A_202 = vector.broadcast %broadcast_in_dim3A_201 : f32 to vector<16xf32>
      %swap3A_203 = arith.index_cast %scan3A_160 : i32 to index
      %swap3A_204 = arith.constant 96 : index
      %swap3A_205 = tpu.vector_load %arg9[%swap3A_203, %swap3A_204] {strides = array<i32>} : memref<128x128xf32, #tpu.memory_space<vmem>>, vector<1x16xf32>,
      %swap3A_206 = vector.shape_cast %swap3A_205 : vector<1x16xf32> to vector<16xf32>
      %swap3A_207 = vector.shape_cast %broadcast_in_dim3A_202 : vector<16xf32> to vector<1x16xf32>
      tpu.vector_store %arg9[%swap3A_203, %swap3A_204], %swap3A_207 {strides = array<i32>} : memref<128x128xf32, #tpu.memory_space<vmem>>, vector<1x16xf32>,
      %broadcast_in_dim3A_208 = arith.constant 0.000000e+00 : f32
      %broadcast_in_dim3A_209 = vector.broadcast %broadcast_in_dim3A_208 : f32 to vector<16xf32>
      %swap3A_210 = arith.index_cast %scan3A_160 : i32 to index
      %swap3A_211 = arith.constant 112 : index
      %swap3A_212 = tpu.vector_load %arg9[%swap3A_210, %swap3A_211] {strides = array<i32>} : memref<128x128xf32, #tpu.memory_space<vmem>>, vector<1x16xf32>,
      %swap3A_213 = vector.shape_cast %swap3A_212 : vector<1x16xf32> to vector<16xf32>
      %swap3A_214 = vector.shape_cast %broadcast_in_dim3A_209 : vector<16xf32> to vector<1x16xf32>
      tpu.vector_store %arg9[%swap3A_210, %swap3A_211], %swap3A_214 {strides = array<i32>} : memref<128x128xf32, #tpu.memory_space<vmem>>, vector<1x16xf32>,
    }
    %scan3A_5 = arith.constant 128 : i32
    %mul3A_6 = arith.constant 640 : i32
    %mul3A_7 = arith.muli %arg1, %mul3A_6 : i32
    %add3A_8 = arith.constant 0 : i32
    %add3A_9 = arith.addi %mul3A_7, %add3A_8 : i32
    %dma_start3A = arith.constant 0 : i32
    %dma_start3A_10 = tpu.memref_slice %arg10[%add3A_9, %dma_start3A] : memref<10240x128xf32, #tpu.memory_space<vmem_shared>> -> memref<128x128xf32, #tpu.memory_space<vmem_shared>>
    %dma_start3A_11 = arith.constant 0 : i32
    %dma_start3A_12 = tpu.memref_slice %arg10[%add3A_9, %dma_start3A_11] : memref<10240x128xf32, #tpu.memory_space<vmem_shared>> -> memref<128x128xf32, #tpu.memory_space<vmem_shared>>
    tpu.enqueue_dma source(%arg9 : memref<128x128xf32, #tpu.memory_space<vmem>>) target(%dma_start3A_12 : memref<128x128xf32, #tpu.memory_space<vmem_shared>>) target_semaphore(%arg13 : memref<!tpu.dma_semaphore, #tpu.memory_space<semaphore_mem>>)
    %mul3A_13 = arith.constant 640 : i32
    %mul3A_14 = arith.muli %arg1, %mul3A_13 : i32
    %add3A_15 = arith.constant 128 : i32
    %add3A_16 = arith.addi %mul3A_14, %add3A_15 : i32
    %dma_start3A_17 = arith.constant 0 : i32
    %dma_start3A_18 = tpu.memref_slice %arg10[%add3A_16, %dma_start3A_17] : memref<10240x128xf32, #tpu.memory_space<vmem_shared>> -> memref<128x128xf32, #tpu.memory_space<vmem_shared>>
    %dma_start3A_19 = arith.constant 0 : i32
    %dma_start3A_20 = tpu.memref_slice %arg10[%add3A_16, %dma_start3A_19] : memref<10240x128xf32, #tpu.memory_space<vmem_shared>> -> memref<128x128xf32, #tpu.memory_space<vmem_shared>>
    tpu.enqueue_dma source(%arg9 : memref<128x128xf32, #tpu.memory_space<vmem>>) target(%dma_start3A_20 : memref<128x128xf32, #tpu.memory_space<vmem_shared>>) target_semaphore(%arg13 : memref<!tpu.dma_semaphore, #tpu.memory_space<semaphore_mem>>)
    %mul3A_21 = arith.constant 640 : i32
    %mul3A_22 = arith.muli %arg1, %mul3A_21 : i32
    %add3A_23 = arith.constant 256 : i32
    %add3A_24 = arith.addi %mul3A_22, %add3A_23 : i32
    %dma_start3A_25 = arith.constant 0 : i32
    %dma_start3A_26 = tpu.memref_slice %arg10[%add3A_24, %dma_start3A_25] : memref<10240x128xf32, #tpu.memory_space<vmem_shared>> -> memref<128x128xf32, #tpu.memory_space<vmem_shared>>
    %dma_start3A_27 = arith.constant 0 : i32
    %dma_start3A_28 = tpu.memref_slice %arg10[%add3A_24, %dma_start3A_27] : memref<10240x128xf32, #tpu.memory_space<vmem_shared>> -> memref<128x128xf32, #tpu.memory_space<vmem_shared>>
    tpu.enqueue_dma source(%arg9 : memref<128x128xf32, #tpu.memory_space<vmem>>) target(%dma_start3A_28 : memref<128x128xf32, #tpu.memory_space<vmem_shared>>) target_semaphore(%arg13 : memref<!tpu.dma_semaphore, #tpu.memory_space<semaphore_mem>>)
    %mul3A_29 = arith.constant 640 : i32
    %mul3A_30 = arith.muli %arg1, %mul3A_29 : i32
    %add3A_31 = arith.constant 384 : i32
    %add3A_32 = arith.addi %mul3A_30, %add3A_31 : i32
    %dma_start3A_33 = arith.constant 0 : i32
    %dma_start3A_34 = tpu.memref_slice %arg10[%add3A_32, %dma_start3A_33] : memref<10240x128xf32, #tpu.memory_space<vmem_shared>> -> memref<128x128xf32, #tpu.memory_space<vmem_shared>>
    %dma_start3A_35 = arith.constant 0 : i32
    %dma_start3A_36 = tpu.memref_slice %arg10[%add3A_32, %dma_start3A_35] : memref<10240x128xf32, #tpu.memory_space<vmem_shared>> -> memref<128x128xf32, #tpu.memory_space<vmem_shared>>
    tpu.enqueue_dma source(%arg9 : memref<128x128xf32, #tpu.memory_space<vmem>>) target(%dma_start3A_36 : memref<128x128xf32, #tpu.memory_space<vmem_shared>>) target_semaphore(%arg13 : memref<!tpu.dma_semaphore, #tpu.memory_space<semaphore_mem>>)
    %mul3A_37 = arith.constant 640 : i32
    %mul3A_38 = arith.muli %arg1, %mul3A_37 : i32
    %add3A_39 = arith.constant 512 : i32
    %add3A_40 = arith.addi %mul3A_38, %add3A_39 : i32
    %dma_start3A_41 = arith.constant 0 : i32
    %dma_start3A_42 = tpu.memref_slice %arg10[%add3A_40, %dma_start3A_41] : memref<10240x128xf32, #tpu.memory_space<vmem_shared>> -> memref<128x128xf32, #tpu.memory_space<vmem_shared>>
    %dma_start3A_43 = arith.constant 0 : i32
    %dma_start3A_44 = tpu.memref_slice %arg10[%add3A_40, %dma_start3A_43] : memref<10240x128xf32, #tpu.memory_space<vmem_shared>> -> memref<128x128xf32, #tpu.memory_space<vmem_shared>>
    tpu.enqueue_dma source(%arg9 : memref<128x128xf32, #tpu.memory_space<vmem>>) target(%dma_start3A_44 : memref<128x128xf32, #tpu.memory_space<vmem_shared>>) target_semaphore(%arg13 : memref<!tpu.dma_semaphore, #tpu.memory_space<semaphore_mem>>)
    "tpu.region"() ({
      %run_scoped3A_160 = tpu.sem_alloc : memref<!tpu.dma_semaphore, #tpu.memory_space<semaphore_mem>>
      %dma_start3A_161 = arith.constant 0 : i32
      %dma_start3A_162 = arith.constant 0 : i32
      %dma_start3A_163 = tpu.memref_slice %arg3[%add3A, %dma_start3A_161, %dma_start3A_162] : memref<32x80x128xi32, #tpu.memory_space<hbm>> -> memref<1x40x128xi32, #tpu.memory_space<hbm>>
      %dma_start3A_164 = tpu.memref_squeeze %dma_start3A_163 : memref<1x40x128xi32, #tpu.memory_space<hbm>> -> memref<40x128xi32, #tpu.memory_space<hbm>>
      %dma_start3A_165 = arith.constant 0 : i32
      %dma_start3A_166 = arith.constant 0 : i32
      %dma_start3A_167 = tpu.memref_slice %arg3[%add3A, %dma_start3A_165, %dma_start3A_166] : memref<32x80x128xi32, #tpu.memory_space<hbm>> -> memref<1x40x128xi32, #tpu.memory_space<hbm>>
      %dma_start3A_168 = tpu.memref_squeeze %dma_start3A_167 : memref<1x40x128xi32, #tpu.memory_space<hbm>> -> memref<40x128xi32, #tpu.memory_space<hbm>>
      tpu.enqueue_dma source(%dma_start3A_168 : memref<40x128xi32, #tpu.memory_space<hbm>>) target(%arg6 : memref<40x128xi32, #tpu.memory_space<vmem>>) target_semaphore(%run_scoped3A_160 : memref<!tpu.dma_semaphore, #tpu.memory_space<semaphore_mem>>)
      %dma_wait3A_169 = arith.constant 0 : i32
      %dma_wait3A_170 = arith.constant 0 : i32
      %dma_wait3A_171 = tpu.memref_slice %arg3[%add3A, %dma_wait3A_169, %dma_wait3A_170] : memref<32x80x128xi32, #tpu.memory_space<hbm>> -> memref<1x40x128xi32, #tpu.memory_space<hbm>>
      %dma_wait3A_172 = tpu.memref_squeeze %dma_wait3A_171 : memref<1x40x128xi32, #tpu.memory_space<hbm>> -> memref<40x128xi32, #tpu.memory_space<hbm>>
      %dma_wait3A_173 = arith.constant 0 : i32
      %dma_wait3A_174 = arith.constant 0 : i32
      %dma_wait3A_175 = tpu.memref_slice %arg3[%add3A, %dma_wait3A_173, %dma_wait3A_174] : memref<32x80x128xi32, #tpu.memory_space<hbm>> -> memref<1x40x128xi32, #tpu.memory_space<hbm>>
      %dma_wait3A_176 = tpu.memref_squeeze %dma_wait3A_175 : memref<1x40x128xi32, #tpu.memory_space<hbm>> -> memref<40x128xi32, #tpu.memory_space<hbm>>
      tpu.wait_dma2 semaphore(%run_scoped3A_160 : memref<!tpu.dma_semaphore, #tpu.memory_space<semaphore_mem>>) src(%dma_wait3A_176 : memref<40x128xi32, #tpu.memory_space<hbm>>) dst(%arg6 : memref<40x128xi32, #tpu.memory_space<vmem>>)
      tpu.yield
    }) : () -> ()
    "tpu.region"() ({
      %run_scoped3A_160 = tpu.sem_alloc : memref<!tpu.dma_semaphore, #tpu.memory_space<semaphore_mem>>
      %dma_start3A_161 = arith.constant 0 : i32
      %dma_start3A_162 = arith.constant 0 : i32
      %dma_start3A_163 = tpu.memref_slice %arg4[%add3A, %dma_start3A_161, %dma_start3A_162] : memref<32x80x128xi32, #tpu.memory_space<hbm>> -> memref<1x40x128xi32, #tpu.memory_space<hbm>>
      %dma_start3A_164 = tpu.memref_squeeze %dma_start3A_163 : memref<1x40x128xi32, #tpu.memory_space<hbm>> -> memref<40x128xi32, #tpu.memory_space<hbm>>
      %dma_start3A_165 = arith.constant 0 : i32
      %dma_start3A_166 = arith.constant 0 : i32
      %dma_start3A_167 = tpu.memref_slice %arg4[%add3A, %dma_start3A_165, %dma_start3A_166] : memref<32x80x128xi32, #tpu.memory_space<hbm>> -> memref<1x40x128xi32, #tpu.memory_space<hbm>>
      %dma_start3A_168 = tpu.memref_squeeze %dma_start3A_167 : memref<1x40x128xi32, #tpu.memory_space<hbm>> -> memref<40x128xi32, #tpu.memory_space<hbm>>
      tpu.enqueue_dma source(%dma_start3A_168 : memref<40x128xi32, #tpu.memory_space<hbm>>) target(%arg7 : memref<40x128xi32, #tpu.memory_space<vmem>>) target_semaphore(%run_scoped3A_160 : memref<!tpu.dma_semaphore, #tpu.memory_space<semaphore_mem>>)
      %dma_wait3A_169 = arith.constant 0 : i32
      %dma_wait3A_170 = arith.constant 0 : i32
      %dma_wait3A_171 = tpu.memref_slice %arg4[%add3A, %dma_wait3A_169, %dma_wait3A_170] : memref<32x80x128xi32, #tpu.memory_space<hbm>> -> memref<1x40x128xi32, #tpu.memory_space<hbm>>
      %dma_wait3A_172 = tpu.memref_squeeze %dma_wait3A_171 : memref<1x40x128xi32, #tpu.memory_space<hbm>> -> memref<40x128xi32, #tpu.memory_space<hbm>>
      %dma_wait3A_173 = arith.constant 0 : i32
      %dma_wait3A_174 = arith.constant 0 : i32
      %dma_wait3A_175 = tpu.memref_slice %arg4[%add3A, %dma_wait3A_173, %dma_wait3A_174] : memref<32x80x128xi32, #tpu.memory_space<hbm>> -> memref<1x40x128xi32, #tpu.memory_space<hbm>>
      %dma_wait3A_176 = tpu.memref_squeeze %dma_wait3A_175 : memref<1x40x128xi32, #tpu.memory_space<hbm>> -> memref<40x128xi32, #tpu.memory_space<hbm>>
      tpu.wait_dma2 semaphore(%run_scoped3A_160 : memref<!tpu.dma_semaphore, #tpu.memory_space<semaphore_mem>>) src(%dma_wait3A_176 : memref<40x128xi32, #tpu.memory_space<hbm>>) dst(%arg7 : memref<40x128xi32, #tpu.memory_space<vmem>>)
      tpu.yield
    }) : () -> ()
    %dma_start3A_45 = arith.constant 0 : i32
    %dma_start3A_46 = arith.constant 0 : i32
    %dma_start3A_47 = tpu.memref_slice %arg6[%dma_start3A_45, %dma_start3A_46] : memref<40x128xi32, #tpu.memory_space<vmem>> -> memref<1x128xi32, #tpu.memory_space<vmem>>
    %dma_start3A_48 = tpu.memref_squeeze %dma_start3A_47 : memref<1x128xi32, #tpu.memory_space<vmem>> -> memref<128xi32, #tpu.memory_space<vmem>>
    %dma_start3A_49 = arith.constant 0 : i32
    %dma_start3A_50 = arith.constant 0 : i32
    %dma_start3A_51 = tpu.memref_slice %arg2[%dma_start3A_49, %dma_start3A_50] : memref<10000x128xf32, #tpu.memory_space<hbm>> -> memref<10000x128xf32, #tpu.memory_space<hbm>>
    tpu.enqueue_indirect_dma source(%dma_start3A_51 : memref<10000x128xf32, #tpu.memory_space<hbm>>) target(%arg8 : memref<128x128xf32, #tpu.memory_space<vmem>>) offsets(%dma_start3A_48 : memref<128xi32, #tpu.memory_space<vmem>>) semaphore(%arg11 : memref<!tpu.dma_semaphore, #tpu.memory_space<semaphore_mem>>)
    %mul3A_52 = arith.constant 640 : i32
    %mul3A_53 = arith.muli %arg1, %mul3A_52 : i32
    %add3A_54 = arith.constant 0 : i32
    %add3A_55 = arith.addi %mul3A_53, %add3A_54 : i32
    %dma_wait3A = arith.constant 0 : i32
    %dma_wait3A_56 = tpu.memref_slice %arg10[%add3A_55, %dma_wait3A] : memref<10240x128xf32, #tpu.memory_space<vmem_shared>> -> memref<128x128xf32, #tpu.memory_space<vmem_shared>>
    %dma_wait3A_57 = arith.constant 0 : i32
    %dma_wait3A_58 = tpu.memref_slice %arg10[%add3A_55, %dma_wait3A_57] : memref<10240x128xf32, #tpu.memory_space<vmem_shared>> -> memref<128x128xf32, #tpu.memory_space<vmem_shared>>
    tpu.wait_dma2 semaphore(%arg13 : memref<!tpu.dma_semaphore, #tpu.memory_space<semaphore_mem>>) src(%arg9 : memref<128x128xf32, #tpu.memory_space<vmem>>) dst(%dma_wait3A_58 : memref<128x128xf32, #tpu.memory_space<vmem_shared>>)
    %mul3A_59 = arith.constant 640 : i32
    %mul3A_60 = arith.muli %arg1, %mul3A_59 : i32
    %add3A_61 = arith.constant 128 : i32
    %add3A_62 = arith.addi %mul3A_60, %add3A_61 : i32
    %dma_wait3A_63 = arith.constant 0 : i32
    %dma_wait3A_64 = tpu.memref_slice %arg10[%add3A_62, %dma_wait3A_63] : memref<10240x128xf32, #tpu.memory_space<vmem_shared>> -> memref<128x128xf32, #tpu.memory_space<vmem_shared>>
    %dma_wait3A_65 = arith.constant 0 : i32
    %dma_wait3A_66 = tpu.memref_slice %arg10[%add3A_62, %dma_wait3A_65] : memref<10240x128xf32, #tpu.memory_space<vmem_shared>> -> memref<128x128xf32, #tpu.memory_space<vmem_shared>>
    tpu.wait_dma2 semaphore(%arg13 : memref<!tpu.dma_semaphore, #tpu.memory_space<semaphore_mem>>) src(%arg9 : memref<128x128xf32, #tpu.memory_space<vmem>>) dst(%dma_wait3A_66 : memref<128x128xf32, #tpu.memory_space<vmem_shared>>)
    %mul3A_67 = arith.constant 640 : i32
    %mul3A_68 = arith.muli %arg1, %mul3A_67 : i32
    %add3A_69 = arith.constant 256 : i32
    %add3A_70 = arith.addi %mul3A_68, %add3A_69 : i32
    %dma_wait3A_71 = arith.constant 0 : i32
    %dma_wait3A_72 = tpu.memref_slice %arg10[%add3A_70, %dma_wait3A_71] : memref<10240x128xf32, #tpu.memory_space<vmem_shared>> -> memref<128x128xf32, #tpu.memory_space<vmem_shared>>
    %dma_wait3A_73 = arith.constant 0 : i32
    %dma_wait3A_74 = tpu.memref_slice %arg10[%add3A_70, %dma_wait3A_73] : memref<10240x128xf32, #tpu.memory_space<vmem_shared>> -> memref<128x128xf32, #tpu.memory_space<vmem_shared>>
    tpu.wait_dma2 semaphore(%arg13 : memref<!tpu.dma_semaphore, #tpu.memory_space<semaphore_mem>>) src(%arg9 : memref<128x128xf32, #tpu.memory_space<vmem>>) dst(%dma_wait3A_74 : memref<128x128xf32, #tpu.memory_space<vmem_shared>>)
    %mul3A_75 = arith.constant 640 : i32
    %mul3A_76 = arith.muli %arg1, %mul3A_75 : i32
    %add3A_77 = arith.constant 384 : i32
    %add3A_78 = arith.addi %mul3A_76, %add3A_77 : i32
    %dma_wait3A_79 = arith.constant 0 : i32
    %dma_wait3A_80 = tpu.memref_slice %arg10[%add3A_78, %dma_wait3A_79] : memref<10240x128xf32, #tpu.memory_space<vmem_shared>> -> memref<128x128xf32, #tpu.memory_space<vmem_shared>>
    %dma_wait3A_81 = arith.constant 0 : i32
    %dma_wait3A_82 = tpu.memref_slice %arg10[%add3A_78, %dma_wait3A_81] : memref<10240x128xf32, #tpu.memory_space<vmem_shared>> -> memref<128x128xf32, #tpu.memory_space<vmem_shared>>
    tpu.wait_dma2 semaphore(%arg13 : memref<!tpu.dma_semaphore, #tpu.memory_space<semaphore_mem>>) src(%arg9 : memref<128x128xf32, #tpu.memory_space<vmem>>) dst(%dma_wait3A_82 : memref<128x128xf32, #tpu.memory_space<vmem_shared>>)
    %mul3A_83 = arith.constant 640 : i32
    %mul3A_84 = arith.muli %arg1, %mul3A_83 : i32
    %add3A_85 = arith.constant 512 : i32
    %add3A_86 = arith.addi %mul3A_84, %add3A_85 : i32
    %dma_wait3A_87 = arith.constant 0 : i32
    %dma_wait3A_88 = tpu.memref_slice %arg10[%add3A_86, %dma_wait3A_87] : memref<10240x128xf32, #tpu.memory_space<vmem_shared>> -> memref<128x128xf32, #tpu.memory_space<vmem_shared>>
    %dma_wait3A_89 = arith.constant 0 : i32
    %dma_wait3A_90 = tpu.memref_slice %arg10[%add3A_86, %dma_wait3A_89] : memref<10240x128xf32, #tpu.memory_space<vmem_shared>> -> memref<128x128xf32, #tpu.memory_space<vmem_shared>>
    tpu.wait_dma2 semaphore(%arg13 : memref<!tpu.dma_semaphore, #tpu.memory_space<semaphore_mem>>) src(%arg9 : memref<128x128xf32, #tpu.memory_space<vmem>>) dst(%dma_wait3A_90 : memref<128x128xf32, #tpu.memory_space<vmem_shared>>)
    %barrier3A = arith.constant 0 : index
    tpu.barrier barrier_id(%barrier3A)
    %scan3A_91 = arith.constant 0 : i32
    %scan3A_92 = arith.constant 0 : i32
    %scan3A_93 = arith.constant 19 : i32
    %scan3A_94 = arith.addi %scan3A_92, %scan3A_93 : i32
    %scan3A_95 = arith.constant 1 : i32
    scf.for %scan3A_160 = %scan3A_92 to %scan3A_94 step %scan3A_95  : i32 {
      %mul3A_161 = arith.constant 2 : i32
      %mul3A_162 = arith.muli %mul3A_161, %scan3A_160 : i32
      %add3A_163 = arith.constant 1 : i32
      %add3A_164 = arith.addi %mul3A_162, %add3A_163 : i32
      %dma_start3A_165 = arith.constant 0 : i32
      %dma_start3A_166 = tpu.memref_slice %arg6[%add3A_164, %dma_start3A_165] : memref<40x128xi32, #tpu.memory_space<vmem>> -> memref<1x128xi32, #tpu.memory_space<vmem>>
      %dma_start3A_167 = tpu.memref_squeeze %dma_start3A_166 : memref<1x128xi32, #tpu.memory_space<vmem>> -> memref<128xi32, #tpu.memory_space<vmem>>
      %dma_start3A_168 = arith.constant 0 : i32
      %dma_start3A_169 = arith.constant 0 : i32
      %dma_start3A_170 = tpu.memref_slice %arg2[%dma_start3A_168, %dma_start3A_169] : memref<10000x128xf32, #tpu.memory_space<hbm>> -> memref<10000x128xf32, #tpu.memory_space<hbm>>
      tpu.enqueue_indirect_dma source(%dma_start3A_170 : memref<10000x128xf32, #tpu.memory_space<hbm>>) target(%arg9 : memref<128x128xf32, #tpu.memory_space<vmem>>) offsets(%dma_start3A_167 : memref<128xi32, #tpu.memory_space<vmem>>) semaphore(%arg12 : memref<!tpu.dma_semaphore, #tpu.memory_space<semaphore_mem>>)
      %dma_wait3A_171 = arith.constant 0 : i32
      %dma_wait3A_172 = tpu.memref_slice %arg6[%mul3A_162, %dma_wait3A_171] : memref<40x128xi32, #tpu.memory_space<vmem>> -> memref<1x128xi32, #tpu.memory_space<vmem>>
      %dma_wait3A_173 = tpu.memref_squeeze %dma_wait3A_172 : memref<1x128xi32, #tpu.memory_space<vmem>> -> memref<128xi32, #tpu.memory_space<vmem>>
      %dma_wait3A_174 = arith.constant 0 : i32
      %dma_wait3A_175 = arith.constant 0 : i32
      %dma_wait3A_176 = tpu.memref_slice %arg2[%dma_wait3A_174, %dma_wait3A_175] : memref<10000x128xf32, #tpu.memory_space<hbm>> -> memref<10000x128xf32, #tpu.memory_space<hbm>>
      tpu.wait_indirect_dma semaphore(%arg11 : memref<!tpu.dma_semaphore, #tpu.memory_space<semaphore_mem>>) src(%dma_wait3A_176 : memref<10000x128xf32, #tpu.memory_space<hbm>>) dst(%arg8 : memref<128x128xf32, #tpu.memory_space<vmem>>)
      "tpu.region"() ({
        %run_scoped3A_195 = tpu.sem_alloc : memref<!tpu.dma_semaphore, #tpu.memory_space<semaphore_mem>>
        %dma_start3A_196 = arith.constant 0 : i32
        %dma_start3A_197 = tpu.memref_slice %arg7[%mul3A_162, %dma_start3A_196] : memref<40x128xi32, #tpu.memory_space<vmem>> -> memref<1x128xi32, #tpu.memory_space<vmem>>
        %dma_start3A_198 = tpu.memref_squeeze %dma_start3A_197 : memref<1x128xi32, #tpu.memory_space<vmem>> -> memref<128xi32, #tpu.memory_space<vmem>>
        %dma_start3A_199 = arith.constant 0 : i32
        %dma_start3A_200 = arith.constant 0 : i32
        %dma_start3A_201 = tpu.memref_slice %arg10[%dma_start3A_199, %dma_start3A_200] : memref<10240x128xf32, #tpu.memory_space<vmem_shared>> -> memref<10240x128xf32, #tpu.memory_space<vmem_shared>>
        tpu.enqueue_indirect_dma source(%arg8 : memref<128x128xf32, #tpu.memory_space<vmem>>) target(%dma_start3A_201 : memref<10240x128xf32, #tpu.memory_space<vmem_shared>>) offsets(%dma_start3A_198 : memref<128xi32, #tpu.memory_space<vmem>>) semaphore(%run_scoped3A_195 : memref<!tpu.dma_semaphore, #tpu.memory_space<semaphore_mem>>) {add = true}
        %dma_wait3A_202 = arith.constant 0 : i32
        %dma_wait3A_203 = tpu.memref_slice %arg7[%mul3A_162, %dma_wait3A_202] : memref<40x128xi32, #tpu.memory_space<vmem>> -> memref<1x128xi32, #tpu.memory_space<vmem>>
        %dma_wait3A_204 = tpu.memref_squeeze %dma_wait3A_203 : memref<1x128xi32, #tpu.memory_space<vmem>> -> memref<128xi32, #tpu.memory_space<vmem>>
        %dma_wait3A_205 = arith.constant 0 : i32
        %dma_wait3A_206 = arith.constant 0 : i32
        %dma_wait3A_207 = tpu.memref_slice %arg10[%dma_wait3A_205, %dma_wait3A_206] : memref<10240x128xf32, #tpu.memory_space<vmem_shared>> -> memref<10240x128xf32, #tpu.memory_space<vmem_shared>>
        tpu.wait_indirect_dma semaphore(%run_scoped3A_195 : memref<!tpu.dma_semaphore, #tpu.memory_space<semaphore_mem>>) src(%arg8 : memref<128x128xf32, #tpu.memory_space<vmem>>) dst(%dma_wait3A_207 : memref<10240x128xf32, #tpu.memory_space<vmem_shared>>)
        tpu.yield
      }) : () -> ()
      %add3A_177 = arith.constant 2 : i32
      %add3A_178 = arith.addi %mul3A_162, %add3A_177 : i32
      %dma_start3A_179 = arith.constant 0 : i32
      %dma_start3A_180 = tpu.memref_slice %arg6[%add3A_178, %dma_start3A_179] : memref<40x128xi32, #tpu.memory_space<vmem>> -> memref<1x128xi32, #tpu.memory_space<vmem>>
      %dma_start3A_181 = tpu.memref_squeeze %dma_start3A_180 : memref<1x128xi32, #tpu.memory_space<vmem>> -> memref<128xi32, #tpu.memory_space<vmem>>
      %dma_start3A_182 = arith.constant 0 : i32
      %dma_start3A_183 = arith.constant 0 : i32
      %dma_start3A_184 = tpu.memref_slice %arg2[%dma_start3A_182, %dma_start3A_183] : memref<10000x128xf32, #tpu.memory_space<hbm>> -> memref<10000x128xf32, #tpu.memory_space<hbm>>
      tpu.enqueue_indirect_dma source(%dma_start3A_184 : memref<10000x128xf32, #tpu.memory_space<hbm>>) target(%arg8 : memref<128x128xf32, #tpu.memory_space<vmem>>) offsets(%dma_start3A_181 : memref<128xi32, #tpu.memory_space<vmem>>) semaphore(%arg11 : memref<!tpu.dma_semaphore, #tpu.memory_space<semaphore_mem>>)
      %add3A_185 = arith.constant 1 : i32
      %add3A_186 = arith.addi %mul3A_162, %add3A_185 : i32
      %dma_wait3A_187 = arith.constant 0 : i32
      %dma_wait3A_188 = tpu.memref_slice %arg6[%add3A_186, %dma_wait3A_187] : memref<40x128xi32, #tpu.memory_space<vmem>> -> memref<1x128xi32, #tpu.memory_space<vmem>>
      %dma_wait3A_189 = tpu.memref_squeeze %dma_wait3A_188 : memref<1x128xi32, #tpu.memory_space<vmem>> -> memref<128xi32, #tpu.memory_space<vmem>>
      %dma_wait3A_190 = arith.constant 0 : i32
      %dma_wait3A_191 = arith.constant 0 : i32
      %dma_wait3A_192 = tpu.memref_slice %arg2[%dma_wait3A_190, %dma_wait3A_191] : memref<10000x128xf32, #tpu.memory_space<hbm>> -> memref<10000x128xf32, #tpu.memory_space<hbm>>
      tpu.wait_indirect_dma semaphore(%arg12 : memref<!tpu.dma_semaphore, #tpu.memory_space<semaphore_mem>>) src(%dma_wait3A_192 : memref<10000x128xf32, #tpu.memory_space<hbm>>) dst(%arg9 : memref<128x128xf32, #tpu.memory_space<vmem>>)
      %add3A_193 = arith.constant 1 : i32
      %add3A_194 = arith.addi %mul3A_162, %add3A_193 : i32
      "tpu.region"() ({
        %run_scoped3A_195 = tpu.sem_alloc : memref<!tpu.dma_semaphore, #tpu.memory_space<semaphore_mem>>
        %dma_start3A_196 = arith.constant 0 : i32
        %dma_start3A_197 = tpu.memref_slice %arg7[%add3A_194, %dma_start3A_196] : memref<40x128xi32, #tpu.memory_space<vmem>> -> memref<1x128xi32, #tpu.memory_space<vmem>>
        %dma_start3A_198 = tpu.memref_squeeze %dma_start3A_197 : memref<1x128xi32, #tpu.memory_space<vmem>> -> memref<128xi32, #tpu.memory_space<vmem>>
        %dma_start3A_199 = arith.constant 0 : i32
        %dma_start3A_200 = arith.constant 0 : i32
        %dma_start3A_201 = tpu.memref_slice %arg10[%dma_start3A_199, %dma_start3A_200] : memref<10240x128xf32, #tpu.memory_space<vmem_shared>> -> memref<10240x128xf32, #tpu.memory_space<vmem_shared>>
        tpu.enqueue_indirect_dma source(%arg9 : memref<128x128xf32, #tpu.memory_space<vmem>>) target(%dma_start3A_201 : memref<10240x128xf32, #tpu.memory_space<vmem_shared>>) offsets(%dma_start3A_198 : memref<128xi32, #tpu.memory_space<vmem>>) semaphore(%run_scoped3A_195 : memref<!tpu.dma_semaphore, #tpu.memory_space<semaphore_mem>>) {add = true}
        %dma_wait3A_202 = arith.constant 0 : i32
        %dma_wait3A_203 = tpu.memref_slice %arg7[%add3A_194, %dma_wait3A_202] : memref<40x128xi32, #tpu.memory_space<vmem>> -> memref<1x128xi32, #tpu.memory_space<vmem>>
        %dma_wait3A_204 = tpu.memref_squeeze %dma_wait3A_203 : memref<1x128xi32, #tpu.memory_space<vmem>> -> memref<128xi32, #tpu.memory_space<vmem>>
        %dma_wait3A_205 = arith.constant 0 : i32
        %dma_wait3A_206 = arith.constant 0 : i32
        %dma_wait3A_207 = tpu.memref_slice %arg10[%dma_wait3A_205, %dma_wait3A_206] : memref<10240x128xf32, #tpu.memory_space<vmem_shared>> -> memref<10240x128xf32, #tpu.memory_space<vmem_shared>>
        tpu.wait_indirect_dma semaphore(%run_scoped3A_195 : memref<!tpu.dma_semaphore, #tpu.memory_space<semaphore_mem>>) src(%arg9 : memref<128x128xf32, #tpu.memory_space<vmem>>) dst(%dma_wait3A_207 : memref<10240x128xf32, #tpu.memory_space<vmem_shared>>)
        tpu.yield
      }) : () -> ()
    }
    %scan3A_96 = arith.constant 19 : i32
    %dma_start3A_97 = arith.constant 39 : i32
    %dma_start3A_98 = arith.constant 0 : i32
    %dma_start3A_99 = tpu.memref_slice %arg6[%dma_start3A_97, %dma_start3A_98] : memref<40x128xi32, #tpu.memory_space<vmem>> -> memref<1x128xi32, #tpu.memory_space<vmem>>
    %dma_start3A_100 = tpu.memref_squeeze %dma_start3A_99 : memref<1x128xi32, #tpu.memory_space<vmem>> -> memref<128xi32, #tpu.memory_space<vmem>>
    %dma_start3A_101 = arith.constant 0 : i32
    %dma_start3A_102 = arith.constant 0 : i32
    %dma_start3A_103 = tpu.memref_slice %arg2[%dma_start3A_101, %dma_start3A_102] : memref<10000x128xf32, #tpu.memory_space<hbm>> -> memref<10000x128xf32, #tpu.memory_space<hbm>>
    tpu.enqueue_indirect_dma source(%dma_start3A_103 : memref<10000x128xf32, #tpu.memory_space<hbm>>) target(%arg9 : memref<128x128xf32, #tpu.memory_space<vmem>>) offsets(%dma_start3A_100 : memref<128xi32, #tpu.memory_space<vmem>>) semaphore(%arg12 : memref<!tpu.dma_semaphore, #tpu.memory_space<semaphore_mem>>)
    %dma_wait3A_104 = arith.constant 38 : i32
    %dma_wait3A_105 = arith.constant 0 : i32
    %dma_wait3A_106 = tpu.memref_slice %arg6[%dma_wait3A_104, %dma_wait3A_105] : memref<40x128xi32, #tpu.memory_space<vmem>> -> memref<1x128xi32, #tpu.memory_space<vmem>>
    %dma_wait3A_107 = tpu.memref_squeeze %dma_wait3A_106 : memref<1x128xi32, #tpu.memory_space<vmem>> -> memref<128xi32, #tpu.memory_space<vmem>>
    %dma_wait3A_108 = arith.constant 0 : i32
    %dma_wait3A_109 = arith.constant 0 : i32
    %dma_wait3A_110 = tpu.memref_slice %arg2[%dma_wait3A_108, %dma_wait3A_109] : memref<10000x128xf32, #tpu.memory_space<hbm>> -> memref<10000x128xf32, #tpu.memory_space<hbm>>
    tpu.wait_indirect_dma semaphore(%arg11 : memref<!tpu.dma_semaphore, #tpu.memory_space<semaphore_mem>>) src(%dma_wait3A_110 : memref<10000x128xf32, #tpu.memory_space<hbm>>) dst(%arg8 : memref<128x128xf32, #tpu.memory_space<vmem>>)
    %run_scoped3A = arith.constant 38 : i32
    "tpu.region"() ({
      %run_scoped3A_160 = tpu.sem_alloc : memref<!tpu.dma_semaphore, #tpu.memory_space<semaphore_mem>>
      %dma_start3A_161 = arith.constant 0 : i32
      %dma_start3A_162 = tpu.memref_slice %arg7[%run_scoped3A, %dma_start3A_161] : memref<40x128xi32, #tpu.memory_space<vmem>> -> memref<1x128xi32, #tpu.memory_space<vmem>>
      %dma_start3A_163 = tpu.memref_squeeze %dma_start3A_162 : memref<1x128xi32, #tpu.memory_space<vmem>> -> memref<128xi32, #tpu.memory_space<vmem>>
      %dma_start3A_164 = arith.constant 0 : i32
      %dma_start3A_165 = arith.constant 0 : i32
      %dma_start3A_166 = tpu.memref_slice %arg10[%dma_start3A_164, %dma_start3A_165] : memref<10240x128xf32, #tpu.memory_space<vmem_shared>> -> memref<10240x128xf32, #tpu.memory_space<vmem_shared>>
      tpu.enqueue_indirect_dma source(%arg8 : memref<128x128xf32, #tpu.memory_space<vmem>>) target(%dma_start3A_166 : memref<10240x128xf32, #tpu.memory_space<vmem_shared>>) offsets(%dma_start3A_163 : memref<128xi32, #tpu.memory_space<vmem>>) semaphore(%run_scoped3A_160 : memref<!tpu.dma_semaphore, #tpu.memory_space<semaphore_mem>>) {add = true}
      %dma_wait3A_167 = arith.constant 0 : i32
      %dma_wait3A_168 = tpu.memref_slice %arg7[%run_scoped3A, %dma_wait3A_167] : memref<40x128xi32, #tpu.memory_space<vmem>> -> memref<1x128xi32, #tpu.memory_space<vmem>>
      %dma_wait3A_169 = tpu.memref_squeeze %dma_wait3A_168 : memref<1x128xi32, #tpu.memory_space<vmem>> -> memref<128xi32, #tpu.memory_space<vmem>>
      %dma_wait3A_170 = arith.constant 0 : i32
      %dma_wait3A_171 = arith.constant 0 : i32
      %dma_wait3A_172 = tpu.memref_slice %arg10[%dma_wait3A_170, %dma_wait3A_171] : memref<10240x128xf32, #tpu.memory_space<vmem_shared>> -> memref<10240x128xf32, #tpu.memory_space<vmem_shared>>
      tpu.wait_indirect_dma semaphore(%run_scoped3A_160 : memref<!tpu.dma_semaphore, #tpu.memory_space<semaphore_mem>>) src(%arg8 : memref<128x128xf32, #tpu.memory_space<vmem>>) dst(%dma_wait3A_172 : memref<10240x128xf32, #tpu.memory_space<vmem_shared>>)
      tpu.yield
    }) : () -> ()
    %dma_wait3A_111 = arith.constant 39 : i32
    %dma_wait3A_112 = arith.constant 0 : i32
    %dma_wait3A_113 = tpu.memref_slice %arg6[%dma_wait3A_111, %dma_wait3A_112] : memref<40x128xi32, #tpu.memory_space<vmem>> -> memref<1x128xi32, #tpu.memory_space<vmem>>
    %dma_wait3A_114 = tpu.memref_squeeze %dma_wait3A_113 : memref<1x128xi32, #tpu.memory_space<vmem>> -> memref<128xi32, #tpu.memory_space<vmem>>
    %dma_wait3A_115 = arith.constant 0 : i32
    %dma_wait3A_116 = arith.constant 0 : i32
    %dma_wait3A_117 = tpu.memref_slice %arg2[%dma_wait3A_115, %dma_wait3A_116] : memref<10000x128xf32, #tpu.memory_space<hbm>> -> memref<10000x128xf32, #tpu.memory_space<hbm>>
    tpu.wait_indirect_dma semaphore(%arg12 : memref<!tpu.dma_semaphore, #tpu.memory_space<semaphore_mem>>) src(%dma_wait3A_117 : memref<10000x128xf32, #tpu.memory_space<hbm>>) dst(%arg9 : memref<128x128xf32, #tpu.memory_space<vmem>>)
    %run_scoped3A_118 = arith.constant 39 : i32
    "tpu.region"() ({
      %run_scoped3A_160 = tpu.sem_alloc : memref<!tpu.dma_semaphore, #tpu.memory_space<semaphore_mem>>
      %dma_start3A_161 = arith.constant 0 : i32
      %dma_start3A_162 = tpu.memref_slice %arg7[%run_scoped3A_118, %dma_start3A_161] : memref<40x128xi32, #tpu.memory_space<vmem>> -> memref<1x128xi32, #tpu.memory_space<vmem>>
      %dma_start3A_163 = tpu.memref_squeeze %dma_start3A_162 : memref<1x128xi32, #tpu.memory_space<vmem>> -> memref<128xi32, #tpu.memory_space<vmem>>
      %dma_start3A_164 = arith.constant 0 : i32
      %dma_start3A_165 = arith.constant 0 : i32
      %dma_start3A_166 = tpu.memref_slice %arg10[%dma_start3A_164, %dma_start3A_165] : memref<10240x128xf32, #tpu.memory_space<vmem_shared>> -> memref<10240x128xf32, #tpu.memory_space<vmem_shared>>
      tpu.enqueue_indirect_dma source(%arg9 : memref<128x128xf32, #tpu.memory_space<vmem>>) target(%dma_start3A_166 : memref<10240x128xf32, #tpu.memory_space<vmem_shared>>) offsets(%dma_start3A_163 : memref<128xi32, #tpu.memory_space<vmem>>) semaphore(%run_scoped3A_160 : memref<!tpu.dma_semaphore, #tpu.memory_space<semaphore_mem>>) {add = true}
      %dma_wait3A_167 = arith.constant 0 : i32
      %dma_wait3A_168 = tpu.memref_slice %arg7[%run_scoped3A_118, %dma_wait3A_167] : memref<40x128xi32, #tpu.memory_space<vmem>> -> memref<1x128xi32, #tpu.memory_space<vmem>>
      %dma_wait3A_169 = tpu.memref_squeeze %dma_wait3A_168 : memref<1x128xi32, #tpu.memory_space<vmem>> -> memref<128xi32, #tpu.memory_space<vmem>>
      %dma_wait3A_170 = arith.constant 0 : i32
      %dma_wait3A_171 = arith.constant 0 : i32
      %dma_wait3A_172 = tpu.memref_slice %arg10[%dma_wait3A_170, %dma_wait3A_171] : memref<10240x128xf32, #tpu.memory_space<vmem_shared>> -> memref<10240x128xf32, #tpu.memory_space<vmem_shared>>
      tpu.wait_indirect_dma semaphore(%run_scoped3A_160 : memref<!tpu.dma_semaphore, #tpu.memory_space<semaphore_mem>>) src(%arg9 : memref<128x128xf32, #tpu.memory_space<vmem>>) dst(%dma_wait3A_172 : memref<10240x128xf32, #tpu.memory_space<vmem_shared>>)
      tpu.yield
    }) : () -> ()
    "tpu.region"() ({
      %run_scoped3A_160 = tpu.sem_alloc : memref<!tpu.dma_semaphore, #tpu.memory_space<semaphore_mem>>
      %dma_start3A_161 = arith.constant 40 : i32
      %dma_start3A_162 = arith.constant 0 : i32
      %dma_start3A_163 = tpu.memref_slice %arg3[%add3A, %dma_start3A_161, %dma_start3A_162] : memref<32x80x128xi32, #tpu.memory_space<hbm>> -> memref<1x40x128xi32, #tpu.memory_space<hbm>>
      %dma_start3A_164 = tpu.memref_squeeze %dma_start3A_163 : memref<1x40x128xi32, #tpu.memory_space<hbm>> -> memref<40x128xi32, #tpu.memory_space<hbm>>
      %dma_start3A_165 = arith.constant 40 : i32
      %dma_start3A_166 = arith.constant 0 : i32
      %dma_start3A_167 = tpu.memref_slice %arg3[%add3A, %dma_start3A_165, %dma_start3A_166] : memref<32x80x128xi32, #tpu.memory_space<hbm>> -> memref<1x40x128xi32, #tpu.memory_space<hbm>>
      %dma_start3A_168 = tpu.memref_squeeze %dma_start3A_167 : memref<1x40x128xi32, #tpu.memory_space<hbm>> -> memref<40x128xi32, #tpu.memory_space<hbm>>
      tpu.enqueue_dma source(%dma_start3A_168 : memref<40x128xi32, #tpu.memory_space<hbm>>) target(%arg6 : memref<40x128xi32, #tpu.memory_space<vmem>>) target_semaphore(%run_scoped3A_160 : memref<!tpu.dma_semaphore, #tpu.memory_space<semaphore_mem>>)
      %dma_wait3A_169 = arith.constant 40 : i32
      %dma_wait3A_170 = arith.constant 0 : i32
      %dma_wait3A_171 = tpu.memref_slice %arg3[%add3A, %dma_wait3A_169, %dma_wait3A_170] : memref<32x80x128xi32, #tpu.memory_space<hbm>> -> memref<1x40x128xi32, #tpu.memory_space<hbm>>
      %dma_wait3A_172 = tpu.memref_squeeze %dma_wait3A_171 : memref<1x40x128xi32, #tpu.memory_space<hbm>> -> memref<40x128xi32, #tpu.memory_space<hbm>>
      %dma_wait3A_173 = arith.constant 40 : i32
      %dma_wait3A_174 = arith.constant 0 : i32
      %dma_wait3A_175 = tpu.memref_slice %arg3[%add3A, %dma_wait3A_173, %dma_wait3A_174] : memref<32x80x128xi32, #tpu.memory_space<hbm>> -> memref<1x40x128xi32, #tpu.memory_space<hbm>>
      %dma_wait3A_176 = tpu.memref_squeeze %dma_wait3A_175 : memref<1x40x128xi32, #tpu.memory_space<hbm>> -> memref<40x128xi32, #tpu.memory_space<hbm>>
      tpu.wait_dma2 semaphore(%run_scoped3A_160 : memref<!tpu.dma_semaphore, #tpu.memory_space<semaphore_mem>>) src(%dma_wait3A_176 : memref<40x128xi32, #tpu.memory_space<hbm>>) dst(%arg6 : memref<40x128xi32, #tpu.memory_space<vmem>>)
      tpu.yield
    }) : () -> ()
    "tpu.region"() ({
      %run_scoped3A_160 = tpu.sem_alloc : memref<!tpu.dma_semaphore, #tpu.memory_space<semaphore_mem>>
      %dma_start3A_161 = arith.constant 40 : i32
      %dma_start3A_162 = arith.constant 0 : i32
      %dma_start3A_163 = tpu.memref_slice %arg4[%add3A, %dma_start3A_161, %dma_start3A_162] : memref<32x80x128xi32, #tpu.memory_space<hbm>> -> memref<1x40x128xi32, #tpu.memory_space<hbm>>
      %dma_start3A_164 = tpu.memref_squeeze %dma_start3A_163 : memref<1x40x128xi32, #tpu.memory_space<hbm>> -> memref<40x128xi32, #tpu.memory_space<hbm>>
      %dma_start3A_165 = arith.constant 40 : i32
      %dma_start3A_166 = arith.constant 0 : i32
      %dma_start3A_167 = tpu.memref_slice %arg4[%add3A, %dma_start3A_165, %dma_start3A_166] : memref<32x80x128xi32, #tpu.memory_space<hbm>> -> memref<1x40x128xi32, #tpu.memory_space<hbm>>
      %dma_start3A_168 = tpu.memref_squeeze %dma_start3A_167 : memref<1x40x128xi32, #tpu.memory_space<hbm>> -> memref<40x128xi32, #tpu.memory_space<hbm>>
      tpu.enqueue_dma source(%dma_start3A_168 : memref<40x128xi32, #tpu.memory_space<hbm>>) target(%arg7 : memref<40x128xi32, #tpu.memory_space<vmem>>) target_semaphore(%run_scoped3A_160 : memref<!tpu.dma_semaphore, #tpu.memory_space<semaphore_mem>>)
      %dma_wait3A_169 = arith.constant 40 : i32
      %dma_wait3A_170 = arith.constant 0 : i32
      %dma_wait3A_171 = tpu.memref_slice %arg4[%add3A, %dma_wait3A_169, %dma_wait3A_170] : memref<32x80x128xi32, #tpu.memory_space<hbm>> -> memref<1x40x128xi32, #tpu.memory_space<hbm>>
      %dma_wait3A_172 = tpu.memref_squeeze %dma_wait3A_171 : memref<1x40x128xi32, #tpu.memory_space<hbm>> -> memref<40x128xi32, #tpu.memory_space<hbm>>
      %dma_wait3A_173 = arith.constant 40 : i32
      %dma_wait3A_174 = arith.constant 0 : i32
      %dma_wait3A_175 = tpu.memref_slice %arg4[%add3A, %dma_wait3A_173, %dma_wait3A_174] : memref<32x80x128xi32, #tpu.memory_space<hbm>> -> memref<1x40x128xi32, #tpu.memory_space<hbm>>
      %dma_wait3A_176 = tpu.memref_squeeze %dma_wait3A_175 : memref<1x40x128xi32, #tpu.memory_space<hbm>> -> memref<40x128xi32, #tpu.memory_space<hbm>>
      tpu.wait_dma2 semaphore(%run_scoped3A_160 : memref<!tpu.dma_semaphore, #tpu.memory_space<semaphore_mem>>) src(%dma_wait3A_176 : memref<40x128xi32, #tpu.memory_space<hbm>>) dst(%arg7 : memref<40x128xi32, #tpu.memory_space<vmem>>)
      tpu.yield
    }) : () -> ()
    %dma_start3A_119 = arith.constant 0 : i32
    %dma_start3A_120 = arith.constant 0 : i32
    %dma_start3A_121 = tpu.memref_slice %arg6[%dma_start3A_119, %dma_start3A_120] : memref<40x128xi32, #tpu.memory_space<vmem>> -> memref<1x128xi32, #tpu.memory_space<vmem>>
    %dma_start3A_122 = tpu.memref_squeeze %dma_start3A_121 : memref<1x128xi32, #tpu.memory_space<vmem>> -> memref<128xi32, #tpu.memory_space<vmem>>
    %dma_start3A_123 = arith.constant 0 : i32
    %dma_start3A_124 = arith.constant 0 : i32
    %dma_start3A_125 = tpu.memref_slice %arg2[%dma_start3A_123, %dma_start3A_124] : memref<10000x128xf32, #tpu.memory_space<hbm>> -> memref<10000x128xf32, #tpu.memory_space<hbm>>
    tpu.enqueue_indirect_dma source(%dma_start3A_125 : memref<10000x128xf32, #tpu.memory_space<hbm>>) target(%arg8 : memref<128x128xf32, #tpu.memory_space<vmem>>) offsets(%dma_start3A_122 : memref<128xi32, #tpu.memory_space<vmem>>) semaphore(%arg11 : memref<!tpu.dma_semaphore, #tpu.memory_space<semaphore_mem>>)
    %scan3A_126 = arith.constant 0 : i32
    %scan3A_127 = arith.constant 0 : i32
    %scan3A_128 = arith.constant 19 : i32
    %scan3A_129 = arith.addi %scan3A_127, %scan3A_128 : i32
    %scan3A_130 = arith.constant 1 : i32
    scf.for %scan3A_160 = %scan3A_127 to %scan3A_129 step %scan3A_130  : i32 {
      %mul3A_161 = arith.constant 2 : i32
      %mul3A_162 = arith.muli %mul3A_161, %scan3A_160 : i32
      %add3A_163 = arith.constant 1 : i32
      %add3A_164 = arith.addi %mul3A_162, %add3A_163 : i32
      %dma_start3A_165 = arith.constant 0 : i32
      %dma_start3A_166 = tpu.memref_slice %arg6[%add3A_164, %dma_start3A_165] : memref<40x128xi32, #tpu.memory_space<vmem>> -> memref<1x128xi32, #tpu.memory_space<vmem>>
      %dma_start3A_167 = tpu.memref_squeeze %dma_start3A_166 : memref<1x128xi32, #tpu.memory_space<vmem>> -> memref<128xi32, #tpu.memory_space<vmem>>
      %dma_start3A_168 = arith.constant 0 : i32
      %dma_start3A_169 = arith.constant 0 : i32
      %dma_start3A_170 = tpu.memref_slice %arg2[%dma_start3A_168, %dma_start3A_169] : memref<10000x128xf32, #tpu.memory_space<hbm>> -> memref<10000x128xf32, #tpu.memory_space<hbm>>
      tpu.enqueue_indirect_dma source(%dma_start3A_170 : memref<10000x128xf32, #tpu.memory_space<hbm>>) target(%arg9 : memref<128x128xf32, #tpu.memory_space<vmem>>) offsets(%dma_start3A_167 : memref<128xi32, #tpu.memory_space<vmem>>) semaphore(%arg12 : memref<!tpu.dma_semaphore, #tpu.memory_space<semaphore_mem>>)
      %dma_wait3A_171 = arith.constant 0 : i32
      %dma_wait3A_172 = tpu.memref_slice %arg6[%mul3A_162, %dma_wait3A_171] : memref<40x128xi32, #tpu.memory_space<vmem>> -> memref<1x128xi32, #tpu.memory_space<vmem>>
      %dma_wait3A_173 = tpu.memref_squeeze %dma_wait3A_172 : memref<1x128xi32, #tpu.memory_space<vmem>> -> memref<128xi32, #tpu.memory_space<vmem>>
      %dma_wait3A_174 = arith.constant 0 : i32
      %dma_wait3A_175 = arith.constant 0 : i32
      %dma_wait3A_176 = tpu.memref_slice %arg2[%dma_wait3A_174, %dma_wait3A_175] : memref<10000x128xf32, #tpu.memory_space<hbm>> -> memref<10000x128xf32, #tpu.memory_space<hbm>>
      tpu.wait_indirect_dma semaphore(%arg11 : memref<!tpu.dma_semaphore, #tpu.memory_space<semaphore_mem>>) src(%dma_wait3A_176 : memref<10000x128xf32, #tpu.memory_space<hbm>>) dst(%arg8 : memref<128x128xf32, #tpu.memory_space<vmem>>)
      "tpu.region"() ({
        %run_scoped3A_195 = tpu.sem_alloc : memref<!tpu.dma_semaphore, #tpu.memory_space<semaphore_mem>>
        %dma_start3A_196 = arith.constant 0 : i32
        %dma_start3A_197 = tpu.memref_slice %arg7[%mul3A_162, %dma_start3A_196] : memref<40x128xi32, #tpu.memory_space<vmem>> -> memref<1x128xi32, #tpu.memory_space<vmem>>
        %dma_start3A_198 = tpu.memref_squeeze %dma_start3A_197 : memref<1x128xi32, #tpu.memory_space<vmem>> -> memref<128xi32, #tpu.memory_space<vmem>>
        %dma_start3A_199 = arith.constant 0 : i32
        %dma_start3A_200 = arith.constant 0 : i32
        %dma_start3A_201 = tpu.memref_slice %arg10[%dma_start3A_199, %dma_start3A_200] : memref<10240x128xf32, #tpu.memory_space<vmem_shared>> -> memref<10240x128xf32, #tpu.memory_space<vmem_shared>>
        tpu.enqueue_indirect_dma source(%arg8 : memref<128x128xf32, #tpu.memory_space<vmem>>) target(%dma_start3A_201 : memref<10240x128xf32, #tpu.memory_space<vmem_shared>>) offsets(%dma_start3A_198 : memref<128xi32, #tpu.memory_space<vmem>>) semaphore(%run_scoped3A_195 : memref<!tpu.dma_semaphore, #tpu.memory_space<semaphore_mem>>) {add = true}
        %dma_wait3A_202 = arith.constant 0 : i32
        %dma_wait3A_203 = tpu.memref_slice %arg7[%mul3A_162, %dma_wait3A_202] : memref<40x128xi32, #tpu.memory_space<vmem>> -> memref<1x128xi32, #tpu.memory_space<vmem>>
        %dma_wait3A_204 = tpu.memref_squeeze %dma_wait3A_203 : memref<1x128xi32, #tpu.memory_space<vmem>> -> memref<128xi32, #tpu.memory_space<vmem>>
        %dma_wait3A_205 = arith.constant 0 : i32
        %dma_wait3A_206 = arith.constant 0 : i32
        %dma_wait3A_207 = tpu.memref_slice %arg10[%dma_wait3A_205, %dma_wait3A_206] : memref<10240x128xf32, #tpu.memory_space<vmem_shared>> -> memref<10240x128xf32, #tpu.memory_space<vmem_shared>>
        tpu.wait_indirect_dma semaphore(%run_scoped3A_195 : memref<!tpu.dma_semaphore, #tpu.memory_space<semaphore_mem>>) src(%arg8 : memref<128x128xf32, #tpu.memory_space<vmem>>) dst(%dma_wait3A_207 : memref<10240x128xf32, #tpu.memory_space<vmem_shared>>)
        tpu.yield
      }) : () -> ()
      %add3A_177 = arith.constant 2 : i32
      %add3A_178 = arith.addi %mul3A_162, %add3A_177 : i32
      %dma_start3A_179 = arith.constant 0 : i32
      %dma_start3A_180 = tpu.memref_slice %arg6[%add3A_178, %dma_start3A_179] : memref<40x128xi32, #tpu.memory_space<vmem>> -> memref<1x128xi32, #tpu.memory_space<vmem>>
      %dma_start3A_181 = tpu.memref_squeeze %dma_start3A_180 : memref<1x128xi32, #tpu.memory_space<vmem>> -> memref<128xi32, #tpu.memory_space<vmem>>
      %dma_start3A_182 = arith.constant 0 : i32
      %dma_start3A_183 = arith.constant 0 : i32
      %dma_start3A_184 = tpu.memref_slice %arg2[%dma_start3A_182, %dma_start3A_183] : memref<10000x128xf32, #tpu.memory_space<hbm>> -> memref<10000x128xf32, #tpu.memory_space<hbm>>
      tpu.enqueue_indirect_dma source(%dma_start3A_184 : memref<10000x128xf32, #tpu.memory_space<hbm>>) target(%arg8 : memref<128x128xf32, #tpu.memory_space<vmem>>) offsets(%dma_start3A_181 : memref<128xi32, #tpu.memory_space<vmem>>) semaphore(%arg11 : memref<!tpu.dma_semaphore, #tpu.memory_space<semaphore_mem>>)
      %add3A_185 = arith.constant 1 : i32
      %add3A_186 = arith.addi %mul3A_162, %add3A_185 : i32
      %dma_wait3A_187 = arith.constant 0 : i32
      %dma_wait3A_188 = tpu.memref_slice %arg6[%add3A_186, %dma_wait3A_187] : memref<40x128xi32, #tpu.memory_space<vmem>> -> memref<1x128xi32, #tpu.memory_space<vmem>>
      %dma_wait3A_189 = tpu.memref_squeeze %dma_wait3A_188 : memref<1x128xi32, #tpu.memory_space<vmem>> -> memref<128xi32, #tpu.memory_space<vmem>>
      %dma_wait3A_190 = arith.constant 0 : i32
      %dma_wait3A_191 = arith.constant 0 : i32
      %dma_wait3A_192 = tpu.memref_slice %arg2[%dma_wait3A_190, %dma_wait3A_191] : memref<10000x128xf32, #tpu.memory_space<hbm>> -> memref<10000x128xf32, #tpu.memory_space<hbm>>
      tpu.wait_indirect_dma semaphore(%arg12 : memref<!tpu.dma_semaphore, #tpu.memory_space<semaphore_mem>>) src(%dma_wait3A_192 : memref<10000x128xf32, #tpu.memory_space<hbm>>) dst(%arg9 : memref<128x128xf32, #tpu.memory_space<vmem>>)
      %add3A_193 = arith.constant 1 : i32
      %add3A_194 = arith.addi %mul3A_162, %add3A_193 : i32
      "tpu.region"() ({
        %run_scoped3A_195 = tpu.sem_alloc : memref<!tpu.dma_semaphore, #tpu.memory_space<semaphore_mem>>
        %dma_start3A_196 = arith.constant 0 : i32
        %dma_start3A_197 = tpu.memref_slice %arg7[%add3A_194, %dma_start3A_196] : memref<40x128xi32, #tpu.memory_space<vmem>> -> memref<1x128xi32, #tpu.memory_space<vmem>>
        %dma_start3A_198 = tpu.memref_squeeze %dma_start3A_197 : memref<1x128xi32, #tpu.memory_space<vmem>> -> memref<128xi32, #tpu.memory_space<vmem>>
        %dma_start3A_199 = arith.constant 0 : i32
        %dma_start3A_200 = arith.constant 0 : i32
        %dma_start3A_201 = tpu.memref_slice %arg10[%dma_start3A_199, %dma_start3A_200] : memref<10240x128xf32, #tpu.memory_space<vmem_shared>> -> memref<10240x128xf32, #tpu.memory_space<vmem_shared>>
        tpu.enqueue_indirect_dma source(%arg9 : memref<128x128xf32, #tpu.memory_space<vmem>>) target(%dma_start3A_201 : memref<10240x128xf32, #tpu.memory_space<vmem_shared>>) offsets(%dma_start3A_198 : memref<128xi32, #tpu.memory_space<vmem>>) semaphore(%run_scoped3A_195 : memref<!tpu.dma_semaphore, #tpu.memory_space<semaphore_mem>>) {add = true}
        %dma_wait3A_202 = arith.constant 0 : i32
        %dma_wait3A_203 = tpu.memref_slice %arg7[%add3A_194, %dma_wait3A_202] : memref<40x128xi32, #tpu.memory_space<vmem>> -> memref<1x128xi32, #tpu.memory_space<vmem>>
        %dma_wait3A_204 = tpu.memref_squeeze %dma_wait3A_203 : memref<1x128xi32, #tpu.memory_space<vmem>> -> memref<128xi32, #tpu.memory_space<vmem>>
        %dma_wait3A_205 = arith.constant 0 : i32
        %dma_wait3A_206 = arith.constant 0 : i32
        %dma_wait3A_207 = tpu.memref_slice %arg10[%dma_wait3A_205, %dma_wait3A_206] : memref<10240x128xf32, #tpu.memory_space<vmem_shared>> -> memref<10240x128xf32, #tpu.memory_space<vmem_shared>>
        tpu.wait_indirect_dma semaphore(%run_scoped3A_195 : memref<!tpu.dma_semaphore, #tpu.memory_space<semaphore_mem>>) src(%arg9 : memref<128x128xf32, #tpu.memory_space<vmem>>) dst(%dma_wait3A_207 : memref<10240x128xf32, #tpu.memory_space<vmem_shared>>)
        tpu.yield
      }) : () -> ()
    }
    %scan3A_131 = arith.constant 19 : i32
    %dma_start3A_132 = arith.constant 39 : i32
    %dma_start3A_133 = arith.constant 0 : i32
    %dma_start3A_134 = tpu.memref_slice %arg6[%dma_start3A_132, %dma_start3A_133] : memref<40x128xi32, #tpu.memory_space<vmem>> -> memref<1x128xi32, #tpu.memory_space<vmem>>
    %dma_start3A_135 = tpu.memref_squeeze %dma_start3A_134 : memref<1x128xi32, #tpu.memory_space<vmem>> -> memref<128xi32, #tpu.memory_space<vmem>>
    %dma_start3A_136 = arith.constant 0 : i32
    %dma_start3A_137 = arith.constant 0 : i32
    %dma_start3A_138 = tpu.memref_slice %arg2[%dma_start3A_136, %dma_start3A_137] : memref<10000x128xf32, #tpu.memory_space<hbm>> -> memref<10000x128xf32, #tpu.memory_space<hbm>>
    tpu.enqueue_indirect_dma source(%dma_start3A_138 : memref<10000x128xf32, #tpu.memory_space<hbm>>) target(%arg9 : memref<128x128xf32, #tpu.memory_space<vmem>>) offsets(%dma_start3A_135 : memref<128xi32, #tpu.memory_space<vmem>>) semaphore(%arg12 : memref<!tpu.dma_semaphore, #tpu.memory_space<semaphore_mem>>)
    %dma_wait3A_139 = arith.constant 38 : i32
    %dma_wait3A_140 = arith.constant 0 : i32
    %dma_wait3A_141 = tpu.memref_slice %arg6[%dma_wait3A_139, %dma_wait3A_140] : memref<40x128xi32, #tpu.memory_space<vmem>> -> memref<1x128xi32, #tpu.memory_space<vmem>>
    %dma_wait3A_142 = tpu.memref_squeeze %dma_wait3A_141 : memref<1x128xi32, #tpu.memory_space<vmem>> -> memref<128xi32, #tpu.memory_space<vmem>>
    %dma_wait3A_143 = arith.constant 0 : i32
    %dma_wait3A_144 = arith.constant 0 : i32
    %dma_wait3A_145 = tpu.memref_slice %arg2[%dma_wait3A_143, %dma_wait3A_144] : memref<10000x128xf32, #tpu.memory_space<hbm>> -> memref<10000x128xf32, #tpu.memory_space<hbm>>
    tpu.wait_indirect_dma semaphore(%arg11 : memref<!tpu.dma_semaphore, #tpu.memory_space<semaphore_mem>>) src(%dma_wait3A_145 : memref<10000x128xf32, #tpu.memory_space<hbm>>) dst(%arg8 : memref<128x128xf32, #tpu.memory_space<vmem>>)
    %run_scoped3A_146 = arith.constant 38 : i32
    "tpu.region"() ({
      %run_scoped3A_160 = tpu.sem_alloc : memref<!tpu.dma_semaphore, #tpu.memory_space<semaphore_mem>>
      %dma_start3A_161 = arith.constant 0 : i32
      %dma_start3A_162 = tpu.memref_slice %arg7[%run_scoped3A_146, %dma_start3A_161] : memref<40x128xi32, #tpu.memory_space<vmem>> -> memref<1x128xi32, #tpu.memory_space<vmem>>
      %dma_start3A_163 = tpu.memref_squeeze %dma_start3A_162 : memref<1x128xi32, #tpu.memory_space<vmem>> -> memref<128xi32, #tpu.memory_space<vmem>>
      %dma_start3A_164 = arith.constant 0 : i32
      %dma_start3A_165 = arith.constant 0 : i32
      %dma_start3A_166 = tpu.memref_slice %arg10[%dma_start3A_164, %dma_start3A_165] : memref<10240x128xf32, #tpu.memory_space<vmem_shared>> -> memref<10240x128xf32, #tpu.memory_space<vmem_shared>>
      tpu.enqueue_indirect_dma source(%arg8 : memref<128x128xf32, #tpu.memory_space<vmem>>) target(%dma_start3A_166 : memref<10240x128xf32, #tpu.memory_space<vmem_shared>>) offsets(%dma_start3A_163 : memref<128xi32, #tpu.memory_space<vmem>>) semaphore(%run_scoped3A_160 : memref<!tpu.dma_semaphore, #tpu.memory_space<semaphore_mem>>) {add = true}
      %dma_wait3A_167 = arith.constant 0 : i32
      %dma_wait3A_168 = tpu.memref_slice %arg7[%run_scoped3A_146, %dma_wait3A_167] : memref<40x128xi32, #tpu.memory_space<vmem>> -> memref<1x128xi32, #tpu.memory_space<vmem>>
      %dma_wait3A_169 = tpu.memref_squeeze %dma_wait3A_168 : memref<1x128xi32, #tpu.memory_space<vmem>> -> memref<128xi32, #tpu.memory_space<vmem>>
      %dma_wait3A_170 = arith.constant 0 : i32
      %dma_wait3A_171 = arith.constant 0 : i32
      %dma_wait3A_172 = tpu.memref_slice %arg10[%dma_wait3A_170, %dma_wait3A_171] : memref<10240x128xf32, #tpu.memory_space<vmem_shared>> -> memref<10240x128xf32, #tpu.memory_space<vmem_shared>>
      tpu.wait_indirect_dma semaphore(%run_scoped3A_160 : memref<!tpu.dma_semaphore, #tpu.memory_space<semaphore_mem>>) src(%arg8 : memref<128x128xf32, #tpu.memory_space<vmem>>) dst(%dma_wait3A_172 : memref<10240x128xf32, #tpu.memory_space<vmem_shared>>)
      tpu.yield
    }) : () -> ()
    %dma_wait3A_147 = arith.constant 39 : i32
    %dma_wait3A_148 = arith.constant 0 : i32
    %dma_wait3A_149 = tpu.memref_slice %arg6[%dma_wait3A_147, %dma_wait3A_148] : memref<40x128xi32, #tpu.memory_space<vmem>> -> memref<1x128xi32, #tpu.memory_space<vmem>>
    %dma_wait3A_150 = tpu.memref_squeeze %dma_wait3A_149 : memref<1x128xi32, #tpu.memory_space<vmem>> -> memref<128xi32, #tpu.memory_space<vmem>>
    %dma_wait3A_151 = arith.constant 0 : i32
    %dma_wait3A_152 = arith.constant 0 : i32
    %dma_wait3A_153 = tpu.memref_slice %arg2[%dma_wait3A_151, %dma_wait3A_152] : memref<10000x128xf32, #tpu.memory_space<hbm>> -> memref<10000x128xf32, #tpu.memory_space<hbm>>
    tpu.wait_indirect_dma semaphore(%arg12 : memref<!tpu.dma_semaphore, #tpu.memory_space<semaphore_mem>>) src(%dma_wait3A_153 : memref<10000x128xf32, #tpu.memory_space<hbm>>) dst(%arg9 : memref<128x128xf32, #tpu.memory_space<vmem>>)
    %run_scoped3A_154 = arith.constant 39 : i32
    "tpu.region"() ({
      %run_scoped3A_160 = tpu.sem_alloc : memref<!tpu.dma_semaphore, #tpu.memory_space<semaphore_mem>>
      %dma_start3A_161 = arith.constant 0 : i32
      %dma_start3A_162 = tpu.memref_slice %arg7[%run_scoped3A_154, %dma_start3A_161] : memref<40x128xi32, #tpu.memory_space<vmem>> -> memref<1x128xi32, #tpu.memory_space<vmem>>
      %dma_start3A_163 = tpu.memref_squeeze %dma_start3A_162 : memref<1x128xi32, #tpu.memory_space<vmem>> -> memref<128xi32, #tpu.memory_space<vmem>>
      %dma_start3A_164 = arith.constant 0 : i32
      %dma_start3A_165 = arith.constant 0 : i32
      %dma_start3A_166 = tpu.memref_slice %arg10[%dma_start3A_164, %dma_start3A_165] : memref<10240x128xf32, #tpu.memory_space<vmem_shared>> -> memref<10240x128xf32, #tpu.memory_space<vmem_shared>>
      tpu.enqueue_indirect_dma source(%arg9 : memref<128x128xf32, #tpu.memory_space<vmem>>) target(%dma_start3A_166 : memref<10240x128xf32, #tpu.memory_space<vmem_shared>>) offsets(%dma_start3A_163 : memref<128xi32, #tpu.memory_space<vmem>>) semaphore(%run_scoped3A_160 : memref<!tpu.dma_semaphore, #tpu.memory_space<semaphore_mem>>) {add = true}
      %dma_wait3A_167 = arith.constant 0 : i32
      %dma_wait3A_168 = tpu.memref_slice %arg7[%run_scoped3A_154, %dma_wait3A_167] : memref<40x128xi32, #tpu.memory_space<vmem>> -> memref<1x128xi32, #tpu.memory_space<vmem>>
      %dma_wait3A_169 = tpu.memref_squeeze %dma_wait3A_168 : memref<1x128xi32, #tpu.memory_space<vmem>> -> memref<128xi32, #tpu.memory_space<vmem>>
      %dma_wait3A_170 = arith.constant 0 : i32
      %dma_wait3A_171 = arith.constant 0 : i32
      %dma_wait3A_172 = tpu.memref_slice %arg10[%dma_wait3A_170, %dma_wait3A_171] : memref<10240x128xf32, #tpu.memory_space<vmem_shared>> -> memref<10240x128xf32, #tpu.memory_space<vmem_shared>>
      tpu.wait_indirect_dma semaphore(%run_scoped3A_160 : memref<!tpu.dma_semaphore, #tpu.memory_space<semaphore_mem>>) src(%arg9 : memref<128x128xf32, #tpu.memory_space<vmem>>) dst(%dma_wait3A_172 : memref<10240x128xf32, #tpu.memory_space<vmem_shared>>)
      tpu.yield
    }) : () -> ()
    %barrier3A_155 = arith.constant 0 : index
    tpu.barrier barrier_id(%barrier3A_155)
    %mul3A_156 = arith.constant 640 : i32
    %mul3A_157 = arith.muli %arg1, %mul3A_156 : i32
    %mul3A_158 = arith.constant 640 : i32
    %mul3A_159 = arith.muli %arg1, %mul3A_158 : i32
    "tpu.region"() ({
      %run_scoped3A_160 = tpu.sem_alloc : memref<!tpu.dma_semaphore, #tpu.memory_space<semaphore_mem>>
      %dma_start3A_161 = arith.constant 0 : i32
      %dma_start3A_162 = tpu.memref_slice %arg5[%arg0, %mul3A_159, %dma_start3A_161] : memref<2x10240x128xf32, #tpu.memory_space<hbm>> -> memref<1x640x128xf32, #tpu.memory_space<hbm>>
      %dma_start3A_163 = tpu.memref_squeeze %dma_start3A_162 : memref<1x640x128xf32, #tpu.memory_space<hbm>> -> memref<640x128xf32, #tpu.memory_space<hbm>>
      %dma_start3A_164 = arith.constant 0 : i32
      %dma_start3A_165 = tpu.memref_slice %arg10[%mul3A_157, %dma_start3A_164] : memref<10240x128xf32, #tpu.memory_space<vmem_shared>> -> memref<640x128xf32, #tpu.memory_space<vmem_shared>>
      tpu.enqueue_dma source(%dma_start3A_165 : memref<640x128xf32, #tpu.memory_space<vmem_shared>>) target(%dma_start3A_163 : memref<640x128xf32, #tpu.memory_space<hbm>>) target_semaphore(%run_scoped3A_160 : memref<!tpu.dma_semaphore, #tpu.memory_space<semaphore_mem>>)
      %dma_wait3A_166 = arith.constant 0 : i32
      %dma_wait3A_167 = tpu.memref_slice %arg5[%arg0, %mul3A_159, %dma_wait3A_166] : memref<2x10240x128xf32, #tpu.memory_space<hbm>> -> memref<1x640x128xf32, #tpu.memory_space<hbm>>
      %dma_wait3A_168 = tpu.memref_squeeze %dma_wait3A_167 : memref<1x640x128xf32, #tpu.memory_space<hbm>> -> memref<640x128xf32, #tpu.memory_space<hbm>>
      %dma_wait3A_169 = arith.constant 0 : i32
      %dma_wait3A_170 = tpu.memref_slice %arg10[%mul3A_157, %dma_wait3A_169] : memref<10240x128xf32, #tpu.memory_space<vmem_shared>> -> memref<640x128xf32, #tpu.memory_space<vmem_shared>>
      tpu.wait_dma2 semaphore(%run_scoped3A_160 : memref<!tpu.dma_semaphore, #tpu.memory_space<semaphore_mem>>) src(%dma_wait3A_170 : memref<640x128xf32, #tpu.memory_space<vmem_shared>>) dst(%dma_wait3A_168 : memref<640x128xf32, #tpu.memory_space<hbm>>)
      tpu.yield
    }) : () -> ()
    return
  }
}

module attributes {stable_mosaic.version = 14 : i64} {
  func.func @body(%arg0: memref<10000x128xf32, #tpu.memory_space<vmem>>, %arg1: memref<128x128xf32, #tpu.memory_space<vmem>>, %arg2: memref<10000xf32, #tpu.memory_space<vmem>>, %arg3: memref<10000xf32, #tpu.memory_space<vmem>>, %arg4: memref<10000x128xf32, #tpu.memory_space<vmem>>, %arg5: memref<10000xf32, #tpu.memory_space<vmem>>) attributes {dimension_semantics = [], scalar_prefetch = 0 : i64, scratch_operands = 0 : i64, tpu.core_type = #tpu.core_type<tc>} {
    %get3A = arith.constant 0 : index
    %get3A_0 = vector.load %arg2[%get3A] : memref<10000xf32, #tpu.memory_space<vmem>>, vector<10000xf32>
    %get3A_1 = arith.constant 0 : index
    %get3A_2 = vector.load %arg3[%get3A_1] : memref<10000xf32, #tpu.memory_space<vmem>>, vector<10000xf32>
    %add3A = arith.addf %get3A_0, %get3A_2 : vector<10000xf32>
    %add3A_3 = arith.constant 1.000000e+00 : f32
    %add3A_4 = vector.broadcast %add3A_3 : f32 to vector<10000xf32>
    %add3A_5 = arith.addf %add3A, %add3A_4 : vector<10000xf32>
    %rsqrt3A = math.rsqrt %add3A_5 : vector<10000xf32>
    %swap3A = arith.constant 0 : index
    %swap3A_6 = vector.load %arg5[%swap3A] : memref<10000xf32, #tpu.memory_space<vmem>>, vector<10000xf32>
    tpu.vector_store %arg5[%swap3A], %rsqrt3A {strides = array<i32>} : memref<10000xf32, #tpu.memory_space<vmem>>, vector<10000xf32>,
    %get3A_7 = arith.constant 0 : index
    %get3A_8 = arith.constant 0 : index
    %get3A_9 = vector.load %arg0[%get3A_7, %get3A_8] : memref<10000x128xf32, #tpu.memory_space<vmem>>, vector<10000x128xf32>
    %get3A_10 = arith.constant 0 : index
    %get3A_11 = arith.constant 0 : index
    %get3A_12 = vector.load %arg1[%get3A_10, %get3A_11] : memref<128x128xf32, #tpu.memory_space<vmem>>, vector<128x128xf32>
    %dot_general3A = arith.constant dense<0.000000e+00> : vector<10000x128xf32>
    %dot_general3A_13 = tpu.matmul %get3A_9, %get3A_12, %dot_general3A {dimension_numbers = #tpu.dot_dimension_numbers<[1], [0], [0], [1], [0, 0, 1, 1], [], []>, transpose_lhs_hint = false} : vector<10000x128xf32>, vector<128x128xf32>, vector<10000x128xf32> -> vector<10000x128xf32>
    %broadcast_in_dim3A = vector.shape_cast %rsqrt3A : vector<10000xf32> to vector<10000x1xf32>
    %mul3A = vector.broadcast %broadcast_in_dim3A : vector<10000x1xf32> to vector<10000x128xf32>
    %mul3A_14 = arith.mulf %dot_general3A_13, %mul3A : vector<10000x128xf32>
    %swap3A_15 = arith.constant 0 : index
    %swap3A_16 = arith.constant 0 : index
    %swap3A_17 = vector.load %arg4[%swap3A_15, %swap3A_16] : memref<10000x128xf32, #tpu.memory_space<vmem>>, vector<10000x128xf32>
    tpu.vector_store %arg4[%swap3A_15, %swap3A_16], %mul3A_14 {strides = array<i32>} : memref<10000x128xf32, #tpu.memory_space<vmem>>, vector<10000x128xf32>,
    return
  }
}

module attributes {stable_mosaic.version = 14 : i64} {
  func.func @body(%arg0: memref<10000x128xf32, #tpu.memory_space<vmem>>, %arg1: memref<10000x128xf32, #tpu.memory_space<vmem>>, %arg2: memref<10000x128xf32, #tpu.memory_space<vmem>>, %arg3: memref<10000xf32, #tpu.memory_space<vmem>>, %arg4: memref<128xf32, #tpu.memory_space<vmem>>, %arg5: memref<128x128xf32, #tpu.memory_space<vmem>>, %arg6: memref<10000x128xf32, #tpu.memory_space<vmem>>) attributes {dimension_semantics = [], scalar_prefetch = 0 : i64, scratch_operands = 0 : i64, tpu.core_type = #tpu.core_type<tc>} {
    %get3A = arith.constant 0 : index
    %get3A_0 = vector.load %arg3[%get3A] : memref<10000xf32, #tpu.memory_space<vmem>>, vector<10000xf32>
    %broadcast_in_dim3A = vector.shape_cast %get3A_0 : vector<10000xf32> to vector<10000x1xf32>
    %get3A_1 = arith.constant 0 : index
    %get3A_2 = arith.constant 0 : index
    %get3A_3 = vector.load %arg0[%get3A_1, %get3A_2] : memref<10000x128xf32, #tpu.memory_space<vmem>>, vector<10000x128xf32>
    %get3A_4 = arith.constant 0 : index
    %get3A_5 = arith.constant 0 : index
    %get3A_6 = vector.load %arg1[%get3A_4, %get3A_5] : memref<10000x128xf32, #tpu.memory_space<vmem>>, vector<10000x128xf32>
    %add3A = arith.addf %get3A_3, %get3A_6 : vector<10000x128xf32>
    %get3A_7 = arith.constant 0 : index
    %get3A_8 = arith.constant 0 : index
    %get3A_9 = vector.load %arg2[%get3A_7, %get3A_8] : memref<10000x128xf32, #tpu.memory_space<vmem>>, vector<10000x128xf32>
    %add3A_10 = arith.addf %add3A, %get3A_9 : vector<10000x128xf32>
    %mul3A = vector.broadcast %broadcast_in_dim3A : vector<10000x1xf32> to vector<10000x128xf32>
    %mul3A_11 = arith.mulf %mul3A, %add3A_10 : vector<10000x128xf32>
    %get3A_12 = arith.constant 0 : index
    %get3A_13 = vector.load %arg4[%get3A_12] : memref<128xf32, #tpu.memory_space<vmem>>, vector<128xf32>
    %broadcast_in_dim3A_14 = vector.shape_cast %get3A_13 : vector<128xf32> to vector<1x128xf32>
    %add3A_15 = vector.broadcast %broadcast_in_dim3A_14 : vector<1x128xf32> to vector<10000x128xf32>
    %add3A_16 = arith.addf %mul3A_11, %add3A_15 : vector<10000x128xf32>
    %max3A = arith.constant 0.000000e+00 : f32
    %max3A_17 = vector.broadcast %max3A : f32 to vector<10000x128xf32>
    %max3A_18 = arith.maximumf %add3A_16, %max3A_17 : vector<10000x128xf32>
    %get3A_19 = arith.constant 0 : index
    %get3A_20 = arith.constant 0 : index
    %get3A_21 = vector.load %arg5[%get3A_19, %get3A_20] : memref<128x128xf32, #tpu.memory_space<vmem>>, vector<128x128xf32>
    %dot_general3A = arith.constant dense<0.000000e+00> : vector<10000x128xf32>
    %dot_general3A_22 = tpu.matmul %max3A_18, %get3A_21, %dot_general3A {dimension_numbers = #tpu.dot_dimension_numbers<[1], [0], [0], [1], [0, 0, 1, 1], [], []>, transpose_lhs_hint = false} : vector<10000x128xf32>, vector<128x128xf32>, vector<10000x128xf32> -> vector<10000x128xf32>
    %mul3A_23 = vector.broadcast %broadcast_in_dim3A : vector<10000x1xf32> to vector<10000x128xf32>
    %mul3A_24 = arith.mulf %dot_general3A_22, %mul3A_23 : vector<10000x128xf32>
    %swap3A = arith.constant 0 : index
    %swap3A_25 = arith.constant 0 : index
    %swap3A_26 = vector.load %arg6[%swap3A, %swap3A_25] : memref<10000x128xf32, #tpu.memory_space<vmem>>, vector<10000x128xf32>
    tpu.vector_store %arg6[%swap3A, %swap3A_25], %mul3A_24 {strides = array<i32>} : memref<10000x128xf32, #tpu.memory_space<vmem>>, vector<10000x128xf32>,
    return
  }
}

module attributes {stable_mosaic.version = 14 : i64} {
  func.func @body(%arg0: memref<10000x128xf32, #tpu.memory_space<vmem>>, %arg1: memref<10000x128xf32, #tpu.memory_space<vmem>>, %arg2: memref<10000x128xf32, #tpu.memory_space<vmem>>, %arg3: memref<10000xf32, #tpu.memory_space<vmem>>, %arg4: memref<128xf32, #tpu.memory_space<vmem>>, %arg5: memref<64xi32, #tpu.memory_space<vmem>>, %arg6: memref<128x128xf32, #tpu.memory_space<vmem>>, %arg7: memref<128xf32, #tpu.memory_space<vmem>>, %arg8: memref<128x64xf32, #tpu.memory_space<vmem>>, %arg9: memref<64xf32, #tpu.memory_space<vmem>>, %arg10: memref<10000x64xf32, #tpu.memory_space<vmem>>, %arg11: memref<10000x64xf32, #tpu.memory_space<vmem>>, %arg12: memref<64x64xf32, #tpu.memory_space<vmem>>) attributes {dimension_semantics = [], scalar_prefetch = 0 : i64, scratch_operands = 0 : i64, tpu.core_type = #tpu.core_type<tc>} {
    %get3A = arith.constant 0 : index
    %get3A_0 = vector.load %arg3[%get3A] : memref<10000xf32, #tpu.memory_space<vmem>>, vector<10000xf32>
    %broadcast_in_dim3A = vector.shape_cast %get3A_0 : vector<10000xf32> to vector<10000x1xf32>
    %get3A_1 = arith.constant 0 : index
    %get3A_2 = arith.constant 0 : index
    %get3A_3 = vector.load %arg0[%get3A_1, %get3A_2] : memref<10000x128xf32, #tpu.memory_space<vmem>>, vector<10000x128xf32>
    %get3A_4 = arith.constant 0 : index
    %get3A_5 = arith.constant 0 : index
    %get3A_6 = vector.load %arg1[%get3A_4, %get3A_5] : memref<10000x128xf32, #tpu.memory_space<vmem>>, vector<10000x128xf32>
    %add3A = arith.addf %get3A_3, %get3A_6 : vector<10000x128xf32>
    %get3A_7 = arith.constant 0 : index
    %get3A_8 = arith.constant 0 : index
    %get3A_9 = vector.load %arg2[%get3A_7, %get3A_8] : memref<10000x128xf32, #tpu.memory_space<vmem>>, vector<10000x128xf32>
    %add3A_10 = arith.addf %add3A, %get3A_9 : vector<10000x128xf32>
    %mul3A = vector.broadcast %broadcast_in_dim3A : vector<10000x1xf32> to vector<10000x128xf32>
    %mul3A_11 = arith.mulf %mul3A, %add3A_10 : vector<10000x128xf32>
    %get3A_12 = arith.constant 0 : index
    %get3A_13 = vector.load %arg4[%get3A_12] : memref<128xf32, #tpu.memory_space<vmem>>, vector<128xf32>
    %broadcast_in_dim3A_14 = vector.shape_cast %get3A_13 : vector<128xf32> to vector<1x128xf32>
    %add3A_15 = vector.broadcast %broadcast_in_dim3A_14 : vector<1x128xf32> to vector<10000x128xf32>
    %add3A_16 = arith.addf %mul3A_11, %add3A_15 : vector<10000x128xf32>
    %mul3A_17 = arith.mulf %add3A_16, %add3A_16 : vector<10000x128xf32>
    %reduce_sum3A = arith.constant dense<0.000000e+00> : vector<10000xf32>
    %reduce_sum3A_18 = vector.multi_reduction <add>, %mul3A_17, %reduce_sum3A [1] : vector<10000x128xf32> to vector<10000xf32>
    %broadcast_in_dim3A_19 = vector.shape_cast %reduce_sum3A_18 : vector<10000xf32> to vector<10000x1xf32>
    %sqrt3A = math.sqrt %broadcast_in_dim3A_19 : vector<10000x1xf32>
    %div3A = vector.broadcast %sqrt3A : vector<10000x1xf32> to vector<10000x128xf32>
    %div3A_20 = arith.divf %add3A_16, %div3A : vector<10000x128xf32>
    %iota3A = tpu.iota {dimensions = array<i32: 1>} : vector<64x10000xi32>
    %get3A_21 = arith.constant 0 : index
    %get3A_22 = vector.load %arg5[%get3A_21] : memref<64xi32, #tpu.memory_space<vmem>>, vector<64xi32>
    %broadcast_in_dim3A_23 = vector.shape_cast %get3A_22 : vector<64xi32> to vector<64x1xi32>
    %eq3A = vector.broadcast %broadcast_in_dim3A_23 : vector<64x1xi32> to vector<64x10000xi32>
    %eq3A_24 = arith.cmpi eq, %iota3A, %eq3A : vector<64x10000xi32>
    %convert_element_type3A = arith.extui %eq3A_24 : vector<64x10000xi1> to vector<64x10000xi32>
    %convert_element_type3A_25 = arith.sitofp %convert_element_type3A : vector<64x10000xi32> to vector<64x10000xf32>
    %dot_general3A = arith.constant dense<0.000000e+00> : vector<64x128xf32>
    %dot_general3A_26 = tpu.matmul %convert_element_type3A_25, %div3A_20, %dot_general3A {dimension_numbers = #tpu.dot_dimension_numbers<[1], [0], [0], [1], [0, 0, 1, 1], [], []>, transpose_lhs_hint = false} : vector<64x10000xf32>, vector<10000x128xf32>, vector<64x128xf32> -> vector<64x128xf32>
    %mul3A_27 = arith.mulf %dot_general3A_26, %dot_general3A_26 : vector<64x128xf32>
    %reduce_sum3A_28 = arith.constant dense<0.000000e+00> : vector<64xf32>
    %reduce_sum3A_29 = vector.multi_reduction <add>, %mul3A_27, %reduce_sum3A_28 [1] : vector<64x128xf32> to vector<64xf32>
    %broadcast_in_dim3A_30 = vector.shape_cast %reduce_sum3A_29 : vector<64xf32> to vector<64x1xf32>
    %sqrt3A_31 = math.sqrt %broadcast_in_dim3A_30 : vector<64x1xf32>
    %max3A = arith.constant 9.99999997E-7 : f32
    %max3A_32 = vector.broadcast %max3A : f32 to vector<64x1xf32>
    %max3A_33 = arith.maximumf %sqrt3A_31, %max3A_32 : vector<64x1xf32>
    %mul3A_34 = arith.mulf %div3A_20, %div3A_20 : vector<10000x128xf32>
    %reduce_sum3A_35 = arith.constant dense<0.000000e+00> : vector<10000xf32>
    %reduce_sum3A_36 = vector.multi_reduction <add>, %mul3A_34, %reduce_sum3A_35 [1] : vector<10000x128xf32> to vector<10000xf32>
    %broadcast_in_dim3A_37 = vector.shape_cast %reduce_sum3A_36 : vector<10000xf32> to vector<10000x1xf32>
    %sqrt3A_38 = math.sqrt %broadcast_in_dim3A_37 : vector<10000x1xf32>
    %max3A_39 = arith.constant 9.99999997E-7 : f32
    %max3A_40 = vector.broadcast %max3A_39 : f32 to vector<10000x1xf32>
    %max3A_41 = arith.maximumf %sqrt3A_38, %max3A_40 : vector<10000x1xf32>
    %dot_general3A_42 = arith.constant dense<0.000000e+00> : vector<10000x64xf32>
    %dot_general3A_43 = tpu.matmul %div3A_20, %dot_general3A_26, %dot_general3A_42 {dimension_numbers = #tpu.dot_dimension_numbers<[1], [1], [0], [0], [0, 0, 1, 0], [], []>, transpose_lhs_hint = false} : vector<10000x128xf32>, vector<64x128xf32>, vector<10000x64xf32> -> vector<10000x64xf32>
    %squeeze3A = vector.shape_cast %max3A_33 : vector<64x1xf32> to vector<64xf32>
    %broadcast_in_dim3A_44 = vector.shape_cast %squeeze3A : vector<64xf32> to vector<1x64xf32>
    %mul3A_45 = vector.broadcast %max3A_41 : vector<10000x1xf32> to vector<10000x64xf32>
    %mul3A_46 = vector.broadcast %broadcast_in_dim3A_44 : vector<1x64xf32> to vector<10000x64xf32>
    %mul3A_47 = arith.mulf %mul3A_45, %mul3A_46 : vector<10000x64xf32>
    %div3A_48 = arith.divf %dot_general3A_43, %mul3A_47 : vector<10000x64xf32>
    %swap3A = arith.constant 0 : index
    %swap3A_49 = arith.constant 0 : index
    %swap3A_50 = vector.load %arg11[%swap3A, %swap3A_49] : memref<10000x64xf32, #tpu.memory_space<vmem>>, vector<10000x64xf32>
    tpu.vector_store %arg11[%swap3A, %swap3A_49], %div3A_48 {strides = array<i32>} : memref<10000x64xf32, #tpu.memory_space<vmem>>, vector<10000x64xf32>,
    %get3A_51 = arith.constant 0 : index
    %get3A_52 = arith.constant 0 : index
    %get3A_53 = vector.load %arg6[%get3A_51, %get3A_52] : memref<128x128xf32, #tpu.memory_space<vmem>>, vector<128x128xf32>
    %dot_general3A_54 = arith.constant dense<0.000000e+00> : vector<64x128xf32>
    %dot_general3A_55 = tpu.matmul %dot_general3A_26, %get3A_53, %dot_general3A_54 {dimension_numbers = #tpu.dot_dimension_numbers<[1], [0], [0], [1], [0, 0, 1, 1], [], []>, transpose_lhs_hint = false} : vector<64x128xf32>, vector<128x128xf32>, vector<64x128xf32> -> vector<64x128xf32>
    %get3A_56 = arith.constant 0 : index
    %get3A_57 = vector.load %arg7[%get3A_56] : memref<128xf32, #tpu.memory_space<vmem>>, vector<128xf32>
    %broadcast_in_dim3A_58 = vector.shape_cast %get3A_57 : vector<128xf32> to vector<1x128xf32>
    %add3A_59 = vector.broadcast %broadcast_in_dim3A_58 : vector<1x128xf32> to vector<64x128xf32>
    %add3A_60 = arith.addf %dot_general3A_55, %add3A_59 : vector<64x128xf32>
    %max3A_61 = arith.constant 0.000000e+00 : f32
    %max3A_62 = vector.broadcast %max3A_61 : f32 to vector<64x128xf32>
    %max3A_63 = arith.maximumf %add3A_60, %max3A_62 : vector<64x128xf32>
    %get3A_64 = arith.constant 0 : index
    %get3A_65 = arith.constant 0 : index
    %get3A_66 = vector.load %arg8[%get3A_64, %get3A_65] : memref<128x64xf32, #tpu.memory_space<vmem>>, vector<128x64xf32>
    %dot_general3A_67 = arith.constant dense<0.000000e+00> : vector<64x64xf32>
    %dot_general3A_68 = tpu.matmul %max3A_63, %get3A_66, %dot_general3A_67 {dimension_numbers = #tpu.dot_dimension_numbers<[1], [0], [0], [1], [0, 0, 1, 1], [], []>, transpose_lhs_hint = false} : vector<64x128xf32>, vector<128x64xf32>, vector<64x64xf32> -> vector<64x64xf32>
    %get3A_69 = arith.constant 0 : index
    %get3A_70 = vector.load %arg9[%get3A_69] : memref<64xf32, #tpu.memory_space<vmem>>, vector<64xf32>
    %broadcast_in_dim3A_71 = vector.shape_cast %get3A_70 : vector<64xf32> to vector<1x64xf32>
    %add3A_72 = vector.broadcast %broadcast_in_dim3A_71 : vector<1x64xf32> to vector<64x64xf32>
    %add3A_73 = arith.addf %dot_general3A_68, %add3A_72 : vector<64x64xf32>
    %reduce_max3A = arith.constant dense<0xFF800000> : vector<64xf32>
    %reduce_max3A_74 = vector.multi_reduction <maximumf>, %add3A_73, %reduce_max3A [1] : vector<64x64xf32> to vector<64xf32>
    %broadcast_in_dim3A_75 = vector.shape_cast %reduce_max3A_74 : vector<64xf32> to vector<64x1xf32>
    %sub3A = vector.broadcast %broadcast_in_dim3A_75 : vector<64x1xf32> to vector<64x64xf32>
    %sub3A_76 = arith.subf %add3A_73, %sub3A : vector<64x64xf32>
    %exp3A = math.exp %sub3A_76 : vector<64x64xf32>
    %reduce_sum3A_77 = arith.constant dense<0.000000e+00> : vector<64xf32>
    %reduce_sum3A_78 = vector.multi_reduction <add>, %exp3A, %reduce_sum3A_77 [1] : vector<64x64xf32> to vector<64xf32>
    %broadcast_in_dim3A_79 = vector.shape_cast %reduce_sum3A_78 : vector<64xf32> to vector<64x1xf32>
    %log3A = math.log %broadcast_in_dim3A_79 : vector<64x1xf32>
    %add3A_80 = arith.addf %log3A, %broadcast_in_dim3A_75 : vector<64x1xf32>
    %sub3A_81 = vector.broadcast %add3A_80 : vector<64x1xf32> to vector<64x64xf32>
    %sub3A_82 = arith.subf %add3A_73, %sub3A_81 : vector<64x64xf32>
    %swap3A_83 = arith.constant 0 : index
    %swap3A_84 = arith.constant 0 : index
    %swap3A_85 = vector.load %arg12[%swap3A_83, %swap3A_84] : memref<64x64xf32, #tpu.memory_space<vmem>>, vector<64x64xf32>
    tpu.vector_store %arg12[%swap3A_83, %swap3A_84], %sub3A_82 {strides = array<i32>} : memref<64x64xf32, #tpu.memory_space<vmem>>, vector<64x64xf32>,
    %dot_general3A_86 = arith.constant dense<0.000000e+00> : vector<10000x64xf32>
    %dot_general3A_87 = tpu.matmul %div3A_48, %sub3A_82, %dot_general3A_86 {dimension_numbers = #tpu.dot_dimension_numbers<[1], [0], [0], [1], [0, 0, 1, 1], [], []>, transpose_lhs_hint = false} : vector<10000x64xf32>, vector<64x64xf32>, vector<10000x64xf32> -> vector<10000x64xf32>
    %reduce_max3A_88 = arith.constant dense<0xFF800000> : vector<10000xf32>
    %reduce_max3A_89 = vector.multi_reduction <maximumf>, %dot_general3A_87, %reduce_max3A_88 [1] : vector<10000x64xf32> to vector<10000xf32>
    %broadcast_in_dim3A_90 = vector.shape_cast %reduce_max3A_89 : vector<10000xf32> to vector<10000x1xf32>
    %sub3A_91 = vector.broadcast %broadcast_in_dim3A_90 : vector<10000x1xf32> to vector<10000x64xf32>
    %sub3A_92 = arith.subf %dot_general3A_87, %sub3A_91 : vector<10000x64xf32>
    %exp3A_93 = math.exp %sub3A_92 : vector<10000x64xf32>
    %reduce_sum3A_94 = arith.constant dense<0.000000e+00> : vector<10000xf32>
    %reduce_sum3A_95 = vector.multi_reduction <add>, %exp3A_93, %reduce_sum3A_94 [1] : vector<10000x64xf32> to vector<10000xf32>
    %broadcast_in_dim3A_96 = vector.shape_cast %reduce_sum3A_95 : vector<10000xf32> to vector<10000x1xf32>
    %log3A_97 = math.log %broadcast_in_dim3A_96 : vector<10000x1xf32>
    %add3A_98 = arith.addf %log3A_97, %broadcast_in_dim3A_90 : vector<10000x1xf32>
    %sub3A_99 = vector.broadcast %add3A_98 : vector<10000x1xf32> to vector<10000x64xf32>
    %sub3A_100 = arith.subf %dot_general3A_87, %sub3A_99 : vector<10000x64xf32>
    %swap3A_101 = arith.constant 0 : index
    %swap3A_102 = arith.constant 0 : index
    %swap3A_103 = vector.load %arg10[%swap3A_101, %swap3A_102] : memref<10000x64xf32, #tpu.memory_space<vmem>>, vector<10000x64xf32>
    tpu.vector_store %arg10[%swap3A_101, %swap3A_102], %sub3A_100 {strides = array<i32>} : memref<10000x64xf32, #tpu.memory_space<vmem>>, vector<10000x64xf32>,
    return
  }
}

</mosaic_0001>

<sc_bundles>
// kernel: kernel.10.cloned.1.call-start
scs
__scs_entry_jumppad:
0x0: {  	(pc) =	sbr.rel $0x88, $3  }
0x1: {  	(tag) =	ssettag $0x0;
	lr =	simm.s32 $0x1  }
0x2: {  	[smem:$0x3F94] =	sst lr;
	_ =	strace $0xD0000000  }
0x3: {  	_ = 	snop  }
0x4: {  	_ = 	snop  }
0x5: {  	_ = 	snop  }
0x6: {  	_ = 	snop  }
0x7: {  	_ = 	snop  }
__scs_overlays_trampoline_lowered:
0x8: {  	[smem:$0x3FA3] =	sst s0  }
0x9: {  	[smem:$0x3FA4] =	sst s1  }
0xa: {  	[smem:$0x3FA5] =	sst s2  }
0xb: {  	[smem:$0x3FA6] =	sst s3  }
0xc: {  	[smem:$0x3FA7] =	sst s4  }
0xd: {  	[smem:$0x3FA8] =	sst s5  }
0xe: {  	[smem:$0x3FA9] =	sst s6  }
0xf: {  	[smem:$0x3FAA] =	sst s7  }
0x10: {  	[smem:$0x3FAB] =	sst s8  }
0x11: {  	[smem:$0x3FAC] =	sst s9;
	s0 =	simm.s32 @!p0 $0x0  }
0x12: {  	s1 =	sld [smem:$0x3F92];
	s0 =	simm.s32 @p0 $0x1  }
0x13: {  	[smem:$0x3FAD] =	sst s0;
	s0 =	simm.s32 @!p1 $0x0  }
0x14: {  	s2 =	sld [smem:$0x3F91];
	s0 =	simm.s32 @p1 $0x1  }
0x15: {  	[smem:$0x3FAE] =	sst s0;
	s0 =	simm.s32 @!p2 $0x0  }
0x16: {  	s3 =	sld [smem:$0x3FDB];
	s0 =	simm.s32 @p2 $0x1  }
0x17: {  	s4 =	simm.s32 $0x1BF5;
	[smem:$0x3FB0] =	sst s0  }
0x18: {  	s0 =	sld [smem:$0x3F93];
	_ =	swait.ge [sflag:s4], $0x0  }
0x19: {  	s7 =	sld [smem:$0x3F94]  }
0x1a: {  	s8 =	sadd.s32 $0xFFFFE003, lr  }
0x1b: {  	s9 =	sadd.s32 $0xFFFFFEF7, lr;
	s5 =	simm.s32 $0xFFFFFFFF;
	p2 =	slt.u32 s8, $0xFFFFF086  }
0x1c: {  	p1 =	slt.u32 s9, $0xF7A;
	s5 =	simm.s32 @!p2 $0x0  }
0x1d: {  	s5 =	simm.s32 @p1 $0x1;
	p0 =	seq.s32 s7, s2  }
0x1e: {  	s7 =	smul.u32 @!p0 $0xF7A, s2;
	p2 =	seq.s32 @!p0 s5, $0x0  }
0x1f: {  	s9 =	smul.u32 $0xF7A, s1;
	s8 =	simm.s32 @!p0 $0x1BF5;
	p2 =	por !p2, p0  }
0x20: {  	[sflag:s8] =	ssyncset.s32 @!p0 $0xFFFFF086;
	s6 =	sadd.s32 @!p0 s3, s7;
	s7 =	simm.s32 @!p0 $0x108  }
0x21: {  	s3 =	sadd.s32 s3, s9;
	s6 =	sadd.s32 @!p0 $0x88, s6;
	s7 =	simm.s32 @p2 $0x1082  }
0x22: {  	[simem:s7], [sflag:s8] =	dma.local @!p0 [hbm:s6], $0xF7A  }
0x23: {  	s9 =	sor.u32 $0xD0000000, s2;
	s6 =	simm.s32 $0x108;
	_ =	swait.ge @!p0 [sflag:s8], $0x0  }
0x24: {  	s3 =	sadd.s32 $0x88, s3;
	s6 =	simm.s32 @!p1 $0x1082;
	[sflag:s4] =	ssyncset.s32 $0xFFFFF086  }
0x25: {  	[simem:s6], [sflag:s4] =	dma.local [hbm:s3], $0xF7A  }
0x26: {  	[smem:$0x3F94] =	sst s1;
	(tag) =	ssettag s2;
	_ =	strace s9  }
0x27: {  	s1 =	sld [smem:$0x3FA4]  }
0x28: {  	s2 =	sld [smem:$0x3FA5]  }
0x29: {  	s4 =	sld [smem:$0x3FA7]  }
0x2a: {  	p0 =	seq.s32 s5, $0x0;
	s5 =	sld [smem:$0x3FA8]  }
0x2b: {  	s6 =	sld [smem:$0x3FA9]  }
0x2c: {  	s7 =	sld [smem:$0x3FAA]  }
0x2d: {  	s3 =	simm.s32 $0x108;
	s8 =	sld [smem:$0x3FAB]  }
0x2e: {  	s3 =	simm.s32 @!p0 $0x1082;
	s9 =	sld [smem:$0x3FAC]  }
0x2f: {  	lr =	sadd.s32 s0, s3;
	s0 =	sld [smem:$0x3FA3]  }
0x30: {  	s3 =	sld [smem:$0x3FA6]  }
0x31: {  	[smem:$0x3FAF] =	sst s10  }
0x32: {  	s10 =	sld [smem:$0x3FAD];
	_ =	sdelay $0x3  }
0x33: {  	p0 =	seq.s32 s10, $0x1;
	s10 =	sld [smem:$0x3FAF];
	_ =	sdelay $0x3  }
0x34: {  	[smem:$0x3FAF] =	sst s10  }
0x35: {  	s10 =	sld [smem:$0x3FAE];
	_ =	sdelay $0x3  }
0x36: {  	p1 =	seq.s32 s10, $0x1;
	s10 =	sld [smem:$0x3FAF];
	_ =	sdelay $0x3  }
0x37: {  	[smem:$0x3FAF] =	sst s10  }
0x38: {  	s10 =	sld [smem:$0x3FB0]  }
0x39: {  	_ = 	snop;
	(pc) =	sbr.ind lr, $3  }
0x3a: {  	_ = 	snop  }
0x3b: {  	_ = 	snop  }
0x3c: {  	p2 =	seq.s32 s10, $0x1;
	s10 =	sld [smem:$0x3FAF]  }
0x3d: {  	_ =	shalt  }
0x3e: {  	_ =	shalt  }
0x3f: {  	_ =	shalt  }
0x40: {  	_ =	shalt  }
0x41: {  	_ =	shalt  }
0x42: {  	_ =	shalt  }
0x43: {  	_ =	shalt  }
0x44: {  	_ =	shalt  }
0x45: {  	_ =	shalt  }
0x46: {  	_ =	shalt  }
0x47: {  	_ =	shalt  }
0x48: {  	_ =	shalt  }
0x49: {  	_ =	shalt  }
0x4a: {  	_ =	shalt  }
0x4b: {  	_ =	shalt  }
0x4c: {  	_ =	shalt  }
0x4d: {  	_ =	shalt  }
0x4e: {  	_ =	shalt  }
0x4f: {  	_ =	shalt  }
0x50: {  	_ =	shalt  }
0x51: {  	_ =	shalt  }
0x52: {  	_ =	shalt  }
0x53: {  	_ =	shalt  }
0x54: {  	_ =	shalt  }
0x55: {  	_ =	shalt  }
0x56: {  	_ =	shalt  }
0x57: {  	_ =	shalt  }
0x58: {  	_ =	shalt  }
0x59: {  	_ =	shalt  }
0x5a: {  	_ =	shalt  }
0x5b: {  	_ =	shalt  }
0x5c: {  	_ =	shalt  }
0x5d: {  	_ =	shalt  }
0x5e: {  	_ =	shalt  }
0x5f: {  	_ =	shalt  }
0x60: {  	_ =	shalt  }
0x61: {  	_ =	shalt  }
0x62: {  	_ =	shalt  }
0x63: {  	_ =	shalt  }
0x64: {  	_ =	shalt  }
0x65: {  	_ =	shalt  }
0x66: {  	_ =	shalt  }
0x67: {  	_ =	shalt  }
0x68: {  	_ =	shalt  }
0x69: {  	_ =	shalt  }
0x6a: {  	_ =	shalt  }
0x6b: {  	_ =	shalt  }
0x6c: {  	_ =	shalt  }
0x6d: {  	_ =	shalt  }
0x6e: {  	_ =	shalt  }
0x6f: {  	_ =	shalt  }
0x70: {  	_ =	shalt  }
0x71: {  	_ =	shalt  }
0x72: {  	_ =	shalt  }
0x73: {  	_ =	shalt  }
0x74: {  	_ =	shalt  }
0x75: {  	_ =	shalt  }
0x76: {  	_ =	shalt  }
0x77: {  	_ =	shalt  }
0x78: {  	_ =	shalt  }
0x79: {  	_ =	shalt  }
0x7a: {  	_ =	shalt  }
0x7b: {  	_ =	shalt  }
0x7c: {  	_ =	shalt  }
0x7d: {  	_ =	shalt  }
0x7e: {  	_ =	shalt  }
0x7f: {  	_ =	shalt  }
0x80: {  	_ =	shalt  }
0x81: {  	_ =	shalt  }
0x82: {  	_ =	shalt  }
0x83: {  	_ =	shalt  }
0x84: {  	_ =	shalt  }
0x85: {  	_ =	shalt  }
0x86: {  	_ =	shalt  }
0x87: {  	_ =	shalt  }
.Lfunc_end0:
.L_simem_size_0:
called_computation_lowered:
.L_overlay_start_0:
0x88: {  	s2 =	sld [smem:$0x3FD9]  }
0x89: {  	s3 =	sld [smem:$0x3FFE];
	_ =	sdelay $0x1  }
0x8a: {  	s1 =	srdreg.scid  }
0x8b: {  	s0 =	sand.u32 $0x1, s1  }
0x8c: {  	s14 =	sshll.u32 s0, $0xA;
	s2 =	sadd.s32 s3, s2  }
0x8d: {  	s2 =	sadd.s32 s2, s14  }
0x8e: {  	[smem:$0x3FBB] =	sst s2  }
0x8f: {  	_ = 	snop  }
0x90: {  	s2 =	sld [smem:$0x3FD0];
	_ =	sdelay $0x2  }
0x91: {  	s15 =	simm.s32 $0xA;
	s4 =	simm.s32 $0x10  }
0x92: {  	[smem:s4], [sflag:s15] =	dma.local [hbm:s2], $0x1  }
0x93: {  	_ =	swait.eq [sflag:s15], $0x1  }
0x94: {  	[sflag:s15] =	ssyncset.done $0x0  }
0x95: {  	[sflag:s15] =	ssyncadd.s32 $0xFFFFFFFF  }
0x96: {  	s16 =	sld [smem:$0x11];
	(tm) =	ssettm $0x1  }
0x97: {  	s17 =	sld [smem:$0x3FFB];
	_ =	sdelay $0x3  }
0x98: {  	_ =	strace s17  }
0x99: {  	s3 =	sld [smem:$0x3FFC];
	_ =	sdelay $0x3  }
0x9a: {  	_ =	strace s3  }
0x9b: {  	s3 =	sld [smem:$0x3FFD];
	_ =	sdelay $0x3  }
0x9c: {  	_ =	strace s3  }
0x9d: {  	_ =	strace $0x8FFFFFFF  }
0x9e: {  	s18 =	sld [smem:$0x3FDB];
	_ =	sdelay $0x1  }
0x9f: {  	s19 =	simm.s32 $_scs_section_size  }
0xa0: {  	s5 =	simm.s32 $_size__tile_overlayer_lowered;
	s6 =	simm.s32 $_tile_overlayer_lowered  }
0xa1: {  	s22 =	simm.s32 $0x1BFF;
	s21 =	sshll.u32 s6, $0x1;
	s3 =	sadd.s32 s19, s18  }
0xa2: {  	s7 =	simm.s32 $0x0;
	s20 =	sshll.u32 s5, $0x1;
	s5 =	sadd.s32 s21, s3  }
0xa3: {  	[timem:s7], [sflag:s22] =	dma.local [hbm:s5], s20  }
0xa4: {  	_ =	swait.ge [sflag:s22], s20  }
0xa5: {  	s4 =	ssub.s32 $0x0, s20;
	[sflag:s22] =	ssyncset.done $0x0  }
0xa6: {  	[sflag:s22] =	ssyncadd.s32 s4;
	_ =	sdelay $0x1  }
0xa7: {  	s23 =	simm.s32 $0x1B8B  }
0xa8: {  	_ =	swait.ge [sflag:s23], $0x1  }
0xa9: {  	[sflag:s23] =	ssyncset.done $0x0  }
0xaa: {  	s25 =	simm.s32 $0x1B8E;
	s24 =	sld [smem:$0x3FFE];
	[sflag:s23] =	ssyncadd.s32 $0xFFFFFFFF  }
0xab: {  	s26 =	simm.s32 $execute0_lowered;
	[smem:$0x3FD2] =	sst s25  }
0xac: {  	s5 =	sshll.u32 s26, $0x1;
	_ =	strace $0x80000046;
	[dreg:$0x1] =	wrdreg $0xFFFFFFFF  }
0xad: {  	s28 =	simm.s32 $_size_execute0_lowered;
	s3 =	sadd.s32 s3, s5;
	[dreg:$0x0] =	wrdreg $0x0  }
0xae: {  	s5 =	sshll.u32 s28, $0x1;
	[dreg:$0x2] =	wrdreg s3  }
0xaf: {  	[dreg:$0x3] =	wrdreg s5  }
0xb0: {  	[dreg:$0x4] =	wrdreg $0xC0  }
0xb1: {  	_ =	task [dreg:s7], $0x5FFFF  }
0xb2: {  	[dreg:$0x1] =	wrdreg $0xFFFFFFFF  }
0xb3: {  	[dreg:$0x0] =	wrdreg $0x60  }
0xb4: {  	[dreg:$0x2] =	wrdreg s16  }
0xb5: {  	[dreg:$0x3] =	wrdreg s24  }
0xb6: {  	[dreg:$0x4] =	wrdreg $0x2B000  }
0xb7: {  	[dreg:$0x5] =	wrdreg $0x9  }
0xb8: {  	_ =	task.clear_ibuf [dreg:s7], $0x6FFFF;
	_ =	strace $0x90000046  }
0xb9: {  	s29 =	simm.s32 $0x9;
	_ =	strace $0x80000048  }
0xba: {  	_ =	swait.ge [sflag:s29], $0x1  }
0xbb: {  	[sflag:s29] =	ssyncadd.s32 $0xFFFFFFFF  }
0xbc: {  	_ =	strace $0x90000048  }
0xbd: {  	_ =	sfence  }
0xbe: {  	s30 =	sld [smem:$0x0];
	_ =	sdelay $0x2  }
0xbf: {  	s31 =	sshll.u32 s1, $0xD;
	s1 =	sshrl.u32 s1, $0x2  }
0xc0: {  	s3 =	sand.u32 $0x4000, s31;
	s1 =	sadd.s32 s1, s30  }
0xc1: {  	s0 =	sor.u32 s3, s0;
	s1 =	sshll.u32 s1, $0x11  }
0xc2: {  	s0 =	sor.u32 s1, s0  }
0xc3: {  	s0 =	sadd.s32 $0x8F2B, s0  }
0xc4: {  	[sflag:s0] =	ssyncadd.remote.s32 $0x1  }
0xc5: {  	_ =	sfence.sel $0xFFFF  }
0xc6: {  	[dreg:$0x0] =	wrdreg $0xFFFFFFFF;
	(pc) =	sbr.abs _section_cstart, $3  }
0xc7: {  	[dreg:$0x1] =	wrdreg $0xFFFFFFFF  }
0xc8: {  	_ =	task.clear_ibuf [dreg:s7], $0x2FFFF;
	_ =	strace $0x9FFFFFFF  }
0xc9: {  	(tm) =	ssettm $0x7FFFFFFF  }
tec
execute0_lowered:
.L_overlay_start_1:
0x0: {  	(tag) =	ssettag $0x1  }
0x1: {  	s4 =	rddreg [dreg:$0x0]  }
0x2: {  	s5 =	rddreg [dreg:$0x1]  }
0x3: {  	s2 =	rddreg [dreg:$0x2]  }
0x4: {  	s0 =	rddreg [dreg:$0x3];
	s6 =	srdreg.scid  }
0x5: {  	s1 =	stileid.u32;
	s3 =	simm.s32 $0x0;
	s11 =	simm.s32 $0x2800  }
0x6: {  	s12 =	simm.s32 $0x1;
	s15 =	simm.s32 $0x20;
	s16 =	simm.s32 $0x10  }
0x7: {  	s17 =	simm.s32 $0x0;
	s6 =	sand.u32 $0x1, s6;
	s7 =	smul.u32 $0x500, s1  }
0x8: {  	[smem:$0x7FF] =	sst s3;
	s29 =	sshll.u32 s1, $0x1;
	s30 =	smul.u32 $0xA00, s1  }
0x9: {  	s13 =	sshll.u32 s1, $0x6;
	s8 =	sshll.u32 s6, $0x7;
	_ =	strace $0x80000047  }
0xa: {  	s9 =	ssub.s32 $0x2, s6;
	s6 =	sor.u32 s6, s29;
	s13 =	sor.u32 $0x1C02, s13  }
0xb: {  	s7 =	sor.u32 s8, s7;
	s10 =	sshrl.u32 s9, $0x1;
	s6 =	smul.u32 $0x500, s6  }
0xc: {  	s31 =	sshrl.u32 s30, $0x2;
	s8 =	simm.s32 $0x2;
	s7 =	sshrl.u32 s7, $0x3  }
0xd: {  	s9 =	ssub.s32 s9, s10;
	s10 =	simm.s32 $0x80;
	s7 =	sadd.s32 s7, s5  }
0xe: {  	s4 =	sadd.s32 s4, s6;
	s5 =	sadd.s32 s31, s2;
	s6 =	sadd.s32 $0x3E00, s7  }
0xf: {  	v0 =	vimm.f32 $1.000000000e+00;
	v1 =	vimm.f32 $0.0e+00;
	s7 =	smax.u32 s9, $0x1;
	s9 =	simm.s32 $0x2880;
	s14 =	sshrl.u32 s5, $0x3  }
.LBB2_1:
0x10: {  	[tilespmem:$0x2800] =	vst v0  }
0x11: {  	[tilespmem:$0x2810] =	vst v0  }
0x12: {  	[tilespmem:$0x2820] =	vst v0  }
0x13: {  	[tilespmem:$0x2830] =	vst v0  }
0x14: {  	[tilespmem:$0x2840] =	vst v0  }
0x15: {  	[tilespmem:$0x2850] =	vst v0  }
0x16: {  	[tilespmem:$0x2860] =	vst v0  }
0x17: {  	[tilespmem:$0x2870] =	vst v0  }
0x18: {  	[tilespmem:$0x2880] =	vst v1  }
0x19: {  	[tilespmem:$0x2890] =	vst v1  }
0x1a: {  	[tilespmem:$0x28A0] =	vst v1  }
0x1b: {  	[tilespmem:$0x28B0] =	vst v1  }
0x1c: {  	[tilespmem:$0x28C0] =	vst v1  }
0x1d: {  	[tilespmem:$0x28D0] =	vst v1  }
0x1e: {  	[tilespmem:$0x28E0] =	vst v1  }
0x1f: {  	[tilespmem:$0x28F0] =	vst v1  }
0x20: {  	[tilespmem:$0x2900] =	vst v1  }
0x21: {  	[tilespmem:$0x2910] =	vst v1  }
0x22: {  	[tilespmem:$0x2920] =	vst v1  }
0x23: {  	[tilespmem:$0x2930] =	vst v1  }
0x24: {  	[tilespmem:$0x2940] =	vst v1  }
0x25: {  	[tilespmem:$0x2950] =	vst v1  }
0x26: {  	[tilespmem:$0x2960] =	vst v1  }
0x27: {  	[tilespmem:$0x2970] =	vst v1  }
0x28: {  	[tilespmem:$0x2980] =	vst v1  }
0x29: {  	[tilespmem:$0x2990] =	vst v1  }
0x2a: {  	[tilespmem:$0x29A0] =	vst v1  }
0x2b: {  	[tilespmem:$0x29B0] =	vst v1  }
0x2c: {  	[tilespmem:$0x29C0] =	vst v1  }
0x2d: {  	[tilespmem:$0x29D0] =	vst v1  }
0x2e: {  	[tilespmem:$0x29E0] =	vst v1  }
0x2f: {  	[tilespmem:$0x29F0] =	vst v1  }
0x30: {  	[tilespmem:$0x2A00] =	vst v1  }
0x31: {  	[tilespmem:$0x2A10] =	vst v1  }
0x32: {  	[tilespmem:$0x2A20] =	vst v1  }
0x33: {  	[tilespmem:$0x2A30] =	vst v1  }
0x34: {  	[tilespmem:$0x2A40] =	vst v1  }
0x35: {  	[tilespmem:$0x2A50] =	vst v1  }
0x36: {  	[tilespmem:$0x2A60] =	vst v1  }
0x37: {  	[tilespmem:$0x2A70] =	vst v1  }
0x38: {  	[tilespmem:$0x2A80] =	vst v1  }
0x39: {  	[tilespmem:$0x2A90] =	vst v1  }
0x3a: {  	[tilespmem:$0x2AA0] =	vst v1  }
0x3b: {  	[tilespmem:$0x2AB0] =	vst v1  }
0x3c: {  	[tilespmem:$0x2AC0] =	vst v1  }
0x3d: {  	[tilespmem:$0x2AD0] =	vst v1  }
0x3e: {  	[tilespmem:$0x2AE0] =	vst v1  }
0x3f: {  	[tilespmem:$0x2AF0] =	vst v1  }
0x40: {  	[tilespmem:s3], [sflag:$0x2] =	stream.linear.gather [hbm4b:s4+s3], $0x2800, $0x38;
	[tilespmem:$0x2D80] =	vst v63  }
0x41: {  	_ =	swait.ge [sflag:s8], $0x2800  }
0x42: {  	[sflag:s8] =	ssyncset.done $0x0  }
0x43: {  	[sflag:s8] =	ssyncadd.s32 $0xFFFFD800  }
0x44: {  	[spmem:s5] =	stream.linear.scatter [tilespmem:s9], [sflag:$0x2], $0x280, $0x38;
	[tilespmem:$0x2D80] =	vst v63  }
0x45: {  	_ =	swait.ge [sflag:s8], $0x280  }
0x46: {  	[sflag:s8] =	ssyncset.done $0x0  }
0x47: {  	[sflag:s8] =	ssyncadd.s32 $0xFFFFFD80  }
0x48: {  	s18 =	simm.s32 $0x0;
	[bflag:$0x0] =	sbarrier.arrive $0xFFFF  }
.LBB2_2:
0x49: {  	p0 =	sne.s32 s18, $0x9E00  }
.Ltmp0:
0x4a: {  	_ = 	snop;
	(pc) =	sbr.rel @p0 .LBB2_2-.Ltmp0, $3  }
0x4b: {  	_ =	sdelay $0x1  }
0x4c: {  	s19 =	sshra.s32 s18, $0x2;
	s18 =	sadd.s32 $0x200, s18  }
0x4d: {  	[spmem:s2] =	stream.indirect.scatter.add.f32 [tilespmem:s11], [sflag:$0x1], $0x1, s19, s10, $0xb8;
	[tilespmem:$0x2D80] =	vst v63  }
0x4e: {  	_ =	swait.ge [sflag:s12], $0x80  }
0x4f: {  	s18 =	simm.s32 $0x4F;
	[sflag:s12] =	ssyncset.done $0x0  }
.LBB2_4:
0x50: {  	p0 =	sne.s32 s18, $0x1;
	s18 =	sadd.s32 $0xFFFFFFFF, s18;
	[sflag:s12] =	ssyncadd.s32 $0xFFFFFF80  }
.Ltmp1:
0x51: {  	(pc) =	sbr.rel @p0 .LBB2_4-.Ltmp1, $3  }
0x52: {  	_ =	sdelay $0x1  }
0x53: {  	_ =	swait.ge [sflag:s12], $0x80  }
0x54: {  	[sflag:s12] =	ssyncset.done $0x0  }
0x55: {  	s17 =	sadd.s32 $0x1, s17  }
0x56: {  	[sflag:s12] =	ssyncadd.s32 $0xFFFFFF80;
	p0 =	sne.s32 s17, s7  }
.Ltmp2:
0x57: {  	[bflag:$0x0] =	sbarrier.arrive $0xFFFF;
	(pc) =	sbr.rel @p0 .LBB2_1-.Ltmp2, $4  }
0x58: {  	[hbm:s6@s15], [sflag:s13] =	dma.strided [spmem:s14@s16], $0x50, s12, $0x10   }
0x59: {  	_ =	swait.ge [sflag:s8], $0x50  }
0x5a: {  	[sflag:s8] =	ssyncset.done $0x0  }
0x5b: {  	[sflag:s8] =	ssyncadd.s32 $0xFFFFFFB0  }
0x5c: {  	_ =	sfence.sel $0x180000  }
0x5d: {  	[bflag:$0x0] =	sbarrier.arrive $0xFFFF  }
0x5e: {  	p0 =	sne.s32 s1, $0x0;
	_ =	strace $0x90000047  }
0x5f: {  	s0 =	sadd.s32 @!p0 $0x100000, s0;
	[bflag:$0x2] =	sbarrier.arrive $0xFFFF  }
0x60: {  	[sflag:s0] =	ssyncadd.tile.s32 @!p0 $0x1;
	_ =	shalt  }
.Lfunc_end2:
_tile_overlayer_lowered:
.L_overlay_start_2:
0x61: {  	(tag) =	ssettag $0x2  }
0x62: {  	s0 =	rddreg [dreg:$0x0];
	s2 =	stileid.u32  }
0x63: {  	s1 =	rddreg [dreg:$0x1];
	p0 =	sne.s32 s2, $0x0  }
0x64: {  	s3 =	rddreg [dreg:$0x2];
	[bflag:$0x3] =	sbarrier.arrive $0xFFFF;
	s2 =	simm.s32 @!p0 $0x1C02  }
0x65: {  	[timem:s3], [sflag:s2] =	dma.local @!p0 [hbm:s0], s1  }
0x66: {  	s0 =	simm.s32 @!p0 $0x2  }
0x67: {  	_ =	swait.ge @!p0 [sflag:s0], s1  }
0x68: {  	s1 =	ssub.s32 @!p0 $0x0, s1;
	[sflag:s0] =	ssyncset.done @!p0 $0x0  }
0x69: {  	[sflag:s0] =	ssyncadd.s32 @!p0 s1  }
0x6a: {  	[bflag:$0x3] =	sbarrier.arrive $0xFFFF  }
0x6b: {  	_ =	shalt  }

// kernel: kernel.13.cloned.1.call-start
scs
__scs_entry_jumppad:
0x0: {  	(pc) =	sbr.rel $0x88, $3  }
0x1: {  	(tag) =	ssettag $0x0;
	lr =	simm.s32 $0x1  }
0x2: {  	[smem:$0x3F94] =	sst lr;
	_ =	strace $0xD0000000  }
0x3: {  	_ = 	snop  }
0x4: {  	_ = 	snop  }
0x5: {  	_ = 	snop  }
0x6: {  	_ = 	snop  }
0x7: {  	_ = 	snop  }
__scs_overlays_trampoline_lowered:
0x8: {  	[smem:$0x3FA3] =	sst s0  }
0x9: {  	[smem:$0x3FA4] =	sst s1  }
0xa: {  	[smem:$0x3FA5] =	sst s2  }
0xb: {  	[smem:$0x3FA6] =	sst s3  }
0xc: {  	[smem:$0x3FA7] =	sst s4  }
0xd: {  	[smem:$0x3FA8] =	sst s5  }
0xe: {  	[smem:$0x3FA9] =	sst s6  }
0xf: {  	[smem:$0x3FAA] =	sst s7  }
0x10: {  	[smem:$0x3FAB] =	sst s8  }
0x11: {  	[smem:$0x3FAC] =	sst s9;
	s0 =	simm.s32 @!p0 $0x0  }
0x12: {  	s1 =	sld [smem:$0x3F92];
	s0 =	simm.s32 @p0 $0x1  }
0x13: {  	[smem:$0x3FAD] =	sst s0;
	s0 =	simm.s32 @!p1 $0x0  }
0x14: {  	s2 =	sld [smem:$0x3F91];
	s0 =	simm.s32 @p1 $0x1  }
0x15: {  	[smem:$0x3FAE] =	sst s0;
	s0 =	simm.s32 @!p2 $0x0  }
0x16: {  	s3 =	sld [smem:$0x3FDB];
	s0 =	simm.s32 @p2 $0x1  }
0x17: {  	s4 =	simm.s32 $0x1BF5;
	[smem:$0x3FB0] =	sst s0  }
0x18: {  	s0 =	sld [smem:$0x3F93];
	_ =	swait.ge [sflag:s4], $0x0  }
0x19: {  	s7 =	sld [smem:$0x3F94]  }
0x1a: {  	s8 =	sadd.s32 $0xFFFFE003, lr  }
0x1b: {  	s9 =	sadd.s32 $0xFFFFFEF7, lr;
	s5 =	simm.s32 $0xFFFFFFFF;
	p2 =	slt.u32 s8, $0xFFFFF086  }
0x1c: {  	p1 =	slt.u32 s9, $0xF7A;
	s5 =	simm.s32 @!p2 $0x0  }
0x1d: {  	s5 =	simm.s32 @p1 $0x1;
	p0 =	seq.s32 s7, s2  }
0x1e: {  	s7 =	smul.u32 @!p0 $0xF7A, s2;
	p2 =	seq.s32 @!p0 s5, $0x0  }
0x1f: {  	s9 =	smul.u32 $0xF7A, s1;
	s8 =	simm.s32 @!p0 $0x1BF5;
	p2 =	por !p2, p0  }
0x20: {  	[sflag:s8] =	ssyncset.s32 @!p0 $0xFFFFF086;
	s6 =	sadd.s32 @!p0 s3, s7;
	s7 =	simm.s32 @!p0 $0x108  }
0x21: {  	s3 =	sadd.s32 s3, s9;
	s6 =	sadd.s32 @!p0 $0x88, s6;
	s7 =	simm.s32 @p2 $0x1082  }
0x22: {  	[simem:s7], [sflag:s8] =	dma.local @!p0 [hbm:s6], $0xF7A  }
0x23: {  	s9 =	sor.u32 $0xD0000000, s2;
	s6 =	simm.s32 $0x108;
	_ =	swait.ge @!p0 [sflag:s8], $0x0  }
0x24: {  	s3 =	sadd.s32 $0x88, s3;
	s6 =	simm.s32 @!p1 $0x1082;
	[sflag:s4] =	ssyncset.s32 $0xFFFFF086  }
0x25: {  	[simem:s6], [sflag:s4] =	dma.local [hbm:s3], $0xF7A  }
0x26: {  	[smem:$0x3F94] =	sst s1;
	(tag) =	ssettag s2;
	_ =	strace s9  }
0x27: {  	s1 =	sld [smem:$0x3FA4]  }
0x28: {  	s2 =	sld [smem:$0x3FA5]  }
0x29: {  	s4 =	sld [smem:$0x3FA7]  }
0x2a: {  	p0 =	seq.s32 s5, $0x0;
	s5 =	sld [smem:$0x3FA8]  }
0x2b: {  	s6 =	sld [smem:$0x3FA9]  }
0x2c: {  	s7 =	sld [smem:$0x3FAA]  }
0x2d: {  	s3 =	simm.s32 $0x108;
	s8 =	sld [smem:$0x3FAB]  }
0x2e: {  	s3 =	simm.s32 @!p0 $0x1082;
	s9 =	sld [smem:$0x3FAC]  }
0x2f: {  	lr =	sadd.s32 s0, s3;
	s0 =	sld [smem:$0x3FA3]  }
0x30: {  	s3 =	sld [smem:$0x3FA6]  }
0x31: {  	[smem:$0x3FAF] =	sst s10  }
0x32: {  	s10 =	sld [smem:$0x3FAD];
	_ =	sdelay $0x3  }
0x33: {  	p0 =	seq.s32 s10, $0x1;
	s10 =	sld [smem:$0x3FAF];
	_ =	sdelay $0x3  }
0x34: {  	[smem:$0x3FAF] =	sst s10  }
0x35: {  	s10 =	sld [smem:$0x3FAE];
	_ =	sdelay $0x3  }
0x36: {  	p1 =	seq.s32 s10, $0x1;
	s10 =	sld [smem:$0x3FAF];
	_ =	sdelay $0x3  }
0x37: {  	[smem:$0x3FAF] =	sst s10  }
0x38: {  	s10 =	sld [smem:$0x3FB0]  }
0x39: {  	_ = 	snop;
	(pc) =	sbr.ind lr, $3  }
0x3a: {  	_ = 	snop  }
0x3b: {  	_ = 	snop  }
0x3c: {  	p2 =	seq.s32 s10, $0x1;
	s10 =	sld [smem:$0x3FAF]  }
0x3d: {  	_ =	shalt  }
0x3e: {  	_ =	shalt  }
0x3f: {  	_ =	shalt  }
0x40: {  	_ =	shalt  }
0x41: {  	_ =	shalt  }
0x42: {  	_ =	shalt  }
0x43: {  	_ =	shalt  }
0x44: {  	_ =	shalt  }
0x45: {  	_ =	shalt  }
0x46: {  	_ =	shalt  }
0x47: {  	_ =	shalt  }
0x48: {  	_ =	shalt  }
0x49: {  	_ =	shalt  }
0x4a: {  	_ =	shalt  }
0x4b: {  	_ =	shalt  }
0x4c: {  	_ =	shalt  }
0x4d: {  	_ =	shalt  }
0x4e: {  	_ =	shalt  }
0x4f: {  	_ =	shalt  }
0x50: {  	_ =	shalt  }
0x51: {  	_ =	shalt  }
0x52: {  	_ =	shalt  }
0x53: {  	_ =	shalt  }
0x54: {  	_ =	shalt  }
0x55: {  	_ =	shalt  }
0x56: {  	_ =	shalt  }
0x57: {  	_ =	shalt  }
0x58: {  	_ =	shalt  }
0x59: {  	_ =	shalt  }
0x5a: {  	_ =	shalt  }
0x5b: {  	_ =	shalt  }
0x5c: {  	_ =	shalt  }
0x5d: {  	_ =	shalt  }
0x5e: {  	_ =	shalt  }
0x5f: {  	_ =	shalt  }
0x60: {  	_ =	shalt  }
0x61: {  	_ =	shalt  }
0x62: {  	_ =	shalt  }
0x63: {  	_ =	shalt  }
0x64: {  	_ =	shalt  }
0x65: {  	_ =	shalt  }
0x66: {  	_ =	shalt  }
0x67: {  	_ =	shalt  }
0x68: {  	_ =	shalt  }
0x69: {  	_ =	shalt  }
0x6a: {  	_ =	shalt  }
0x6b: {  	_ =	shalt  }
0x6c: {  	_ =	shalt  }
0x6d: {  	_ =	shalt  }
0x6e: {  	_ =	shalt  }
0x6f: {  	_ =	shalt  }
0x70: {  	_ =	shalt  }
0x71: {  	_ =	shalt  }
0x72: {  	_ =	shalt  }
0x73: {  	_ =	shalt  }
0x74: {  	_ =	shalt  }
0x75: {  	_ =	shalt  }
0x76: {  	_ =	shalt  }
0x77: {  	_ =	shalt  }
0x78: {  	_ =	shalt  }
0x79: {  	_ =	shalt  }
0x7a: {  	_ =	shalt  }
0x7b: {  	_ =	shalt  }
0x7c: {  	_ =	shalt  }
0x7d: {  	_ =	shalt  }
0x7e: {  	_ =	shalt  }
0x7f: {  	_ =	shalt  }
0x80: {  	_ =	shalt  }
0x81: {  	_ =	shalt  }
0x82: {  	_ =	shalt  }
0x83: {  	_ =	shalt  }
0x84: {  	_ =	shalt  }
0x85: {  	_ =	shalt  }
0x86: {  	_ =	shalt  }
0x87: {  	_ =	shalt  }
.Lfunc_end0:
.L_simem_size_0:
called_computation.1_lowered:
.L_overlay_start_0:
0x88: {  	s2 =	sld [smem:$0x3FD9]  }
0x89: {  	s3 =	sld [smem:$0x3FFE];
	_ =	sdelay $0x1  }
0x8a: {  	s1 =	srdreg.scid  }
0x8b: {  	s0 =	sand.u32 $0x1, s1  }
0x8c: {  	s14 =	sshll.u32 s0, $0xA;
	s2 =	sadd.s32 s3, s2  }
0x8d: {  	s2 =	sadd.s32 s2, s14  }
0x8e: {  	[smem:$0x3FBB] =	sst s2  }
0x8f: {  	_ = 	snop  }
0x90: {  	s2 =	sld [smem:$0x3FD0];
	_ =	sdelay $0x2  }
0x91: {  	s15 =	simm.s32 $0xA;
	s4 =	simm.s32 $0x10  }
0x92: {  	[smem:s4], [sflag:s15] =	dma.local [hbm:s2], $0x1  }
0x93: {  	_ =	swait.eq [sflag:s15], $0x1  }
0x94: {  	[sflag:s15] =	ssyncset.done $0x0  }
0x95: {  	s16 =	sld [smem:$0x10];
	[sflag:s15] =	ssyncadd.s32 $0xFFFFFFFF  }
0x96: {  	s17 =	sld [smem:$0x11];
	(tm) =	ssettm $0x1  }
0x97: {  	s18 =	sld [smem:$0x3FFB];
	_ =	sdelay $0x3  }
0x98: {  	_ =	strace s18  }
0x99: {  	s4 =	sld [smem:$0x3FFC];
	_ =	sdelay $0x3  }
0x9a: {  	_ =	strace s4  }
0x9b: {  	s4 =	sld [smem:$0x3FFD];
	_ =	sdelay $0x3  }
0x9c: {  	_ =	strace s4  }
0x9d: {  	_ =	strace $0x8FFFFFFF  }
0x9e: {  	s19 =	sld [smem:$0x3FDB];
	_ =	sdelay $0x1  }
0x9f: {  	s5 =	simm.s32 $_scs_section_size  }
0xa0: {  	s6 =	simm.s32 $_size__tile_overlayer_lowered;
	s7 =	simm.s32 $_tile_overlayer_lowered  }
0xa1: {  	s22 =	simm.s32 $0x1BFF;
	s21 =	sshll.u32 s7, $0x1;
	s4 =	sadd.s32 s5, s19  }
0xa2: {  	s8 =	simm.s32 $0x0;
	s20 =	sshll.u32 s6, $0x1;
	s6 =	sadd.s32 s21, s4  }
0xa3: {  	[timem:s8], [sflag:s22] =	dma.local [hbm:s6], s20  }
0xa4: {  	_ =	swait.ge [sflag:s22], s20  }
0xa5: {  	s5 =	ssub.s32 $0x0, s20;
	[sflag:s22] =	ssyncset.done $0x0  }
0xa6: {  	[sflag:s22] =	ssyncadd.s32 s5;
	_ =	sdelay $0x1  }
0xa7: {  	s23 =	simm.s32 $0x1B8B  }
0xa8: {  	_ =	swait.ge [sflag:s23], $0x1  }
0xa9: {  	[sflag:s23] =	ssyncset.done $0x0  }
0xaa: {  	s25 =	simm.s32 $0x1B8E;
	s24 =	sld [smem:$0x3FFE];
	[sflag:s23] =	ssyncadd.s32 $0xFFFFFFFF  }
0xab: {  	s26 =	simm.s32 $execute0_lowered;
	[smem:$0x3FD2] =	sst s25  }
0xac: {  	s6 =	sshll.u32 s26, $0x1;
	_ =	strace $0x80000049;
	[dreg:$0x1] =	wrdreg $0xFFFFFFFF  }
0xad: {  	s28 =	simm.s32 $_size_execute0_lowered;
	s4 =	sadd.s32 s4, s6;
	[dreg:$0x0] =	wrdreg $0x0  }
0xae: {  	s6 =	sshll.u32 s28, $0x1;
	[dreg:$0x2] =	wrdreg s4  }
0xaf: {  	[dreg:$0x3] =	wrdreg s6  }
0xb0: {  	[dreg:$0x4] =	wrdreg $0xC0  }
0xb1: {  	_ =	task [dreg:s8], $0x5FFFF  }
0xb2: {  	[dreg:$0x1] =	wrdreg $0xFFFFFFFF  }
0xb3: {  	[dreg:$0x0] =	wrdreg $0x60  }
0xb4: {  	[dreg:$0x2] =	wrdreg s24  }
0xb5: {  	[dreg:$0x3] =	wrdreg s16  }
0xb6: {  	[dreg:$0x4] =	wrdreg s17  }
0xb7: {  	[dreg:$0x5] =	wrdreg $0xA8000  }
0xb8: {  	[dreg:$0x6] =	wrdreg $0x9  }
0xb9: {  	_ =	task.clear_ibuf [dreg:s8], $0x7FFFF;
	_ =	strace $0x90000049  }
0xba: {  	s29 =	simm.s32 $0x9;
	_ =	strace $0x8000004B  }
0xbb: {  	_ =	swait.ge [sflag:s29], $0x1  }
0xbc: {  	[sflag:s29] =	ssyncadd.s32 $0xFFFFFFFF  }
0xbd: {  	_ =	strace $0x9000004B  }
0xbe: {  	_ =	sfence  }
0xbf: {  	s30 =	sld [smem:$0x0];
	_ =	sdelay $0x2  }
0xc0: {  	s31 =	sshll.u32 s1, $0xD;
	s1 =	sshrl.u32 s1, $0x2  }
0xc1: {  	s3 =	sand.u32 $0x4000, s31;
	s1 =	sadd.s32 s1, s30  }
0xc2: {  	s0 =	sor.u32 s3, s0;
	s1 =	sshll.u32 s1, $0x11  }
0xc3: {  	s0 =	sor.u32 s1, s0  }
0xc4: {  	s0 =	sadd.s32 $0x8F2B, s0  }
0xc5: {  	[sflag:s0] =	ssyncadd.remote.s32 $0x1  }
0xc6: {  	_ =	sfence.sel $0xFFFF  }
0xc7: {  	[dreg:$0x0] =	wrdreg $0xFFFFFFFF;
	(pc) =	sbr.abs _section_cstart, $3  }
0xc8: {  	[dreg:$0x1] =	wrdreg $0xFFFFFFFF  }
0xc9: {  	_ =	task.clear_ibuf [dreg:s8], $0x2FFFF;
	_ =	strace $0x9FFFFFFF  }
0xca: {  	(tm) =	ssettm $0x7FFFFFFF  }
0xcb: {  	_ =	shalt  }
tec
execute0_lowered:
.L_overlay_start_1:
0x0: {  	(tag) =	ssettag $0x1  }
0x1: {  	s5 =	rddreg [dreg:$0x0]  }
0x2: {  	s12 =	rddreg [dreg:$0x1]  }
0x3: {  	s13 =	rddreg [dreg:$0x2]  }
0x4: {  	s0 =	srdreg.scid;
	s2 =	rddreg [dreg:$0x3];
	s3 =	simm.s32 $0x0  }
0x5: {  	s17 =	simm.s32 $0x4;
	s18 =	simm.s32 $0x1400;
	s19 =	simm.s32 $0x80  }
0x6: {  	s20 =	simm.s32 $0x2800;
	s21 =	simm.s32 $0x3;
	s22 =	simm.s32 $0x1  }
0x7: {  	s23 =	simm.s32 $0x2;
	s24 =	simm.s32 $0x1380;
	s6 =	sand.u32 $0x1, s0  }
0x8: {  	s25 =	simm.s32 $0x2700;
	s0 =	stileid.u32;
	s4 =	smul.u32 $0x140000, s6  }
0x9: {  	s26 =	simm.s32 $0x2780;
	[smem:$0x7FF] =	sst s3;
	s7 =	smul.u32 $0x14000, s0  }
0xa: {  	s8 =	smul.u32 $0x50000, s0;
	s28 =	sshll.u32 s0, $0x1;
	s29 =	ssub.s32 $0x2, s6  }
0xb: {  	_ =	strace $0x8000004A;
	s6 =	sor.u32 s6, s28;
	s31 =	sshrl.u32 s29, $0x1  }
0xc: {  	s4 =	sadd.s32 s7, s4;
	s30 =	sshrl.u32 s8, $0x2;
	s10 =	smul.u32 $0x2800, s6  }
0xd: {  	s15 =	ssub.s32 s29, s31;
	s7 =	sshrl.u32 s4, $0x3;
	s4 =	sadd.s32 $0x3E00, s5  }
0xe: {  	s15 =	smax.u32 s15, $0x1;
	s14 =	sadd.s32 s7, s5;
	s5 =	sadd.s32 s30, s2  }
0xf: {  	s16 =	sshrl.u32 s10, $0x3;
	s6 =	sadd.s32 $0x4000, s5;
	s7 =	sadd.s32 $0x8000, s5  }
0x10: {  	s8 =	sadd.s32 $0xC000, s5;
	s9 =	sadd.s32 $0x10000, s5;
	s10 =	sadd.s32 s12, s16  }
0x11: {  	s11 =	sadd.s32 s13, s16;
	s16 =	sadd.s32 $0x280, s16;
	s14 =	sadd.s32 $0x2B000, s14  }
0x12: {  	v0 =	vimm.f32 $0.0e+00;
	s12 =	sadd.s32 s12, s16;
	s13 =	sadd.s32 s13, s16;
	s16 =	simm.s32 $0x6800  }
.LBB2_1:
0x13: {  	s28 =	simm.s32 $0x0;
	s29 =	simm.s32 $0x200  }
.LBB2_2:
0x14: {  	p0 =	sne.s32 s29, $0xFE00;
	[tilespmem:s28+$0x6870] =	vst v0  }
0x15: {  	[tilespmem:s28+$0x6800] =	vst v0  }
0x16: {  	[tilespmem:s28+$0x6810] =	vst v0  }
.Ltmp0:
0x17: {  	[tilespmem:s28+$0x6820] =	vst v0;
	(pc) =	sbr.rel @p0 .LBB2_2-.Ltmp0, $4  }
0x18: {  	[tilespmem:s28+$0x6830] =	vst v0  }
0x19: {  	[tilespmem:s28+$0x6840] =	vst v0  }
0x1a: {  	[tilespmem:s28+$0x6850] =	vst v0  }
0x1b: {  	[tilespmem:s28+$0x6860] =	vst v0;
	s28 =	sshra.s32 s29, $0x2;
	s29 =	sadd.s32 $0x200, s29  }
0x1c: {  	[tilespmem:s28+$0x6870] =	vst v0  }
0x1d: {  	[tilespmem:s28+$0x6800] =	vst v0  }
0x1e: {  	[tilespmem:s28+$0x6810] =	vst v0  }
0x1f: {  	[tilespmem:s28+$0x6820] =	vst v0  }
0x20: {  	[tilespmem:s28+$0x6830] =	vst v0  }
0x21: {  	[tilespmem:s28+$0x6840] =	vst v0  }
0x22: {  	[tilespmem:s28+$0x6850] =	vst v0  }
0x23: {  	[tilespmem:s28+$0x6860] =	vst v0  }
0x24: {  	[spmem:s5] =	stream.linear.scatter [tilespmem:s16], [sflag:$0x3], $0x4000, $0x38;
	[tilespmem:$0x1E800] =	vst v63  }
0x25: {  	_ = 	snop  }
0x26: {  	[spmem:s6] =	stream.linear.scatter [tilespmem:s16], [sflag:$0x3], $0x4000, $0x38;
	[tilespmem:$0x1E800] =	vst v63  }
0x27: {  	_ = 	snop  }
0x28: {  	[spmem:s7] =	stream.linear.scatter [tilespmem:s16], [sflag:$0x3], $0x4000, $0x38;
	[tilespmem:$0x1E800] =	vst v63  }
0x29: {  	_ = 	snop  }
0x2a: {  	[spmem:s8] =	stream.linear.scatter [tilespmem:s16], [sflag:$0x3], $0x4000, $0x38;
	[tilespmem:$0x1E800] =	vst v63  }
0x2b: {  	_ = 	snop  }
0x2c: {  	[spmem:s9] =	stream.linear.scatter [tilespmem:s16], [sflag:$0x3], $0x4000, $0x38;
	[tilespmem:$0x1E800] =	vst v63  }
0x2d: {  	s28 =	simm.s32 $0x0  }
0x2e: {  	[tilespmem:s28], [sflag:$0x4] =	stream.linear.gather [hbm4b:s10+s28], $0x1400, $0x38;
	[tilespmem:$0x1E800] =	vst v63  }
0x2f: {  	_ =	swait.ge [sflag:s17], $0x1400  }
0x30: {  	[sflag:s17] =	ssyncset.done $0x0  }
0x31: {  	[sflag:s17] =	ssyncadd.s32 $0xFFFFEC00  }
0x32: {  	[tilespmem:s18], [sflag:$0x4] =	stream.linear.gather [hbm4b:s11+s28], $0x1400, $0x38;
	[tilespmem:$0x1E800] =	vst v63  }
0x33: {  	_ =	swait.ge [sflag:s17], $0x1400  }
0x34: {  	[sflag:s17] =	ssyncset.done $0x0  }
0x35: {  	[sflag:s17] =	ssyncadd.s32 $0xFFFFEC00  }
0x36: {  	[tilespmem:s20], [sflag:$0x1] =	stream.indirect.gather [hbm4b:s4+s19], $0x80, s28, s19, $0xb8;
	[tilespmem:$0x1E800] =	vst v63  }
0x37: {  	_ =	swait.ge [sflag:s21], $0x4000  }
0x38: {  	[sflag:s21] =	ssyncset.done $0x0  }
0x39: {  	[sflag:s21] =	ssyncadd.s32 $0xFFFFC000  }
0x3a: {  	_ =	swait.ge [sflag:s21], $0x4000  }
0x3b: {  	[sflag:s21] =	ssyncset.done $0x0  }
0x3c: {  	[sflag:s21] =	ssyncadd.s32 $0xFFFFC000  }
0x3d: {  	_ =	swait.ge [sflag:s21], $0x4000  }
0x3e: {  	[sflag:s21] =	ssyncset.done $0x0  }
0x3f: {  	[sflag:s21] =	ssyncadd.s32 $0xFFFFC000  }
0x40: {  	_ =	swait.ge [sflag:s21], $0x4000  }
0x41: {  	[sflag:s21] =	ssyncset.done $0x0  }
0x42: {  	[sflag:s21] =	ssyncadd.s32 $0xFFFFC000  }
0x43: {  	_ =	swait.ge [sflag:s21], $0x4000  }
0x44: {  	[sflag:s21] =	ssyncset.done $0x0  }
0x45: {  	[sflag:s21] =	ssyncadd.s32 $0xFFFFC000  }
0x46: {  	s28 =	simm.s32 $0x80;
	[bflag:$0x0] =	sbarrier.arrive $0xFFFF  }
0x47: {  	[tilespmem:s16], [sflag:$0x2] =	stream.indirect.gather [hbm4b:s4+s19], $0x80, s28, s19, $0xb8;
	[tilespmem:$0x1E800] =	vst v63  }
0x48: {  	_ =	swait.ge [sflag:s22], $0x4000  }
0x49: {  	[sflag:s22] =	ssyncset.done $0x0  }
0x4a: {  	s28 =	simm.s32 $0x1400;
	[sflag:s22] =	ssyncadd.s32 $0xFFFFC000  }
0x4b: {  	[spmem:s2] =	stream.indirect.scatter.add.f32 [tilespmem:s20], [sflag:$0x4], $0x80, s28, s19, $0xb8;
	[tilespmem:$0x1E800] =	vst v63  }
0x4c: {  	_ =	swait.ge [sflag:s17], $0x4000  }
0x4d: {  	[sflag:s17] =	ssyncset.done $0x0  }
0x4e: {  	s28 =	simm.s32 $0x100;
	[sflag:s17] =	ssyncadd.s32 $0xFFFFC000  }
0x4f: {  	[tilespmem:s20], [sflag:$0x1] =	stream.indirect.gather [hbm4b:s4+s19], $0x80, s28, s19, $0xb8;
	[tilespmem:$0x1E800] =	vst v63  }
0x50: {  	_ =	swait.ge [sflag:s23], $0x4000  }
0x51: {  	[sflag:s23] =	ssyncset.done $0x0  }
0x52: {  	s28 =	simm.s32 $0x1480;
	[sflag:s23] =	ssyncadd.s32 $0xFFFFC000  }
0x53: {  	[spmem:s2] =	stream.indirect.scatter.add.f32 [tilespmem:s16], [sflag:$0x4], $0x80, s28, s19, $0xb8;
	[tilespmem:$0x1E800] =	vst v63  }
0x54: {  	_ =	swait.ge [sflag:s17], $0x4000  }
0x55: {  	s29 =	simm.s32 $0x800;
	s28 =	simm.s32 $0x100;
	[sflag:s17] =	ssyncset.done $0x0  }
.LBB2_4:
0x56: {  	s30 =	sadd.s32 $0x80, s28  }
0x57: {  	[sflag:s17] =	ssyncadd.s32 $0xFFFFC000;
	s31 =	smov.u32 s29;
	s1 =	sadd.s32 $0x400, s29  }
0x58: {  	[tilespmem:s16], [sflag:$0x2] =	stream.indirect.gather [hbm4b:s4+s19], $0x80, s30, s19, $0xb8;
	[tilespmem:$0x1E800] =	vst v63  }
0x59: {  	p0 =	sne.s32 s29, $0x4800;
	_ =	swait.ge [sflag:s22], $0x4000  }
0x5a: {  	[sflag:s22] =	ssyncset.done $0x0  }
0x5b: {  	s29 =	sadd.s32 $0x1400, s28;
	[sflag:s22] =	ssyncadd.s32 $0xFFFFC000  }
0x5c: {  	[spmem:s2] =	stream.indirect.scatter.add.f32 [tilespmem:s20], [sflag:$0x4], $0x80, s29, s19, $0xb8;
	[tilespmem:$0x1E800] =	vst v63  }
0x5d: {  	_ =	swait.ge [sflag:s17], $0x4000  }
0x5e: {  	[sflag:s17] =	ssyncset.done $0x0  }
0x5f: {  	s29 =	sadd.s32 $0x100, s28;
	[sflag:s17] =	ssyncadd.s32 $0xFFFFC000  }
0x60: {  	[tilespmem:s20], [sflag:$0x1] =	stream.indirect.gather [hbm4b:s4+s19], $0x80, s29, s19, $0xb8;
	[tilespmem:$0x1E800] =	vst v63  }
0x61: {  	_ =	swait.ge [sflag:s23], $0x4000  }
.Ltmp1:
0x62: {  	[sflag:s23] =	ssyncset.done $0x0;
	(pc) =	sbr.rel @p0 .LBB2_4-.Ltmp1, $4  }
0x63: {  	s28 =	sadd.s32 $0x1480, s28;
	[sflag:s23] =	ssyncadd.s32 $0xFFFFC000  }
0x64: {  	[spmem:s2] =	stream.indirect.scatter.add.f32 [tilespmem:s16], [sflag:$0x4], $0x80, s28, s19, $0xb8;
	[tilespmem:$0x1E800] =	vst v63  }
0x65: {  	_ =	swait.ge [sflag:s17], $0x4000  }
0x66: {  	s29 =	smov.u32 s1;
	s28 =	sshra.s32 s31, $0x2;
	[sflag:s17] =	ssyncset.done $0x0  }
0x67: {  	s1 =	sadd.s32 $0x80, s28;
	[sflag:s17] =	ssyncadd.s32 $0xFFFFC000  }
0x68: {  	[tilespmem:s16], [sflag:$0x2] =	stream.indirect.gather [hbm4b:s4+s19], $0x80, s1, s19, $0xb8;
	[tilespmem:$0x1E800] =	vst v63  }
0x69: {  	_ =	swait.ge [sflag:s22], $0x4000  }
0x6a: {  	[sflag:s22] =	ssyncset.done $0x0  }
0x6b: {  	s30 =	sadd.s32 $0x1400, s28;
	[sflag:s22] =	ssyncadd.s32 $0xFFFFC000  }
0x6c: {  	[spmem:s2] =	stream.indirect.scatter.add.f32 [tilespmem:s20], [sflag:$0x4], $0x80, s30, s19, $0xb8;
	[tilespmem:$0x1E800] =	vst v63  }
0x6d: {  	_ =	swait.ge [sflag:s17], $0x4000  }
0x6e: {  	[sflag:s17] =	ssyncset.done $0x0  }
0x6f: {  	s31 =	sadd.s32 $0x100, s28;
	[sflag:s17] =	ssyncadd.s32 $0xFFFFC000  }
0x70: {  	[tilespmem:s20], [sflag:$0x1] =	stream.indirect.gather [hbm4b:s4+s19], $0x80, s31, s19, $0xb8;
	[tilespmem:$0x1E800] =	vst v63  }
0x71: {  	_ =	swait.ge [sflag:s23], $0x4000  }
0x72: {  	[sflag:s23] =	ssyncset.done $0x0  }
0x73: {  	s30 =	sadd.s32 $0x1480, s28;
	[sflag:s23] =	ssyncadd.s32 $0xFFFFC000  }
0x74: {  	[spmem:s2] =	stream.indirect.scatter.add.f32 [tilespmem:s16], [sflag:$0x4], $0x80, s30, s19, $0xb8;
	[tilespmem:$0x1E800] =	vst v63  }
0x75: {  	_ =	swait.ge [sflag:s17], $0x4000  }
0x76: {  	[sflag:s17] =	ssyncset.done $0x0  }
0x77: {  	[sflag:s17] =	ssyncadd.s32 $0xFFFFC000  }
0x78: {  	[tilespmem:s16], [sflag:$0x2] =	stream.indirect.gather [hbm4b:s4+s19], $0x80, s24, s19, $0xb8;
	[tilespmem:$0x1E800] =	vst v63  }
0x79: {  	_ =	swait.ge [sflag:s22], $0x4000  }
0x7a: {  	[sflag:s22] =	ssyncset.done $0x0  }
0x7b: {  	[sflag:s22] =	ssyncadd.s32 $0xFFFFC000  }
0x7c: {  	[spmem:s2] =	stream.indirect.scatter.add.f32 [tilespmem:s20], [sflag:$0x4], $0x80, s25, s19, $0xb8;
	[tilespmem:$0x1E800] =	vst v63  }
0x7d: {  	_ =	swait.ge [sflag:s17], $0x4000  }
0x7e: {  	[sflag:s17] =	ssyncset.done $0x0  }
0x7f: {  	[sflag:s17] =	ssyncadd.s32 $0xFFFFC000  }
0x80: {  	_ =	swait.ge [sflag:s23], $0x4000  }
0x81: {  	[sflag:s23] =	ssyncset.done $0x0  }
0x82: {  	[sflag:s23] =	ssyncadd.s32 $0xFFFFC000  }
0x83: {  	[spmem:s2] =	stream.indirect.scatter.add.f32 [tilespmem:s16], [sflag:$0x4], $0x80, s26, s19, $0xb8;
	[tilespmem:$0x1E800] =	vst v63  }
0x84: {  	_ =	swait.ge [sflag:s17], $0x4000  }
0x85: {  	[sflag:s17] =	ssyncset.done $0x0  }
0x86: {  	s31 =	simm.s32 $0x0;
	[sflag:s17] =	ssyncadd.s32 $0xFFFFC000  }
0x87: {  	[tilespmem:s31], [sflag:$0x4] =	stream.linear.gather [hbm4b:s12+s31], $0x1400, $0x38;
	[tilespmem:$0x1E800] =	vst v63  }
0x88: {  	_ =	swait.ge [sflag:s17], $0x1400  }
0x89: {  	[sflag:s17] =	ssyncset.done $0x0  }
0x8a: {  	[sflag:s17] =	ssyncadd.s32 $0xFFFFEC00  }
0x8b: {  	[tilespmem:s18], [sflag:$0x4] =	stream.linear.gather [hbm4b:s13+s31], $0x1400, $0x38;
	[tilespmem:$0x1E800] =	vst v63  }
0x8c: {  	_ =	swait.ge [sflag:s17], $0x1400  }
0x8d: {  	[sflag:s17] =	ssyncset.done $0x0  }
0x8e: {  	[sflag:s17] =	ssyncadd.s32 $0xFFFFEC00  }
0x8f: {  	[tilespmem:s20], [sflag:$0x1] =	stream.indirect.gather [hbm4b:s4+s19], $0x80, s31, s19, $0xb8;
	[tilespmem:$0x1E800] =	vst v63  }
0x90: {  	s30 =	simm.s32 $0x80  }
0x91: {  	[tilespmem:s16], [sflag:$0x2] =	stream.indirect.gather [hbm4b:s4+s19], $0x80, s30, s19, $0xb8;
	[tilespmem:$0x1E800] =	vst v63  }
0x92: {  	_ =	swait.ge [sflag:s22], $0x4000  }
0x93: {  	[sflag:s22] =	ssyncset.done $0x0  }
0x94: {  	s31 =	simm.s32 $0x1400;
	[sflag:s22] =	ssyncadd.s32 $0xFFFFC000  }
0x95: {  	[spmem:s2] =	stream.indirect.scatter.add.f32 [tilespmem:s20], [sflag:$0x4], $0x80, s31, s19, $0xb8;
	[tilespmem:$0x1E800] =	vst v63  }
0x96: {  	_ =	swait.ge [sflag:s17], $0x4000  }
0x97: {  	[sflag:s17] =	ssyncset.done $0x0  }
0x98: {  	s30 =	simm.s32 $0x100;
	[sflag:s17] =	ssyncadd.s32 $0xFFFFC000  }
0x99: {  	[tilespmem:s20], [sflag:$0x1] =	stream.indirect.gather [hbm4b:s4+s19], $0x80, s30, s19, $0xb8;
	[tilespmem:$0x1E800] =	vst v63  }
0x9a: {  	_ =	swait.ge [sflag:s23], $0x4000  }
0x9b: {  	[sflag:s23] =	ssyncset.done $0x0  }
0x9c: {  	s31 =	simm.s32 $0x1480;
	[sflag:s23] =	ssyncadd.s32 $0xFFFFC000  }
0x9d: {  	[spmem:s2] =	stream.indirect.scatter.add.f32 [tilespmem:s16], [sflag:$0x4], $0x80, s31, s19, $0xb8;
	[tilespmem:$0x1E800] =	vst v63  }
0x9e: {  	_ =	swait.ge [sflag:s17], $0x4000  }
0x9f: {  	s29 =	simm.s32 $0x800;
	s28 =	simm.s32 $0x100;
	[sflag:s17] =	ssyncset.done $0x0  }
.LBB2_6:
0xa0: {  	s1 =	sadd.s32 $0x80, s28  }
0xa1: {  	[sflag:s17] =	ssyncadd.s32 $0xFFFFC000;
	s30 =	smov.u32 s29;
	s31 =	sadd.s32 $0x400, s29  }
0xa2: {  	[tilespmem:s16], [sflag:$0x2] =	stream.indirect.gather [hbm4b:s4+s19], $0x80, s1, s19, $0xb8;
	[tilespmem:$0x1E800] =	vst v63  }
0xa3: {  	p0 =	sne.s32 s29, $0x4800;
	_ =	swait.ge [sflag:s22], $0x4000  }
0xa4: {  	[sflag:s22] =	ssyncset.done $0x0  }
0xa5: {  	s1 =	sadd.s32 $0x1400, s28;
	[sflag:s22] =	ssyncadd.s32 $0xFFFFC000  }
0xa6: {  	[spmem:s2] =	stream.indirect.scatter.add.f32 [tilespmem:s20], [sflag:$0x4], $0x80, s1, s19, $0xb8;
	[tilespmem:$0x1E800] =	vst v63  }
0xa7: {  	_ =	swait.ge [sflag:s17], $0x4000  }
0xa8: {  	[sflag:s17] =	ssyncset.done $0x0  }
0xa9: {  	s1 =	sadd.s32 $0x100, s28;
	[sflag:s17] =	ssyncadd.s32 $0xFFFFC000  }
0xaa: {  	[tilespmem:s20], [sflag:$0x1] =	stream.indirect.gather [hbm4b:s4+s19], $0x80, s1, s19, $0xb8;
	[tilespmem:$0x1E800] =	vst v63  }
0xab: {  	_ =	swait.ge [sflag:s23], $0x4000  }
.Ltmp2:
0xac: {  	[sflag:s23] =	ssyncset.done $0x0;
	(pc) =	sbr.rel @p0 .LBB2_6-.Ltmp2, $4  }
0xad: {  	s1 =	sadd.s32 $0x1480, s28;
	[sflag:s23] =	ssyncadd.s32 $0xFFFFC000  }
0xae: {  	[spmem:s2] =	stream.indirect.scatter.add.f32 [tilespmem:s16], [sflag:$0x4], $0x80, s1, s19, $0xb8;
	[tilespmem:$0x1E800] =	vst v63  }
0xaf: {  	_ =	swait.ge [sflag:s17], $0x4000  }
0xb0: {  	s29 =	smov.u32 s31;
	s28 =	sshra.s32 s30, $0x2;
	[sflag:s17] =	ssyncset.done $0x0  }
0xb1: {  	s1 =	sadd.s32 $0x80, s28;
	[sflag:s17] =	ssyncadd.s32 $0xFFFFC000  }
0xb2: {  	[tilespmem:s16], [sflag:$0x2] =	stream.indirect.gather [hbm4b:s4+s19], $0x80, s1, s19, $0xb8;
	[tilespmem:$0x1E800] =	vst v63  }
0xb3: {  	_ =	swait.ge [sflag:s22], $0x4000  }
0xb4: {  	[sflag:s22] =	ssyncset.done $0x0  }
0xb5: {  	s30 =	sadd.s32 $0x1400, s28;
	[sflag:s22] =	ssyncadd.s32 $0xFFFFC000  }
0xb6: {  	[spmem:s2] =	stream.indirect.scatter.add.f32 [tilespmem:s20], [sflag:$0x4], $0x80, s30, s19, $0xb8;
	[tilespmem:$0x1E800] =	vst v63  }
0xb7: {  	_ =	swait.ge [sflag:s17], $0x4000  }
0xb8: {  	[sflag:s17] =	ssyncset.done $0x0  }
0xb9: {  	s31 =	sadd.s32 $0x100, s28;
	[sflag:s17] =	ssyncadd.s32 $0xFFFFC000  }
0xba: {  	[tilespmem:s20], [sflag:$0x1] =	stream.indirect.gather [hbm4b:s4+s19], $0x80, s31, s19, $0xb8;
	[tilespmem:$0x1E800] =	vst v63  }
0xbb: {  	_ =	swait.ge [sflag:s23], $0x4000  }
0xbc: {  	[sflag:s23] =	ssyncset.done $0x0  }
0xbd: {  	s29 =	sadd.s32 $0x1480, s28;
	[sflag:s23] =	ssyncadd.s32 $0xFFFFC000  }
0xbe: {  	[spmem:s2] =	stream.indirect.scatter.add.f32 [tilespmem:s16], [sflag:$0x4], $0x80, s29, s19, $0xb8;
	[tilespmem:$0x1E800] =	vst v63  }
0xbf: {  	_ =	swait.ge [sflag:s17], $0x4000  }
0xc0: {  	[sflag:s17] =	ssyncset.done $0x0  }
0xc1: {  	[sflag:s17] =	ssyncadd.s32 $0xFFFFC000  }
0xc2: {  	[tilespmem:s16], [sflag:$0x2] =	stream.indirect.gather [hbm4b:s4+s19], $0x80, s24, s19, $0xb8;
	[tilespmem:$0x1E800] =	vst v63  }
0xc3: {  	_ =	swait.ge [sflag:s22], $0x4000  }
0xc4: {  	[sflag:s22] =	ssyncset.done $0x0  }
0xc5: {  	[sflag:s22] =	ssyncadd.s32 $0xFFFFC000  }
0xc6: {  	[spmem:s2] =	stream.indirect.scatter.add.f32 [tilespmem:s20], [sflag:$0x4], $0x80, s25, s19, $0xb8;
	[tilespmem:$0x1E800] =	vst v63  }
0xc7: {  	_ =	swait.ge [sflag:s17], $0x4000  }
0xc8: {  	[sflag:s17] =	ssyncset.done $0x0  }
0xc9: {  	[sflag:s17] =	ssyncadd.s32 $0xFFFFC000  }
0xca: {  	_ =	swait.ge [sflag:s23], $0x4000  }
0xcb: {  	[sflag:s23] =	ssyncset.done $0x0  }
0xcc: {  	[sflag:s23] =	ssyncadd.s32 $0xFFFFC000  }
0xcd: {  	[spmem:s2] =	stream.indirect.scatter.add.f32 [tilespmem:s16], [sflag:$0x4], $0x80, s26, s19, $0xb8;
	[tilespmem:$0x1E800] =	vst v63  }
0xce: {  	_ =	swait.ge [sflag:s17], $0x4000  }
0xcf: {  	s3 =	sadd.s32 $0x1, s3;
	s30 =	sshll.u32 s0, $0x6;
	[sflag:s17] =	ssyncset.done $0x0  }
0xd0: {  	p0 =	sne.s32 s3, s15;
	s1 =	sor.u32 $0x1C04, s30;
	[sflag:s17] =	ssyncadd.s32 $0xFFFFC000  }
.Ltmp3:
0xd1: {  	s31 =	sshrl.u32 s5, $0x3;
	[bflag:$0x0] =	sbarrier.arrive $0xFFFF;
	(pc) =	sbr.rel @p0 .LBB2_1-.Ltmp3, $4  }
0xd2: {  	[hbm:s14], [sflag:s1] =	dma.local [spmem:s31], $0x2800  }
0xd3: {  	_ =	swait.ge [sflag:s17], $0x2800  }
0xd4: {  	[sflag:s17] =	ssyncset.done $0x0  }
0xd5: {  	[sflag:s17] =	ssyncadd.s32 $0xFFFFD800  }
0xd6: {  	_ =	sfence.sel $0x180000  }
0xd7: {  	[bflag:$0x0] =	sbarrier.arrive $0xFFFF  }
0xd8: {  	_ =	strace $0x9000004A  }
0xd9: {  	[bflag:$0x2] =	sbarrier.arrive $0xFFFF  }
0xda: {  	p0 =	sne.s32 s0, $0x0;
	s0 =	rddreg [dreg:$0x4]  }
0xdb: {  	s0 =	sadd.s32 @!p0 $0x100000, s0  }
0xdc: {  	[sflag:s0] =	ssyncadd.tile.s32 @!p0 $0x1;
	_ =	shalt  }
.Lfunc_end2:
_tile_overlayer_lowered:
.L_overlay_start_2:
0xdd: {  	(tag) =	ssettag $0x2  }
0xde: {  	s0 =	rddreg [dreg:$0x0];
	s2 =	stileid.u32  }
0xdf: {  	s1 =	rddreg [dreg:$0x1];
	p0 =	sne.s32 s2, $0x0  }
0xe0: {  	s3 =	rddreg [dreg:$0x2];
	[bflag:$0x3] =	sbarrier.arrive $0xFFFF;
	s2 =	simm.s32 @!p0 $0x1C04  }
0xe1: {  	[timem:s3], [sflag:s2] =	dma.local @!p0 [hbm:s0], s1  }
0xe2: {  	s0 =	simm.s32 @!p0 $0x4  }
0xe3: {  	_ =	swait.ge @!p0 [sflag:s0], s1  }
0xe4: {  	s1 =	ssub.s32 @!p0 $0x0, s1;
	[sflag:s0] =	ssyncset.done @!p0 $0x0  }
0xe5: {  	[sflag:s0] =	ssyncadd.s32 @!p0 s1  }
0xe6: {  	[bflag:$0x3] =	sbarrier.arrive $0xFFFF  }
0xe7: {  	_ =	shalt  }

// kernel: kernel.16.cloned.1.call-start
scs
__scs_entry_jumppad:
0x0: {  	(pc) =	sbr.rel $0x88, $3  }
0x1: {  	(tag) =	ssettag $0x0;
	lr =	simm.s32 $0x1  }
0x2: {  	[smem:$0x3F94] =	sst lr;
	_ =	strace $0xD0000000  }
0x3: {  	_ = 	snop  }
0x4: {  	_ = 	snop  }
0x5: {  	_ = 	snop  }
0x6: {  	_ = 	snop  }
0x7: {  	_ = 	snop  }
__scs_overlays_trampoline_lowered:
0x8: {  	[smem:$0x3FA3] =	sst s0  }
0x9: {  	[smem:$0x3FA4] =	sst s1  }
0xa: {  	[smem:$0x3FA5] =	sst s2  }
0xb: {  	[smem:$0x3FA6] =	sst s3  }
0xc: {  	[smem:$0x3FA7] =	sst s4  }
0xd: {  	[smem:$0x3FA8] =	sst s5  }
0xe: {  	[smem:$0x3FA9] =	sst s6  }
0xf: {  	[smem:$0x3FAA] =	sst s7  }
0x10: {  	[smem:$0x3FAB] =	sst s8  }
0x11: {  	[smem:$0x3FAC] =	sst s9;
	s0 =	simm.s32 @!p0 $0x0  }
0x12: {  	s1 =	sld [smem:$0x3F92];
	s0 =	simm.s32 @p0 $0x1  }
0x13: {  	[smem:$0x3FAD] =	sst s0;
	s0 =	simm.s32 @!p1 $0x0  }
0x14: {  	s2 =	sld [smem:$0x3F91];
	s0 =	simm.s32 @p1 $0x1  }
0x15: {  	[smem:$0x3FAE] =	sst s0;
	s0 =	simm.s32 @!p2 $0x0  }
0x16: {  	s3 =	sld [smem:$0x3FDB];
	s0 =	simm.s32 @p2 $0x1  }
0x17: {  	s4 =	simm.s32 $0x1BF5;
	[smem:$0x3FB0] =	sst s0  }
0x18: {  	s0 =	sld [smem:$0x3F93];
	_ =	swait.ge [sflag:s4], $0x0  }
0x19: {  	s7 =	sld [smem:$0x3F94]  }
0x1a: {  	s8 =	sadd.s32 $0xFFFFE003, lr  }
0x1b: {  	s9 =	sadd.s32 $0xFFFFFEF7, lr;
	s5 =	simm.s32 $0xFFFFFFFF;
	p2 =	slt.u32 s8, $0xFFFFF086  }
0x1c: {  	p1 =	slt.u32 s9, $0xF7A;
	s5 =	simm.s32 @!p2 $0x0  }
0x1d: {  	s5 =	simm.s32 @p1 $0x1;
	p0 =	seq.s32 s7, s2  }
0x1e: {  	s7 =	smul.u32 @!p0 $0xF7A, s2;
	p2 =	seq.s32 @!p0 s5, $0x0  }
0x1f: {  	s9 =	smul.u32 $0xF7A, s1;
	s8 =	simm.s32 @!p0 $0x1BF5;
	p2 =	por !p2, p0  }
0x20: {  	[sflag:s8] =	ssyncset.s32 @!p0 $0xFFFFF086;
	s6 =	sadd.s32 @!p0 s3, s7;
	s7 =	simm.s32 @!p0 $0x108  }
0x21: {  	s3 =	sadd.s32 s3, s9;
	s6 =	sadd.s32 @!p0 $0x88, s6;
	s7 =	simm.s32 @p2 $0x1082  }
0x22: {  	[simem:s7], [sflag:s8] =	dma.local @!p0 [hbm:s6], $0xF7A  }
0x23: {  	s9 =	sor.u32 $0xD0000000, s2;
	s6 =	simm.s32 $0x108;
	_ =	swait.ge @!p0 [sflag:s8], $0x0  }
0x24: {  	s3 =	sadd.s32 $0x88, s3;
	s6 =	simm.s32 @!p1 $0x1082;
	[sflag:s4] =	ssyncset.s32 $0xFFFFF086  }
0x25: {  	[simem:s6], [sflag:s4] =	dma.local [hbm:s3], $0xF7A  }
0x26: {  	[smem:$0x3F94] =	sst s1;
	(tag) =	ssettag s2;
	_ =	strace s9  }
0x27: {  	s1 =	sld [smem:$0x3FA4]  }
0x28: {  	s2 =	sld [smem:$0x3FA5]  }
0x29: {  	s4 =	sld [smem:$0x3FA7]  }
0x2a: {  	p0 =	seq.s32 s5, $0x0;
	s5 =	sld [smem:$0x3FA8]  }
0x2b: {  	s6 =	sld [smem:$0x3FA9]  }
0x2c: {  	s7 =	sld [smem:$0x3FAA]  }
0x2d: {  	s3 =	simm.s32 $0x108;
	s8 =	sld [smem:$0x3FAB]  }
0x2e: {  	s3 =	simm.s32 @!p0 $0x1082;
	s9 =	sld [smem:$0x3FAC]  }
0x2f: {  	lr =	sadd.s32 s0, s3;
	s0 =	sld [smem:$0x3FA3]  }
0x30: {  	s3 =	sld [smem:$0x3FA6]  }
0x31: {  	[smem:$0x3FAF] =	sst s10  }
0x32: {  	s10 =	sld [smem:$0x3FAD];
	_ =	sdelay $0x3  }
0x33: {  	p0 =	seq.s32 s10, $0x1;
	s10 =	sld [smem:$0x3FAF];
	_ =	sdelay $0x3  }
0x34: {  	[smem:$0x3FAF] =	sst s10  }
0x35: {  	s10 =	sld [smem:$0x3FAE];
	_ =	sdelay $0x3  }
0x36: {  	p1 =	seq.s32 s10, $0x1;
	s10 =	sld [smem:$0x3FAF];
	_ =	sdelay $0x3  }
0x37: {  	[smem:$0x3FAF] =	sst s10  }
0x38: {  	s10 =	sld [smem:$0x3FB0]  }
0x39: {  	_ = 	snop;
	(pc) =	sbr.ind lr, $3  }
0x3a: {  	_ = 	snop  }
0x3b: {  	_ = 	snop  }
0x3c: {  	p2 =	seq.s32 s10, $0x1;
	s10 =	sld [smem:$0x3FAF]  }
0x3d: {  	_ =	shalt  }
0x3e: {  	_ =	shalt  }
0x3f: {  	_ =	shalt  }
0x40: {  	_ =	shalt  }
0x41: {  	_ =	shalt  }
0x42: {  	_ =	shalt  }
0x43: {  	_ =	shalt  }
0x44: {  	_ =	shalt  }
0x45: {  	_ =	shalt  }
0x46: {  	_ =	shalt  }
0x47: {  	_ =	shalt  }
0x48: {  	_ =	shalt  }
0x49: {  	_ =	shalt  }
0x4a: {  	_ =	shalt  }
0x4b: {  	_ =	shalt  }
0x4c: {  	_ =	shalt  }
0x4d: {  	_ =	shalt  }
0x4e: {  	_ =	shalt  }
0x4f: {  	_ =	shalt  }
0x50: {  	_ =	shalt  }
0x51: {  	_ =	shalt  }
0x52: {  	_ =	shalt  }
0x53: {  	_ =	shalt  }
0x54: {  	_ =	shalt  }
0x55: {  	_ =	shalt  }
0x56: {  	_ =	shalt  }
0x57: {  	_ =	shalt  }
0x58: {  	_ =	shalt  }
0x59: {  	_ =	shalt  }
0x5a: {  	_ =	shalt  }
0x5b: {  	_ =	shalt  }
0x5c: {  	_ =	shalt  }
0x5d: {  	_ =	shalt  }
0x5e: {  	_ =	shalt  }
0x5f: {  	_ =	shalt  }
0x60: {  	_ =	shalt  }
0x61: {  	_ =	shalt  }
0x62: {  	_ =	shalt  }
0x63: {  	_ =	shalt  }
0x64: {  	_ =	shalt  }
0x65: {  	_ =	shalt  }
0x66: {  	_ =	shalt  }
0x67: {  	_ =	shalt  }
0x68: {  	_ =	shalt  }
0x69: {  	_ =	shalt  }
0x6a: {  	_ =	shalt  }
0x6b: {  	_ =	shalt  }
0x6c: {  	_ =	shalt  }
0x6d: {  	_ =	shalt  }
0x6e: {  	_ =	shalt  }
0x6f: {  	_ =	shalt  }
0x70: {  	_ =	shalt  }
0x71: {  	_ =	shalt  }
0x72: {  	_ =	shalt  }
0x73: {  	_ =	shalt  }
0x74: {  	_ =	shalt  }
0x75: {  	_ =	shalt  }
0x76: {  	_ =	shalt  }
0x77: {  	_ =	shalt  }
0x78: {  	_ =	shalt  }
0x79: {  	_ =	shalt  }
0x7a: {  	_ =	shalt  }
0x7b: {  	_ =	shalt  }
0x7c: {  	_ =	shalt  }
0x7d: {  	_ =	shalt  }
0x7e: {  	_ =	shalt  }
0x7f: {  	_ =	shalt  }
0x80: {  	_ =	shalt  }
0x81: {  	_ =	shalt  }
0x82: {  	_ =	shalt  }
0x83: {  	_ =	shalt  }
0x84: {  	_ =	shalt  }
0x85: {  	_ =	shalt  }
0x86: {  	_ =	shalt  }
0x87: {  	_ =	shalt  }
.Lfunc_end0:
.L_simem_size_0:
called_computation.2_lowered:
.L_overlay_start_0:
0x88: {  	s2 =	sld [smem:$0x3FD9]  }
0x89: {  	s3 =	sld [smem:$0x3FFE];
	_ =	sdelay $0x1  }
0x8a: {  	s1 =	srdreg.scid  }
0x8b: {  	s0 =	sand.u32 $0x1, s1  }
0x8c: {  	s14 =	sshll.u32 s0, $0xA;
	s2 =	sadd.s32 s3, s2  }
0x8d: {  	s2 =	sadd.s32 s2, s14  }
0x8e: {  	[smem:$0x3FBB] =	sst s2  }
0x8f: {  	_ = 	snop  }
0x90: {  	s2 =	sld [smem:$0x3FD0];
	_ =	sdelay $0x2  }
0x91: {  	s15 =	simm.s32 $0xA;
	s4 =	simm.s32 $0x10  }
0x92: {  	[smem:s4], [sflag:s15] =	dma.local [hbm:s2], $0x1  }
0x93: {  	_ =	swait.eq [sflag:s15], $0x1  }
0x94: {  	[sflag:s15] =	ssyncset.done $0x0  }
0x95: {  	s16 =	sld [smem:$0x10];
	[sflag:s15] =	ssyncadd.s32 $0xFFFFFFFF  }
0x96: {  	s17 =	sld [smem:$0x11];
	(tm) =	ssettm $0x1  }
0x97: {  	s18 =	sld [smem:$0x3FFB];
	_ =	sdelay $0x3  }
0x98: {  	_ =	strace s18  }
0x99: {  	s4 =	sld [smem:$0x3FFC];
	_ =	sdelay $0x3  }
0x9a: {  	_ =	strace s4  }
0x9b: {  	s4 =	sld [smem:$0x3FFD];
	_ =	sdelay $0x3  }
0x9c: {  	_ =	strace s4  }
0x9d: {  	_ =	strace $0x8FFFFFFF  }
0x9e: {  	s19 =	sld [smem:$0x3FDB];
	_ =	sdelay $0x1  }
0x9f: {  	s5 =	simm.s32 $_scs_section_size  }
0xa0: {  	s6 =	simm.s32 $_size__tile_overlayer_lowered;
	s7 =	simm.s32 $_tile_overlayer_lowered  }
0xa1: {  	s22 =	simm.s32 $0x1BFF;
	s21 =	sshll.u32 s7, $0x1;
	s4 =	sadd.s32 s5, s19  }
0xa2: {  	s8 =	simm.s32 $0x0;
	s20 =	sshll.u32 s6, $0x1;
	s6 =	sadd.s32 s21, s4  }
0xa3: {  	[timem:s8], [sflag:s22] =	dma.local [hbm:s6], s20  }
0xa4: {  	_ =	swait.ge [sflag:s22], s20  }
0xa5: {  	s5 =	ssub.s32 $0x0, s20;
	[sflag:s22] =	ssyncset.done $0x0  }
0xa6: {  	[sflag:s22] =	ssyncadd.s32 s5;
	_ =	sdelay $0x1  }
0xa7: {  	s23 =	simm.s32 $0x1B8B  }
0xa8: {  	_ =	swait.ge [sflag:s23], $0x1  }
0xa9: {  	[sflag:s23] =	ssyncset.done $0x0  }
0xaa: {  	s25 =	simm.s32 $0x1B8E;
	s24 =	sld [smem:$0x3FFE];
	[sflag:s23] =	ssyncadd.s32 $0xFFFFFFFF  }
0xab: {  	s26 =	simm.s32 $execute0_lowered;
	[smem:$0x3FD2] =	sst s25  }
0xac: {  	s6 =	sshll.u32 s26, $0x1;
	_ =	strace $0x8000004C;
	[dreg:$0x1] =	wrdreg $0xFFFFFFFF  }
0xad: {  	s28 =	simm.s32 $_size_execute0_lowered;
	s4 =	sadd.s32 s4, s6;
	[dreg:$0x0] =	wrdreg $0x0  }
0xae: {  	s6 =	sshll.u32 s28, $0x1;
	[dreg:$0x2] =	wrdreg s4  }
0xaf: {  	[dreg:$0x3] =	wrdreg s6  }
0xb0: {  	[dreg:$0x4] =	wrdreg $0xC0  }
0xb1: {  	_ =	task [dreg:s8], $0x5FFFF  }
0xb2: {  	[dreg:$0x1] =	wrdreg $0xFFFFFFFF  }
0xb3: {  	[dreg:$0x0] =	wrdreg $0x60  }
0xb4: {  	[dreg:$0x2] =	wrdreg s24  }
0xb5: {  	[dreg:$0x3] =	wrdreg s16  }
0xb6: {  	[dreg:$0x4] =	wrdreg s17  }
0xb7: {  	[dreg:$0x5] =	wrdreg $0xA8000  }
0xb8: {  	[dreg:$0x6] =	wrdreg $0x9  }
0xb9: {  	_ =	task.clear_ibuf [dreg:s8], $0x7FFFF;
	_ =	strace $0x9000004C  }
0xba: {  	s29 =	simm.s32 $0x9;
	_ =	strace $0x8000004E  }
0xbb: {  	_ =	swait.ge [sflag:s29], $0x1  }
0xbc: {  	[sflag:s29] =	ssyncadd.s32 $0xFFFFFFFF  }
0xbd: {  	_ =	strace $0x9000004E  }
0xbe: {  	_ =	sfence  }
0xbf: {  	s30 =	sld [smem:$0x0];
	_ =	sdelay $0x2  }
0xc0: {  	s31 =	sshll.u32 s1, $0xD;
	s1 =	sshrl.u32 s1, $0x2  }
0xc1: {  	s3 =	sand.u32 $0x4000, s31;
	s1 =	sadd.s32 s1, s30  }
0xc2: {  	s0 =	sor.u32 s3, s0;
	s1 =	sshll.u32 s1, $0x11  }
0xc3: {  	s0 =	sor.u32 s1, s0  }
0xc4: {  	s0 =	sadd.s32 $0x8F2B, s0  }
0xc5: {  	[sflag:s0] =	ssyncadd.remote.s32 $0x1  }
0xc6: {  	_ =	sfence.sel $0xFFFF  }
0xc7: {  	[dreg:$0x0] =	wrdreg $0xFFFFFFFF;
	(pc) =	sbr.abs _section_cstart, $3  }
0xc8: {  	[dreg:$0x1] =	wrdreg $0xFFFFFFFF  }
0xc9: {  	_ =	task.clear_ibuf [dreg:s8], $0x2FFFF;
	_ =	strace $0x9FFFFFFF  }
0xca: {  	(tm) =	ssettm $0x7FFFFFFF  }
0xcb: {  	_ =	shalt  }
tec
execute0_lowered:
.L_overlay_start_1:
0x0: {  	(tag) =	ssettag $0x1  }
0x1: {  	s5 =	rddreg [dreg:$0x0]  }
0x2: {  	s12 =	rddreg [dreg:$0x1]  }
0x3: {  	s13 =	rddreg [dreg:$0x2]  }
0x4: {  	s0 =	srdreg.scid;
	s2 =	rddreg [dreg:$0x3];
	s3 =	simm.s32 $0x0  }
0x5: {  	s17 =	simm.s32 $0x4;
	s18 =	simm.s32 $0x1400;
	s19 =	simm.s32 $0x80  }
0x6: {  	s20 =	simm.s32 $0x2800;
	s21 =	simm.s32 $0x3;
	s22 =	simm.s32 $0x1  }
0x7: {  	s23 =	simm.s32 $0x2;
	s24 =	simm.s32 $0x1380;
	s6 =	sand.u32 $0x1, s0  }
0x8: {  	s25 =	simm.s32 $0x2700;
	s0 =	stileid.u32;
	s4 =	smul.u32 $0x140000, s6  }
0x9: {  	s26 =	simm.s32 $0x2780;
	[smem:$0x7FF] =	sst s3;
	s7 =	smul.u32 $0x14000, s0  }
0xa: {  	s8 =	smul.u32 $0x50000, s0;
	s28 =	sshll.u32 s0, $0x1;
	s29 =	ssub.s32 $0x2, s6  }
0xb: {  	_ =	strace $0x8000004D;
	s6 =	sor.u32 s6, s28;
	s31 =	sshrl.u32 s29, $0x1  }
0xc: {  	s4 =	sadd.s32 s7, s4;
	s30 =	sshrl.u32 s8, $0x2;
	s10 =	smul.u32 $0x2800, s6  }
0xd: {  	s15 =	ssub.s32 s29, s31;
	s7 =	sshrl.u32 s4, $0x3;
	s4 =	sadd.s32 $0x3E00, s5  }
0xe: {  	s15 =	smax.u32 s15, $0x1;
	s14 =	sadd.s32 s7, s5;
	s5 =	sadd.s32 s30, s2  }
0xf: {  	s16 =	sshrl.u32 s10, $0x3;
	s6 =	sadd.s32 $0x4000, s5;
	s7 =	sadd.s32 $0x8000, s5  }
0x10: {  	s8 =	sadd.s32 $0xC000, s5;
	s9 =	sadd.s32 $0x10000, s5;
	s10 =	sadd.s32 s12, s16  }
0x11: {  	s11 =	sadd.s32 s13, s16;
	s16 =	sadd.s32 $0x280, s16;
	s14 =	sadd.s32 $0x2B000, s14  }
0x12: {  	v0 =	vimm.f32 $0.0e+00;
	s12 =	sadd.s32 s12, s16;
	s13 =	sadd.s32 s13, s16;
	s16 =	simm.s32 $0x6800  }
.LBB2_1:
0x13: {  	s28 =	simm.s32 $0x0;
	s29 =	simm.s32 $0x200  }
.LBB2_2:
0x14: {  	p0 =	sne.s32 s29, $0xFE00;
	[tilespmem:s28+$0x6870] =	vst v0  }
0x15: {  	[tilespmem:s28+$0x6800] =	vst v0  }
0x16: {  	[tilespmem:s28+$0x6810] =	vst v0  }
.Ltmp0:
0x17: {  	[tilespmem:s28+$0x6820] =	vst v0;
	(pc) =	sbr.rel @p0 .LBB2_2-.Ltmp0, $4  }
0x18: {  	[tilespmem:s28+$0x6830] =	vst v0  }
0x19: {  	[tilespmem:s28+$0x6840] =	vst v0  }
0x1a: {  	[tilespmem:s28+$0x6850] =	vst v0  }
0x1b: {  	[tilespmem:s28+$0x6860] =	vst v0;
	s28 =	sshra.s32 s29, $0x2;
	s29 =	sadd.s32 $0x200, s29  }
0x1c: {  	[tilespmem:s28+$0x6870] =	vst v0  }
0x1d: {  	[tilespmem:s28+$0x6800] =	vst v0  }
0x1e: {  	[tilespmem:s28+$0x6810] =	vst v0  }
0x1f: {  	[tilespmem:s28+$0x6820] =	vst v0  }
0x20: {  	[tilespmem:s28+$0x6830] =	vst v0  }
0x21: {  	[tilespmem:s28+$0x6840] =	vst v0  }
0x22: {  	[tilespmem:s28+$0x6850] =	vst v0  }
0x23: {  	[tilespmem:s28+$0x6860] =	vst v0  }
0x24: {  	[spmem:s5] =	stream.linear.scatter [tilespmem:s16], [sflag:$0x3], $0x4000, $0x38;
	[tilespmem:$0x1E800] =	vst v63  }
0x25: {  	_ = 	snop  }
0x26: {  	[spmem:s6] =	stream.linear.scatter [tilespmem:s16], [sflag:$0x3], $0x4000, $0x38;
	[tilespmem:$0x1E800] =	vst v63  }
0x27: {  	_ = 	snop  }
0x28: {  	[spmem:s7] =	stream.linear.scatter [tilespmem:s16], [sflag:$0x3], $0x4000, $0x38;
	[tilespmem:$0x1E800] =	vst v63  }
0x29: {  	_ = 	snop  }
0x2a: {  	[spmem:s8] =	stream.linear.scatter [tilespmem:s16], [sflag:$0x3], $0x4000, $0x38;
	[tilespmem:$0x1E800] =	vst v63  }
0x2b: {  	_ = 	snop  }
0x2c: {  	[spmem:s9] =	stream.linear.scatter [tilespmem:s16], [sflag:$0x3], $0x4000, $0x38;
	[tilespmem:$0x1E800] =	vst v63  }
0x2d: {  	s28 =	simm.s32 $0x0  }
0x2e: {  	[tilespmem:s28], [sflag:$0x4] =	stream.linear.gather [hbm4b:s10+s28], $0x1400, $0x38;
	[tilespmem:$0x1E800] =	vst v63  }
0x2f: {  	_ =	swait.ge [sflag:s17], $0x1400  }
0x30: {  	[sflag:s17] =	ssyncset.done $0x0  }
0x31: {  	[sflag:s17] =	ssyncadd.s32 $0xFFFFEC00  }
0x32: {  	[tilespmem:s18], [sflag:$0x4] =	stream.linear.gather [hbm4b:s11+s28], $0x1400, $0x38;
	[tilespmem:$0x1E800] =	vst v63  }
0x33: {  	_ =	swait.ge [sflag:s17], $0x1400  }
0x34: {  	[sflag:s17] =	ssyncset.done $0x0  }
0x35: {  	[sflag:s17] =	ssyncadd.s32 $0xFFFFEC00  }
0x36: {  	[tilespmem:s20], [sflag:$0x1] =	stream.indirect.gather [hbm4b:s4+s19], $0x80, s28, s19, $0xb8;
	[tilespmem:$0x1E800] =	vst v63  }
0x37: {  	_ =	swait.ge [sflag:s21], $0x4000  }
0x38: {  	[sflag:s21] =	ssyncset.done $0x0  }
0x39: {  	[sflag:s21] =	ssyncadd.s32 $0xFFFFC000  }
0x3a: {  	_ =	swait.ge [sflag:s21], $0x4000  }
0x3b: {  	[sflag:s21] =	ssyncset.done $0x0  }
0x3c: {  	[sflag:s21] =	ssyncadd.s32 $0xFFFFC000  }
0x3d: {  	_ =	swait.ge [sflag:s21], $0x4000  }
0x3e: {  	[sflag:s21] =	ssyncset.done $0x0  }
0x3f: {  	[sflag:s21] =	ssyncadd.s32 $0xFFFFC000  }
0x40: {  	_ =	swait.ge [sflag:s21], $0x4000  }
0x41: {  	[sflag:s21] =	ssyncset.done $0x0  }
0x42: {  	[sflag:s21] =	ssyncadd.s32 $0xFFFFC000  }
0x43: {  	_ =	swait.ge [sflag:s21], $0x4000  }
0x44: {  	[sflag:s21] =	ssyncset.done $0x0  }
0x45: {  	[sflag:s21] =	ssyncadd.s32 $0xFFFFC000  }
0x46: {  	s28 =	simm.s32 $0x80;
	[bflag:$0x0] =	sbarrier.arrive $0xFFFF  }
0x47: {  	[tilespmem:s16], [sflag:$0x2] =	stream.indirect.gather [hbm4b:s4+s19], $0x80, s28, s19, $0xb8;
	[tilespmem:$0x1E800] =	vst v63  }
0x48: {  	_ =	swait.ge [sflag:s22], $0x4000  }
0x49: {  	[sflag:s22] =	ssyncset.done $0x0  }
0x4a: {  	s28 =	simm.s32 $0x1400;
	[sflag:s22] =	ssyncadd.s32 $0xFFFFC000  }
0x4b: {  	[spmem:s2] =	stream.indirect.scatter.add.f32 [tilespmem:s20], [sflag:$0x4], $0x80, s28, s19, $0xb8;
	[tilespmem:$0x1E800] =	vst v63  }
0x4c: {  	_ =	swait.ge [sflag:s17], $0x4000  }
0x4d: {  	[sflag:s17] =	ssyncset.done $0x0  }
0x4e: {  	s28 =	simm.s32 $0x100;
	[sflag:s17] =	ssyncadd.s32 $0xFFFFC000  }
0x4f: {  	[tilespmem:s20], [sflag:$0x1] =	stream.indirect.gather [hbm4b:s4+s19], $0x80, s28, s19, $0xb8;
	[tilespmem:$0x1E800] =	vst v63  }
0x50: {  	_ =	swait.ge [sflag:s23], $0x4000  }
0x51: {  	[sflag:s23] =	ssyncset.done $0x0  }
0x52: {  	s28 =	simm.s32 $0x1480;
	[sflag:s23] =	ssyncadd.s32 $0xFFFFC000  }
0x53: {  	[spmem:s2] =	stream.indirect.scatter.add.f32 [tilespmem:s16], [sflag:$0x4], $0x80, s28, s19, $0xb8;
	[tilespmem:$0x1E800] =	vst v63  }
0x54: {  	_ =	swait.ge [sflag:s17], $0x4000  }
0x55: {  	s29 =	simm.s32 $0x800;
	s28 =	simm.s32 $0x100;
	[sflag:s17] =	ssyncset.done $0x0  }
.LBB2_4:
0x56: {  	s30 =	sadd.s32 $0x80, s28  }
0x57: {  	[sflag:s17] =	ssyncadd.s32 $0xFFFFC000;
	s31 =	smov.u32 s29;
	s1 =	sadd.s32 $0x400, s29  }
0x58: {  	[tilespmem:s16], [sflag:$0x2] =	stream.indirect.gather [hbm4b:s4+s19], $0x80, s30, s19, $0xb8;
	[tilespmem:$0x1E800] =	vst v63  }
0x59: {  	p0 =	sne.s32 s29, $0x4800;
	_ =	swait.ge [sflag:s22], $0x4000  }
0x5a: {  	[sflag:s22] =	ssyncset.done $0x0  }
0x5b: {  	s29 =	sadd.s32 $0x1400, s28;
	[sflag:s22] =	ssyncadd.s32 $0xFFFFC000  }
0x5c: {  	[spmem:s2] =	stream.indirect.scatter.add.f32 [tilespmem:s20], [sflag:$0x4], $0x80, s29, s19, $0xb8;
	[tilespmem:$0x1E800] =	vst v63  }
0x5d: {  	_ =	swait.ge [sflag:s17], $0x4000  }
0x5e: {  	[sflag:s17] =	ssyncset.done $0x0  }
0x5f: {  	s29 =	sadd.s32 $0x100, s28;
	[sflag:s17] =	ssyncadd.s32 $0xFFFFC000  }
0x60: {  	[tilespmem:s20], [sflag:$0x1] =	stream.indirect.gather [hbm4b:s4+s19], $0x80, s29, s19, $0xb8;
	[tilespmem:$0x1E800] =	vst v63  }
0x61: {  	_ =	swait.ge [sflag:s23], $0x4000  }
.Ltmp1:
0x62: {  	[sflag:s23] =	ssyncset.done $0x0;
	(pc) =	sbr.rel @p0 .LBB2_4-.Ltmp1, $4  }
0x63: {  	s28 =	sadd.s32 $0x1480, s28;
	[sflag:s23] =	ssyncadd.s32 $0xFFFFC000  }
0x64: {  	[spmem:s2] =	stream.indirect.scatter.add.f32 [tilespmem:s16], [sflag:$0x4], $0x80, s28, s19, $0xb8;
	[tilespmem:$0x1E800] =	vst v63  }
0x65: {  	_ =	swait.ge [sflag:s17], $0x4000  }
0x66: {  	s29 =	smov.u32 s1;
	s28 =	sshra.s32 s31, $0x2;
	[sflag:s17] =	ssyncset.done $0x0  }
0x67: {  	s1 =	sadd.s32 $0x80, s28;
	[sflag:s17] =	ssyncadd.s32 $0xFFFFC000  }
0x68: {  	[tilespmem:s16], [sflag:$0x2] =	stream.indirect.gather [hbm4b:s4+s19], $0x80, s1, s19, $0xb8;
	[tilespmem:$0x1E800] =	vst v63  }
0x69: {  	_ =	swait.ge [sflag:s22], $0x4000  }
0x6a: {  	[sflag:s22] =	ssyncset.done $0x0  }
0x6b: {  	s30 =	sadd.s32 $0x1400, s28;
	[sflag:s22] =	ssyncadd.s32 $0xFFFFC000  }
0x6c: {  	[spmem:s2] =	stream.indirect.scatter.add.f32 [tilespmem:s20], [sflag:$0x4], $0x80, s30, s19, $0xb8;
	[tilespmem:$0x1E800] =	vst v63  }
0x6d: {  	_ =	swait.ge [sflag:s17], $0x4000  }
0x6e: {  	[sflag:s17] =	ssyncset.done $0x0  }
0x6f: {  	s31 =	sadd.s32 $0x100, s28;
	[sflag:s17] =	ssyncadd.s32 $0xFFFFC000  }
0x70: {  	[tilespmem:s20], [sflag:$0x1] =	stream.indirect.gather [hbm4b:s4+s19], $0x80, s31, s19, $0xb8;
	[tilespmem:$0x1E800] =	vst v63  }
0x71: {  	_ =	swait.ge [sflag:s23], $0x4000  }
0x72: {  	[sflag:s23] =	ssyncset.done $0x0  }
0x73: {  	s30 =	sadd.s32 $0x1480, s28;
	[sflag:s23] =	ssyncadd.s32 $0xFFFFC000  }
0x74: {  	[spmem:s2] =	stream.indirect.scatter.add.f32 [tilespmem:s16], [sflag:$0x4], $0x80, s30, s19, $0xb8;
	[tilespmem:$0x1E800] =	vst v63  }
0x75: {  	_ =	swait.ge [sflag:s17], $0x4000  }
0x76: {  	[sflag:s17] =	ssyncset.done $0x0  }
0x77: {  	[sflag:s17] =	ssyncadd.s32 $0xFFFFC000  }
0x78: {  	[tilespmem:s16], [sflag:$0x2] =	stream.indirect.gather [hbm4b:s4+s19], $0x80, s24, s19, $0xb8;
	[tilespmem:$0x1E800] =	vst v63  }
0x79: {  	_ =	swait.ge [sflag:s22], $0x4000  }
0x7a: {  	[sflag:s22] =	ssyncset.done $0x0  }
0x7b: {  	[sflag:s22] =	ssyncadd.s32 $0xFFFFC000  }
0x7c: {  	[spmem:s2] =	stream.indirect.scatter.add.f32 [tilespmem:s20], [sflag:$0x4], $0x80, s25, s19, $0xb8;
	[tilespmem:$0x1E800] =	vst v63  }
0x7d: {  	_ =	swait.ge [sflag:s17], $0x4000  }
0x7e: {  	[sflag:s17] =	ssyncset.done $0x0  }
0x7f: {  	[sflag:s17] =	ssyncadd.s32 $0xFFFFC000  }
0x80: {  	_ =	swait.ge [sflag:s23], $0x4000  }
0x81: {  	[sflag:s23] =	ssyncset.done $0x0  }
0x82: {  	[sflag:s23] =	ssyncadd.s32 $0xFFFFC000  }
0x83: {  	[spmem:s2] =	stream.indirect.scatter.add.f32 [tilespmem:s16], [sflag:$0x4], $0x80, s26, s19, $0xb8;
	[tilespmem:$0x1E800] =	vst v63  }
0x84: {  	_ =	swait.ge [sflag:s17], $0x4000  }
0x85: {  	[sflag:s17] =	ssyncset.done $0x0  }
0x86: {  	s31 =	simm.s32 $0x0;
	[sflag:s17] =	ssyncadd.s32 $0xFFFFC000  }
0x87: {  	[tilespmem:s31], [sflag:$0x4] =	stream.linear.gather [hbm4b:s12+s31], $0x1400, $0x38;
	[tilespmem:$0x1E800] =	vst v63  }
0x88: {  	_ =	swait.ge [sflag:s17], $0x1400  }
0x89: {  	[sflag:s17] =	ssyncset.done $0x0  }
0x8a: {  	[sflag:s17] =	ssyncadd.s32 $0xFFFFEC00  }
0x8b: {  	[tilespmem:s18], [sflag:$0x4] =	stream.linear.gather [hbm4b:s13+s31], $0x1400, $0x38;
	[tilespmem:$0x1E800] =	vst v63  }
0x8c: {  	_ =	swait.ge [sflag:s17], $0x1400  }
0x8d: {  	[sflag:s17] =	ssyncset.done $0x0  }
0x8e: {  	[sflag:s17] =	ssyncadd.s32 $0xFFFFEC00  }
0x8f: {  	[tilespmem:s20], [sflag:$0x1] =	stream.indirect.gather [hbm4b:s4+s19], $0x80, s31, s19, $0xb8;
	[tilespmem:$0x1E800] =	vst v63  }
0x90: {  	s30 =	simm.s32 $0x80  }
0x91: {  	[tilespmem:s16], [sflag:$0x2] =	stream.indirect.gather [hbm4b:s4+s19], $0x80, s30, s19, $0xb8;
	[tilespmem:$0x1E800] =	vst v63  }
0x92: {  	_ =	swait.ge [sflag:s22], $0x4000  }
0x93: {  	[sflag:s22] =	ssyncset.done $0x0  }
0x94: {  	s31 =	simm.s32 $0x1400;
	[sflag:s22] =	ssyncadd.s32 $0xFFFFC000  }
0x95: {  	[spmem:s2] =	stream.indirect.scatter.add.f32 [tilespmem:s20], [sflag:$0x4], $0x80, s31, s19, $0xb8;
	[tilespmem:$0x1E800] =	vst v63  }
0x96: {  	_ =	swait.ge [sflag:s17], $0x4000  }
0x97: {  	[sflag:s17] =	ssyncset.done $0x0  }
0x98: {  	s30 =	simm.s32 $0x100;
	[sflag:s17] =	ssyncadd.s32 $0xFFFFC000  }
0x99: {  	[tilespmem:s20], [sflag:$0x1] =	stream.indirect.gather [hbm4b:s4+s19], $0x80, s30, s19, $0xb8;
	[tilespmem:$0x1E800] =	vst v63  }
0x9a: {  	_ =	swait.ge [sflag:s23], $0x4000  }
0x9b: {  	[sflag:s23] =	ssyncset.done $0x0  }
0x9c: {  	s31 =	simm.s32 $0x1480;
	[sflag:s23] =	ssyncadd.s32 $0xFFFFC000  }
0x9d: {  	[spmem:s2] =	stream.indirect.scatter.add.f32 [tilespmem:s16], [sflag:$0x4], $0x80, s31, s19, $0xb8;
	[tilespmem:$0x1E800] =	vst v63  }
0x9e: {  	_ =	swait.ge [sflag:s17], $0x4000  }
0x9f: {  	s29 =	simm.s32 $0x800;
	s28 =	simm.s32 $0x100;
	[sflag:s17] =	ssyncset.done $0x0  }
.LBB2_6:
0xa0: {  	s1 =	sadd.s32 $0x80, s28  }
0xa1: {  	[sflag:s17] =	ssyncadd.s32 $0xFFFFC000;
	s30 =	smov.u32 s29;
	s31 =	sadd.s32 $0x400, s29  }
0xa2: {  	[tilespmem:s16], [sflag:$0x2] =	stream.indirect.gather [hbm4b:s4+s19], $0x80, s1, s19, $0xb8;
	[tilespmem:$0x1E800] =	vst v63  }
0xa3: {  	p0 =	sne.s32 s29, $0x4800;
	_ =	swait.ge [sflag:s22], $0x4000  }
0xa4: {  	[sflag:s22] =	ssyncset.done $0x0  }
0xa5: {  	s1 =	sadd.s32 $0x1400, s28;
	[sflag:s22] =	ssyncadd.s32 $0xFFFFC000  }
0xa6: {  	[spmem:s2] =	stream.indirect.scatter.add.f32 [tilespmem:s20], [sflag:$0x4], $0x80, s1, s19, $0xb8;
	[tilespmem:$0x1E800] =	vst v63  }
0xa7: {  	_ =	swait.ge [sflag:s17], $0x4000  }
0xa8: {  	[sflag:s17] =	ssyncset.done $0x0  }
0xa9: {  	s1 =	sadd.s32 $0x100, s28;
	[sflag:s17] =	ssyncadd.s32 $0xFFFFC000  }
0xaa: {  	[tilespmem:s20], [sflag:$0x1] =	stream.indirect.gather [hbm4b:s4+s19], $0x80, s1, s19, $0xb8;
	[tilespmem:$0x1E800] =	vst v63  }
0xab: {  	_ =	swait.ge [sflag:s23], $0x4000  }
.Ltmp2:
0xac: {  	[sflag:s23] =	ssyncset.done $0x0;
	(pc) =	sbr.rel @p0 .LBB2_6-.Ltmp2, $4  }
0xad: {  	s1 =	sadd.s32 $0x1480, s28;
	[sflag:s23] =	ssyncadd.s32 $0xFFFFC000  }
0xae: {  	[spmem:s2] =	stream.indirect.scatter.add.f32 [tilespmem:s16], [sflag:$0x4], $0x80, s1, s19, $0xb8;
	[tilespmem:$0x1E800] =	vst v63  }
0xaf: {  	_ =	swait.ge [sflag:s17], $0x4000  }
0xb0: {  	s29 =	smov.u32 s31;
	s28 =	sshra.s32 s30, $0x2;
	[sflag:s17] =	ssyncset.done $0x0  }
0xb1: {  	s1 =	sadd.s32 $0x80, s28;
	[sflag:s17] =	ssyncadd.s32 $0xFFFFC000  }
0xb2: {  	[tilespmem:s16], [sflag:$0x2] =	stream.indirect.gather [hbm4b:s4+s19], $0x80, s1, s19, $0xb8;
	[tilespmem:$0x1E800] =	vst v63  }
0xb3: {  	_ =	swait.ge [sflag:s22], $0x4000  }
0xb4: {  	[sflag:s22] =	ssyncset.done $0x0  }
0xb5: {  	s30 =	sadd.s32 $0x1400, s28;
	[sflag:s22] =	ssyncadd.s32 $0xFFFFC000  }
0xb6: {  	[spmem:s2] =	stream.indirect.scatter.add.f32 [tilespmem:s20], [sflag:$0x4], $0x80, s30, s19, $0xb8;
	[tilespmem:$0x1E800] =	vst v63  }
0xb7: {  	_ =	swait.ge [sflag:s17], $0x4000  }
0xb8: {  	[sflag:s17] =	ssyncset.done $0x0  }
0xb9: {  	s31 =	sadd.s32 $0x100, s28;
	[sflag:s17] =	ssyncadd.s32 $0xFFFFC000  }
0xba: {  	[tilespmem:s20], [sflag:$0x1] =	stream.indirect.gather [hbm4b:s4+s19], $0x80, s31, s19, $0xb8;
	[tilespmem:$0x1E800] =	vst v63  }
0xbb: {  	_ =	swait.ge [sflag:s23], $0x4000  }
0xbc: {  	[sflag:s23] =	ssyncset.done $0x0  }
0xbd: {  	s29 =	sadd.s32 $0x1480, s28;
	[sflag:s23] =	ssyncadd.s32 $0xFFFFC000  }
0xbe: {  	[spmem:s2] =	stream.indirect.scatter.add.f32 [tilespmem:s16], [sflag:$0x4], $0x80, s29, s19, $0xb8;
	[tilespmem:$0x1E800] =	vst v63  }
0xbf: {  	_ =	swait.ge [sflag:s17], $0x4000  }
0xc0: {  	[sflag:s17] =	ssyncset.done $0x0  }
0xc1: {  	[sflag:s17] =	ssyncadd.s32 $0xFFFFC000  }
0xc2: {  	[tilespmem:s16], [sflag:$0x2] =	stream.indirect.gather [hbm4b:s4+s19], $0x80, s24, s19, $0xb8;
	[tilespmem:$0x1E800] =	vst v63  }
0xc3: {  	_ =	swait.ge [sflag:s22], $0x4000  }
0xc4: {  	[sflag:s22] =	ssyncset.done $0x0  }
0xc5: {  	[sflag:s22] =	ssyncadd.s32 $0xFFFFC000  }
0xc6: {  	[spmem:s2] =	stream.indirect.scatter.add.f32 [tilespmem:s20], [sflag:$0x4], $0x80, s25, s19, $0xb8;
	[tilespmem:$0x1E800] =	vst v63  }
0xc7: {  	_ =	swait.ge [sflag:s17], $0x4000  }
0xc8: {  	[sflag:s17] =	ssyncset.done $0x0  }
0xc9: {  	[sflag:s17] =	ssyncadd.s32 $0xFFFFC000  }
0xca: {  	_ =	swait.ge [sflag:s23], $0x4000  }
0xcb: {  	[sflag:s23] =	ssyncset.done $0x0  }
0xcc: {  	[sflag:s23] =	ssyncadd.s32 $0xFFFFC000  }
0xcd: {  	[spmem:s2] =	stream.indirect.scatter.add.f32 [tilespmem:s16], [sflag:$0x4], $0x80, s26, s19, $0xb8;
	[tilespmem:$0x1E800] =	vst v63  }
0xce: {  	_ =	swait.ge [sflag:s17], $0x4000  }
0xcf: {  	s3 =	sadd.s32 $0x1, s3;
	s30 =	sshll.u32 s0, $0x6;
	[sflag:s17] =	ssyncset.done $0x0  }
0xd0: {  	p0 =	sne.s32 s3, s15;
	s1 =	sor.u32 $0x1C04, s30;
	[sflag:s17] =	ssyncadd.s32 $0xFFFFC000  }
.Ltmp3:
0xd1: {  	s31 =	sshrl.u32 s5, $0x3;
	[bflag:$0x0] =	sbarrier.arrive $0xFFFF;
	(pc) =	sbr.rel @p0 .LBB2_1-.Ltmp3, $4  }
0xd2: {  	[hbm:s14], [sflag:s1] =	dma.local [spmem:s31], $0x2800  }
0xd3: {  	_ =	swait.ge [sflag:s17], $0x2800  }
0xd4: {  	[sflag:s17] =	ssyncset.done $0x0  }
0xd5: {  	[sflag:s17] =	ssyncadd.s32 $0xFFFFD800  }
0xd6: {  	_ =	sfence.sel $0x180000  }
0xd7: {  	[bflag:$0x0] =	sbarrier.arrive $0xFFFF  }
0xd8: {  	_ =	strace $0x9000004D  }
0xd9: {  	[bflag:$0x2] =	sbarrier.arrive $0xFFFF  }
0xda: {  	p0 =	sne.s32 s0, $0x0;
	s0 =	rddreg [dreg:$0x4]  }
0xdb: {  	s0 =	sadd.s32 @!p0 $0x100000, s0  }
0xdc: {  	[sflag:s0] =	ssyncadd.tile.s32 @!p0 $0x1;
	_ =	shalt  }
.Lfunc_end2:
_tile_overlayer_lowered:
.L_overlay_start_2:
0xdd: {  	(tag) =	ssettag $0x2  }
0xde: {  	s0 =	rddreg [dreg:$0x0];
	s2 =	stileid.u32  }
0xdf: {  	s1 =	rddreg [dreg:$0x1];
	p0 =	sne.s32 s2, $0x0  }
0xe0: {  	s3 =	rddreg [dreg:$0x2];
	[bflag:$0x3] =	sbarrier.arrive $0xFFFF;
	s2 =	simm.s32 @!p0 $0x1C04  }
0xe1: {  	[timem:s3], [sflag:s2] =	dma.local @!p0 [hbm:s0], s1  }
0xe2: {  	s0 =	simm.s32 @!p0 $0x4  }
0xe3: {  	_ =	swait.ge @!p0 [sflag:s0], s1  }
0xe4: {  	s1 =	ssub.s32 @!p0 $0x0, s1;
	[sflag:s0] =	ssyncset.done @!p0 $0x0  }
0xe5: {  	[sflag:s0] =	ssyncadd.s32 @!p0 s1  }
0xe6: {  	[bflag:$0x3] =	sbarrier.arrive $0xFFFF  }
0xe7: {  	_ =	shalt  }

// kernel: kernel.19.cloned.1.call-start
scs
__scs_entry_jumppad:
0x0: {  	(pc) =	sbr.rel $0x88, $3  }
0x1: {  	(tag) =	ssettag $0x0;
	lr =	simm.s32 $0x1  }
0x2: {  	[smem:$0x3F94] =	sst lr;
	_ =	strace $0xD0000000  }
0x3: {  	_ = 	snop  }
0x4: {  	_ = 	snop  }
0x5: {  	_ = 	snop  }
0x6: {  	_ = 	snop  }
0x7: {  	_ = 	snop  }
__scs_overlays_trampoline_lowered:
0x8: {  	[smem:$0x3FA3] =	sst s0  }
0x9: {  	[smem:$0x3FA4] =	sst s1  }
0xa: {  	[smem:$0x3FA5] =	sst s2  }
0xb: {  	[smem:$0x3FA6] =	sst s3  }
0xc: {  	[smem:$0x3FA7] =	sst s4  }
0xd: {  	[smem:$0x3FA8] =	sst s5  }
0xe: {  	[smem:$0x3FA9] =	sst s6  }
0xf: {  	[smem:$0x3FAA] =	sst s7  }
0x10: {  	[smem:$0x3FAB] =	sst s8  }
0x11: {  	[smem:$0x3FAC] =	sst s9;
	s0 =	simm.s32 @!p0 $0x0  }
0x12: {  	s1 =	sld [smem:$0x3F92];
	s0 =	simm.s32 @p0 $0x1  }
0x13: {  	[smem:$0x3FAD] =	sst s0;
	s0 =	simm.s32 @!p1 $0x0  }
0x14: {  	s2 =	sld [smem:$0x3F91];
	s0 =	simm.s32 @p1 $0x1  }
0x15: {  	[smem:$0x3FAE] =	sst s0;
	s0 =	simm.s32 @!p2 $0x0  }
0x16: {  	s3 =	sld [smem:$0x3FDB];
	s0 =	simm.s32 @p2 $0x1  }
0x17: {  	s4 =	simm.s32 $0x1BF5;
	[smem:$0x3FB0] =	sst s0  }
0x18: {  	s0 =	sld [smem:$0x3F93];
	_ =	swait.ge [sflag:s4], $0x0  }
0x19: {  	s7 =	sld [smem:$0x3F94]  }
0x1a: {  	s8 =	sadd.s32 $0xFFFFE003, lr  }
0x1b: {  	s9 =	sadd.s32 $0xFFFFFEF7, lr;
	s5 =	simm.s32 $0xFFFFFFFF;
	p2 =	slt.u32 s8, $0xFFFFF086  }
0x1c: {  	p1 =	slt.u32 s9, $0xF7A;
	s5 =	simm.s32 @!p2 $0x0  }
0x1d: {  	s5 =	simm.s32 @p1 $0x1;
	p0 =	seq.s32 s7, s2  }
0x1e: {  	s7 =	smul.u32 @!p0 $0xF7A, s2;
	p2 =	seq.s32 @!p0 s5, $0x0  }
0x1f: {  	s9 =	smul.u32 $0xF7A, s1;
	s8 =	simm.s32 @!p0 $0x1BF5;
	p2 =	por !p2, p0  }
0x20: {  	[sflag:s8] =	ssyncset.s32 @!p0 $0xFFFFF086;
	s6 =	sadd.s32 @!p0 s3, s7;
	s7 =	simm.s32 @!p0 $0x108  }
0x21: {  	s3 =	sadd.s32 s3, s9;
	s6 =	sadd.s32 @!p0 $0x88, s6;
	s7 =	simm.s32 @p2 $0x1082  }
0x22: {  	[simem:s7], [sflag:s8] =	dma.local @!p0 [hbm:s6], $0xF7A  }
0x23: {  	s9 =	sor.u32 $0xD0000000, s2;
	s6 =	simm.s32 $0x108;
	_ =	swait.ge @!p0 [sflag:s8], $0x0  }
0x24: {  	s3 =	sadd.s32 $0x88, s3;
	s6 =	simm.s32 @!p1 $0x1082;
	[sflag:s4] =	ssyncset.s32 $0xFFFFF086  }
0x25: {  	[simem:s6], [sflag:s4] =	dma.local [hbm:s3], $0xF7A  }
0x26: {  	[smem:$0x3F94] =	sst s1;
	(tag) =	ssettag s2;
	_ =	strace s9  }
0x27: {  	s1 =	sld [smem:$0x3FA4]  }
0x28: {  	s2 =	sld [smem:$0x3FA5]  }
0x29: {  	s4 =	sld [smem:$0x3FA7]  }
0x2a: {  	p0 =	seq.s32 s5, $0x0;
	s5 =	sld [smem:$0x3FA8]  }
0x2b: {  	s6 =	sld [smem:$0x3FA9]  }
0x2c: {  	s7 =	sld [smem:$0x3FAA]  }
0x2d: {  	s3 =	simm.s32 $0x108;
	s8 =	sld [smem:$0x3FAB]  }
0x2e: {  	s3 =	simm.s32 @!p0 $0x1082;
	s9 =	sld [smem:$0x3FAC]  }
0x2f: {  	lr =	sadd.s32 s0, s3;
	s0 =	sld [smem:$0x3FA3]  }
0x30: {  	s3 =	sld [smem:$0x3FA6]  }
0x31: {  	[smem:$0x3FAF] =	sst s10  }
0x32: {  	s10 =	sld [smem:$0x3FAD];
	_ =	sdelay $0x3  }
0x33: {  	p0 =	seq.s32 s10, $0x1;
	s10 =	sld [smem:$0x3FAF];
	_ =	sdelay $0x3  }
0x34: {  	[smem:$0x3FAF] =	sst s10  }
0x35: {  	s10 =	sld [smem:$0x3FAE];
	_ =	sdelay $0x3  }
0x36: {  	p1 =	seq.s32 s10, $0x1;
	s10 =	sld [smem:$0x3FAF];
	_ =	sdelay $0x3  }
0x37: {  	[smem:$0x3FAF] =	sst s10  }
0x38: {  	s10 =	sld [smem:$0x3FB0]  }
0x39: {  	_ = 	snop;
	(pc) =	sbr.ind lr, $3  }
0x3a: {  	_ = 	snop  }
0x3b: {  	_ = 	snop  }
0x3c: {  	p2 =	seq.s32 s10, $0x1;
	s10 =	sld [smem:$0x3FAF]  }
0x3d: {  	_ =	shalt  }
0x3e: {  	_ =	shalt  }
0x3f: {  	_ =	shalt  }
0x40: {  	_ =	shalt  }
0x41: {  	_ =	shalt  }
0x42: {  	_ =	shalt  }
0x43: {  	_ =	shalt  }
0x44: {  	_ =	shalt  }
0x45: {  	_ =	shalt  }
0x46: {  	_ =	shalt  }
0x47: {  	_ =	shalt  }
0x48: {  	_ =	shalt  }
0x49: {  	_ =	shalt  }
0x4a: {  	_ =	shalt  }
0x4b: {  	_ =	shalt  }
0x4c: {  	_ =	shalt  }
0x4d: {  	_ =	shalt  }
0x4e: {  	_ =	shalt  }
0x4f: {  	_ =	shalt  }
0x50: {  	_ =	shalt  }
0x51: {  	_ =	shalt  }
0x52: {  	_ =	shalt  }
0x53: {  	_ =	shalt  }
0x54: {  	_ =	shalt  }
0x55: {  	_ =	shalt  }
0x56: {  	_ =	shalt  }
0x57: {  	_ =	shalt  }
0x58: {  	_ =	shalt  }
0x59: {  	_ =	shalt  }
0x5a: {  	_ =	shalt  }
0x5b: {  	_ =	shalt  }
0x5c: {  	_ =	shalt  }
0x5d: {  	_ =	shalt  }
0x5e: {  	_ =	shalt  }
0x5f: {  	_ =	shalt  }
0x60: {  	_ =	shalt  }
0x61: {  	_ =	shalt  }
0x62: {  	_ =	shalt  }
0x63: {  	_ =	shalt  }
0x64: {  	_ =	shalt  }
0x65: {  	_ =	shalt  }
0x66: {  	_ =	shalt  }
0x67: {  	_ =	shalt  }
0x68: {  	_ =	shalt  }
0x69: {  	_ =	shalt  }
0x6a: {  	_ =	shalt  }
0x6b: {  	_ =	shalt  }
0x6c: {  	_ =	shalt  }
0x6d: {  	_ =	shalt  }
0x6e: {  	_ =	shalt  }
0x6f: {  	_ =	shalt  }
0x70: {  	_ =	shalt  }
0x71: {  	_ =	shalt  }
0x72: {  	_ =	shalt  }
0x73: {  	_ =	shalt  }
0x74: {  	_ =	shalt  }
0x75: {  	_ =	shalt  }
0x76: {  	_ =	shalt  }
0x77: {  	_ =	shalt  }
0x78: {  	_ =	shalt  }
0x79: {  	_ =	shalt  }
0x7a: {  	_ =	shalt  }
0x7b: {  	_ =	shalt  }
0x7c: {  	_ =	shalt  }
0x7d: {  	_ =	shalt  }
0x7e: {  	_ =	shalt  }
0x7f: {  	_ =	shalt  }
0x80: {  	_ =	shalt  }
0x81: {  	_ =	shalt  }
0x82: {  	_ =	shalt  }
0x83: {  	_ =	shalt  }
0x84: {  	_ =	shalt  }
0x85: {  	_ =	shalt  }
0x86: {  	_ =	shalt  }
0x87: {  	_ =	shalt  }
.Lfunc_end0:
.L_simem_size_0:
called_computation.3_lowered:
.L_overlay_start_0:
0x88: {  	s2 =	sld [smem:$0x3FD9]  }
0x89: {  	s3 =	sld [smem:$0x3FFE];
	_ =	sdelay $0x1  }
0x8a: {  	s1 =	srdreg.scid  }
0x8b: {  	s0 =	sand.u32 $0x1, s1  }
0x8c: {  	s14 =	sshll.u32 s0, $0xA;
	s2 =	sadd.s32 s3, s2  }
0x8d: {  	s2 =	sadd.s32 s2, s14  }
0x8e: {  	[smem:$0x3FBB] =	sst s2  }
0x8f: {  	_ = 	snop  }
0x90: {  	s2 =	sld [smem:$0x3FD0];
	_ =	sdelay $0x2  }
0x91: {  	s15 =	simm.s32 $0xA;
	s4 =	simm.s32 $0x10  }
0x92: {  	[smem:s4], [sflag:s15] =	dma.local [hbm:s2], $0x1  }
0x93: {  	_ =	swait.eq [sflag:s15], $0x1  }
0x94: {  	[sflag:s15] =	ssyncset.done $0x0  }
0x95: {  	s16 =	sld [smem:$0x10];
	[sflag:s15] =	ssyncadd.s32 $0xFFFFFFFF  }
0x96: {  	s17 =	sld [smem:$0x11];
	(tm) =	ssettm $0x1  }
0x97: {  	s18 =	sld [smem:$0x3FFB];
	_ =	sdelay $0x3  }
0x98: {  	_ =	strace s18  }
0x99: {  	s4 =	sld [smem:$0x3FFC];
	_ =	sdelay $0x3  }
0x9a: {  	_ =	strace s4  }
0x9b: {  	s4 =	sld [smem:$0x3FFD];
	_ =	sdelay $0x3  }
0x9c: {  	_ =	strace s4  }
0x9d: {  	_ =	strace $0x8FFFFFFF  }
0x9e: {  	s19 =	sld [smem:$0x3FDB];
	_ =	sdelay $0x1  }
0x9f: {  	s5 =	simm.s32 $_scs_section_size  }
0xa0: {  	s6 =	simm.s32 $_size__tile_overlayer_lowered;
	s7 =	simm.s32 $_tile_overlayer_lowered  }
0xa1: {  	s22 =	simm.s32 $0x1BFF;
	s21 =	sshll.u32 s7, $0x1;
	s4 =	sadd.s32 s5, s19  }
0xa2: {  	s8 =	simm.s32 $0x0;
	s20 =	sshll.u32 s6, $0x1;
	s6 =	sadd.s32 s21, s4  }
0xa3: {  	[timem:s8], [sflag:s22] =	dma.local [hbm:s6], s20  }
0xa4: {  	_ =	swait.ge [sflag:s22], s20  }
0xa5: {  	s5 =	ssub.s32 $0x0, s20;
	[sflag:s22] =	ssyncset.done $0x0  }
0xa6: {  	[sflag:s22] =	ssyncadd.s32 s5;
	_ =	sdelay $0x1  }
0xa7: {  	s23 =	simm.s32 $0x1B8B  }
0xa8: {  	_ =	swait.ge [sflag:s23], $0x1  }
0xa9: {  	[sflag:s23] =	ssyncset.done $0x0  }
0xaa: {  	s25 =	simm.s32 $0x1B8E;
	s24 =	sld [smem:$0x3FFE];
	[sflag:s23] =	ssyncadd.s32 $0xFFFFFFFF  }
0xab: {  	s26 =	simm.s32 $execute0_lowered;
	[smem:$0x3FD2] =	sst s25  }
0xac: {  	s6 =	sshll.u32 s26, $0x1;
	_ =	strace $0x8000004F;
	[dreg:$0x1] =	wrdreg $0xFFFFFFFF  }
0xad: {  	s28 =	simm.s32 $_size_execute0_lowered;
	s4 =	sadd.s32 s4, s6;
	[dreg:$0x0] =	wrdreg $0x0  }
0xae: {  	s6 =	sshll.u32 s28, $0x1;
	[dreg:$0x2] =	wrdreg s4  }
0xaf: {  	[dreg:$0x3] =	wrdreg s6  }
0xb0: {  	[dreg:$0x4] =	wrdreg $0xC0  }
0xb1: {  	_ =	task [dreg:s8], $0x5FFFF  }
0xb2: {  	[dreg:$0x1] =	wrdreg $0xFFFFFFFF  }
0xb3: {  	[dreg:$0x0] =	wrdreg $0x60  }
0xb4: {  	[dreg:$0x2] =	wrdreg s24  }
0xb5: {  	[dreg:$0x3] =	wrdreg s16  }
0xb6: {  	[dreg:$0x4] =	wrdreg s17  }
0xb7: {  	[dreg:$0x5] =	wrdreg $0xA8000  }
0xb8: {  	[dreg:$0x6] =	wrdreg $0x9  }
0xb9: {  	_ =	task.clear_ibuf [dreg:s8], $0x7FFFF;
	_ =	strace $0x9000004F  }
0xba: {  	s29 =	simm.s32 $0x9;
	_ =	strace $0x80000051  }
0xbb: {  	_ =	swait.ge [sflag:s29], $0x1  }
0xbc: {  	[sflag:s29] =	ssyncadd.s32 $0xFFFFFFFF  }
0xbd: {  	_ =	strace $0x90000051  }
0xbe: {  	_ =	sfence  }
0xbf: {  	s30 =	sld [smem:$0x0];
	_ =	sdelay $0x2  }
0xc0: {  	s31 =	sshll.u32 s1, $0xD;
	s1 =	sshrl.u32 s1, $0x2  }
0xc1: {  	s3 =	sand.u32 $0x4000, s31;
	s1 =	sadd.s32 s1, s30  }
0xc2: {  	s0 =	sor.u32 s3, s0;
	s1 =	sshll.u32 s1, $0x11  }
0xc3: {  	s0 =	sor.u32 s1, s0  }
0xc4: {  	s0 =	sadd.s32 $0x8F2B, s0  }
0xc5: {  	[sflag:s0] =	ssyncadd.remote.s32 $0x1  }
0xc6: {  	_ =	sfence.sel $0xFFFF  }
0xc7: {  	[dreg:$0x0] =	wrdreg $0xFFFFFFFF;
	(pc) =	sbr.abs _section_cstart, $3  }
0xc8: {  	[dreg:$0x1] =	wrdreg $0xFFFFFFFF  }
0xc9: {  	_ =	task.clear_ibuf [dreg:s8], $0x2FFFF;
	_ =	strace $0x9FFFFFFF  }
0xca: {  	(tm) =	ssettm $0x7FFFFFFF  }
0xcb: {  	_ =	shalt  }
tec
execute0_lowered:
.L_overlay_start_1:
0x0: {  	(tag) =	ssettag $0x1  }
0x1: {  	s5 =	rddreg [dreg:$0x0]  }
0x2: {  	s12 =	rddreg [dreg:$0x1]  }
0x3: {  	s13 =	rddreg [dreg:$0x2]  }
0x4: {  	s0 =	srdreg.scid;
	s2 =	rddreg [dreg:$0x3];
	s3 =	simm.s32 $0x0  }
0x5: {  	s17 =	simm.s32 $0x4;
	s18 =	simm.s32 $0x1400;
	s19 =	simm.s32 $0x80  }
0x6: {  	s20 =	simm.s32 $0x2800;
	s21 =	simm.s32 $0x3;
	s22 =	simm.s32 $0x1  }
0x7: {  	s23 =	simm.s32 $0x2;
	s24 =	simm.s32 $0x1380;
	s6 =	sand.u32 $0x1, s0  }
0x8: {  	s25 =	simm.s32 $0x2700;
	s0 =	stileid.u32;
	s4 =	smul.u32 $0x140000, s6  }
0x9: {  	s26 =	simm.s32 $0x2780;
	[smem:$0x7FF] =	sst s3;
	s7 =	smul.u32 $0x14000, s0  }
0xa: {  	s8 =	smul.u32 $0x50000, s0;
	s28 =	sshll.u32 s0, $0x1;
	s29 =	ssub.s32 $0x2, s6  }
0xb: {  	_ =	strace $0x80000050;
	s6 =	sor.u32 s6, s28;
	s31 =	sshrl.u32 s29, $0x1  }
0xc: {  	s4 =	sadd.s32 s7, s4;
	s30 =	sshrl.u32 s8, $0x2;
	s10 =	smul.u32 $0x2800, s6  }
0xd: {  	s15 =	ssub.s32 s29, s31;
	s7 =	sshrl.u32 s4, $0x3;
	s4 =	sadd.s32 $0x3E00, s5  }
0xe: {  	s15 =	smax.u32 s15, $0x1;
	s14 =	sadd.s32 s7, s5;
	s5 =	sadd.s32 s30, s2  }
0xf: {  	s16 =	sshrl.u32 s10, $0x3;
	s6 =	sadd.s32 $0x4000, s5;
	s7 =	sadd.s32 $0x8000, s5  }
0x10: {  	s8 =	sadd.s32 $0xC000, s5;
	s9 =	sadd.s32 $0x10000, s5;
	s10 =	sadd.s32 s12, s16  }
0x11: {  	s11 =	sadd.s32 s13, s16;
	s16 =	sadd.s32 $0x280, s16;
	s14 =	sadd.s32 $0x2B000, s14  }
0x12: {  	v0 =	vimm.f32 $0.0e+00;
	s12 =	sadd.s32 s12, s16;
	s13 =	sadd.s32 s13, s16;
	s16 =	simm.s32 $0x6800  }
.LBB2_1:
0x13: {  	s28 =	simm.s32 $0x0;
	s29 =	simm.s32 $0x200  }
.LBB2_2:
0x14: {  	p0 =	sne.s32 s29, $0xFE00;
	[tilespmem:s28+$0x6870] =	vst v0  }
0x15: {  	[tilespmem:s28+$0x6800] =	vst v0  }
0x16: {  	[tilespmem:s28+$0x6810] =	vst v0  }
.Ltmp0:
0x17: {  	[tilespmem:s28+$0x6820] =	vst v0;
	(pc) =	sbr.rel @p0 .LBB2_2-.Ltmp0, $4  }
0x18: {  	[tilespmem:s28+$0x6830] =	vst v0  }
0x19: {  	[tilespmem:s28+$0x6840] =	vst v0  }
0x1a: {  	[tilespmem:s28+$0x6850] =	vst v0  }
0x1b: {  	[tilespmem:s28+$0x6860] =	vst v0;
	s28 =	sshra.s32 s29, $0x2;
	s29 =	sadd.s32 $0x200, s29  }
0x1c: {  	[tilespmem:s28+$0x6870] =	vst v0  }
0x1d: {  	[tilespmem:s28+$0x6800] =	vst v0  }
0x1e: {  	[tilespmem:s28+$0x6810] =	vst v0  }
0x1f: {  	[tilespmem:s28+$0x6820] =	vst v0  }
0x20: {  	[tilespmem:s28+$0x6830] =	vst v0  }
0x21: {  	[tilespmem:s28+$0x6840] =	vst v0  }
0x22: {  	[tilespmem:s28+$0x6850] =	vst v0  }
0x23: {  	[tilespmem:s28+$0x6860] =	vst v0  }
0x24: {  	[spmem:s5] =	stream.linear.scatter [tilespmem:s16], [sflag:$0x3], $0x4000, $0x38;
	[tilespmem:$0x1E800] =	vst v63  }
0x25: {  	_ = 	snop  }
0x26: {  	[spmem:s6] =	stream.linear.scatter [tilespmem:s16], [sflag:$0x3], $0x4000, $0x38;
	[tilespmem:$0x1E800] =	vst v63  }
0x27: {  	_ = 	snop  }
0x28: {  	[spmem:s7] =	stream.linear.scatter [tilespmem:s16], [sflag:$0x3], $0x4000, $0x38;
	[tilespmem:$0x1E800] =	vst v63  }
0x29: {  	_ = 	snop  }
0x2a: {  	[spmem:s8] =	stream.linear.scatter [tilespmem:s16], [sflag:$0x3], $0x4000, $0x38;
	[tilespmem:$0x1E800] =	vst v63  }
0x2b: {  	_ = 	snop  }
0x2c: {  	[spmem:s9] =	stream.linear.scatter [tilespmem:s16], [sflag:$0x3], $0x4000, $0x38;
	[tilespmem:$0x1E800] =	vst v63  }
0x2d: {  	s28 =	simm.s32 $0x0  }
0x2e: {  	[tilespmem:s28], [sflag:$0x4] =	stream.linear.gather [hbm4b:s10+s28], $0x1400, $0x38;
	[tilespmem:$0x1E800] =	vst v63  }
0x2f: {  	_ =	swait.ge [sflag:s17], $0x1400  }
0x30: {  	[sflag:s17] =	ssyncset.done $0x0  }
0x31: {  	[sflag:s17] =	ssyncadd.s32 $0xFFFFEC00  }
0x32: {  	[tilespmem:s18], [sflag:$0x4] =	stream.linear.gather [hbm4b:s11+s28], $0x1400, $0x38;
	[tilespmem:$0x1E800] =	vst v63  }
0x33: {  	_ =	swait.ge [sflag:s17], $0x1400  }
0x34: {  	[sflag:s17] =	ssyncset.done $0x0  }
0x35: {  	[sflag:s17] =	ssyncadd.s32 $0xFFFFEC00  }
0x36: {  	[tilespmem:s20], [sflag:$0x1] =	stream.indirect.gather [hbm4b:s4+s19], $0x80, s28, s19, $0xb8;
	[tilespmem:$0x1E800] =	vst v63  }
0x37: {  	_ =	swait.ge [sflag:s21], $0x4000  }
0x38: {  	[sflag:s21] =	ssyncset.done $0x0  }
0x39: {  	[sflag:s21] =	ssyncadd.s32 $0xFFFFC000  }
0x3a: {  	_ =	swait.ge [sflag:s21], $0x4000  }
0x3b: {  	[sflag:s21] =	ssyncset.done $0x0  }
0x3c: {  	[sflag:s21] =	ssyncadd.s32 $0xFFFFC000  }
0x3d: {  	_ =	swait.ge [sflag:s21], $0x4000  }
0x3e: {  	[sflag:s21] =	ssyncset.done $0x0  }
0x3f: {  	[sflag:s21] =	ssyncadd.s32 $0xFFFFC000  }
0x40: {  	_ =	swait.ge [sflag:s21], $0x4000  }
0x41: {  	[sflag:s21] =	ssyncset.done $0x0  }
0x42: {  	[sflag:s21] =	ssyncadd.s32 $0xFFFFC000  }
0x43: {  	_ =	swait.ge [sflag:s21], $0x4000  }
0x44: {  	[sflag:s21] =	ssyncset.done $0x0  }
0x45: {  	[sflag:s21] =	ssyncadd.s32 $0xFFFFC000  }
0x46: {  	s28 =	simm.s32 $0x80;
	[bflag:$0x0] =	sbarrier.arrive $0xFFFF  }
0x47: {  	[tilespmem:s16], [sflag:$0x2] =	stream.indirect.gather [hbm4b:s4+s19], $0x80, s28, s19, $0xb8;
	[tilespmem:$0x1E800] =	vst v63  }
0x48: {  	_ =	swait.ge [sflag:s22], $0x4000  }
0x49: {  	[sflag:s22] =	ssyncset.done $0x0  }
0x4a: {  	s28 =	simm.s32 $0x1400;
	[sflag:s22] =	ssyncadd.s32 $0xFFFFC000  }
0x4b: {  	[spmem:s2] =	stream.indirect.scatter.add.f32 [tilespmem:s20], [sflag:$0x4], $0x80, s28, s19, $0xb8;
	[tilespmem:$0x1E800] =	vst v63  }
0x4c: {  	_ =	swait.ge [sflag:s17], $0x4000  }
0x4d: {  	[sflag:s17] =	ssyncset.done $0x0  }
0x4e: {  	s28 =	simm.s32 $0x100;
	[sflag:s17] =	ssyncadd.s32 $0xFFFFC000  }
0x4f: {  	[tilespmem:s20], [sflag:$0x1] =	stream.indirect.gather [hbm4b:s4+s19], $0x80, s28, s19, $0xb8;
	[tilespmem:$0x1E800] =	vst v63  }
0x50: {  	_ =	swait.ge [sflag:s23], $0x4000  }
0x51: {  	[sflag:s23] =	ssyncset.done $0x0  }
0x52: {  	s28 =	simm.s32 $0x1480;
	[sflag:s23] =	ssyncadd.s32 $0xFFFFC000  }
0x53: {  	[spmem:s2] =	stream.indirect.scatter.add.f32 [tilespmem:s16], [sflag:$0x4], $0x80, s28, s19, $0xb8;
	[tilespmem:$0x1E800] =	vst v63  }
0x54: {  	_ =	swait.ge [sflag:s17], $0x4000  }
0x55: {  	s29 =	simm.s32 $0x800;
	s28 =	simm.s32 $0x100;
	[sflag:s17] =	ssyncset.done $0x0  }
.LBB2_4:
0x56: {  	s30 =	sadd.s32 $0x80, s28  }
0x57: {  	[sflag:s17] =	ssyncadd.s32 $0xFFFFC000;
	s31 =	smov.u32 s29;
	s1 =	sadd.s32 $0x400, s29  }
0x58: {  	[tilespmem:s16], [sflag:$0x2] =	stream.indirect.gather [hbm4b:s4+s19], $0x80, s30, s19, $0xb8;
	[tilespmem:$0x1E800] =	vst v63  }
0x59: {  	p0 =	sne.s32 s29, $0x4800;
	_ =	swait.ge [sflag:s22], $0x4000  }
0x5a: {  	[sflag:s22] =	ssyncset.done $0x0  }
0x5b: {  	s29 =	sadd.s32 $0x1400, s28;
	[sflag:s22] =	ssyncadd.s32 $0xFFFFC000  }
0x5c: {  	[spmem:s2] =	stream.indirect.scatter.add.f32 [tilespmem:s20], [sflag:$0x4], $0x80, s29, s19, $0xb8;
	[tilespmem:$0x1E800] =	vst v63  }
0x5d: {  	_ =	swait.ge [sflag:s17], $0x4000  }
0x5e: {  	[sflag:s17] =	ssyncset.done $0x0  }
0x5f: {  	s29 =	sadd.s32 $0x100, s28;
	[sflag:s17] =	ssyncadd.s32 $0xFFFFC000  }
0x60: {  	[tilespmem:s20], [sflag:$0x1] =	stream.indirect.gather [hbm4b:s4+s19], $0x80, s29, s19, $0xb8;
	[tilespmem:$0x1E800] =	vst v63  }
0x61: {  	_ =	swait.ge [sflag:s23], $0x4000  }
.Ltmp1:
0x62: {  	[sflag:s23] =	ssyncset.done $0x0;
	(pc) =	sbr.rel @p0 .LBB2_4-.Ltmp1, $4  }
0x63: {  	s28 =	sadd.s32 $0x1480, s28;
	[sflag:s23] =	ssyncadd.s32 $0xFFFFC000  }
0x64: {  	[spmem:s2] =	stream.indirect.scatter.add.f32 [tilespmem:s16], [sflag:$0x4], $0x80, s28, s19, $0xb8;
	[tilespmem:$0x1E800] =	vst v63  }
0x65: {  	_ =	swait.ge [sflag:s17], $0x4000  }
0x66: {  	s29 =	smov.u32 s1;
	s28 =	sshra.s32 s31, $0x2;
	[sflag:s17] =	ssyncset.done $0x0  }
0x67: {  	s1 =	sadd.s32 $0x80, s28;
	[sflag:s17] =	ssyncadd.s32 $0xFFFFC000  }
0x68: {  	[tilespmem:s16], [sflag:$0x2] =	stream.indirect.gather [hbm4b:s4+s19], $0x80, s1, s19, $0xb8;
	[tilespmem:$0x1E800] =	vst v63  }
0x69: {  	_ =	swait.ge [sflag:s22], $0x4000  }
0x6a: {  	[sflag:s22] =	ssyncset.done $0x0  }
0x6b: {  	s30 =	sadd.s32 $0x1400, s28;
	[sflag:s22] =	ssyncadd.s32 $0xFFFFC000  }
0x6c: {  	[spmem:s2] =	stream.indirect.scatter.add.f32 [tilespmem:s20], [sflag:$0x4], $0x80, s30, s19, $0xb8;
	[tilespmem:$0x1E800] =	vst v63  }
0x6d: {  	_ =	swait.ge [sflag:s17], $0x4000  }
0x6e: {  	[sflag:s17] =	ssyncset.done $0x0  }
0x6f: {  	s31 =	sadd.s32 $0x100, s28;
	[sflag:s17] =	ssyncadd.s32 $0xFFFFC000  }
0x70: {  	[tilespmem:s20], [sflag:$0x1] =	stream.indirect.gather [hbm4b:s4+s19], $0x80, s31, s19, $0xb8;
	[tilespmem:$0x1E800] =	vst v63  }
0x71: {  	_ =	swait.ge [sflag:s23], $0x4000  }
0x72: {  	[sflag:s23] =	ssyncset.done $0x0  }
0x73: {  	s30 =	sadd.s32 $0x1480, s28;
	[sflag:s23] =	ssyncadd.s32 $0xFFFFC000  }
0x74: {  	[spmem:s2] =	stream.indirect.scatter.add.f32 [tilespmem:s16], [sflag:$0x4], $0x80, s30, s19, $0xb8;
	[tilespmem:$0x1E800] =	vst v63  }
0x75: {  	_ =	swait.ge [sflag:s17], $0x4000  }
0x76: {  	[sflag:s17] =	ssyncset.done $0x0  }
0x77: {  	[sflag:s17] =	ssyncadd.s32 $0xFFFFC000  }
0x78: {  	[tilespmem:s16], [sflag:$0x2] =	stream.indirect.gather [hbm4b:s4+s19], $0x80, s24, s19, $0xb8;
	[tilespmem:$0x1E800] =	vst v63  }
0x79: {  	_ =	swait.ge [sflag:s22], $0x4000  }
0x7a: {  	[sflag:s22] =	ssyncset.done $0x0  }
0x7b: {  	[sflag:s22] =	ssyncadd.s32 $0xFFFFC000  }
0x7c: {  	[spmem:s2] =	stream.indirect.scatter.add.f32 [tilespmem:s20], [sflag:$0x4], $0x80, s25, s19, $0xb8;
	[tilespmem:$0x1E800] =	vst v63  }
0x7d: {  	_ =	swait.ge [sflag:s17], $0x4000  }
0x7e: {  	[sflag:s17] =	ssyncset.done $0x0  }
0x7f: {  	[sflag:s17] =	ssyncadd.s32 $0xFFFFC000  }
0x80: {  	_ =	swait.ge [sflag:s23], $0x4000  }
0x81: {  	[sflag:s23] =	ssyncset.done $0x0  }
0x82: {  	[sflag:s23] =	ssyncadd.s32 $0xFFFFC000  }
0x83: {  	[spmem:s2] =	stream.indirect.scatter.add.f32 [tilespmem:s16], [sflag:$0x4], $0x80, s26, s19, $0xb8;
	[tilespmem:$0x1E800] =	vst v63  }
0x84: {  	_ =	swait.ge [sflag:s17], $0x4000  }
0x85: {  	[sflag:s17] =	ssyncset.done $0x0  }
0x86: {  	s31 =	simm.s32 $0x0;
	[sflag:s17] =	ssyncadd.s32 $0xFFFFC000  }
0x87: {  	[tilespmem:s31], [sflag:$0x4] =	stream.linear.gather [hbm4b:s12+s31], $0x1400, $0x38;
	[tilespmem:$0x1E800] =	vst v63  }
0x88: {  	_ =	swait.ge [sflag:s17], $0x1400  }
0x89: {  	[sflag:s17] =	ssyncset.done $0x0  }
0x8a: {  	[sflag:s17] =	ssyncadd.s32 $0xFFFFEC00  }
0x8b: {  	[tilespmem:s18], [sflag:$0x4] =	stream.linear.gather [hbm4b:s13+s31], $0x1400, $0x38;
	[tilespmem:$0x1E800] =	vst v63  }
0x8c: {  	_ =	swait.ge [sflag:s17], $0x1400  }
0x8d: {  	[sflag:s17] =	ssyncset.done $0x0  }
0x8e: {  	[sflag:s17] =	ssyncadd.s32 $0xFFFFEC00  }
0x8f: {  	[tilespmem:s20], [sflag:$0x1] =	stream.indirect.gather [hbm4b:s4+s19], $0x80, s31, s19, $0xb8;
	[tilespmem:$0x1E800] =	vst v63  }
0x90: {  	s30 =	simm.s32 $0x80  }
0x91: {  	[tilespmem:s16], [sflag:$0x2] =	stream.indirect.gather [hbm4b:s4+s19], $0x80, s30, s19, $0xb8;
	[tilespmem:$0x1E800] =	vst v63  }
0x92: {  	_ =	swait.ge [sflag:s22], $0x4000  }
0x93: {  	[sflag:s22] =	ssyncset.done $0x0  }
0x94: {  	s31 =	simm.s32 $0x1400;
	[sflag:s22] =	ssyncadd.s32 $0xFFFFC000  }
0x95: {  	[spmem:s2] =	stream.indirect.scatter.add.f32 [tilespmem:s20], [sflag:$0x4], $0x80, s31, s19, $0xb8;
	[tilespmem:$0x1E800] =	vst v63  }
0x96: {  	_ =	swait.ge [sflag:s17], $0x4000  }
0x97: {  	[sflag:s17] =	ssyncset.done $0x0  }
0x98: {  	s30 =	simm.s32 $0x100;
	[sflag:s17] =	ssyncadd.s32 $0xFFFFC000  }
0x99: {  	[tilespmem:s20], [sflag:$0x1] =	stream.indirect.gather [hbm4b:s4+s19], $0x80, s30, s19, $0xb8;
	[tilespmem:$0x1E800] =	vst v63  }
0x9a: {  	_ =	swait.ge [sflag:s23], $0x4000  }
0x9b: {  	[sflag:s23] =	ssyncset.done $0x0  }
0x9c: {  	s31 =	simm.s32 $0x1480;
	[sflag:s23] =	ssyncadd.s32 $0xFFFFC000  }
0x9d: {  	[spmem:s2] =	stream.indirect.scatter.add.f32 [tilespmem:s16], [sflag:$0x4], $0x80, s31, s19, $0xb8;
	[tilespmem:$0x1E800] =	vst v63  }
0x9e: {  	_ =	swait.ge [sflag:s17], $0x4000  }
0x9f: {  	s29 =	simm.s32 $0x800;
	s28 =	simm.s32 $0x100;
	[sflag:s17] =	ssyncset.done $0x0  }
.LBB2_6:
0xa0: {  	s1 =	sadd.s32 $0x80, s28  }
0xa1: {  	[sflag:s17] =	ssyncadd.s32 $0xFFFFC000;
	s30 =	smov.u32 s29;
	s31 =	sadd.s32 $0x400, s29  }
0xa2: {  	[tilespmem:s16], [sflag:$0x2] =	stream.indirect.gather [hbm4b:s4+s19], $0x80, s1, s19, $0xb8;
	[tilespmem:$0x1E800] =	vst v63  }
0xa3: {  	p0 =	sne.s32 s29, $0x4800;
	_ =	swait.ge [sflag:s22], $0x4000  }
0xa4: {  	[sflag:s22] =	ssyncset.done $0x0  }
0xa5: {  	s1 =	sadd.s32 $0x1400, s28;
	[sflag:s22] =	ssyncadd.s32 $0xFFFFC000  }
0xa6: {  	[spmem:s2] =	stream.indirect.scatter.add.f32 [tilespmem:s20], [sflag:$0x4], $0x80, s1, s19, $0xb8;
	[tilespmem:$0x1E800] =	vst v63  }
0xa7: {  	_ =	swait.ge [sflag:s17], $0x4000  }
0xa8: {  	[sflag:s17] =	ssyncset.done $0x0  }
0xa9: {  	s1 =	sadd.s32 $0x100, s28;
	[sflag:s17] =	ssyncadd.s32 $0xFFFFC000  }
0xaa: {  	[tilespmem:s20], [sflag:$0x1] =	stream.indirect.gather [hbm4b:s4+s19], $0x80, s1, s19, $0xb8;
	[tilespmem:$0x1E800] =	vst v63  }
0xab: {  	_ =	swait.ge [sflag:s23], $0x4000  }
.Ltmp2:
0xac: {  	[sflag:s23] =	ssyncset.done $0x0;
	(pc) =	sbr.rel @p0 .LBB2_6-.Ltmp2, $4  }
0xad: {  	s1 =	sadd.s32 $0x1480, s28;
	[sflag:s23] =	ssyncadd.s32 $0xFFFFC000  }
0xae: {  	[spmem:s2] =	stream.indirect.scatter.add.f32 [tilespmem:s16], [sflag:$0x4], $0x80, s1, s19, $0xb8;
	[tilespmem:$0x1E800] =	vst v63  }
0xaf: {  	_ =	swait.ge [sflag:s17], $0x4000  }
0xb0: {  	s29 =	smov.u32 s31;
	s28 =	sshra.s32 s30, $0x2;
	[sflag:s17] =	ssyncset.done $0x0  }
0xb1: {  	s1 =	sadd.s32 $0x80, s28;
	[sflag:s17] =	ssyncadd.s32 $0xFFFFC000  }
0xb2: {  	[tilespmem:s16], [sflag:$0x2] =	stream.indirect.gather [hbm4b:s4+s19], $0x80, s1, s19, $0xb8;
	[tilespmem:$0x1E800] =	vst v63  }
0xb3: {  	_ =	swait.ge [sflag:s22], $0x4000  }
0xb4: {  	[sflag:s22] =	ssyncset.done $0x0  }
0xb5: {  	s30 =	sadd.s32 $0x1400, s28;
	[sflag:s22] =	ssyncadd.s32 $0xFFFFC000  }
0xb6: {  	[spmem:s2] =	stream.indirect.scatter.add.f32 [tilespmem:s20], [sflag:$0x4], $0x80, s30, s19, $0xb8;
	[tilespmem:$0x1E800] =	vst v63  }
0xb7: {  	_ =	swait.ge [sflag:s17], $0x4000  }
0xb8: {  	[sflag:s17] =	ssyncset.done $0x0  }
0xb9: {  	s31 =	sadd.s32 $0x100, s28;
	[sflag:s17] =	ssyncadd.s32 $0xFFFFC000  }
0xba: {  	[tilespmem:s20], [sflag:$0x1] =	stream.indirect.gather [hbm4b:s4+s19], $0x80, s31, s19, $0xb8;
	[tilespmem:$0x1E800] =	vst v63  }
0xbb: {  	_ =	swait.ge [sflag:s23], $0x4000  }
0xbc: {  	[sflag:s23] =	ssyncset.done $0x0  }
0xbd: {  	s29 =	sadd.s32 $0x1480, s28;
	[sflag:s23] =	ssyncadd.s32 $0xFFFFC000  }
0xbe: {  	[spmem:s2] =	stream.indirect.scatter.add.f32 [tilespmem:s16], [sflag:$0x4], $0x80, s29, s19, $0xb8;
	[tilespmem:$0x1E800] =	vst v63  }
0xbf: {  	_ =	swait.ge [sflag:s17], $0x4000  }
0xc0: {  	[sflag:s17] =	ssyncset.done $0x0  }
0xc1: {  	[sflag:s17] =	ssyncadd.s32 $0xFFFFC000  }
0xc2: {  	[tilespmem:s16], [sflag:$0x2] =	stream.indirect.gather [hbm4b:s4+s19], $0x80, s24, s19, $0xb8;
	[tilespmem:$0x1E800] =	vst v63  }
0xc3: {  	_ =	swait.ge [sflag:s22], $0x4000  }
0xc4: {  	[sflag:s22] =	ssyncset.done $0x0  }
0xc5: {  	[sflag:s22] =	ssyncadd.s32 $0xFFFFC000  }
0xc6: {  	[spmem:s2] =	stream.indirect.scatter.add.f32 [tilespmem:s20], [sflag:$0x4], $0x80, s25, s19, $0xb8;
	[tilespmem:$0x1E800] =	vst v63  }
0xc7: {  	_ =	swait.ge [sflag:s17], $0x4000  }
0xc8: {  	[sflag:s17] =	ssyncset.done $0x0  }
0xc9: {  	[sflag:s17] =	ssyncadd.s32 $0xFFFFC000  }
0xca: {  	_ =	swait.ge [sflag:s23], $0x4000  }
0xcb: {  	[sflag:s23] =	ssyncset.done $0x0  }
0xcc: {  	[sflag:s23] =	ssyncadd.s32 $0xFFFFC000  }
0xcd: {  	[spmem:s2] =	stream.indirect.scatter.add.f32 [tilespmem:s16], [sflag:$0x4], $0x80, s26, s19, $0xb8;
	[tilespmem:$0x1E800] =	vst v63  }
0xce: {  	_ =	swait.ge [sflag:s17], $0x4000  }
0xcf: {  	s3 =	sadd.s32 $0x1, s3;
	s30 =	sshll.u32 s0, $0x6;
	[sflag:s17] =	ssyncset.done $0x0  }
0xd0: {  	p0 =	sne.s32 s3, s15;
	s1 =	sor.u32 $0x1C04, s30;
	[sflag:s17] =	ssyncadd.s32 $0xFFFFC000  }
.Ltmp3:
0xd1: {  	s31 =	sshrl.u32 s5, $0x3;
	[bflag:$0x0] =	sbarrier.arrive $0xFFFF;
	(pc) =	sbr.rel @p0 .LBB2_1-.Ltmp3, $4  }
0xd2: {  	[hbm:s14], [sflag:s1] =	dma.local [spmem:s31], $0x2800  }
0xd3: {  	_ =	swait.ge [sflag:s17], $0x2800  }
0xd4: {  	[sflag:s17] =	ssyncset.done $0x0  }
0xd5: {  	[sflag:s17] =	ssyncadd.s32 $0xFFFFD800  }
0xd6: {  	_ =	sfence.sel $0x180000  }
0xd7: {  	[bflag:$0x0] =	sbarrier.arrive $0xFFFF  }
0xd8: {  	_ =	strace $0x90000050  }
0xd9: {  	[bflag:$0x2] =	sbarrier.arrive $0xFFFF  }
0xda: {  	p0 =	sne.s32 s0, $0x0;
	s0 =	rddreg [dreg:$0x4]  }
0xdb: {  	s0 =	sadd.s32 @!p0 $0x100000, s0  }
0xdc: {  	[sflag:s0] =	ssyncadd.tile.s32 @!p0 $0x1;
	_ =	shalt  }
.Lfunc_end2:
_tile_overlayer_lowered:
.L_overlay_start_2:
0xdd: {  	(tag) =	ssettag $0x2  }
0xde: {  	s0 =	rddreg [dreg:$0x0];
	s2 =	stileid.u32  }
0xdf: {  	s1 =	rddreg [dreg:$0x1];
	p0 =	sne.s32 s2, $0x0  }
0xe0: {  	s3 =	rddreg [dreg:$0x2];
	[bflag:$0x3] =	sbarrier.arrive $0xFFFF;
	s2 =	simm.s32 @!p0 $0x1C04  }
0xe1: {  	[timem:s3], [sflag:s2] =	dma.local @!p0 [hbm:s0], s1  }
0xe2: {  	s0 =	simm.s32 @!p0 $0x4  }
0xe3: {  	_ =	swait.ge @!p0 [sflag:s0], s1  }
0xe4: {  	s1 =	ssub.s32 @!p0 $0x0, s1;
	[sflag:s0] =	ssyncset.done @!p0 $0x0  }
0xe5: {  	[sflag:s0] =	ssyncadd.s32 @!p0 s1  }
0xe6: {  	[bflag:$0x3] =	sbarrier.arrive $0xFFFF  }
0xe7: {  	_ =	shalt  }

</sc_bundles>
